<compile_context>
chip_gen: v7x
topology: tpu7x:2x2x1
jax: 0.10.2.dev20260603
libtpu: 0.0.44.dev20260713+nightly
codegen_flags: <defaults>
</compile_context>

<pallas_src>
import functools

import jax
import jax.numpy as jnp
from jax import lax
from jax.experimental import pallas as pl
from jax.experimental.pallas import tpu as pltpu
from jax.experimental.pallas import tpu_sc as plsc

N = 10000
E = 320000
NC, NS = 2, 16
K = 128
ACC_ROWS = 10240
RPT = 624
TAIL = N - NS * RPT
NBUF = 10
DEG_W = 16

CH_COL = 160
CH_EDGE = 80

BR = 5000
GRID = N // BR

_SC_PARAMS = pltpu.CompilerParams(use_tc_tiling_on_sc=False)


def _sc_gather_scatter(D, split_cols):
    D2 = D // 2 if split_cols else D
    CH = CH_COL if split_cols else CH_EDGE
    nbuf = NBUF if split_cols else 16
    NG = CH // nbuf
    mesh = plsc.VectorSubcoreMesh(core_axis_name="c", subcore_axis_name="s")
    out_shape = (N, D) if split_cols else (NC, N, D)

    @functools.partial(
        pl.kernel,
        out_type=jax.ShapeDtypeStruct(out_shape, jnp.float32),
        mesh=mesh,
        scratch_types=[
            pltpu.VMEM((CH, K), jnp.int32),
            pltpu.VMEM((CH, K), jnp.int32),
            [pltpu.VMEM((K, D2), jnp.float32)] * nbuf,
            pltpu.VMEM_SHARED((N, D2), jnp.float32),
            pltpu.VMEM_SHARED((ACC_ROWS, D2), jnp.float32),
            [pltpu.SemaphoreType.DMA] * nbuf,
        ],
        compiler_params=_SC_PARAMS,
    )
    def k(hs, src_i, dst_i, out, src_v, dst_v, rows, hs_s, acc, sem):
        c = lax.axis_index("c")
        s = lax.axis_index("s")
        if split_cols:
            pltpu.sync_copy(src_i.at[s], src_v)
            pltpu.sync_copy(dst_i.at[s], dst_v)
        else:
            pltpu.sync_copy(src_i.at[s, pl.ds(c * CH, CH)], src_v)
            pltpu.sync_copy(dst_i.at[s, pl.ds(c * CH, CH)], dst_v)
        base = s * RPT
        co = c * D2 if split_cols else 0

        def stage(r0, nr):
            sl = (pl.ds(r0, nr), pl.ds(co, D2)) if split_cols else (pl.ds(r0, nr),)
            pltpu.sync_copy(hs.at[sl], hs_s.at[pl.ds(r0, nr)])
            pltpu.sync_copy(hs.at[sl], acc.at[pl.ds(r0, nr)])

        stage(base, RPT)

        @pl.when(s == NS - 1)
        def _():
            stage(NS * RPT, TAIL)

        plsc.subcore_barrier()

        for b in range(nbuf):
            pltpu.async_copy(hs_s.at[src_v.at[b]], rows[b], sem[b])

        def group(g, carry):
            for b in range(nbuf):
                i = g * nbuf + b
                pltpu.make_async_copy(hs_s.at[src_v.at[i]], rows[b],
                                      sem[b]).wait()
                pltpu.async_copy(rows[b], acc.at[dst_v.at[i]], sem[b],
                                 add=True)
            for b in range(nbuf):
                i = g * nbuf + b
                pltpu.make_async_copy(rows[b], acc.at[dst_v.at[i]],
                                      sem[b]).wait()

                @pl.when(g < NG - 1)
                def _():
                    j = (g + 1) * nbuf + b
                    pltpu.async_copy(hs_s.at[src_v.at[j]], rows[b], sem[b])

            return carry

        lax.fori_loop(0, NG, group, 0)
        plsc.subcore_barrier()

        def emit(r0, nr):
            sl = ((pl.ds(r0, nr), pl.ds(co, D2)) if split_cols
                  else (c, pl.ds(r0, nr)))
            pltpu.sync_copy(acc.at[pl.ds(r0, nr)], out.at[sl])

        emit(base, RPT)

        @pl.when(s == NS - 1)
        def _():
            emit(NS * RPT, TAIL)

    return k


def _sc_degree():
    mesh = plsc.VectorSubcoreMesh(core_axis_name="c", subcore_axis_name="s")
    rpt_deg = ACC_ROWS // NS
    NG = CH_EDGE // 16

    @functools.partial(
        pl.kernel,
        out_type=jax.ShapeDtypeStruct((NC, N, DEG_W), jnp.float32),
        mesh=mesh,
        scratch_types=[
            pltpu.VMEM((CH_EDGE, K), jnp.int32),
            pltpu.VMEM((K, DEG_W), jnp.float32),
            pltpu.VMEM_SHARED((ACC_ROWS, DEG_W), jnp.float32),
            [pltpu.SemaphoreType.DMA] * 16,
        ],
        compiler_params=_SC_PARAMS,
    )
    def k(ones, dst_i, out, dst_v, rows, acc, sem):
        c = lax.axis_index("c")
        s = lax.axis_index("s")
        pltpu.sync_copy(dst_i.at[s, pl.ds(c * CH_EDGE, CH_EDGE)], dst_v)
        pltpu.sync_copy(ones, rows)
        for j in range(rpt_deg // K):
            pltpu.sync_copy(rows, acc.at[pl.ds(s * rpt_deg + j * K, K)])
        plsc.subcore_barrier()

        def body(g, carry):
            for b in range(16):
                i = g * 16 + b
                pltpu.async_copy(rows, acc.at[dst_v.at[i]], sem[b], add=True)
            for b in range(16):
                i = g * 16 + b
                pltpu.make_async_copy(rows, acc.at[dst_v.at[i]],
                                      sem[b]).wait()
            return carry

        lax.fori_loop(0, NG, body, 0)
        plsc.subcore_barrier()
        base = s * RPT
        pltpu.sync_copy(acc.at[pl.ds(base, RPT)], out.at[c, pl.ds(base, RPT)])

        @pl.when(s == NS - 1)
        def _():
            pltpu.sync_copy(acc.at[pl.ds(NS * RPT, TAIL)],
                            out.at[c, pl.ds(NS * RPT, TAIL)])

    return k


def _dinv(d):
    return lax.rsqrt(d[0, :, :1] + d[1, :, :1] - 1.0)


def _row_spec(d):
    return pl.BlockSpec((BR, d), lambda i: (i, 0))


def _row3_spec(d):
    return pl.BlockSpec((NC, BR, d), lambda i: (0, i, 0))


def _full_spec(r, c):
    return pl.BlockSpec((r, c), lambda i: (0, 0))


def _mm1(x, w, degp):
    def body(x_r, w_r, d_r, o_r):
        h = jnp.dot(x_r[...], w_r[...], preferred_element_type=jnp.float32)
        o_r[...] = h * _dinv(d_r[...])

    return pl.pallas_call(
        body,
        grid=(GRID,),
        in_specs=[_row_spec(128), _full_spec(128, 64), _row3_spec(DEG_W)],
        out_specs=_row_spec(64),
        out_shape=jax.ShapeDtypeStruct((N, 64), jnp.float32),
    )(x, w, degp)


def _mm_mid(p, degp, w, b, din, dout, hs=None):
    pair = p.ndim == 3

    def body(*refs):
        if pair:
            p_r, hs_r, d_r, w_r, b_r, f_r, h_r = refs
            agg = p_r[0] + p_r[1] - hs_r[...]
        else:
            p_r, d_r, w_r, b_r, f_r, h_r = refs
            agg = p_r[...]
        dinv = _dinv(d_r[...])
        f = jnp.maximum(dinv * agg + b_r[...], 0.0)
        f_r[...] = f
        h_r[...] = jnp.dot(f, w_r[...], preferred_element_type=jnp.float32) * dinv

    if pair:
        args = [p, hs]
        specs = [_row3_spec(din), _row_spec(din)]
    else:
        args = [p]
        specs = [_row_spec(din)]
    return pl.pallas_call(
        body,
        grid=(GRID,),
        in_specs=specs + [_row3_spec(DEG_W),
                          _full_spec(din, dout), _full_spec(1, din)],
        out_specs=[_row_spec(din), _row_spec(dout)],
        out_shape=[jax.ShapeDtypeStruct((N, din), jnp.float32),
                   jax.ShapeDtypeStruct((N, dout), jnp.float32)],
    )(*args, degp, w, b)


def _mm_fc12(f1, f2, wf1, wf2, bfc):
    def body(f1_r, f2_r, w1_r, w2_r, bf_r, o_r):
        o_r[...] = (jnp.dot(f1_r[...], w1_r[...],
                            preferred_element_type=jnp.float32)
                    + jnp.dot(f2_r[...], w2_r[...],
                              preferred_element_type=jnp.float32)
                    + bf_r[...])

    return pl.pallas_call(
        body,
        grid=(GRID,),
        in_specs=[_row_spec(64), _row_spec(32),
                  _full_spec(64, 16), _full_spec(32, 16), _full_spec(1, 16)],
        out_specs=_row_spec(16),
        out_shape=jax.ShapeDtypeStruct((N, 16), jnp.float32),
    )(f1, f2, wf1, wf2, bfc)


def _mm_fin(p3, h3s, degp, fc12, b3, wf3):
    def body(p_r, hs_r, d_r, fc_r, b3_r, w3_r, o_r):
        dinv = _dinv(d_r[...])
        agg = p_r[0] + p_r[1] - hs_r[...]
        f3 = jnp.maximum(dinv * agg + b3_r[...], 0.0)
        acc = fc_r[...] + jnp.dot(f3, w3_r[...],
                                  preferred_element_type=jnp.float32)
        o_r[...] = jnp.maximum(acc, 0.0)

    return pl.pallas_call(
        body,
        grid=(GRID,),
        in_specs=[_row3_spec(16), _row_spec(16), _row3_spec(DEG_W),
                  _row_spec(16), _full_spec(1, 16), _full_spec(16, 16)],
        out_specs=_row_spec(16),
        out_shape=jax.ShapeDtypeStruct((N, 16), jnp.float32),
    )(p3, h3s, degp, fc12, b3, wf3)


def _pad_spread(idx, nper, npad, dst):
    if dst:
        pad = N + (jnp.arange(npad, dtype=jnp.int32) % (ACC_ROWS - N))
    else:
        pad = (jnp.arange(npad, dtype=jnp.int32) * 97) % N
    lead = idx.reshape(-1, nper)
    return jnp.concatenate(
        [lead, jnp.broadcast_to(pad, (lead.shape[0], npad))], axis=1)


def kernel(edges, features, W1, b1, W2, b2, W3, b3, Wfc, bfc):
    src = edges[0].astype(jnp.int32)
    dst = edges[1].astype(jnp.int32)
    ept = E // NS
    npad = CH_COL * K - ept
    src_c = _pad_spread(src, ept, npad, False).reshape(NS, CH_COL, K)
    dst_c = _pad_spread(dst, ept, npad, True).reshape(NS, CH_COL, K)
    ones = jnp.ones((K, DEG_W), jnp.float32)

    degp = _sc_degree()(ones, dst_c)

    h1s = _mm1(features, W1, degp)
    p1 = _sc_gather_scatter(64, split_cols=True)(h1s, src_c, dst_c)
    f1, h2s = _mm_mid(p1, degp, W2, b1.reshape(1, 64), 64, 32)
    p2 = _sc_gather_scatter(32, split_cols=False)(h2s, src_c, dst_c)
    f2, h3s = _mm_mid(p2, degp, W3, b2.reshape(1, 32), 32, 16, hs=h2s)
    p3 = _sc_gather_scatter(16, split_cols=False)(h3s, src_c, dst_c)
    fc12 = _mm_fc12(f1, f2, Wfc[:64], Wfc[64:96], bfc.reshape(1, 16))
    return _mm_fin(p3, h3s, degp, fc12, b3.reshape(1, 16), Wfc[96:])

# --- scband reference (transcript-rebuilt; emitter-appended) ---
"""Pipeline reference for scband-dense-gcn-11793980195110 (READ-ONLY COPY).

The authoritative reference and input builder live on the scoring server;
editing this copy changes nothing except your own understanding.
"""

import jax, jax.numpy as jnp
import numpy as np

N_NODES = 10000
N_EDGES = 320000
D_FEAT = 128


def kaiming(key, shape):
    fan_in = shape[0]
    return jax.random.normal(key, shape, dtype=jnp.float32) * jnp.sqrt(2.0 / fan_in)


def setup_inputs(seed: int = 0) -> dict:
    key = jax.random.key(seed)
    ks = [jax.random.fold_in(key, i) for i in range(10)]
    edges = jax.random.randint(ks[0], (2, N_EDGES), 0, N_NODES, dtype=jnp.int64)
    features = jax.random.normal(ks[1], (N_NODES, D_FEAT), dtype=jnp.float32)
    W1 = kaiming(ks[2], (D_FEAT, 64)); b1 = jnp.zeros((64,), jnp.float32)
    W2 = kaiming(ks[3], (64, 32));     b2 = jnp.zeros((32,), jnp.float32)
    W3 = kaiming(ks[4], (32, 16));     b3 = jnp.zeros((16,), jnp.float32)
    Wfc = kaiming(ks[5], (64 + 32 + 16, 16)); bfc = jnp.zeros((16,), jnp.float32)
    return {"edges": edges, "features": features, "W1": W1, "b1": b1,
            "W2": W2, "b2": b2, "W3": W3, "b3": b3, "Wfc": Wfc, "bfc": bfc}


def gcn_conv(x, edge_index, W, b, n):
    # PyG GCNConv: add self-loops, symmetric normalization D^-1/2 (A+I) D^-1/2, then XW + b
    loop = jnp.arange(n, dtype=edge_index.dtype)
    src = jnp.concatenate([edge_index[0], loop])
    dst = jnp.concatenate([edge_index[1], loop])
    deg = jnp.zeros((n,), x.dtype).at[dst].add(1.0)
    dinv = jnp.where(deg > 0, 1.0 / jnp.sqrt(deg), 0.0)
    norm = dinv[src] * dinv[dst]
    h = x @ W
    msg = h[src] * norm[:, None]
    out = jnp.zeros((n, W.shape[1]), x.dtype).at[dst].add(msg)
    return out + b


def reference(edges, features, W1, b1, W2, b2, W3, b3, Wfc, bfc):
    n = features.shape[0]
    f1 = jax.nn.relu(gcn_conv(features, edges, W1, b1, n))
    # dropout(p=0.3) identity in eval mode
    f2 = jax.nn.relu(gcn_conv(f1, edges, W2, b2, n))
    # dropout(p=0.4) identity in eval mode
    f3 = jax.nn.relu(gcn_conv(f2, edges, W3, b3, n))
    cat = jnp.concatenate([f1, f2, f3], axis=1)
    return jax.nn.relu(cat @ Wfc + bfc)

if __name__ == "__main__":
    import jax
    _d = setup_inputs()
    print(jax.jit(kernel)(*tuple(_d.values())))

</pallas_src>

<mosaic_0001>
#map = affine_map<(d0, d1) -> (0, 0)>
#map1 = affine_map<(d0, d1) -> (0, 0, 0)>
module attributes {stable_mosaic.version = 14 : i64} {
  func.func @k(%arg0: i32, %arg1: i32, %arg2: memref<128x16xf32, #tpu.memory_space<hbm>>, %arg3: memref<16x160x128xi32, #tpu.memory_space<hbm>>, %arg4: memref<2x10000x16xf32, #tpu.memory_space<hbm>>, %arg5: memref<80x128xi32, #tpu.memory_space<vmem>>, %arg6: memref<128x16xf32, #tpu.memory_space<vmem>>, %arg7: memref<10240x16xf32, #tpu.memory_space<vmem_shared>>, %arg8: memref<!tpu.dma_semaphore, #tpu.memory_space<semaphore_mem>>, %arg9: memref<!tpu.dma_semaphore, #tpu.memory_space<semaphore_mem>>, %arg10: memref<!tpu.dma_semaphore, #tpu.memory_space<semaphore_mem>>, %arg11: memref<!tpu.dma_semaphore, #tpu.memory_space<semaphore_mem>>, %arg12: memref<!tpu.dma_semaphore, #tpu.memory_space<semaphore_mem>>, %arg13: memref<!tpu.dma_semaphore, #tpu.memory_space<semaphore_mem>>, %arg14: memref<!tpu.dma_semaphore, #tpu.memory_space<semaphore_mem>>, %arg15: memref<!tpu.dma_semaphore, #tpu.memory_space<semaphore_mem>>, %arg16: memref<!tpu.dma_semaphore, #tpu.memory_space<semaphore_mem>>, %arg17: memref<!tpu.dma_semaphore, #tpu.memory_space<semaphore_mem>>, %arg18: memref<!tpu.dma_semaphore, #tpu.memory_space<semaphore_mem>>, %arg19: memref<!tpu.dma_semaphore, #tpu.memory_space<semaphore_mem>>, %arg20: memref<!tpu.dma_semaphore, #tpu.memory_space<semaphore_mem>>, %arg21: memref<!tpu.dma_semaphore, #tpu.memory_space<semaphore_mem>>, %arg22: memref<!tpu.dma_semaphore, #tpu.memory_space<semaphore_mem>>, %arg23: memref<!tpu.dma_semaphore, #tpu.memory_space<semaphore_mem>>) attributes {dimension_semantics = [#tpu.dimension_semantics<core_parallel>, #tpu.dimension_semantics<subcore_parallel>], iteration_bounds = array<i64: 2, 16>, scalar_prefetch = 0 : i64, scratch_operands = 19 : i64, tpu.core_type = #tpu.core_type<sc_vector_subcore>, window_params = [{transform_indices = #map}, {transform_indices = #map1}, {transform_indices = #map1}]} {
    %mul3A = arith.constant 80 : i32
    %mul3A_0 = arith.muli %arg0, %mul3A : i32
    "tpu.region"() ({
      %run_scoped3A = tpu.sem_alloc : memref<!tpu.dma_semaphore, #tpu.memory_space<semaphore_mem>>
      %dma_start3A = arith.constant 0 : i32
      %dma_start3A_30 = tpu.memref_slice %arg3[%arg1, %mul3A_0, %dma_start3A] : memref<16x160x128xi32, #tpu.memory_space<hbm>> -> memref<1x80x128xi32, #tpu.memory_space<hbm>>
      %dma_start3A_31 = tpu.memref_squeeze %dma_start3A_30 : memref<1x80x128xi32, #tpu.memory_space<hbm>> -> memref<80x128xi32, #tpu.memory_space<hbm>>
      %dma_start3A_32 = arith.constant 0 : i32
      %dma_start3A_33 = tpu.memref_slice %arg3[%arg1, %mul3A_0, %dma_start3A_32] : memref<16x160x128xi32, #tpu.memory_space<hbm>> -> memref<1x80x128xi32, #tpu.memory_space<hbm>>
      %dma_start3A_34 = tpu.memref_squeeze %dma_start3A_33 : memref<1x80x128xi32, #tpu.memory_space<hbm>> -> memref<80x128xi32, #tpu.memory_space<hbm>>
      tpu.enqueue_dma source(%dma_start3A_34 : memref<80x128xi32, #tpu.memory_space<hbm>>) target(%arg5 : memref<80x128xi32, #tpu.memory_space<vmem>>) target_semaphore(%run_scoped3A : memref<!tpu.dma_semaphore, #tpu.memory_space<semaphore_mem>>)
      %dma_wait3A = arith.constant 0 : i32
      %dma_wait3A_35 = tpu.memref_slice %arg3[%arg1, %mul3A_0, %dma_wait3A] : memref<16x160x128xi32, #tpu.memory_space<hbm>> -> memref<1x80x128xi32, #tpu.memory_space<hbm>>
      %dma_wait3A_36 = tpu.memref_squeeze %dma_wait3A_35 : memref<1x80x128xi32, #tpu.memory_space<hbm>> -> memref<80x128xi32, #tpu.memory_space<hbm>>
      %dma_wait3A_37 = arith.constant 0 : i32
      %dma_wait3A_38 = tpu.memref_slice %arg3[%arg1, %mul3A_0, %dma_wait3A_37] : memref<16x160x128xi32, #tpu.memory_space<hbm>> -> memref<1x80x128xi32, #tpu.memory_space<hbm>>
      %dma_wait3A_39 = tpu.memref_squeeze %dma_wait3A_38 : memref<1x80x128xi32, #tpu.memory_space<hbm>> -> memref<80x128xi32, #tpu.memory_space<hbm>>
      tpu.wait_dma2 semaphore(%run_scoped3A : memref<!tpu.dma_semaphore, #tpu.memory_space<semaphore_mem>>) src(%dma_wait3A_39 : memref<80x128xi32, #tpu.memory_space<hbm>>) dst(%arg5 : memref<80x128xi32, #tpu.memory_space<vmem>>)
      tpu.yield
    }) : () -> ()
    "tpu.region"() ({
      %run_scoped3A = tpu.sem_alloc : memref<!tpu.dma_semaphore, #tpu.memory_space<semaphore_mem>>
      tpu.enqueue_dma source(%arg2 : memref<128x16xf32, #tpu.memory_space<hbm>>) target(%arg6 : memref<128x16xf32, #tpu.memory_space<vmem>>) target_semaphore(%run_scoped3A : memref<!tpu.dma_semaphore, #tpu.memory_space<semaphore_mem>>)
      tpu.wait_dma2 semaphore(%run_scoped3A : memref<!tpu.dma_semaphore, #tpu.memory_space<semaphore_mem>>) src(%arg2 : memref<128x16xf32, #tpu.memory_space<hbm>>) dst(%arg6 : memref<128x16xf32, #tpu.memory_space<vmem>>)
      tpu.yield
    }) : () -> ()
    %mul3A_1 = arith.constant 640 : i32
    %mul3A_2 = arith.muli %arg1, %mul3A_1 : i32
    %add3A = arith.constant 0 : i32
    %add3A_3 = arith.addi %mul3A_2, %add3A : i32
    "tpu.region"() ({
      %run_scoped3A = tpu.sem_alloc : memref<!tpu.dma_semaphore, #tpu.memory_space<semaphore_mem>>
      %dma_start3A = arith.constant 0 : i32
      %dma_start3A_30 = tpu.memref_slice %arg7[%add3A_3, %dma_start3A] : memref<10240x16xf32, #tpu.memory_space<vmem_shared>> -> memref<128x16xf32, #tpu.memory_space<vmem_shared>>
      %dma_start3A_31 = arith.constant 0 : i32
      %dma_start3A_32 = tpu.memref_slice %arg7[%add3A_3, %dma_start3A_31] : memref<10240x16xf32, #tpu.memory_space<vmem_shared>> -> memref<128x16xf32, #tpu.memory_space<vmem_shared>>
      tpu.enqueue_dma source(%arg6 : memref<128x16xf32, #tpu.memory_space<vmem>>) target(%dma_start3A_32 : memref<128x16xf32, #tpu.memory_space<vmem_shared>>) target_semaphore(%run_scoped3A : memref<!tpu.dma_semaphore, #tpu.memory_space<semaphore_mem>>)
      %dma_wait3A = arith.constant 0 : i32
      %dma_wait3A_33 = tpu.memref_slice %arg7[%add3A_3, %dma_wait3A] : memref<10240x16xf32, #tpu.memory_space<vmem_shared>> -> memref<128x16xf32, #tpu.memory_space<vmem_shared>>
      %dma_wait3A_34 = arith.constant 0 : i32
      %dma_wait3A_35 = tpu.memref_slice %arg7[%add3A_3, %dma_wait3A_34] : memref<10240x16xf32, #tpu.memory_space<vmem_shared>> -> memref<128x16xf32, #tpu.memory_space<vmem_shared>>
      tpu.wait_dma2 semaphore(%run_scoped3A : memref<!tpu.dma_semaphore, #tpu.memory_space<semaphore_mem>>) src(%arg6 : memref<128x16xf32, #tpu.memory_space<vmem>>) dst(%dma_wait3A_35 : memref<128x16xf32, #tpu.memory_space<vmem_shared>>)
      tpu.yield
    }) : () -> ()
    %mul3A_4 = arith.constant 640 : i32
    %mul3A_5 = arith.muli %arg1, %mul3A_4 : i32
    %add3A_6 = arith.constant 128 : i32
    %add3A_7 = arith.addi %mul3A_5, %add3A_6 : i32
    "tpu.region"() ({
      %run_scoped3A = tpu.sem_alloc : memref<!tpu.dma_semaphore, #tpu.memory_space<semaphore_mem>>
      %dma_start3A = arith.constant 0 : i32
      %dma_start3A_30 = tpu.memref_slice %arg7[%add3A_7, %dma_start3A] : memref<10240x16xf32, #tpu.memory_space<vmem_shared>> -> memref<128x16xf32, #tpu.memory_space<vmem_shared>>
      %dma_start3A_31 = arith.constant 0 : i32
      %dma_start3A_32 = tpu.memref_slice %arg7[%add3A_7, %dma_start3A_31] : memref<10240x16xf32, #tpu.memory_space<vmem_shared>> -> memref<128x16xf32, #tpu.memory_space<vmem_shared>>
      tpu.enqueue_dma source(%arg6 : memref<128x16xf32, #tpu.memory_space<vmem>>) target(%dma_start3A_32 : memref<128x16xf32, #tpu.memory_space<vmem_shared>>) target_semaphore(%run_scoped3A : memref<!tpu.dma_semaphore, #tpu.memory_space<semaphore_mem>>)
      %dma_wait3A = arith.constant 0 : i32
      %dma_wait3A_33 = tpu.memref_slice %arg7[%add3A_7, %dma_wait3A] : memref<10240x16xf32, #tpu.memory_space<vmem_shared>> -> memref<128x16xf32, #tpu.memory_space<vmem_shared>>
      %dma_wait3A_34 = arith.constant 0 : i32
      %dma_wait3A_35 = tpu.memref_slice %arg7[%add3A_7, %dma_wait3A_34] : memref<10240x16xf32, #tpu.memory_space<vmem_shared>> -> memref<128x16xf32, #tpu.memory_space<vmem_shared>>
      tpu.wait_dma2 semaphore(%run_scoped3A : memref<!tpu.dma_semaphore, #tpu.memory_space<semaphore_mem>>) src(%arg6 : memref<128x16xf32, #tpu.memory_space<vmem>>) dst(%dma_wait3A_35 : memref<128x16xf32, #tpu.memory_space<vmem_shared>>)
      tpu.yield
    }) : () -> ()
    %mul3A_8 = arith.constant 640 : i32
    %mul3A_9 = arith.muli %arg1, %mul3A_8 : i32
    %add3A_10 = arith.constant 256 : i32
    %add3A_11 = arith.addi %mul3A_9, %add3A_10 : i32
    "tpu.region"() ({
      %run_scoped3A = tpu.sem_alloc : memref<!tpu.dma_semaphore, #tpu.memory_space<semaphore_mem>>
      %dma_start3A = arith.constant 0 : i32
      %dma_start3A_30 = tpu.memref_slice %arg7[%add3A_11, %dma_start3A] : memref<10240x16xf32, #tpu.memory_space<vmem_shared>> -> memref<128x16xf32, #tpu.memory_space<vmem_shared>>
      %dma_start3A_31 = arith.constant 0 : i32
      %dma_start3A_32 = tpu.memref_slice %arg7[%add3A_11, %dma_start3A_31] : memref<10240x16xf32, #tpu.memory_space<vmem_shared>> -> memref<128x16xf32, #tpu.memory_space<vmem_shared>>
      tpu.enqueue_dma source(%arg6 : memref<128x16xf32, #tpu.memory_space<vmem>>) target(%dma_start3A_32 : memref<128x16xf32, #tpu.memory_space<vmem_shared>>) target_semaphore(%run_scoped3A : memref<!tpu.dma_semaphore, #tpu.memory_space<semaphore_mem>>)
      %dma_wait3A = arith.constant 0 : i32
      %dma_wait3A_33 = tpu.memref_slice %arg7[%add3A_11, %dma_wait3A] : memref<10240x16xf32, #tpu.memory_space<vmem_shared>> -> memref<128x16xf32, #tpu.memory_space<vmem_shared>>
      %dma_wait3A_34 = arith.constant 0 : i32
      %dma_wait3A_35 = tpu.memref_slice %arg7[%add3A_11, %dma_wait3A_34] : memref<10240x16xf32, #tpu.memory_space<vmem_shared>> -> memref<128x16xf32, #tpu.memory_space<vmem_shared>>
      tpu.wait_dma2 semaphore(%run_scoped3A : memref<!tpu.dma_semaphore, #tpu.memory_space<semaphore_mem>>) src(%arg6 : memref<128x16xf32, #tpu.memory_space<vmem>>) dst(%dma_wait3A_35 : memref<128x16xf32, #tpu.memory_space<vmem_shared>>)
      tpu.yield
    }) : () -> ()
    %mul3A_12 = arith.constant 640 : i32
    %mul3A_13 = arith.muli %arg1, %mul3A_12 : i32
    %add3A_14 = arith.constant 384 : i32
    %add3A_15 = arith.addi %mul3A_13, %add3A_14 : i32
    "tpu.region"() ({
      %run_scoped3A = tpu.sem_alloc : memref<!tpu.dma_semaphore, #tpu.memory_space<semaphore_mem>>
      %dma_start3A = arith.constant 0 : i32
      %dma_start3A_30 = tpu.memref_slice %arg7[%add3A_15, %dma_start3A] : memref<10240x16xf32, #tpu.memory_space<vmem_shared>> -> memref<128x16xf32, #tpu.memory_space<vmem_shared>>
      %dma_start3A_31 = arith.constant 0 : i32
      %dma_start3A_32 = tpu.memref_slice %arg7[%add3A_15, %dma_start3A_31] : memref<10240x16xf32, #tpu.memory_space<vmem_shared>> -> memref<128x16xf32, #tpu.memory_space<vmem_shared>>
      tpu.enqueue_dma source(%arg6 : memref<128x16xf32, #tpu.memory_space<vmem>>) target(%dma_start3A_32 : memref<128x16xf32, #tpu.memory_space<vmem_shared>>) target_semaphore(%run_scoped3A : memref<!tpu.dma_semaphore, #tpu.memory_space<semaphore_mem>>)
      %dma_wait3A = arith.constant 0 : i32
      %dma_wait3A_33 = tpu.memref_slice %arg7[%add3A_15, %dma_wait3A] : memref<10240x16xf32, #tpu.memory_space<vmem_shared>> -> memref<128x16xf32, #tpu.memory_space<vmem_shared>>
      %dma_wait3A_34 = arith.constant 0 : i32
      %dma_wait3A_35 = tpu.memref_slice %arg7[%add3A_15, %dma_wait3A_34] : memref<10240x16xf32, #tpu.memory_space<vmem_shared>> -> memref<128x16xf32, #tpu.memory_space<vmem_shared>>
      tpu.wait_dma2 semaphore(%run_scoped3A : memref<!tpu.dma_semaphore, #tpu.memory_space<semaphore_mem>>) src(%arg6 : memref<128x16xf32, #tpu.memory_space<vmem>>) dst(%dma_wait3A_35 : memref<128x16xf32, #tpu.memory_space<vmem_shared>>)
      tpu.yield
    }) : () -> ()
    %mul3A_16 = arith.constant 640 : i32
    %mul3A_17 = arith.muli %arg1, %mul3A_16 : i32
    %add3A_18 = arith.constant 512 : i32
    %add3A_19 = arith.addi %mul3A_17, %add3A_18 : i32
    "tpu.region"() ({
      %run_scoped3A = tpu.sem_alloc : memref<!tpu.dma_semaphore, #tpu.memory_space<semaphore_mem>>
      %dma_start3A = arith.constant 0 : i32
      %dma_start3A_30 = tpu.memref_slice %arg7[%add3A_19, %dma_start3A] : memref<10240x16xf32, #tpu.memory_space<vmem_shared>> -> memref<128x16xf32, #tpu.memory_space<vmem_shared>>
      %dma_start3A_31 = arith.constant 0 : i32
      %dma_start3A_32 = tpu.memref_slice %arg7[%add3A_19, %dma_start3A_31] : memref<10240x16xf32, #tpu.memory_space<vmem_shared>> -> memref<128x16xf32, #tpu.memory_space<vmem_shared>>
      tpu.enqueue_dma source(%arg6 : memref<128x16xf32, #tpu.memory_space<vmem>>) target(%dma_start3A_32 : memref<128x16xf32, #tpu.memory_space<vmem_shared>>) target_semaphore(%run_scoped3A : memref<!tpu.dma_semaphore, #tpu.memory_space<semaphore_mem>>)
      %dma_wait3A = arith.constant 0 : i32
      %dma_wait3A_33 = tpu.memref_slice %arg7[%add3A_19, %dma_wait3A] : memref<10240x16xf32, #tpu.memory_space<vmem_shared>> -> memref<128x16xf32, #tpu.memory_space<vmem_shared>>
      %dma_wait3A_34 = arith.constant 0 : i32
      %dma_wait3A_35 = tpu.memref_slice %arg7[%add3A_19, %dma_wait3A_34] : memref<10240x16xf32, #tpu.memory_space<vmem_shared>> -> memref<128x16xf32, #tpu.memory_space<vmem_shared>>
      tpu.wait_dma2 semaphore(%run_scoped3A : memref<!tpu.dma_semaphore, #tpu.memory_space<semaphore_mem>>) src(%arg6 : memref<128x16xf32, #tpu.memory_space<vmem>>) dst(%dma_wait3A_35 : memref<128x16xf32, #tpu.memory_space<vmem_shared>>)
      tpu.yield
    }) : () -> ()
    %barrier3A = arith.constant 0 : index
    tpu.barrier barrier_id(%barrier3A)
    %scan3A = arith.constant 0 : i32
    %scan3A_20 = arith.constant 0 : i32
    %scan3A_21 = arith.constant 5 : i32
    %scan3A_22 = arith.addi %scan3A_20, %scan3A_21 : i32
    %scan3A_23 = arith.constant 1 : i32
    scf.for %scan3A_30 = %scan3A_20 to %scan3A_22 step %scan3A_23  : i32 {
      %mul3A_31 = arith.constant 16 : i32
      %mul3A_32 = arith.muli %scan3A_30, %mul3A_31 : i32
      %add3A_33 = arith.constant 0 : i32
      %add3A_34 = arith.addi %mul3A_32, %add3A_33 : i32
      %dma_start3A = arith.constant 0 : i32
      %dma_start3A_35 = tpu.memref_slice %arg5[%add3A_34, %dma_start3A] : memref<80x128xi32, #tpu.memory_space<vmem>> -> memref<1x128xi32, #tpu.memory_space<vmem>>
      %dma_start3A_36 = tpu.memref_squeeze %dma_start3A_35 : memref<1x128xi32, #tpu.memory_space<vmem>> -> memref<128xi32, #tpu.memory_space<vmem>>
      %dma_start3A_37 = arith.constant 0 : i32
      %dma_start3A_38 = arith.constant 0 : i32
      %dma_start3A_39 = tpu.memref_slice %arg7[%dma_start3A_37, %dma_start3A_38] : memref<10240x16xf32, #tpu.memory_space<vmem_shared>> -> memref<10240x16xf32, #tpu.memory_space<vmem_shared>>
      tpu.enqueue_indirect_dma source(%arg6 : memref<128x16xf32, #tpu.memory_space<vmem>>) target(%dma_start3A_39 : memref<10240x16xf32, #tpu.memory_space<vmem_shared>>) offsets(%dma_start3A_36 : memref<128xi32, #tpu.memory_space<vmem>>) semaphore(%arg8 : memref<!tpu.dma_semaphore, #tpu.memory_space<semaphore_mem>>) {add = true}
      %mul3A_40 = arith.constant 16 : i32
      %mul3A_41 = arith.muli %scan3A_30, %mul3A_40 : i32
      %add3A_42 = arith.constant 1 : i32
      %add3A_43 = arith.addi %mul3A_41, %add3A_42 : i32
      %dma_start3A_44 = arith.constant 0 : i32
      %dma_start3A_45 = tpu.memref_slice %arg5[%add3A_43, %dma_start3A_44] : memref<80x128xi32, #tpu.memory_space<vmem>> -> memref<1x128xi32, #tpu.memory_space<vmem>>
      %dma_start3A_46 = tpu.memref_squeeze %dma_start3A_45 : memref<1x128xi32, #tpu.memory_space<vmem>> -> memref<128xi32, #tpu.memory_space<vmem>>
      %dma_start3A_47 = arith.constant 0 : i32
      %dma_start3A_48 = arith.constant 0 : i32
      %dma_start3A_49 = tpu.memref_slice %arg7[%dma_start3A_47, %dma_start3A_48] : memref<10240x16xf32, #tpu.memory_space<vmem_shared>> -> memref<10240x16xf32, #tpu.memory_space<vmem_shared>>
      tpu.enqueue_indirect_dma source(%arg6 : memref<128x16xf32, #tpu.memory_space<vmem>>) target(%dma_start3A_49 : memref<10240x16xf32, #tpu.memory_space<vmem_shared>>) offsets(%dma_start3A_46 : memref<128xi32, #tpu.memory_space<vmem>>) semaphore(%arg9 : memref<!tpu.dma_semaphore, #tpu.memory_space<semaphore_mem>>) {add = true}
      %mul3A_50 = arith.constant 16 : i32
      %mul3A_51 = arith.muli %scan3A_30, %mul3A_50 : i32
      %add3A_52 = arith.constant 2 : i32
      %add3A_53 = arith.addi %mul3A_51, %add3A_52 : i32
      %dma_start3A_54 = arith.constant 0 : i32
      %dma_start3A_55 = tpu.memref_slice %arg5[%add3A_53, %dma_start3A_54] : memref<80x128xi32, #tpu.memory_space<vmem>> -> memref<1x128xi32, #tpu.memory_space<vmem>>
      %dma_start3A_56 = tpu.memref_squeeze %dma_start3A_55 : memref<1x128xi32, #tpu.memory_space<vmem>> -> memref<128xi32, #tpu.memory_space<vmem>>
      %dma_start3A_57 = arith.constant 0 : i32
      %dma_start3A_58 = arith.constant 0 : i32
      %dma_start3A_59 = tpu.memref_slice %arg7[%dma_start3A_57, %dma_start3A_58] : memref<10240x16xf32, #tpu.memory_space<vmem_shared>> -> memref<10240x16xf32, #tpu.memory_space<vmem_shared>>
      tpu.enqueue_indirect_dma source(%arg6 : memref<128x16xf32, #tpu.memory_space<vmem>>) target(%dma_start3A_59 : memref<10240x16xf32, #tpu.memory_space<vmem_shared>>) offsets(%dma_start3A_56 : memref<128xi32, #tpu.memory_space<vmem>>) semaphore(%arg10 : memref<!tpu.dma_semaphore, #tpu.memory_space<semaphore_mem>>) {add = true}
      %mul3A_60 = arith.constant 16 : i32
      %mul3A_61 = arith.muli %scan3A_30, %mul3A_60 : i32
      %add3A_62 = arith.constant 3 : i32
      %add3A_63 = arith.addi %mul3A_61, %add3A_62 : i32
      %dma_start3A_64 = arith.constant 0 : i32
      %dma_start3A_65 = tpu.memref_slice %arg5[%add3A_63, %dma_start3A_64] : memref<80x128xi32, #tpu.memory_space<vmem>> -> memref<1x128xi32, #tpu.memory_space<vmem>>
      %dma_start3A_66 = tpu.memref_squeeze %dma_start3A_65 : memref<1x128xi32, #tpu.memory_space<vmem>> -> memref<128xi32, #tpu.memory_space<vmem>>
      %dma_start3A_67 = arith.constant 0 : i32
      %dma_start3A_68 = arith.constant 0 : i32
      %dma_start3A_69 = tpu.memref_slice %arg7[%dma_start3A_67, %dma_start3A_68] : memref<10240x16xf32, #tpu.memory_space<vmem_shared>> -> memref<10240x16xf32, #tpu.memory_space<vmem_shared>>
      tpu.enqueue_indirect_dma source(%arg6 : memref<128x16xf32, #tpu.memory_space<vmem>>) target(%dma_start3A_69 : memref<10240x16xf32, #tpu.memory_space<vmem_shared>>) offsets(%dma_start3A_66 : memref<128xi32, #tpu.memory_space<vmem>>) semaphore(%arg11 : memref<!tpu.dma_semaphore, #tpu.memory_space<semaphore_mem>>) {add = true}
      %mul3A_70 = arith.constant 16 : i32
      %mul3A_71 = arith.muli %scan3A_30, %mul3A_70 : i32
      %add3A_72 = arith.constant 4 : i32
      %add3A_73 = arith.addi %mul3A_71, %add3A_72 : i32
      %dma_start3A_74 = arith.constant 0 : i32
      %dma_start3A_75 = tpu.memref_slice %arg5[%add3A_73, %dma_start3A_74] : memref<80x128xi32, #tpu.memory_space<vmem>> -> memref<1x128xi32, #tpu.memory_space<vmem>>
      %dma_start3A_76 = tpu.memref_squeeze %dma_start3A_75 : memref<1x128xi32, #tpu.memory_space<vmem>> -> memref<128xi32, #tpu.memory_space<vmem>>
      %dma_start3A_77 = arith.constant 0 : i32
      %dma_start3A_78 = arith.constant 0 : i32
      %dma_start3A_79 = tpu.memref_slice %arg7[%dma_start3A_77, %dma_start3A_78] : memref<10240x16xf32, #tpu.memory_space<vmem_shared>> -> memref<10240x16xf32, #tpu.memory_space<vmem_shared>>
      tpu.enqueue_indirect_dma source(%arg6 : memref<128x16xf32, #tpu.memory_space<vmem>>) target(%dma_start3A_79 : memref<10240x16xf32, #tpu.memory_space<vmem_shared>>) offsets(%dma_start3A_76 : memref<128xi32, #tpu.memory_space<vmem>>) semaphore(%arg12 : memref<!tpu.dma_semaphore, #tpu.memory_space<semaphore_mem>>) {add = true}
      %mul3A_80 = arith.constant 16 : i32
      %mul3A_81 = arith.muli %scan3A_30, %mul3A_80 : i32
      %add3A_82 = arith.constant 5 : i32
      %add3A_83 = arith.addi %mul3A_81, %add3A_82 : i32
      %dma_start3A_84 = arith.constant 0 : i32
      %dma_start3A_85 = tpu.memref_slice %arg5[%add3A_83, %dma_start3A_84] : memref<80x128xi32, #tpu.memory_space<vmem>> -> memref<1x128xi32, #tpu.memory_space<vmem>>
      %dma_start3A_86 = tpu.memref_squeeze %dma_start3A_85 : memref<1x128xi32, #tpu.memory_space<vmem>> -> memref<128xi32, #tpu.memory_space<vmem>>
      %dma_start3A_87 = arith.constant 0 : i32
      %dma_start3A_88 = arith.constant 0 : i32
      %dma_start3A_89 = tpu.memref_slice %arg7[%dma_start3A_87, %dma_start3A_88] : memref<10240x16xf32, #tpu.memory_space<vmem_shared>> -> memref<10240x16xf32, #tpu.memory_space<vmem_shared>>
      tpu.enqueue_indirect_dma source(%arg6 : memref<128x16xf32, #tpu.memory_space<vmem>>) target(%dma_start3A_89 : memref<10240x16xf32, #tpu.memory_space<vmem_shared>>) offsets(%dma_start3A_86 : memref<128xi32, #tpu.memory_space<vmem>>) semaphore(%arg13 : memref<!tpu.dma_semaphore, #tpu.memory_space<semaphore_mem>>) {add = true}
      %mul3A_90 = arith.constant 16 : i32
      %mul3A_91 = arith.muli %scan3A_30, %mul3A_90 : i32
      %add3A_92 = arith.constant 6 : i32
      %add3A_93 = arith.addi %mul3A_91, %add3A_92 : i32
      %dma_start3A_94 = arith.constant 0 : i32
      %dma_start3A_95 = tpu.memref_slice %arg5[%add3A_93, %dma_start3A_94] : memref<80x128xi32, #tpu.memory_space<vmem>> -> memref<1x128xi32, #tpu.memory_space<vmem>>
      %dma_start3A_96 = tpu.memref_squeeze %dma_start3A_95 : memref<1x128xi32, #tpu.memory_space<vmem>> -> memref<128xi32, #tpu.memory_space<vmem>>
      %dma_start3A_97 = arith.constant 0 : i32
      %dma_start3A_98 = arith.constant 0 : i32
      %dma_start3A_99 = tpu.memref_slice %arg7[%dma_start3A_97, %dma_start3A_98] : memref<10240x16xf32, #tpu.memory_space<vmem_shared>> -> memref<10240x16xf32, #tpu.memory_space<vmem_shared>>
      tpu.enqueue_indirect_dma source(%arg6 : memref<128x16xf32, #tpu.memory_space<vmem>>) target(%dma_start3A_99 : memref<10240x16xf32, #tpu.memory_space<vmem_shared>>) offsets(%dma_start3A_96 : memref<128xi32, #tpu.memory_space<vmem>>) semaphore(%arg14 : memref<!tpu.dma_semaphore, #tpu.memory_space<semaphore_mem>>) {add = true}
      %mul3A_100 = arith.constant 16 : i32
      %mul3A_101 = arith.muli %scan3A_30, %mul3A_100 : i32
      %add3A_102 = arith.constant 7 : i32
      %add3A_103 = arith.addi %mul3A_101, %add3A_102 : i32
      %dma_start3A_104 = arith.constant 0 : i32
      %dma_start3A_105 = tpu.memref_slice %arg5[%add3A_103, %dma_start3A_104] : memref<80x128xi32, #tpu.memory_space<vmem>> -> memref<1x128xi32, #tpu.memory_space<vmem>>
      %dma_start3A_106 = tpu.memref_squeeze %dma_start3A_105 : memref<1x128xi32, #tpu.memory_space<vmem>> -> memref<128xi32, #tpu.memory_space<vmem>>
      %dma_start3A_107 = arith.constant 0 : i32
      %dma_start3A_108 = arith.constant 0 : i32
      %dma_start3A_109 = tpu.memref_slice %arg7[%dma_start3A_107, %dma_start3A_108] : memref<10240x16xf32, #tpu.memory_space<vmem_shared>> -> memref<10240x16xf32, #tpu.memory_space<vmem_shared>>
      tpu.enqueue_indirect_dma source(%arg6 : memref<128x16xf32, #tpu.memory_space<vmem>>) target(%dma_start3A_109 : memref<10240x16xf32, #tpu.memory_space<vmem_shared>>) offsets(%dma_start3A_106 : memref<128xi32, #tpu.memory_space<vmem>>) semaphore(%arg15 : memref<!tpu.dma_semaphore, #tpu.memory_space<semaphore_mem>>) {add = true}
      %mul3A_110 = arith.constant 16 : i32
      %mul3A_111 = arith.muli %scan3A_30, %mul3A_110 : i32
      %add3A_112 = arith.constant 8 : i32
      %add3A_113 = arith.addi %mul3A_111, %add3A_112 : i32
      %dma_start3A_114 = arith.constant 0 : i32
      %dma_start3A_115 = tpu.memref_slice %arg5[%add3A_113, %dma_start3A_114] : memref<80x128xi32, #tpu.memory_space<vmem>> -> memref<1x128xi32, #tpu.memory_space<vmem>>
      %dma_start3A_116 = tpu.memref_squeeze %dma_start3A_115 : memref<1x128xi32, #tpu.memory_space<vmem>> -> memref<128xi32, #tpu.memory_space<vmem>>
      %dma_start3A_117 = arith.constant 0 : i32
      %dma_start3A_118 = arith.constant 0 : i32
      %dma_start3A_119 = tpu.memref_slice %arg7[%dma_start3A_117, %dma_start3A_118] : memref<10240x16xf32, #tpu.memory_space<vmem_shared>> -> memref<10240x16xf32, #tpu.memory_space<vmem_shared>>
      tpu.enqueue_indirect_dma source(%arg6 : memref<128x16xf32, #tpu.memory_space<vmem>>) target(%dma_start3A_119 : memref<10240x16xf32, #tpu.memory_space<vmem_shared>>) offsets(%dma_start3A_116 : memref<128xi32, #tpu.memory_space<vmem>>) semaphore(%arg16 : memref<!tpu.dma_semaphore, #tpu.memory_space<semaphore_mem>>) {add = true}
      %mul3A_120 = arith.constant 16 : i32
      %mul3A_121 = arith.muli %scan3A_30, %mul3A_120 : i32
      %add3A_122 = arith.constant 9 : i32
      %add3A_123 = arith.addi %mul3A_121, %add3A_122 : i32
      %dma_start3A_124 = arith.constant 0 : i32
      %dma_start3A_125 = tpu.memref_slice %arg5[%add3A_123, %dma_start3A_124] : memref<80x128xi32, #tpu.memory_space<vmem>> -> memref<1x128xi32, #tpu.memory_space<vmem>>
      %dma_start3A_126 = tpu.memref_squeeze %dma_start3A_125 : memref<1x128xi32, #tpu.memory_space<vmem>> -> memref<128xi32, #tpu.memory_space<vmem>>
      %dma_start3A_127 = arith.constant 0 : i32
      %dma_start3A_128 = arith.constant 0 : i32
      %dma_start3A_129 = tpu.memref_slice %arg7[%dma_start3A_127, %dma_start3A_128] : memref<10240x16xf32, #tpu.memory_space<vmem_shared>> -> memref<10240x16xf32, #tpu.memory_space<vmem_shared>>
      tpu.enqueue_indirect_dma source(%arg6 : memref<128x16xf32, #tpu.memory_space<vmem>>) target(%dma_start3A_129 : memref<10240x16xf32, #tpu.memory_space<vmem_shared>>) offsets(%dma_start3A_126 : memref<128xi32, #tpu.memory_space<vmem>>) semaphore(%arg17 : memref<!tpu.dma_semaphore, #tpu.memory_space<semaphore_mem>>) {add = true}
      %mul3A_130 = arith.constant 16 : i32
      %mul3A_131 = arith.muli %scan3A_30, %mul3A_130 : i32
      %add3A_132 = arith.constant 10 : i32
      %add3A_133 = arith.addi %mul3A_131, %add3A_132 : i32
      %dma_start3A_134 = arith.constant 0 : i32
      %dma_start3A_135 = tpu.memref_slice %arg5[%add3A_133, %dma_start3A_134] : memref<80x128xi32, #tpu.memory_space<vmem>> -> memref<1x128xi32, #tpu.memory_space<vmem>>
      %dma_start3A_136 = tpu.memref_squeeze %dma_start3A_135 : memref<1x128xi32, #tpu.memory_space<vmem>> -> memref<128xi32, #tpu.memory_space<vmem>>
      %dma_start3A_137 = arith.constant 0 : i32
      %dma_start3A_138 = arith.constant 0 : i32
      %dma_start3A_139 = tpu.memref_slice %arg7[%dma_start3A_137, %dma_start3A_138] : memref<10240x16xf32, #tpu.memory_space<vmem_shared>> -> memref<10240x16xf32, #tpu.memory_space<vmem_shared>>
      tpu.enqueue_indirect_dma source(%arg6 : memref<128x16xf32, #tpu.memory_space<vmem>>) target(%dma_start3A_139 : memref<10240x16xf32, #tpu.memory_space<vmem_shared>>) offsets(%dma_start3A_136 : memref<128xi32, #tpu.memory_space<vmem>>) semaphore(%arg18 : memref<!tpu.dma_semaphore, #tpu.memory_space<semaphore_mem>>) {add = true}
      %mul3A_140 = arith.constant 16 : i32
      %mul3A_141 = arith.muli %scan3A_30, %mul3A_140 : i32
      %add3A_142 = arith.constant 11 : i32
      %add3A_143 = arith.addi %mul3A_141, %add3A_142 : i32
      %dma_start3A_144 = arith.constant 0 : i32
      %dma_start3A_145 = tpu.memref_slice %arg5[%add3A_143, %dma_start3A_144] : memref<80x128xi32, #tpu.memory_space<vmem>> -> memref<1x128xi32, #tpu.memory_space<vmem>>
      %dma_start3A_146 = tpu.memref_squeeze %dma_start3A_145 : memref<1x128xi32, #tpu.memory_space<vmem>> -> memref<128xi32, #tpu.memory_space<vmem>>
      %dma_start3A_147 = arith.constant 0 : i32
      %dma_start3A_148 = arith.constant 0 : i32
      %dma_start3A_149 = tpu.memref_slice %arg7[%dma_start3A_147, %dma_start3A_148] : memref<10240x16xf32, #tpu.memory_space<vmem_shared>> -> memref<10240x16xf32, #tpu.memory_space<vmem_shared>>
      tpu.enqueue_indirect_dma source(%arg6 : memref<128x16xf32, #tpu.memory_space<vmem>>) target(%dma_start3A_149 : memref<10240x16xf32, #tpu.memory_space<vmem_shared>>) offsets(%dma_start3A_146 : memref<128xi32, #tpu.memory_space<vmem>>) semaphore(%arg19 : memref<!tpu.dma_semaphore, #tpu.memory_space<semaphore_mem>>) {add = true}
      %mul3A_150 = arith.constant 16 : i32
      %mul3A_151 = arith.muli %scan3A_30, %mul3A_150 : i32
      %add3A_152 = arith.constant 12 : i32
      %add3A_153 = arith.addi %mul3A_151, %add3A_152 : i32
      %dma_start3A_154 = arith.constant 0 : i32
      %dma_start3A_155 = tpu.memref_slice %arg5[%add3A_153, %dma_start3A_154] : memref<80x128xi32, #tpu.memory_space<vmem>> -> memref<1x128xi32, #tpu.memory_space<vmem>>
      %dma_start3A_156 = tpu.memref_squeeze %dma_start3A_155 : memref<1x128xi32, #tpu.memory_space<vmem>> -> memref<128xi32, #tpu.memory_space<vmem>>
      %dma_start3A_157 = arith.constant 0 : i32
      %dma_start3A_158 = arith.constant 0 : i32
      %dma_start3A_159 = tpu.memref_slice %arg7[%dma_start3A_157, %dma_start3A_158] : memref<10240x16xf32, #tpu.memory_space<vmem_shared>> -> memref<10240x16xf32, #tpu.memory_space<vmem_shared>>
      tpu.enqueue_indirect_dma source(%arg6 : memref<128x16xf32, #tpu.memory_space<vmem>>) target(%dma_start3A_159 : memref<10240x16xf32, #tpu.memory_space<vmem_shared>>) offsets(%dma_start3A_156 : memref<128xi32, #tpu.memory_space<vmem>>) semaphore(%arg20 : memref<!tpu.dma_semaphore, #tpu.memory_space<semaphore_mem>>) {add = true}
      %mul3A_160 = arith.constant 16 : i32
      %mul3A_161 = arith.muli %scan3A_30, %mul3A_160 : i32
      %add3A_162 = arith.constant 13 : i32
      %add3A_163 = arith.addi %mul3A_161, %add3A_162 : i32
      %dma_start3A_164 = arith.constant 0 : i32
      %dma_start3A_165 = tpu.memref_slice %arg5[%add3A_163, %dma_start3A_164] : memref<80x128xi32, #tpu.memory_space<vmem>> -> memref<1x128xi32, #tpu.memory_space<vmem>>
      %dma_start3A_166 = tpu.memref_squeeze %dma_start3A_165 : memref<1x128xi32, #tpu.memory_space<vmem>> -> memref<128xi32, #tpu.memory_space<vmem>>
      %dma_start3A_167 = arith.constant 0 : i32
      %dma_start3A_168 = arith.constant 0 : i32
      %dma_start3A_169 = tpu.memref_slice %arg7[%dma_start3A_167, %dma_start3A_168] : memref<10240x16xf32, #tpu.memory_space<vmem_shared>> -> memref<10240x16xf32, #tpu.memory_space<vmem_shared>>
      tpu.enqueue_indirect_dma source(%arg6 : memref<128x16xf32, #tpu.memory_space<vmem>>) target(%dma_start3A_169 : memref<10240x16xf32, #tpu.memory_space<vmem_shared>>) offsets(%dma_start3A_166 : memref<128xi32, #tpu.memory_space<vmem>>) semaphore(%arg21 : memref<!tpu.dma_semaphore, #tpu.memory_space<semaphore_mem>>) {add = true}
      %mul3A_170 = arith.constant 16 : i32
      %mul3A_171 = arith.muli %scan3A_30, %mul3A_170 : i32
      %add3A_172 = arith.constant 14 : i32
      %add3A_173 = arith.addi %mul3A_171, %add3A_172 : i32
      %dma_start3A_174 = arith.constant 0 : i32
      %dma_start3A_175 = tpu.memref_slice %arg5[%add3A_173, %dma_start3A_174] : memref<80x128xi32, #tpu.memory_space<vmem>> -> memref<1x128xi32, #tpu.memory_space<vmem>>
      %dma_start3A_176 = tpu.memref_squeeze %dma_start3A_175 : memref<1x128xi32, #tpu.memory_space<vmem>> -> memref<128xi32, #tpu.memory_space<vmem>>
      %dma_start3A_177 = arith.constant 0 : i32
      %dma_start3A_178 = arith.constant 0 : i32
      %dma_start3A_179 = tpu.memref_slice %arg7[%dma_start3A_177, %dma_start3A_178] : memref<10240x16xf32, #tpu.memory_space<vmem_shared>> -> memref<10240x16xf32, #tpu.memory_space<vmem_shared>>
      tpu.enqueue_indirect_dma source(%arg6 : memref<128x16xf32, #tpu.memory_space<vmem>>) target(%dma_start3A_179 : memref<10240x16xf32, #tpu.memory_space<vmem_shared>>) offsets(%dma_start3A_176 : memref<128xi32, #tpu.memory_space<vmem>>) semaphore(%arg22 : memref<!tpu.dma_semaphore, #tpu.memory_space<semaphore_mem>>) {add = true}
      %mul3A_180 = arith.constant 16 : i32
      %mul3A_181 = arith.muli %scan3A_30, %mul3A_180 : i32
      %add3A_182 = arith.constant 15 : i32
      %add3A_183 = arith.addi %mul3A_181, %add3A_182 : i32
      %dma_start3A_184 = arith.constant 0 : i32
      %dma_start3A_185 = tpu.memref_slice %arg5[%add3A_183, %dma_start3A_184] : memref<80x128xi32, #tpu.memory_space<vmem>> -> memref<1x128xi32, #tpu.memory_space<vmem>>
      %dma_start3A_186 = tpu.memref_squeeze %dma_start3A_185 : memref<1x128xi32, #tpu.memory_space<vmem>> -> memref<128xi32, #tpu.memory_space<vmem>>
      %dma_start3A_187 = arith.constant 0 : i32
      %dma_start3A_188 = arith.constant 0 : i32
      %dma_start3A_189 = tpu.memref_slice %arg7[%dma_start3A_187, %dma_start3A_188] : memref<10240x16xf32, #tpu.memory_space<vmem_shared>> -> memref<10240x16xf32, #tpu.memory_space<vmem_shared>>
      tpu.enqueue_indirect_dma source(%arg6 : memref<128x16xf32, #tpu.memory_space<vmem>>) target(%dma_start3A_189 : memref<10240x16xf32, #tpu.memory_space<vmem_shared>>) offsets(%dma_start3A_186 : memref<128xi32, #tpu.memory_space<vmem>>) semaphore(%arg23 : memref<!tpu.dma_semaphore, #tpu.memory_space<semaphore_mem>>) {add = true}
      %mul3A_190 = arith.constant 16 : i32
      %mul3A_191 = arith.muli %scan3A_30, %mul3A_190 : i32
      %add3A_192 = arith.constant 0 : i32
      %add3A_193 = arith.addi %mul3A_191, %add3A_192 : i32
      %dma_wait3A = arith.constant 0 : i32
      %dma_wait3A_194 = tpu.memref_slice %arg5[%add3A_193, %dma_wait3A] : memref<80x128xi32, #tpu.memory_space<vmem>> -> memref<1x128xi32, #tpu.memory_space<vmem>>
      %dma_wait3A_195 = tpu.memref_squeeze %dma_wait3A_194 : memref<1x128xi32, #tpu.memory_space<vmem>> -> memref<128xi32, #tpu.memory_space<vmem>>
      %dma_wait3A_196 = arith.constant 0 : i32
      %dma_wait3A_197 = arith.constant 0 : i32
      %dma_wait3A_198 = tpu.memref_slice %arg7[%dma_wait3A_196, %dma_wait3A_197] : memref<10240x16xf32, #tpu.memory_space<vmem_shared>> -> memref<10240x16xf32, #tpu.memory_space<vmem_shared>>
      tpu.wait_indirect_dma semaphore(%arg8 : memref<!tpu.dma_semaphore, #tpu.memory_space<semaphore_mem>>) src(%arg6 : memref<128x16xf32, #tpu.memory_space<vmem>>) dst(%dma_wait3A_198 : memref<10240x16xf32, #tpu.memory_space<vmem_shared>>)
      %mul3A_199 = arith.constant 16 : i32
      %mul3A_200 = arith.muli %scan3A_30, %mul3A_199 : i32
      %add3A_201 = arith.constant 1 : i32
      %add3A_202 = arith.addi %mul3A_200, %add3A_201 : i32
      %dma_wait3A_203 = arith.constant 0 : i32
      %dma_wait3A_204 = tpu.memref_slice %arg5[%add3A_202, %dma_wait3A_203] : memref<80x128xi32, #tpu.memory_space<vmem>> -> memref<1x128xi32, #tpu.memory_space<vmem>>
      %dma_wait3A_205 = tpu.memref_squeeze %dma_wait3A_204 : memref<1x128xi32, #tpu.memory_space<vmem>> -> memref<128xi32, #tpu.memory_space<vmem>>
      %dma_wait3A_206 = arith.constant 0 : i32
      %dma_wait3A_207 = arith.constant 0 : i32
      %dma_wait3A_208 = tpu.memref_slice %arg7[%dma_wait3A_206, %dma_wait3A_207] : memref<10240x16xf32, #tpu.memory_space<vmem_shared>> -> memref<10240x16xf32, #tpu.memory_space<vmem_shared>>
      tpu.wait_indirect_dma semaphore(%arg9 : memref<!tpu.dma_semaphore, #tpu.memory_space<semaphore_mem>>) src(%arg6 : memref<128x16xf32, #tpu.memory_space<vmem>>) dst(%dma_wait3A_208 : memref<10240x16xf32, #tpu.memory_space<vmem_shared>>)
      %mul3A_209 = arith.constant 16 : i32
      %mul3A_210 = arith.muli %scan3A_30, %mul3A_209 : i32
      %add3A_211 = arith.constant 2 : i32
      %add3A_212 = arith.addi %mul3A_210, %add3A_211 : i32
      %dma_wait3A_213 = arith.constant 0 : i32
      %dma_wait3A_214 = tpu.memref_slice %arg5[%add3A_212, %dma_wait3A_213] : memref<80x128xi32, #tpu.memory_space<vmem>> -> memref<1x128xi32, #tpu.memory_space<vmem>>
      %dma_wait3A_215 = tpu.memref_squeeze %dma_wait3A_214 : memref<1x128xi32, #tpu.memory_space<vmem>> -> memref<128xi32, #tpu.memory_space<vmem>>
      %dma_wait3A_216 = arith.constant 0 : i32
      %dma_wait3A_217 = arith.constant 0 : i32
      %dma_wait3A_218 = tpu.memref_slice %arg7[%dma_wait3A_216, %dma_wait3A_217] : memref<10240x16xf32, #tpu.memory_space<vmem_shared>> -> memref<10240x16xf32, #tpu.memory_space<vmem_shared>>
      tpu.wait_indirect_dma semaphore(%arg10 : memref<!tpu.dma_semaphore, #tpu.memory_space<semaphore_mem>>) src(%arg6 : memref<128x16xf32, #tpu.memory_space<vmem>>) dst(%dma_wait3A_218 : memref<10240x16xf32, #tpu.memory_space<vmem_shared>>)
      %mul3A_219 = arith.constant 16 : i32
      %mul3A_220 = arith.muli %scan3A_30, %mul3A_219 : i32
      %add3A_221 = arith.constant 3 : i32
      %add3A_222 = arith.addi %mul3A_220, %add3A_221 : i32
      %dma_wait3A_223 = arith.constant 0 : i32
      %dma_wait3A_224 = tpu.memref_slice %arg5[%add3A_222, %dma_wait3A_223] : memref<80x128xi32, #tpu.memory_space<vmem>> -> memref<1x128xi32, #tpu.memory_space<vmem>>
      %dma_wait3A_225 = tpu.memref_squeeze %dma_wait3A_224 : memref<1x128xi32, #tpu.memory_space<vmem>> -> memref<128xi32, #tpu.memory_space<vmem>>
      %dma_wait3A_226 = arith.constant 0 : i32
      %dma_wait3A_227 = arith.constant 0 : i32
      %dma_wait3A_228 = tpu.memref_slice %arg7[%dma_wait3A_226, %dma_wait3A_227] : memref<10240x16xf32, #tpu.memory_space<vmem_shared>> -> memref<10240x16xf32, #tpu.memory_space<vmem_shared>>
      tpu.wait_indirect_dma semaphore(%arg11 : memref<!tpu.dma_semaphore, #tpu.memory_space<semaphore_mem>>) src(%arg6 : memref<128x16xf32, #tpu.memory_space<vmem>>) dst(%dma_wait3A_228 : memref<10240x16xf32, #tpu.memory_space<vmem_shared>>)
      %mul3A_229 = arith.constant 16 : i32
      %mul3A_230 = arith.muli %scan3A_30, %mul3A_229 : i32
      %add3A_231 = arith.constant 4 : i32
      %add3A_232 = arith.addi %mul3A_230, %add3A_231 : i32
      %dma_wait3A_233 = arith.constant 0 : i32
      %dma_wait3A_234 = tpu.memref_slice %arg5[%add3A_232, %dma_wait3A_233] : memref<80x128xi32, #tpu.memory_space<vmem>> -> memref<1x128xi32, #tpu.memory_space<vmem>>
      %dma_wait3A_235 = tpu.memref_squeeze %dma_wait3A_234 : memref<1x128xi32, #tpu.memory_space<vmem>> -> memref<128xi32, #tpu.memory_space<vmem>>
      %dma_wait3A_236 = arith.constant 0 : i32
      %dma_wait3A_237 = arith.constant 0 : i32
      %dma_wait3A_238 = tpu.memref_slice %arg7[%dma_wait3A_236, %dma_wait3A_237] : memref<10240x16xf32, #tpu.memory_space<vmem_shared>> -> memref<10240x16xf32, #tpu.memory_space<vmem_shared>>
      tpu.wait_indirect_dma semaphore(%arg12 : memref<!tpu.dma_semaphore, #tpu.memory_space<semaphore_mem>>) src(%arg6 : memref<128x16xf32, #tpu.memory_space<vmem>>) dst(%dma_wait3A_238 : memref<10240x16xf32, #tpu.memory_space<vmem_shared>>)
      %mul3A_239 = arith.constant 16 : i32
      %mul3A_240 = arith.muli %scan3A_30, %mul3A_239 : i32
      %add3A_241 = arith.constant 5 : i32
      %add3A_242 = arith.addi %mul3A_240, %add3A_241 : i32
      %dma_wait3A_243 = arith.constant 0 : i32
      %dma_wait3A_244 = tpu.memref_slice %arg5[%add3A_242, %dma_wait3A_243] : memref<80x128xi32, #tpu.memory_space<vmem>> -> memref<1x128xi32, #tpu.memory_space<vmem>>
      %dma_wait3A_245 = tpu.memref_squeeze %dma_wait3A_244 : memref<1x128xi32, #tpu.memory_space<vmem>> -> memref<128xi32, #tpu.memory_space<vmem>>
      %dma_wait3A_246 = arith.constant 0 : i32
      %dma_wait3A_247 = arith.constant 0 : i32
      %dma_wait3A_248 = tpu.memref_slice %arg7[%dma_wait3A_246, %dma_wait3A_247] : memref<10240x16xf32, #tpu.memory_space<vmem_shared>> -> memref<10240x16xf32, #tpu.memory_space<vmem_shared>>
      tpu.wait_indirect_dma semaphore(%arg13 : memref<!tpu.dma_semaphore, #tpu.memory_space<semaphore_mem>>) src(%arg6 : memref<128x16xf32, #tpu.memory_space<vmem>>) dst(%dma_wait3A_248 : memref<10240x16xf32, #tpu.memory_space<vmem_shared>>)
      %mul3A_249 = arith.constant 16 : i32
      %mul3A_250 = arith.muli %scan3A_30, %mul3A_249 : i32
      %add3A_251 = arith.constant 6 : i32
      %add3A_252 = arith.addi %mul3A_250, %add3A_251 : i32
      %dma_wait3A_253 = arith.constant 0 : i32
      %dma_wait3A_254 = tpu.memref_slice %arg5[%add3A_252, %dma_wait3A_253] : memref<80x128xi32, #tpu.memory_space<vmem>> -> memref<1x128xi32, #tpu.memory_space<vmem>>
      %dma_wait3A_255 = tpu.memref_squeeze %dma_wait3A_254 : memref<1x128xi32, #tpu.memory_space<vmem>> -> memref<128xi32, #tpu.memory_space<vmem>>
      %dma_wait3A_256 = arith.constant 0 : i32
      %dma_wait3A_257 = arith.constant 0 : i32
      %dma_wait3A_258 = tpu.memref_slice %arg7[%dma_wait3A_256, %dma_wait3A_257] : memref<10240x16xf32, #tpu.memory_space<vmem_shared>> -> memref<10240x16xf32, #tpu.memory_space<vmem_shared>>
      tpu.wait_indirect_dma semaphore(%arg14 : memref<!tpu.dma_semaphore, #tpu.memory_space<semaphore_mem>>) src(%arg6 : memref<128x16xf32, #tpu.memory_space<vmem>>) dst(%dma_wait3A_258 : memref<10240x16xf32, #tpu.memory_space<vmem_shared>>)
      %mul3A_259 = arith.constant 16 : i32
      %mul3A_260 = arith.muli %scan3A_30, %mul3A_259 : i32
      %add3A_261 = arith.constant 7 : i32
      %add3A_262 = arith.addi %mul3A_260, %add3A_261 : i32
      %dma_wait3A_263 = arith.constant 0 : i32
      %dma_wait3A_264 = tpu.memref_slice %arg5[%add3A_262, %dma_wait3A_263] : memref<80x128xi32, #tpu.memory_space<vmem>> -> memref<1x128xi32, #tpu.memory_space<vmem>>
      %dma_wait3A_265 = tpu.memref_squeeze %dma_wait3A_264 : memref<1x128xi32, #tpu.memory_space<vmem>> -> memref<128xi32, #tpu.memory_space<vmem>>
      %dma_wait3A_266 = arith.constant 0 : i32
      %dma_wait3A_267 = arith.constant 0 : i32
      %dma_wait3A_268 = tpu.memref_slice %arg7[%dma_wait3A_266, %dma_wait3A_267] : memref<10240x16xf32, #tpu.memory_space<vmem_shared>> -> memref<10240x16xf32, #tpu.memory_space<vmem_shared>>
      tpu.wait_indirect_dma semaphore(%arg15 : memref<!tpu.dma_semaphore, #tpu.memory_space<semaphore_mem>>) src(%arg6 : memref<128x16xf32, #tpu.memory_space<vmem>>) dst(%dma_wait3A_268 : memref<10240x16xf32, #tpu.memory_space<vmem_shared>>)
      %mul3A_269 = arith.constant 16 : i32
      %mul3A_270 = arith.muli %scan3A_30, %mul3A_269 : i32
      %add3A_271 = arith.constant 8 : i32
      %add3A_272 = arith.addi %mul3A_270, %add3A_271 : i32
      %dma_wait3A_273 = arith.constant 0 : i32
      %dma_wait3A_274 = tpu.memref_slice %arg5[%add3A_272, %dma_wait3A_273] : memref<80x128xi32, #tpu.memory_space<vmem>> -> memref<1x128xi32, #tpu.memory_space<vmem>>
      %dma_wait3A_275 = tpu.memref_squeeze %dma_wait3A_274 : memref<1x128xi32, #tpu.memory_space<vmem>> -> memref<128xi32, #tpu.memory_space<vmem>>
      %dma_wait3A_276 = arith.constant 0 : i32
      %dma_wait3A_277 = arith.constant 0 : i32
      %dma_wait3A_278 = tpu.memref_slice %arg7[%dma_wait3A_276, %dma_wait3A_277] : memref<10240x16xf32, #tpu.memory_space<vmem_shared>> -> memref<10240x16xf32, #tpu.memory_space<vmem_shared>>
      tpu.wait_indirect_dma semaphore(%arg16 : memref<!tpu.dma_semaphore, #tpu.memory_space<semaphore_mem>>) src(%arg6 : memref<128x16xf32, #tpu.memory_space<vmem>>) dst(%dma_wait3A_278 : memref<10240x16xf32, #tpu.memory_space<vmem_shared>>)
      %mul3A_279 = arith.constant 16 : i32
      %mul3A_280 = arith.muli %scan3A_30, %mul3A_279 : i32
      %add3A_281 = arith.constant 9 : i32
      %add3A_282 = arith.addi %mul3A_280, %add3A_281 : i32
      %dma_wait3A_283 = arith.constant 0 : i32
      %dma_wait3A_284 = tpu.memref_slice %arg5[%add3A_282, %dma_wait3A_283] : memref<80x128xi32, #tpu.memory_space<vmem>> -> memref<1x128xi32, #tpu.memory_space<vmem>>
      %dma_wait3A_285 = tpu.memref_squeeze %dma_wait3A_284 : memref<1x128xi32, #tpu.memory_space<vmem>> -> memref<128xi32, #tpu.memory_space<vmem>>
      %dma_wait3A_286 = arith.constant 0 : i32
      %dma_wait3A_287 = arith.constant 0 : i32
      %dma_wait3A_288 = tpu.memref_slice %arg7[%dma_wait3A_286, %dma_wait3A_287] : memref<10240x16xf32, #tpu.memory_space<vmem_shared>> -> memref<10240x16xf32, #tpu.memory_space<vmem_shared>>
      tpu.wait_indirect_dma semaphore(%arg17 : memref<!tpu.dma_semaphore, #tpu.memory_space<semaphore_mem>>) src(%arg6 : memref<128x16xf32, #tpu.memory_space<vmem>>) dst(%dma_wait3A_288 : memref<10240x16xf32, #tpu.memory_space<vmem_shared>>)
      %mul3A_289 = arith.constant 16 : i32
      %mul3A_290 = arith.muli %scan3A_30, %mul3A_289 : i32
      %add3A_291 = arith.constant 10 : i32
      %add3A_292 = arith.addi %mul3A_290, %add3A_291 : i32
      %dma_wait3A_293 = arith.constant 0 : i32
      %dma_wait3A_294 = tpu.memref_slice %arg5[%add3A_292, %dma_wait3A_293] : memref<80x128xi32, #tpu.memory_space<vmem>> -> memref<1x128xi32, #tpu.memory_space<vmem>>
      %dma_wait3A_295 = tpu.memref_squeeze %dma_wait3A_294 : memref<1x128xi32, #tpu.memory_space<vmem>> -> memref<128xi32, #tpu.memory_space<vmem>>
      %dma_wait3A_296 = arith.constant 0 : i32
      %dma_wait3A_297 = arith.constant 0 : i32
      %dma_wait3A_298 = tpu.memref_slice %arg7[%dma_wait3A_296, %dma_wait3A_297] : memref<10240x16xf32, #tpu.memory_space<vmem_shared>> -> memref<10240x16xf32, #tpu.memory_space<vmem_shared>>
      tpu.wait_indirect_dma semaphore(%arg18 : memref<!tpu.dma_semaphore, #tpu.memory_space<semaphore_mem>>) src(%arg6 : memref<128x16xf32, #tpu.memory_space<vmem>>) dst(%dma_wait3A_298 : memref<10240x16xf32, #tpu.memory_space<vmem_shared>>)
      %mul3A_299 = arith.constant 16 : i32
      %mul3A_300 = arith.muli %scan3A_30, %mul3A_299 : i32
      %add3A_301 = arith.constant 11 : i32
      %add3A_302 = arith.addi %mul3A_300, %add3A_301 : i32
      %dma_wait3A_303 = arith.constant 0 : i32
      %dma_wait3A_304 = tpu.memref_slice %arg5[%add3A_302, %dma_wait3A_303] : memref<80x128xi32, #tpu.memory_space<vmem>> -> memref<1x128xi32, #tpu.memory_space<vmem>>
      %dma_wait3A_305 = tpu.memref_squeeze %dma_wait3A_304 : memref<1x128xi32, #tpu.memory_space<vmem>> -> memref<128xi32, #tpu.memory_space<vmem>>
      %dma_wait3A_306 = arith.constant 0 : i32
      %dma_wait3A_307 = arith.constant 0 : i32
      %dma_wait3A_308 = tpu.memref_slice %arg7[%dma_wait3A_306, %dma_wait3A_307] : memref<10240x16xf32, #tpu.memory_space<vmem_shared>> -> memref<10240x16xf32, #tpu.memory_space<vmem_shared>>
      tpu.wait_indirect_dma semaphore(%arg19 : memref<!tpu.dma_semaphore, #tpu.memory_space<semaphore_mem>>) src(%arg6 : memref<128x16xf32, #tpu.memory_space<vmem>>) dst(%dma_wait3A_308 : memref<10240x16xf32, #tpu.memory_space<vmem_shared>>)
      %mul3A_309 = arith.constant 16 : i32
      %mul3A_310 = arith.muli %scan3A_30, %mul3A_309 : i32
      %add3A_311 = arith.constant 12 : i32
      %add3A_312 = arith.addi %mul3A_310, %add3A_311 : i32
      %dma_wait3A_313 = arith.constant 0 : i32
      %dma_wait3A_314 = tpu.memref_slice %arg5[%add3A_312, %dma_wait3A_313] : memref<80x128xi32, #tpu.memory_space<vmem>> -> memref<1x128xi32, #tpu.memory_space<vmem>>
      %dma_wait3A_315 = tpu.memref_squeeze %dma_wait3A_314 : memref<1x128xi32, #tpu.memory_space<vmem>> -> memref<128xi32, #tpu.memory_space<vmem>>
      %dma_wait3A_316 = arith.constant 0 : i32
      %dma_wait3A_317 = arith.constant 0 : i32
      %dma_wait3A_318 = tpu.memref_slice %arg7[%dma_wait3A_316, %dma_wait3A_317] : memref<10240x16xf32, #tpu.memory_space<vmem_shared>> -> memref<10240x16xf32, #tpu.memory_space<vmem_shared>>
      tpu.wait_indirect_dma semaphore(%arg20 : memref<!tpu.dma_semaphore, #tpu.memory_space<semaphore_mem>>) src(%arg6 : memref<128x16xf32, #tpu.memory_space<vmem>>) dst(%dma_wait3A_318 : memref<10240x16xf32, #tpu.memory_space<vmem_shared>>)
      %mul3A_319 = arith.constant 16 : i32
      %mul3A_320 = arith.muli %scan3A_30, %mul3A_319 : i32
      %add3A_321 = arith.constant 13 : i32
      %add3A_322 = arith.addi %mul3A_320, %add3A_321 : i32
      %dma_wait3A_323 = arith.constant 0 : i32
      %dma_wait3A_324 = tpu.memref_slice %arg5[%add3A_322, %dma_wait3A_323] : memref<80x128xi32, #tpu.memory_space<vmem>> -> memref<1x128xi32, #tpu.memory_space<vmem>>
      %dma_wait3A_325 = tpu.memref_squeeze %dma_wait3A_324 : memref<1x128xi32, #tpu.memory_space<vmem>> -> memref<128xi32, #tpu.memory_space<vmem>>
      %dma_wait3A_326 = arith.constant 0 : i32
      %dma_wait3A_327 = arith.constant 0 : i32
      %dma_wait3A_328 = tpu.memref_slice %arg7[%dma_wait3A_326, %dma_wait3A_327] : memref<10240x16xf32, #tpu.memory_space<vmem_shared>> -> memref<10240x16xf32, #tpu.memory_space<vmem_shared>>
      tpu.wait_indirect_dma semaphore(%arg21 : memref<!tpu.dma_semaphore, #tpu.memory_space<semaphore_mem>>) src(%arg6 : memref<128x16xf32, #tpu.memory_space<vmem>>) dst(%dma_wait3A_328 : memref<10240x16xf32, #tpu.memory_space<vmem_shared>>)
      %mul3A_329 = arith.constant 16 : i32
      %mul3A_330 = arith.muli %scan3A_30, %mul3A_329 : i32
      %add3A_331 = arith.constant 14 : i32
      %add3A_332 = arith.addi %mul3A_330, %add3A_331 : i32
      %dma_wait3A_333 = arith.constant 0 : i32
      %dma_wait3A_334 = tpu.memref_slice %arg5[%add3A_332, %dma_wait3A_333] : memref<80x128xi32, #tpu.memory_space<vmem>> -> memref<1x128xi32, #tpu.memory_space<vmem>>
      %dma_wait3A_335 = tpu.memref_squeeze %dma_wait3A_334 : memref<1x128xi32, #tpu.memory_space<vmem>> -> memref<128xi32, #tpu.memory_space<vmem>>
      %dma_wait3A_336 = arith.constant 0 : i32
      %dma_wait3A_337 = arith.constant 0 : i32
      %dma_wait3A_338 = tpu.memref_slice %arg7[%dma_wait3A_336, %dma_wait3A_337] : memref<10240x16xf32, #tpu.memory_space<vmem_shared>> -> memref<10240x16xf32, #tpu.memory_space<vmem_shared>>
      tpu.wait_indirect_dma semaphore(%arg22 : memref<!tpu.dma_semaphore, #tpu.memory_space<semaphore_mem>>) src(%arg6 : memref<128x16xf32, #tpu.memory_space<vmem>>) dst(%dma_wait3A_338 : memref<10240x16xf32, #tpu.memory_space<vmem_shared>>)
      %mul3A_339 = arith.constant 16 : i32
      %mul3A_340 = arith.muli %scan3A_30, %mul3A_339 : i32
      %add3A_341 = arith.constant 15 : i32
      %add3A_342 = arith.addi %mul3A_340, %add3A_341 : i32
      %dma_wait3A_343 = arith.constant 0 : i32
      %dma_wait3A_344 = tpu.memref_slice %arg5[%add3A_342, %dma_wait3A_343] : memref<80x128xi32, #tpu.memory_space<vmem>> -> memref<1x128xi32, #tpu.memory_space<vmem>>
      %dma_wait3A_345 = tpu.memref_squeeze %dma_wait3A_344 : memref<1x128xi32, #tpu.memory_space<vmem>> -> memref<128xi32, #tpu.memory_space<vmem>>
      %dma_wait3A_346 = arith.constant 0 : i32
      %dma_wait3A_347 = arith.constant 0 : i32
      %dma_wait3A_348 = tpu.memref_slice %arg7[%dma_wait3A_346, %dma_wait3A_347] : memref<10240x16xf32, #tpu.memory_space<vmem_shared>> -> memref<10240x16xf32, #tpu.memory_space<vmem_shared>>
      tpu.wait_indirect_dma semaphore(%arg23 : memref<!tpu.dma_semaphore, #tpu.memory_space<semaphore_mem>>) src(%arg6 : memref<128x16xf32, #tpu.memory_space<vmem>>) dst(%dma_wait3A_348 : memref<10240x16xf32, #tpu.memory_space<vmem_shared>>)
    }
    %scan3A_24 = arith.constant 5 : i32
    %barrier3A_25 = arith.constant 0 : index
    tpu.barrier barrier_id(%barrier3A_25)
    %mul3A_26 = arith.constant 624 : i32
    %mul3A_27 = arith.muli %arg1, %mul3A_26 : i32
    "tpu.region"() ({
      %run_scoped3A = tpu.sem_alloc : memref<!tpu.dma_semaphore, #tpu.memory_space<semaphore_mem>>
      %dma_start3A = arith.constant 0 : i32
      %dma_start3A_30 = tpu.memref_slice %arg4[%arg0, %mul3A_27, %dma_start3A] : memref<2x10000x16xf32, #tpu.memory_space<hbm>> -> memref<1x624x16xf32, #tpu.memory_space<hbm>>
      %dma_start3A_31 = tpu.memref_squeeze %dma_start3A_30 : memref<1x624x16xf32, #tpu.memory_space<hbm>> -> memref<624x16xf32, #tpu.memory_space<hbm>>
      %dma_start3A_32 = arith.constant 0 : i32
      %dma_start3A_33 = tpu.memref_slice %arg7[%mul3A_27, %dma_start3A_32] : memref<10240x16xf32, #tpu.memory_space<vmem_shared>> -> memref<624x16xf32, #tpu.memory_space<vmem_shared>>
      tpu.enqueue_dma source(%dma_start3A_33 : memref<624x16xf32, #tpu.memory_space<vmem_shared>>) target(%dma_start3A_31 : memref<624x16xf32, #tpu.memory_space<hbm>>) target_semaphore(%run_scoped3A : memref<!tpu.dma_semaphore, #tpu.memory_space<semaphore_mem>>)
      %dma_wait3A = arith.constant 0 : i32
      %dma_wait3A_34 = tpu.memref_slice %arg4[%arg0, %mul3A_27, %dma_wait3A] : memref<2x10000x16xf32, #tpu.memory_space<hbm>> -> memref<1x624x16xf32, #tpu.memory_space<hbm>>
      %dma_wait3A_35 = tpu.memref_squeeze %dma_wait3A_34 : memref<1x624x16xf32, #tpu.memory_space<hbm>> -> memref<624x16xf32, #tpu.memory_space<hbm>>
      %dma_wait3A_36 = arith.constant 0 : i32
      %dma_wait3A_37 = tpu.memref_slice %arg7[%mul3A_27, %dma_wait3A_36] : memref<10240x16xf32, #tpu.memory_space<vmem_shared>> -> memref<624x16xf32, #tpu.memory_space<vmem_shared>>
      tpu.wait_dma2 semaphore(%run_scoped3A : memref<!tpu.dma_semaphore, #tpu.memory_space<semaphore_mem>>) src(%dma_wait3A_37 : memref<624x16xf32, #tpu.memory_space<vmem_shared>>) dst(%dma_wait3A_35 : memref<624x16xf32, #tpu.memory_space<hbm>>)
      tpu.yield
    }) : () -> ()
    %eq3A = arith.constant 15 : i32
    %eq3A_28 = arith.cmpi eq, %arg1, %eq3A : i32
    %convert_element_type3A = arith.extui %eq3A_28 : i1 to i32
    %cond3A = arith.constant 0 : i32
    %cond3A_29 = arith.cmpi ne, %convert_element_type3A, %cond3A : i32
    scf.if %cond3A_29 {
      "tpu.region"() ({
        %run_scoped3A = tpu.sem_alloc : memref<!tpu.dma_semaphore, #tpu.memory_space<semaphore_mem>>
        %dma_start3A = arith.constant 9984 : i32
        %dma_start3A_30 = arith.constant 0 : i32
        %dma_start3A_31 = tpu.memref_slice %arg4[%arg0, %dma_start3A, %dma_start3A_30] : memref<2x10000x16xf32, #tpu.memory_space<hbm>> -> memref<1x16x16xf32, #tpu.memory_space<hbm>>
        %dma_start3A_32 = tpu.memref_squeeze %dma_start3A_31 : memref<1x16x16xf32, #tpu.memory_space<hbm>> -> memref<16x16xf32, #tpu.memory_space<hbm>>
        %dma_start3A_33 = arith.constant 9984 : i32
        %dma_start3A_34 = arith.constant 0 : i32
        %dma_start3A_35 = tpu.memref_slice %arg7[%dma_start3A_33, %dma_start3A_34] : memref<10240x16xf32, #tpu.memory_space<vmem_shared>> -> memref<16x16xf32, #tpu.memory_space<vmem_shared>>
        tpu.enqueue_dma source(%dma_start3A_35 : memref<16x16xf32, #tpu.memory_space<vmem_shared>>) target(%dma_start3A_32 : memref<16x16xf32, #tpu.memory_space<hbm>>) target_semaphore(%run_scoped3A : memref<!tpu.dma_semaphore, #tpu.memory_space<semaphore_mem>>)
        %dma_wait3A = arith.constant 9984 : i32
        %dma_wait3A_36 = arith.constant 0 : i32
        %dma_wait3A_37 = tpu.memref_slice %arg4[%arg0, %dma_wait3A, %dma_wait3A_36] : memref<2x10000x16xf32, #tpu.memory_space<hbm>> -> memref<1x16x16xf32, #tpu.memory_space<hbm>>
        %dma_wait3A_38 = tpu.memref_squeeze %dma_wait3A_37 : memref<1x16x16xf32, #tpu.memory_space<hbm>> -> memref<16x16xf32, #tpu.memory_space<hbm>>
        %dma_wait3A_39 = arith.constant 9984 : i32
        %dma_wait3A_40 = arith.constant 0 : i32
        %dma_wait3A_41 = tpu.memref_slice %arg7[%dma_wait3A_39, %dma_wait3A_40] : memref<10240x16xf32, #tpu.memory_space<vmem_shared>> -> memref<16x16xf32, #tpu.memory_space<vmem_shared>>
        tpu.wait_dma2 semaphore(%run_scoped3A : memref<!tpu.dma_semaphore, #tpu.memory_space<semaphore_mem>>) src(%dma_wait3A_41 : memref<16x16xf32, #tpu.memory_space<vmem_shared>>) dst(%dma_wait3A_38 : memref<16x16xf32, #tpu.memory_space<hbm>>)
        tpu.yield
      }) : () -> ()
    } else {
    }
    return
  }
}

#map = affine_map<(d0, d1) -> (0, 0)>
#map1 = affine_map<(d0, d1) -> (0, 0, 0)>
module attributes {stable_mosaic.version = 14 : i64} {
  func.func @k(%arg0: i32, %arg1: i32, %arg2: memref<10000x16xf32, #tpu.memory_space<hbm>>, %arg3: memref<16x160x128xi32, #tpu.memory_space<hbm>>, %arg4: memref<16x160x128xi32, #tpu.memory_space<hbm>>, %arg5: memref<2x10000x16xf32, #tpu.memory_space<hbm>>, %arg6: memref<80x128xi32, #tpu.memory_space<vmem>>, %arg7: memref<80x128xi32, #tpu.memory_space<vmem>>, %arg8: memref<128x16xf32, #tpu.memory_space<vmem>>, %arg9: memref<128x16xf32, #tpu.memory_space<vmem>>, %arg10: memref<128x16xf32, #tpu.memory_space<vmem>>, %arg11: memref<128x16xf32, #tpu.memory_space<vmem>>, %arg12: memref<128x16xf32, #tpu.memory_space<vmem>>, %arg13: memref<128x16xf32, #tpu.memory_space<vmem>>, %arg14: memref<128x16xf32, #tpu.memory_space<vmem>>, %arg15: memref<128x16xf32, #tpu.memory_space<vmem>>, %arg16: memref<128x16xf32, #tpu.memory_space<vmem>>, %arg17: memref<128x16xf32, #tpu.memory_space<vmem>>, %arg18: memref<128x16xf32, #tpu.memory_space<vmem>>, %arg19: memref<128x16xf32, #tpu.memory_space<vmem>>, %arg20: memref<128x16xf32, #tpu.memory_space<vmem>>, %arg21: memref<128x16xf32, #tpu.memory_space<vmem>>, %arg22: memref<128x16xf32, #tpu.memory_space<vmem>>, %arg23: memref<128x16xf32, #tpu.memory_space<vmem>>, %arg24: memref<10000x16xf32, #tpu.memory_space<vmem_shared>>, %arg25: memref<10240x16xf32, #tpu.memory_space<vmem_shared>>, %arg26: memref<!tpu.dma_semaphore, #tpu.memory_space<semaphore_mem>>, %arg27: memref<!tpu.dma_semaphore, #tpu.memory_space<semaphore_mem>>, %arg28: memref<!tpu.dma_semaphore, #tpu.memory_space<semaphore_mem>>, %arg29: memref<!tpu.dma_semaphore, #tpu.memory_space<semaphore_mem>>, %arg30: memref<!tpu.dma_semaphore, #tpu.memory_space<semaphore_mem>>, %arg31: memref<!tpu.dma_semaphore, #tpu.memory_space<semaphore_mem>>, %arg32: memref<!tpu.dma_semaphore, #tpu.memory_space<semaphore_mem>>, %arg33: memref<!tpu.dma_semaphore, #tpu.memory_space<semaphore_mem>>, %arg34: memref<!tpu.dma_semaphore, #tpu.memory_space<semaphore_mem>>, %arg35: memref<!tpu.dma_semaphore, #tpu.memory_space<semaphore_mem>>, %arg36: memref<!tpu.dma_semaphore, #tpu.memory_space<semaphore_mem>>, %arg37: memref<!tpu.dma_semaphore, #tpu.memory_space<semaphore_mem>>, %arg38: memref<!tpu.dma_semaphore, #tpu.memory_space<semaphore_mem>>, %arg39: memref<!tpu.dma_semaphore, #tpu.memory_space<semaphore_mem>>, %arg40: memref<!tpu.dma_semaphore, #tpu.memory_space<semaphore_mem>>, %arg41: memref<!tpu.dma_semaphore, #tpu.memory_space<semaphore_mem>>) attributes {dimension_semantics = [#tpu.dimension_semantics<core_parallel>, #tpu.dimension_semantics<subcore_parallel>], iteration_bounds = array<i64: 2, 16>, scalar_prefetch = 0 : i64, scratch_operands = 36 : i64, tpu.core_type = #tpu.core_type<sc_vector_subcore>, window_params = [{transform_indices = #map}, {transform_indices = #map1}, {transform_indices = #map1}, {transform_indices = #map1}]} {
    %mul3A = arith.constant 80 : i32
    %mul3A_0 = arith.muli %arg0, %mul3A : i32
    "tpu.region"() ({
      %run_scoped3A = tpu.sem_alloc : memref<!tpu.dma_semaphore, #tpu.memory_space<semaphore_mem>>
      %dma_start3A_129 = arith.constant 0 : i32
      %dma_start3A_130 = tpu.memref_slice %arg3[%arg1, %mul3A_0, %dma_start3A_129] : memref<16x160x128xi32, #tpu.memory_space<hbm>> -> memref<1x80x128xi32, #tpu.memory_space<hbm>>
      %dma_start3A_131 = tpu.memref_squeeze %dma_start3A_130 : memref<1x80x128xi32, #tpu.memory_space<hbm>> -> memref<80x128xi32, #tpu.memory_space<hbm>>
      %dma_start3A_132 = arith.constant 0 : i32
      %dma_start3A_133 = tpu.memref_slice %arg3[%arg1, %mul3A_0, %dma_start3A_132] : memref<16x160x128xi32, #tpu.memory_space<hbm>> -> memref<1x80x128xi32, #tpu.memory_space<hbm>>
      %dma_start3A_134 = tpu.memref_squeeze %dma_start3A_133 : memref<1x80x128xi32, #tpu.memory_space<hbm>> -> memref<80x128xi32, #tpu.memory_space<hbm>>
      tpu.enqueue_dma source(%dma_start3A_134 : memref<80x128xi32, #tpu.memory_space<hbm>>) target(%arg6 : memref<80x128xi32, #tpu.memory_space<vmem>>) target_semaphore(%run_scoped3A : memref<!tpu.dma_semaphore, #tpu.memory_space<semaphore_mem>>)
      %dma_wait3A = arith.constant 0 : i32
      %dma_wait3A_135 = tpu.memref_slice %arg3[%arg1, %mul3A_0, %dma_wait3A] : memref<16x160x128xi32, #tpu.memory_space<hbm>> -> memref<1x80x128xi32, #tpu.memory_space<hbm>>
      %dma_wait3A_136 = tpu.memref_squeeze %dma_wait3A_135 : memref<1x80x128xi32, #tpu.memory_space<hbm>> -> memref<80x128xi32, #tpu.memory_space<hbm>>
      %dma_wait3A_137 = arith.constant 0 : i32
      %dma_wait3A_138 = tpu.memref_slice %arg3[%arg1, %mul3A_0, %dma_wait3A_137] : memref<16x160x128xi32, #tpu.memory_space<hbm>> -> memref<1x80x128xi32, #tpu.memory_space<hbm>>
      %dma_wait3A_139 = tpu.memref_squeeze %dma_wait3A_138 : memref<1x80x128xi32, #tpu.memory_space<hbm>> -> memref<80x128xi32, #tpu.memory_space<hbm>>
      tpu.wait_dma2 semaphore(%run_scoped3A : memref<!tpu.dma_semaphore, #tpu.memory_space<semaphore_mem>>) src(%dma_wait3A_139 : memref<80x128xi32, #tpu.memory_space<hbm>>) dst(%arg6 : memref<80x128xi32, #tpu.memory_space<vmem>>)
      tpu.yield
    }) : () -> ()
    %mul3A_1 = arith.constant 80 : i32
    %mul3A_2 = arith.muli %arg0, %mul3A_1 : i32
    "tpu.region"() ({
      %run_scoped3A = tpu.sem_alloc : memref<!tpu.dma_semaphore, #tpu.memory_space<semaphore_mem>>
      %dma_start3A_129 = arith.constant 0 : i32
      %dma_start3A_130 = tpu.memref_slice %arg4[%arg1, %mul3A_2, %dma_start3A_129] : memref<16x160x128xi32, #tpu.memory_space<hbm>> -> memref<1x80x128xi32, #tpu.memory_space<hbm>>
      %dma_start3A_131 = tpu.memref_squeeze %dma_start3A_130 : memref<1x80x128xi32, #tpu.memory_space<hbm>> -> memref<80x128xi32, #tpu.memory_space<hbm>>
      %dma_start3A_132 = arith.constant 0 : i32
      %dma_start3A_133 = tpu.memref_slice %arg4[%arg1, %mul3A_2, %dma_start3A_132] : memref<16x160x128xi32, #tpu.memory_space<hbm>> -> memref<1x80x128xi32, #tpu.memory_space<hbm>>
      %dma_start3A_134 = tpu.memref_squeeze %dma_start3A_133 : memref<1x80x128xi32, #tpu.memory_space<hbm>> -> memref<80x128xi32, #tpu.memory_space<hbm>>
      tpu.enqueue_dma source(%dma_start3A_134 : memref<80x128xi32, #tpu.memory_space<hbm>>) target(%arg7 : memref<80x128xi32, #tpu.memory_space<vmem>>) target_semaphore(%run_scoped3A : memref<!tpu.dma_semaphore, #tpu.memory_space<semaphore_mem>>)
      %dma_wait3A = arith.constant 0 : i32
      %dma_wait3A_135 = tpu.memref_slice %arg4[%arg1, %mul3A_2, %dma_wait3A] : memref<16x160x128xi32, #tpu.memory_space<hbm>> -> memref<1x80x128xi32, #tpu.memory_space<hbm>>
      %dma_wait3A_136 = tpu.memref_squeeze %dma_wait3A_135 : memref<1x80x128xi32, #tpu.memory_space<hbm>> -> memref<80x128xi32, #tpu.memory_space<hbm>>
      %dma_wait3A_137 = arith.constant 0 : i32
      %dma_wait3A_138 = tpu.memref_slice %arg4[%arg1, %mul3A_2, %dma_wait3A_137] : memref<16x160x128xi32, #tpu.memory_space<hbm>> -> memref<1x80x128xi32, #tpu.memory_space<hbm>>
      %dma_wait3A_139 = tpu.memref_squeeze %dma_wait3A_138 : memref<1x80x128xi32, #tpu.memory_space<hbm>> -> memref<80x128xi32, #tpu.memory_space<hbm>>
      tpu.wait_dma2 semaphore(%run_scoped3A : memref<!tpu.dma_semaphore, #tpu.memory_space<semaphore_mem>>) src(%dma_wait3A_139 : memref<80x128xi32, #tpu.memory_space<hbm>>) dst(%arg7 : memref<80x128xi32, #tpu.memory_space<vmem>>)
      tpu.yield
    }) : () -> ()
    %mul3A_3 = arith.constant 624 : i32
    %mul3A_4 = arith.muli %arg1, %mul3A_3 : i32
    "tpu.region"() ({
      %run_scoped3A = tpu.sem_alloc : memref<!tpu.dma_semaphore, #tpu.memory_space<semaphore_mem>>
      %dma_start3A_129 = arith.constant 0 : i32
      %dma_start3A_130 = tpu.memref_slice %arg24[%mul3A_4, %dma_start3A_129] : memref<10000x16xf32, #tpu.memory_space<vmem_shared>> -> memref<624x16xf32, #tpu.memory_space<vmem_shared>>
      %dma_start3A_131 = arith.constant 0 : i32
      %dma_start3A_132 = tpu.memref_slice %arg2[%mul3A_4, %dma_start3A_131] : memref<10000x16xf32, #tpu.memory_space<hbm>> -> memref<624x16xf32, #tpu.memory_space<hbm>>
      tpu.enqueue_dma source(%dma_start3A_132 : memref<624x16xf32, #tpu.memory_space<hbm>>) target(%dma_start3A_130 : memref<624x16xf32, #tpu.memory_space<vmem_shared>>) target_semaphore(%run_scoped3A : memref<!tpu.dma_semaphore, #tpu.memory_space<semaphore_mem>>)
      %dma_wait3A = arith.constant 0 : i32
      %dma_wait3A_133 = tpu.memref_slice %arg24[%mul3A_4, %dma_wait3A] : memref<10000x16xf32, #tpu.memory_space<vmem_shared>> -> memref<624x16xf32, #tpu.memory_space<vmem_shared>>
      %dma_wait3A_134 = arith.constant 0 : i32
      %dma_wait3A_135 = tpu.memref_slice %arg2[%mul3A_4, %dma_wait3A_134] : memref<10000x16xf32, #tpu.memory_space<hbm>> -> memref<624x16xf32, #tpu.memory_space<hbm>>
      tpu.wait_dma2 semaphore(%run_scoped3A : memref<!tpu.dma_semaphore, #tpu.memory_space<semaphore_mem>>) src(%dma_wait3A_135 : memref<624x16xf32, #tpu.memory_space<hbm>>) dst(%dma_wait3A_133 : memref<624x16xf32, #tpu.memory_space<vmem_shared>>)
      tpu.yield
    }) : () -> ()
    "tpu.region"() ({
      %run_scoped3A = tpu.sem_alloc : memref<!tpu.dma_semaphore, #tpu.memory_space<semaphore_mem>>
      %dma_start3A_129 = arith.constant 0 : i32
      %dma_start3A_130 = tpu.memref_slice %arg25[%mul3A_4, %dma_start3A_129] : memref<10240x16xf32, #tpu.memory_space<vmem_shared>> -> memref<624x16xf32, #tpu.memory_space<vmem_shared>>
      %dma_start3A_131 = arith.constant 0 : i32
      %dma_start3A_132 = tpu.memref_slice %arg2[%mul3A_4, %dma_start3A_131] : memref<10000x16xf32, #tpu.memory_space<hbm>> -> memref<624x16xf32, #tpu.memory_space<hbm>>
      tpu.enqueue_dma source(%dma_start3A_132 : memref<624x16xf32, #tpu.memory_space<hbm>>) target(%dma_start3A_130 : memref<624x16xf32, #tpu.memory_space<vmem_shared>>) target_semaphore(%run_scoped3A : memref<!tpu.dma_semaphore, #tpu.memory_space<semaphore_mem>>)
      %dma_wait3A = arith.constant 0 : i32
      %dma_wait3A_133 = tpu.memref_slice %arg25[%mul3A_4, %dma_wait3A] : memref<10240x16xf32, #tpu.memory_space<vmem_shared>> -> memref<624x16xf32, #tpu.memory_space<vmem_shared>>
      %dma_wait3A_134 = arith.constant 0 : i32
      %dma_wait3A_135 = tpu.memref_slice %arg2[%mul3A_4, %dma_wait3A_134] : memref<10000x16xf32, #tpu.memory_space<hbm>> -> memref<624x16xf32, #tpu.memory_space<hbm>>
      tpu.wait_dma2 semaphore(%run_scoped3A : memref<!tpu.dma_semaphore, #tpu.memory_space<semaphore_mem>>) src(%dma_wait3A_135 : memref<624x16xf32, #tpu.memory_space<hbm>>) dst(%dma_wait3A_133 : memref<624x16xf32, #tpu.memory_space<vmem_shared>>)
      tpu.yield
    }) : () -> ()
    %eq3A = arith.constant 15 : i32
    %eq3A_5 = arith.cmpi eq, %arg1, %eq3A : i32
    %convert_element_type3A = arith.extui %eq3A_5 : i1 to i32
    %cond3A = arith.constant 0 : i32
    %cond3A_6 = arith.cmpi ne, %convert_element_type3A, %cond3A : i32
    scf.if %cond3A_6 {
      "tpu.region"() ({
        %run_scoped3A = tpu.sem_alloc : memref<!tpu.dma_semaphore, #tpu.memory_space<semaphore_mem>>
        %dma_start3A_129 = arith.constant 9984 : i32
        %dma_start3A_130 = arith.constant 0 : i32
        %dma_start3A_131 = tpu.memref_slice %arg24[%dma_start3A_129, %dma_start3A_130] : memref<10000x16xf32, #tpu.memory_space<vmem_shared>> -> memref<16x16xf32, #tpu.memory_space<vmem_shared>>
        %dma_start3A_132 = arith.constant 9984 : i32
        %dma_start3A_133 = arith.constant 0 : i32
        %dma_start3A_134 = tpu.memref_slice %arg2[%dma_start3A_132, %dma_start3A_133] : memref<10000x16xf32, #tpu.memory_space<hbm>> -> memref<16x16xf32, #tpu.memory_space<hbm>>
        tpu.enqueue_dma source(%dma_start3A_134 : memref<16x16xf32, #tpu.memory_space<hbm>>) target(%dma_start3A_131 : memref<16x16xf32, #tpu.memory_space<vmem_shared>>) target_semaphore(%run_scoped3A : memref<!tpu.dma_semaphore, #tpu.memory_space<semaphore_mem>>)
        %dma_wait3A = arith.constant 9984 : i32
        %dma_wait3A_135 = arith.constant 0 : i32
        %dma_wait3A_136 = tpu.memref_slice %arg24[%dma_wait3A, %dma_wait3A_135] : memref<10000x16xf32, #tpu.memory_space<vmem_shared>> -> memref<16x16xf32, #tpu.memory_space<vmem_shared>>
        %dma_wait3A_137 = arith.constant 9984 : i32
        %dma_wait3A_138 = arith.constant 0 : i32
        %dma_wait3A_139 = tpu.memref_slice %arg2[%dma_wait3A_137, %dma_wait3A_138] : memref<10000x16xf32, #tpu.memory_space<hbm>> -> memref<16x16xf32, #tpu.memory_space<hbm>>
        tpu.wait_dma2 semaphore(%run_scoped3A : memref<!tpu.dma_semaphore, #tpu.memory_space<semaphore_mem>>) src(%dma_wait3A_139 : memref<16x16xf32, #tpu.memory_space<hbm>>) dst(%dma_wait3A_136 : memref<16x16xf32, #tpu.memory_space<vmem_shared>>)
        tpu.yield
      }) : () -> ()
      "tpu.region"() ({
        %run_scoped3A = tpu.sem_alloc : memref<!tpu.dma_semaphore, #tpu.memory_space<semaphore_mem>>
        %dma_start3A_129 = arith.constant 9984 : i32
        %dma_start3A_130 = arith.constant 0 : i32
        %dma_start3A_131 = tpu.memref_slice %arg25[%dma_start3A_129, %dma_start3A_130] : memref<10240x16xf32, #tpu.memory_space<vmem_shared>> -> memref<16x16xf32, #tpu.memory_space<vmem_shared>>
        %dma_start3A_132 = arith.constant 9984 : i32
        %dma_start3A_133 = arith.constant 0 : i32
        %dma_start3A_134 = tpu.memref_slice %arg2[%dma_start3A_132, %dma_start3A_133] : memref<10000x16xf32, #tpu.memory_space<hbm>> -> memref<16x16xf32, #tpu.memory_space<hbm>>
        tpu.enqueue_dma source(%dma_start3A_134 : memref<16x16xf32, #tpu.memory_space<hbm>>) target(%dma_start3A_131 : memref<16x16xf32, #tpu.memory_space<vmem_shared>>) target_semaphore(%run_scoped3A : memref<!tpu.dma_semaphore, #tpu.memory_space<semaphore_mem>>)
        %dma_wait3A = arith.constant 9984 : i32
        %dma_wait3A_135 = arith.constant 0 : i32
        %dma_wait3A_136 = tpu.memref_slice %arg25[%dma_wait3A, %dma_wait3A_135] : memref<10240x16xf32, #tpu.memory_space<vmem_shared>> -> memref<16x16xf32, #tpu.memory_space<vmem_shared>>
        %dma_wait3A_137 = arith.constant 9984 : i32
        %dma_wait3A_138 = arith.constant 0 : i32
        %dma_wait3A_139 = tpu.memref_slice %arg2[%dma_wait3A_137, %dma_wait3A_138] : memref<10000x16xf32, #tpu.memory_space<hbm>> -> memref<16x16xf32, #tpu.memory_space<hbm>>
        tpu.wait_dma2 semaphore(%run_scoped3A : memref<!tpu.dma_semaphore, #tpu.memory_space<semaphore_mem>>) src(%dma_wait3A_139 : memref<16x16xf32, #tpu.memory_space<hbm>>) dst(%dma_wait3A_136 : memref<16x16xf32, #tpu.memory_space<vmem_shared>>)
        tpu.yield
      }) : () -> ()
    } else {
    }
    %barrier3A = arith.constant 0 : index
    tpu.barrier barrier_id(%barrier3A)
    %dma_start3A = arith.constant 0 : i32
    %dma_start3A_7 = arith.constant 0 : i32
    %dma_start3A_8 = tpu.memref_slice %arg6[%dma_start3A, %dma_start3A_7] : memref<80x128xi32, #tpu.memory_space<vmem>> -> memref<1x128xi32, #tpu.memory_space<vmem>>
    %dma_start3A_9 = tpu.memref_squeeze %dma_start3A_8 : memref<1x128xi32, #tpu.memory_space<vmem>> -> memref<128xi32, #tpu.memory_space<vmem>>
    %dma_start3A_10 = arith.constant 0 : i32
    %dma_start3A_11 = arith.constant 0 : i32
    %dma_start3A_12 = tpu.memref_slice %arg24[%dma_start3A_10, %dma_start3A_11] : memref<10000x16xf32, #tpu.memory_space<vmem_shared>> -> memref<10000x16xf32, #tpu.memory_space<vmem_shared>>
    tpu.enqueue_indirect_dma source(%dma_start3A_12 : memref<10000x16xf32, #tpu.memory_space<vmem_shared>>) target(%arg8 : memref<128x16xf32, #tpu.memory_space<vmem>>) offsets(%dma_start3A_9 : memref<128xi32, #tpu.memory_space<vmem>>) semaphore(%arg26 : memref<!tpu.dma_semaphore, #tpu.memory_space<semaphore_mem>>)
    %dma_start3A_13 = arith.constant 1 : i32
    %dma_start3A_14 = arith.constant 0 : i32
    %dma_start3A_15 = tpu.memref_slice %arg6[%dma_start3A_13, %dma_start3A_14] : memref<80x128xi32, #tpu.memory_space<vmem>> -> memref<1x128xi32, #tpu.memory_space<vmem>>
    %dma_start3A_16 = tpu.memref_squeeze %dma_start3A_15 : memref<1x128xi32, #tpu.memory_space<vmem>> -> memref<128xi32, #tpu.memory_space<vmem>>
    %dma_start3A_17 = arith.constant 0 : i32
    %dma_start3A_18 = arith.constant 0 : i32
    %dma_start3A_19 = tpu.memref_slice %arg24[%dma_start3A_17, %dma_start3A_18] : memref<10000x16xf32, #tpu.memory_space<vmem_shared>> -> memref<10000x16xf32, #tpu.memory_space<vmem_shared>>
    tpu.enqueue_indirect_dma source(%dma_start3A_19 : memref<10000x16xf32, #tpu.memory_space<vmem_shared>>) target(%arg9 : memref<128x16xf32, #tpu.memory_space<vmem>>) offsets(%dma_start3A_16 : memref<128xi32, #tpu.memory_space<vmem>>) semaphore(%arg27 : memref<!tpu.dma_semaphore, #tpu.memory_space<semaphore_mem>>)
    %dma_start3A_20 = arith.constant 2 : i32
    %dma_start3A_21 = arith.constant 0 : i32
    %dma_start3A_22 = tpu.memref_slice %arg6[%dma_start3A_20, %dma_start3A_21] : memref<80x128xi32, #tpu.memory_space<vmem>> -> memref<1x128xi32, #tpu.memory_space<vmem>>
    %dma_start3A_23 = tpu.memref_squeeze %dma_start3A_22 : memref<1x128xi32, #tpu.memory_space<vmem>> -> memref<128xi32, #tpu.memory_space<vmem>>
    %dma_start3A_24 = arith.constant 0 : i32
    %dma_start3A_25 = arith.constant 0 : i32
    %dma_start3A_26 = tpu.memref_slice %arg24[%dma_start3A_24, %dma_start3A_25] : memref<10000x16xf32, #tpu.memory_space<vmem_shared>> -> memref<10000x16xf32, #tpu.memory_space<vmem_shared>>
    tpu.enqueue_indirect_dma source(%dma_start3A_26 : memref<10000x16xf32, #tpu.memory_space<vmem_shared>>) target(%arg10 : memref<128x16xf32, #tpu.memory_space<vmem>>) offsets(%dma_start3A_23 : memref<128xi32, #tpu.memory_space<vmem>>) semaphore(%arg28 : memref<!tpu.dma_semaphore, #tpu.memory_space<semaphore_mem>>)
    %dma_start3A_27 = arith.constant 3 : i32
    %dma_start3A_28 = arith.constant 0 : i32
    %dma_start3A_29 = tpu.memref_slice %arg6[%dma_start3A_27, %dma_start3A_28] : memref<80x128xi32, #tpu.memory_space<vmem>> -> memref<1x128xi32, #tpu.memory_space<vmem>>
    %dma_start3A_30 = tpu.memref_squeeze %dma_start3A_29 : memref<1x128xi32, #tpu.memory_space<vmem>> -> memref<128xi32, #tpu.memory_space<vmem>>
    %dma_start3A_31 = arith.constant 0 : i32
    %dma_start3A_32 = arith.constant 0 : i32
    %dma_start3A_33 = tpu.memref_slice %arg24[%dma_start3A_31, %dma_start3A_32] : memref<10000x16xf32, #tpu.memory_space<vmem_shared>> -> memref<10000x16xf32, #tpu.memory_space<vmem_shared>>
    tpu.enqueue_indirect_dma source(%dma_start3A_33 : memref<10000x16xf32, #tpu.memory_space<vmem_shared>>) target(%arg11 : memref<128x16xf32, #tpu.memory_space<vmem>>) offsets(%dma_start3A_30 : memref<128xi32, #tpu.memory_space<vmem>>) semaphore(%arg29 : memref<!tpu.dma_semaphore, #tpu.memory_space<semaphore_mem>>)
    %dma_start3A_34 = arith.constant 4 : i32
    %dma_start3A_35 = arith.constant 0 : i32
    %dma_start3A_36 = tpu.memref_slice %arg6[%dma_start3A_34, %dma_start3A_35] : memref<80x128xi32, #tpu.memory_space<vmem>> -> memref<1x128xi32, #tpu.memory_space<vmem>>
    %dma_start3A_37 = tpu.memref_squeeze %dma_start3A_36 : memref<1x128xi32, #tpu.memory_space<vmem>> -> memref<128xi32, #tpu.memory_space<vmem>>
    %dma_start3A_38 = arith.constant 0 : i32
    %dma_start3A_39 = arith.constant 0 : i32
    %dma_start3A_40 = tpu.memref_slice %arg24[%dma_start3A_38, %dma_start3A_39] : memref<10000x16xf32, #tpu.memory_space<vmem_shared>> -> memref<10000x16xf32, #tpu.memory_space<vmem_shared>>
    tpu.enqueue_indirect_dma source(%dma_start3A_40 : memref<10000x16xf32, #tpu.memory_space<vmem_shared>>) target(%arg12 : memref<128x16xf32, #tpu.memory_space<vmem>>) offsets(%dma_start3A_37 : memref<128xi32, #tpu.memory_space<vmem>>) semaphore(%arg30 : memref<!tpu.dma_semaphore, #tpu.memory_space<semaphore_mem>>)
    %dma_start3A_41 = arith.constant 5 : i32
    %dma_start3A_42 = arith.constant 0 : i32
    %dma_start3A_43 = tpu.memref_slice %arg6[%dma_start3A_41, %dma_start3A_42] : memref<80x128xi32, #tpu.memory_space<vmem>> -> memref<1x128xi32, #tpu.memory_space<vmem>>
    %dma_start3A_44 = tpu.memref_squeeze %dma_start3A_43 : memref<1x128xi32, #tpu.memory_space<vmem>> -> memref<128xi32, #tpu.memory_space<vmem>>
    %dma_start3A_45 = arith.constant 0 : i32
    %dma_start3A_46 = arith.constant 0 : i32
    %dma_start3A_47 = tpu.memref_slice %arg24[%dma_start3A_45, %dma_start3A_46] : memref<10000x16xf32, #tpu.memory_space<vmem_shared>> -> memref<10000x16xf32, #tpu.memory_space<vmem_shared>>
    tpu.enqueue_indirect_dma source(%dma_start3A_47 : memref<10000x16xf32, #tpu.memory_space<vmem_shared>>) target(%arg13 : memref<128x16xf32, #tpu.memory_space<vmem>>) offsets(%dma_start3A_44 : memref<128xi32, #tpu.memory_space<vmem>>) semaphore(%arg31 : memref<!tpu.dma_semaphore, #tpu.memory_space<semaphore_mem>>)
    %dma_start3A_48 = arith.constant 6 : i32
    %dma_start3A_49 = arith.constant 0 : i32
    %dma_start3A_50 = tpu.memref_slice %arg6[%dma_start3A_48, %dma_start3A_49] : memref<80x128xi32, #tpu.memory_space<vmem>> -> memref<1x128xi32, #tpu.memory_space<vmem>>
    %dma_start3A_51 = tpu.memref_squeeze %dma_start3A_50 : memref<1x128xi32, #tpu.memory_space<vmem>> -> memref<128xi32, #tpu.memory_space<vmem>>
    %dma_start3A_52 = arith.constant 0 : i32
    %dma_start3A_53 = arith.constant 0 : i32
    %dma_start3A_54 = tpu.memref_slice %arg24[%dma_start3A_52, %dma_start3A_53] : memref<10000x16xf32, #tpu.memory_space<vmem_shared>> -> memref<10000x16xf32, #tpu.memory_space<vmem_shared>>
    tpu.enqueue_indirect_dma source(%dma_start3A_54 : memref<10000x16xf32, #tpu.memory_space<vmem_shared>>) target(%arg14 : memref<128x16xf32, #tpu.memory_space<vmem>>) offsets(%dma_start3A_51 : memref<128xi32, #tpu.memory_space<vmem>>) semaphore(%arg32 : memref<!tpu.dma_semaphore, #tpu.memory_space<semaphore_mem>>)
    %dma_start3A_55 = arith.constant 7 : i32
    %dma_start3A_56 = arith.constant 0 : i32
    %dma_start3A_57 = tpu.memref_slice %arg6[%dma_start3A_55, %dma_start3A_56] : memref<80x128xi32, #tpu.memory_space<vmem>> -> memref<1x128xi32, #tpu.memory_space<vmem>>
    %dma_start3A_58 = tpu.memref_squeeze %dma_start3A_57 : memref<1x128xi32, #tpu.memory_space<vmem>> -> memref<128xi32, #tpu.memory_space<vmem>>
    %dma_start3A_59 = arith.constant 0 : i32
    %dma_start3A_60 = arith.constant 0 : i32
    %dma_start3A_61 = tpu.memref_slice %arg24[%dma_start3A_59, %dma_start3A_60] : memref<10000x16xf32, #tpu.memory_space<vmem_shared>> -> memref<10000x16xf32, #tpu.memory_space<vmem_shared>>
    tpu.enqueue_indirect_dma source(%dma_start3A_61 : memref<10000x16xf32, #tpu.memory_space<vmem_shared>>) target(%arg15 : memref<128x16xf32, #tpu.memory_space<vmem>>) offsets(%dma_start3A_58 : memref<128xi32, #tpu.memory_space<vmem>>) semaphore(%arg33 : memref<!tpu.dma_semaphore, #tpu.memory_space<semaphore_mem>>)
    %dma_start3A_62 = arith.constant 8 : i32
    %dma_start3A_63 = arith.constant 0 : i32
    %dma_start3A_64 = tpu.memref_slice %arg6[%dma_start3A_62, %dma_start3A_63] : memref<80x128xi32, #tpu.memory_space<vmem>> -> memref<1x128xi32, #tpu.memory_space<vmem>>
    %dma_start3A_65 = tpu.memref_squeeze %dma_start3A_64 : memref<1x128xi32, #tpu.memory_space<vmem>> -> memref<128xi32, #tpu.memory_space<vmem>>
    %dma_start3A_66 = arith.constant 0 : i32
    %dma_start3A_67 = arith.constant 0 : i32
    %dma_start3A_68 = tpu.memref_slice %arg24[%dma_start3A_66, %dma_start3A_67] : memref<10000x16xf32, #tpu.memory_space<vmem_shared>> -> memref<10000x16xf32, #tpu.memory_space<vmem_shared>>
    tpu.enqueue_indirect_dma source(%dma_start3A_68 : memref<10000x16xf32, #tpu.memory_space<vmem_shared>>) target(%arg16 : memref<128x16xf32, #tpu.memory_space<vmem>>) offsets(%dma_start3A_65 : memref<128xi32, #tpu.memory_space<vmem>>) semaphore(%arg34 : memref<!tpu.dma_semaphore, #tpu.memory_space<semaphore_mem>>)
    %dma_start3A_69 = arith.constant 9 : i32
    %dma_start3A_70 = arith.constant 0 : i32
    %dma_start3A_71 = tpu.memref_slice %arg6[%dma_start3A_69, %dma_start3A_70] : memref<80x128xi32, #tpu.memory_space<vmem>> -> memref<1x128xi32, #tpu.memory_space<vmem>>
    %dma_start3A_72 = tpu.memref_squeeze %dma_start3A_71 : memref<1x128xi32, #tpu.memory_space<vmem>> -> memref<128xi32, #tpu.memory_space<vmem>>
    %dma_start3A_73 = arith.constant 0 : i32
    %dma_start3A_74 = arith.constant 0 : i32
    %dma_start3A_75 = tpu.memref_slice %arg24[%dma_start3A_73, %dma_start3A_74] : memref<10000x16xf32, #tpu.memory_space<vmem_shared>> -> memref<10000x16xf32, #tpu.memory_space<vmem_shared>>
    tpu.enqueue_indirect_dma source(%dma_start3A_75 : memref<10000x16xf32, #tpu.memory_space<vmem_shared>>) target(%arg17 : memref<128x16xf32, #tpu.memory_space<vmem>>) offsets(%dma_start3A_72 : memref<128xi32, #tpu.memory_space<vmem>>) semaphore(%arg35 : memref<!tpu.dma_semaphore, #tpu.memory_space<semaphore_mem>>)
    %dma_start3A_76 = arith.constant 10 : i32
    %dma_start3A_77 = arith.constant 0 : i32
    %dma_start3A_78 = tpu.memref_slice %arg6[%dma_start3A_76, %dma_start3A_77] : memref<80x128xi32, #tpu.memory_space<vmem>> -> memref<1x128xi32, #tpu.memory_space<vmem>>
    %dma_start3A_79 = tpu.memref_squeeze %dma_start3A_78 : memref<1x128xi32, #tpu.memory_space<vmem>> -> memref<128xi32, #tpu.memory_space<vmem>>
    %dma_start3A_80 = arith.constant 0 : i32
    %dma_start3A_81 = arith.constant 0 : i32
    %dma_start3A_82 = tpu.memref_slice %arg24[%dma_start3A_80, %dma_start3A_81] : memref<10000x16xf32, #tpu.memory_space<vmem_shared>> -> memref<10000x16xf32, #tpu.memory_space<vmem_shared>>
    tpu.enqueue_indirect_dma source(%dma_start3A_82 : memref<10000x16xf32, #tpu.memory_space<vmem_shared>>) target(%arg18 : memref<128x16xf32, #tpu.memory_space<vmem>>) offsets(%dma_start3A_79 : memref<128xi32, #tpu.memory_space<vmem>>) semaphore(%arg36 : memref<!tpu.dma_semaphore, #tpu.memory_space<semaphore_mem>>)
    %dma_start3A_83 = arith.constant 11 : i32
    %dma_start3A_84 = arith.constant 0 : i32
    %dma_start3A_85 = tpu.memref_slice %arg6[%dma_start3A_83, %dma_start3A_84] : memref<80x128xi32, #tpu.memory_space<vmem>> -> memref<1x128xi32, #tpu.memory_space<vmem>>
    %dma_start3A_86 = tpu.memref_squeeze %dma_start3A_85 : memref<1x128xi32, #tpu.memory_space<vmem>> -> memref<128xi32, #tpu.memory_space<vmem>>
    %dma_start3A_87 = arith.constant 0 : i32
    %dma_start3A_88 = arith.constant 0 : i32
    %dma_start3A_89 = tpu.memref_slice %arg24[%dma_start3A_87, %dma_start3A_88] : memref<10000x16xf32, #tpu.memory_space<vmem_shared>> -> memref<10000x16xf32, #tpu.memory_space<vmem_shared>>
    tpu.enqueue_indirect_dma source(%dma_start3A_89 : memref<10000x16xf32, #tpu.memory_space<vmem_shared>>) target(%arg19 : memref<128x16xf32, #tpu.memory_space<vmem>>) offsets(%dma_start3A_86 : memref<128xi32, #tpu.memory_space<vmem>>) semaphore(%arg37 : memref<!tpu.dma_semaphore, #tpu.memory_space<semaphore_mem>>)
    %dma_start3A_90 = arith.constant 12 : i32
    %dma_start3A_91 = arith.constant 0 : i32
    %dma_start3A_92 = tpu.memref_slice %arg6[%dma_start3A_90, %dma_start3A_91] : memref<80x128xi32, #tpu.memory_space<vmem>> -> memref<1x128xi32, #tpu.memory_space<vmem>>
    %dma_start3A_93 = tpu.memref_squeeze %dma_start3A_92 : memref<1x128xi32, #tpu.memory_space<vmem>> -> memref<128xi32, #tpu.memory_space<vmem>>
    %dma_start3A_94 = arith.constant 0 : i32
    %dma_start3A_95 = arith.constant 0 : i32
    %dma_start3A_96 = tpu.memref_slice %arg24[%dma_start3A_94, %dma_start3A_95] : memref<10000x16xf32, #tpu.memory_space<vmem_shared>> -> memref<10000x16xf32, #tpu.memory_space<vmem_shared>>
    tpu.enqueue_indirect_dma source(%dma_start3A_96 : memref<10000x16xf32, #tpu.memory_space<vmem_shared>>) target(%arg20 : memref<128x16xf32, #tpu.memory_space<vmem>>) offsets(%dma_start3A_93 : memref<128xi32, #tpu.memory_space<vmem>>) semaphore(%arg38 : memref<!tpu.dma_semaphore, #tpu.memory_space<semaphore_mem>>)
    %dma_start3A_97 = arith.constant 13 : i32
    %dma_start3A_98 = arith.constant 0 : i32
    %dma_start3A_99 = tpu.memref_slice %arg6[%dma_start3A_97, %dma_start3A_98] : memref<80x128xi32, #tpu.memory_space<vmem>> -> memref<1x128xi32, #tpu.memory_space<vmem>>
    %dma_start3A_100 = tpu.memref_squeeze %dma_start3A_99 : memref<1x128xi32, #tpu.memory_space<vmem>> -> memref<128xi32, #tpu.memory_space<vmem>>
    %dma_start3A_101 = arith.constant 0 : i32
    %dma_start3A_102 = arith.constant 0 : i32
    %dma_start3A_103 = tpu.memref_slice %arg24[%dma_start3A_101, %dma_start3A_102] : memref<10000x16xf32, #tpu.memory_space<vmem_shared>> -> memref<10000x16xf32, #tpu.memory_space<vmem_shared>>
    tpu.enqueue_indirect_dma source(%dma_start3A_103 : memref<10000x16xf32, #tpu.memory_space<vmem_shared>>) target(%arg21 : memref<128x16xf32, #tpu.memory_space<vmem>>) offsets(%dma_start3A_100 : memref<128xi32, #tpu.memory_space<vmem>>) semaphore(%arg39 : memref<!tpu.dma_semaphore, #tpu.memory_space<semaphore_mem>>)
    %dma_start3A_104 = arith.constant 14 : i32
    %dma_start3A_105 = arith.constant 0 : i32
    %dma_start3A_106 = tpu.memref_slice %arg6[%dma_start3A_104, %dma_start3A_105] : memref<80x128xi32, #tpu.memory_space<vmem>> -> memref<1x128xi32, #tpu.memory_space<vmem>>
    %dma_start3A_107 = tpu.memref_squeeze %dma_start3A_106 : memref<1x128xi32, #tpu.memory_space<vmem>> -> memref<128xi32, #tpu.memory_space<vmem>>
    %dma_start3A_108 = arith.constant 0 : i32
    %dma_start3A_109 = arith.constant 0 : i32
    %dma_start3A_110 = tpu.memref_slice %arg24[%dma_start3A_108, %dma_start3A_109] : memref<10000x16xf32, #tpu.memory_space<vmem_shared>> -> memref<10000x16xf32, #tpu.memory_space<vmem_shared>>
    tpu.enqueue_indirect_dma source(%dma_start3A_110 : memref<10000x16xf32, #tpu.memory_space<vmem_shared>>) target(%arg22 : memref<128x16xf32, #tpu.memory_space<vmem>>) offsets(%dma_start3A_107 : memref<128xi32, #tpu.memory_space<vmem>>) semaphore(%arg40 : memref<!tpu.dma_semaphore, #tpu.memory_space<semaphore_mem>>)
    %dma_start3A_111 = arith.constant 15 : i32
    %dma_start3A_112 = arith.constant 0 : i32
    %dma_start3A_113 = tpu.memref_slice %arg6[%dma_start3A_111, %dma_start3A_112] : memref<80x128xi32, #tpu.memory_space<vmem>> -> memref<1x128xi32, #tpu.memory_space<vmem>>
    %dma_start3A_114 = tpu.memref_squeeze %dma_start3A_113 : memref<1x128xi32, #tpu.memory_space<vmem>> -> memref<128xi32, #tpu.memory_space<vmem>>
    %dma_start3A_115 = arith.constant 0 : i32
    %dma_start3A_116 = arith.constant 0 : i32
    %dma_start3A_117 = tpu.memref_slice %arg24[%dma_start3A_115, %dma_start3A_116] : memref<10000x16xf32, #tpu.memory_space<vmem_shared>> -> memref<10000x16xf32, #tpu.memory_space<vmem_shared>>
    tpu.enqueue_indirect_dma source(%dma_start3A_117 : memref<10000x16xf32, #tpu.memory_space<vmem_shared>>) target(%arg23 : memref<128x16xf32, #tpu.memory_space<vmem>>) offsets(%dma_start3A_114 : memref<128xi32, #tpu.memory_space<vmem>>) semaphore(%arg41 : memref<!tpu.dma_semaphore, #tpu.memory_space<semaphore_mem>>)
    %scan3A = arith.constant 0 : i32
    %scan3A_118 = arith.constant 0 : i32
    %scan3A_119 = arith.constant 5 : i32
    %scan3A_120 = arith.addi %scan3A_118, %scan3A_119 : i32
    %scan3A_121 = arith.constant 1 : i32
    scf.for %scan3A_129 = %scan3A_118 to %scan3A_120 step %scan3A_121  : i32 {
      %mul3A_130 = arith.constant 16 : i32
      %mul3A_131 = arith.muli %scan3A_129, %mul3A_130 : i32
      %add3A = arith.constant 0 : i32
      %add3A_132 = arith.addi %mul3A_131, %add3A : i32
      %dma_wait3A = arith.constant 0 : i32
      %dma_wait3A_133 = tpu.memref_slice %arg6[%add3A_132, %dma_wait3A] : memref<80x128xi32, #tpu.memory_space<vmem>> -> memref<1x128xi32, #tpu.memory_space<vmem>>
      %dma_wait3A_134 = tpu.memref_squeeze %dma_wait3A_133 : memref<1x128xi32, #tpu.memory_space<vmem>> -> memref<128xi32, #tpu.memory_space<vmem>>
      %dma_wait3A_135 = arith.constant 0 : i32
      %dma_wait3A_136 = arith.constant 0 : i32
      %dma_wait3A_137 = tpu.memref_slice %arg24[%dma_wait3A_135, %dma_wait3A_136] : memref<10000x16xf32, #tpu.memory_space<vmem_shared>> -> memref<10000x16xf32, #tpu.memory_space<vmem_shared>>
      tpu.wait_indirect_dma semaphore(%arg26 : memref<!tpu.dma_semaphore, #tpu.memory_space<semaphore_mem>>) src(%dma_wait3A_137 : memref<10000x16xf32, #tpu.memory_space<vmem_shared>>) dst(%arg8 : memref<128x16xf32, #tpu.memory_space<vmem>>)
      %dma_start3A_138 = arith.constant 0 : i32
      %dma_start3A_139 = tpu.memref_slice %arg7[%add3A_132, %dma_start3A_138] : memref<80x128xi32, #tpu.memory_space<vmem>> -> memref<1x128xi32, #tpu.memory_space<vmem>>
      %dma_start3A_140 = tpu.memref_squeeze %dma_start3A_139 : memref<1x128xi32, #tpu.memory_space<vmem>> -> memref<128xi32, #tpu.memory_space<vmem>>
      %dma_start3A_141 = arith.constant 0 : i32
      %dma_start3A_142 = arith.constant 0 : i32
      %dma_start3A_143 = tpu.memref_slice %arg25[%dma_start3A_141, %dma_start3A_142] : memref<10240x16xf32, #tpu.memory_space<vmem_shared>> -> memref<10240x16xf32, #tpu.memory_space<vmem_shared>>
      tpu.enqueue_indirect_dma source(%arg8 : memref<128x16xf32, #tpu.memory_space<vmem>>) target(%dma_start3A_143 : memref<10240x16xf32, #tpu.memory_space<vmem_shared>>) offsets(%dma_start3A_140 : memref<128xi32, #tpu.memory_space<vmem>>) semaphore(%arg26 : memref<!tpu.dma_semaphore, #tpu.memory_space<semaphore_mem>>) {add = true}
      %mul3A_144 = arith.constant 16 : i32
      %mul3A_145 = arith.muli %scan3A_129, %mul3A_144 : i32
      %add3A_146 = arith.constant 1 : i32
      %add3A_147 = arith.addi %mul3A_145, %add3A_146 : i32
      %dma_wait3A_148 = arith.constant 0 : i32
      %dma_wait3A_149 = tpu.memref_slice %arg6[%add3A_147, %dma_wait3A_148] : memref<80x128xi32, #tpu.memory_space<vmem>> -> memref<1x128xi32, #tpu.memory_space<vmem>>
      %dma_wait3A_150 = tpu.memref_squeeze %dma_wait3A_149 : memref<1x128xi32, #tpu.memory_space<vmem>> -> memref<128xi32, #tpu.memory_space<vmem>>
      %dma_wait3A_151 = arith.constant 0 : i32
      %dma_wait3A_152 = arith.constant 0 : i32
      %dma_wait3A_153 = tpu.memref_slice %arg24[%dma_wait3A_151, %dma_wait3A_152] : memref<10000x16xf32, #tpu.memory_space<vmem_shared>> -> memref<10000x16xf32, #tpu.memory_space<vmem_shared>>
      tpu.wait_indirect_dma semaphore(%arg27 : memref<!tpu.dma_semaphore, #tpu.memory_space<semaphore_mem>>) src(%dma_wait3A_153 : memref<10000x16xf32, #tpu.memory_space<vmem_shared>>) dst(%arg9 : memref<128x16xf32, #tpu.memory_space<vmem>>)
      %dma_start3A_154 = arith.constant 0 : i32
      %dma_start3A_155 = tpu.memref_slice %arg7[%add3A_147, %dma_start3A_154] : memref<80x128xi32, #tpu.memory_space<vmem>> -> memref<1x128xi32, #tpu.memory_space<vmem>>
      %dma_start3A_156 = tpu.memref_squeeze %dma_start3A_155 : memref<1x128xi32, #tpu.memory_space<vmem>> -> memref<128xi32, #tpu.memory_space<vmem>>
      %dma_start3A_157 = arith.constant 0 : i32
      %dma_start3A_158 = arith.constant 0 : i32
      %dma_start3A_159 = tpu.memref_slice %arg25[%dma_start3A_157, %dma_start3A_158] : memref<10240x16xf32, #tpu.memory_space<vmem_shared>> -> memref<10240x16xf32, #tpu.memory_space<vmem_shared>>
      tpu.enqueue_indirect_dma source(%arg9 : memref<128x16xf32, #tpu.memory_space<vmem>>) target(%dma_start3A_159 : memref<10240x16xf32, #tpu.memory_space<vmem_shared>>) offsets(%dma_start3A_156 : memref<128xi32, #tpu.memory_space<vmem>>) semaphore(%arg27 : memref<!tpu.dma_semaphore, #tpu.memory_space<semaphore_mem>>) {add = true}
      %mul3A_160 = arith.constant 16 : i32
      %mul3A_161 = arith.muli %scan3A_129, %mul3A_160 : i32
      %add3A_162 = arith.constant 2 : i32
      %add3A_163 = arith.addi %mul3A_161, %add3A_162 : i32
      %dma_wait3A_164 = arith.constant 0 : i32
      %dma_wait3A_165 = tpu.memref_slice %arg6[%add3A_163, %dma_wait3A_164] : memref<80x128xi32, #tpu.memory_space<vmem>> -> memref<1x128xi32, #tpu.memory_space<vmem>>
      %dma_wait3A_166 = tpu.memref_squeeze %dma_wait3A_165 : memref<1x128xi32, #tpu.memory_space<vmem>> -> memref<128xi32, #tpu.memory_space<vmem>>
      %dma_wait3A_167 = arith.constant 0 : i32
      %dma_wait3A_168 = arith.constant 0 : i32
      %dma_wait3A_169 = tpu.memref_slice %arg24[%dma_wait3A_167, %dma_wait3A_168] : memref<10000x16xf32, #tpu.memory_space<vmem_shared>> -> memref<10000x16xf32, #tpu.memory_space<vmem_shared>>
      tpu.wait_indirect_dma semaphore(%arg28 : memref<!tpu.dma_semaphore, #tpu.memory_space<semaphore_mem>>) src(%dma_wait3A_169 : memref<10000x16xf32, #tpu.memory_space<vmem_shared>>) dst(%arg10 : memref<128x16xf32, #tpu.memory_space<vmem>>)
      %dma_start3A_170 = arith.constant 0 : i32
      %dma_start3A_171 = tpu.memref_slice %arg7[%add3A_163, %dma_start3A_170] : memref<80x128xi32, #tpu.memory_space<vmem>> -> memref<1x128xi32, #tpu.memory_space<vmem>>
      %dma_start3A_172 = tpu.memref_squeeze %dma_start3A_171 : memref<1x128xi32, #tpu.memory_space<vmem>> -> memref<128xi32, #tpu.memory_space<vmem>>
      %dma_start3A_173 = arith.constant 0 : i32
      %dma_start3A_174 = arith.constant 0 : i32
      %dma_start3A_175 = tpu.memref_slice %arg25[%dma_start3A_173, %dma_start3A_174] : memref<10240x16xf32, #tpu.memory_space<vmem_shared>> -> memref<10240x16xf32, #tpu.memory_space<vmem_shared>>
      tpu.enqueue_indirect_dma source(%arg10 : memref<128x16xf32, #tpu.memory_space<vmem>>) target(%dma_start3A_175 : memref<10240x16xf32, #tpu.memory_space<vmem_shared>>) offsets(%dma_start3A_172 : memref<128xi32, #tpu.memory_space<vmem>>) semaphore(%arg28 : memref<!tpu.dma_semaphore, #tpu.memory_space<semaphore_mem>>) {add = true}
      %mul3A_176 = arith.constant 16 : i32
      %mul3A_177 = arith.muli %scan3A_129, %mul3A_176 : i32
      %add3A_178 = arith.constant 3 : i32
      %add3A_179 = arith.addi %mul3A_177, %add3A_178 : i32
      %dma_wait3A_180 = arith.constant 0 : i32
      %dma_wait3A_181 = tpu.memref_slice %arg6[%add3A_179, %dma_wait3A_180] : memref<80x128xi32, #tpu.memory_space<vmem>> -> memref<1x128xi32, #tpu.memory_space<vmem>>
      %dma_wait3A_182 = tpu.memref_squeeze %dma_wait3A_181 : memref<1x128xi32, #tpu.memory_space<vmem>> -> memref<128xi32, #tpu.memory_space<vmem>>
      %dma_wait3A_183 = arith.constant 0 : i32
      %dma_wait3A_184 = arith.constant 0 : i32
      %dma_wait3A_185 = tpu.memref_slice %arg24[%dma_wait3A_183, %dma_wait3A_184] : memref<10000x16xf32, #tpu.memory_space<vmem_shared>> -> memref<10000x16xf32, #tpu.memory_space<vmem_shared>>
      tpu.wait_indirect_dma semaphore(%arg29 : memref<!tpu.dma_semaphore, #tpu.memory_space<semaphore_mem>>) src(%dma_wait3A_185 : memref<10000x16xf32, #tpu.memory_space<vmem_shared>>) dst(%arg11 : memref<128x16xf32, #tpu.memory_space<vmem>>)
      %dma_start3A_186 = arith.constant 0 : i32
      %dma_start3A_187 = tpu.memref_slice %arg7[%add3A_179, %dma_start3A_186] : memref<80x128xi32, #tpu.memory_space<vmem>> -> memref<1x128xi32, #tpu.memory_space<vmem>>
      %dma_start3A_188 = tpu.memref_squeeze %dma_start3A_187 : memref<1x128xi32, #tpu.memory_space<vmem>> -> memref<128xi32, #tpu.memory_space<vmem>>
      %dma_start3A_189 = arith.constant 0 : i32
      %dma_start3A_190 = arith.constant 0 : i32
      %dma_start3A_191 = tpu.memref_slice %arg25[%dma_start3A_189, %dma_start3A_190] : memref<10240x16xf32, #tpu.memory_space<vmem_shared>> -> memref<10240x16xf32, #tpu.memory_space<vmem_shared>>
      tpu.enqueue_indirect_dma source(%arg11 : memref<128x16xf32, #tpu.memory_space<vmem>>) target(%dma_start3A_191 : memref<10240x16xf32, #tpu.memory_space<vmem_shared>>) offsets(%dma_start3A_188 : memref<128xi32, #tpu.memory_space<vmem>>) semaphore(%arg29 : memref<!tpu.dma_semaphore, #tpu.memory_space<semaphore_mem>>) {add = true}
      %mul3A_192 = arith.constant 16 : i32
      %mul3A_193 = arith.muli %scan3A_129, %mul3A_192 : i32
      %add3A_194 = arith.constant 4 : i32
      %add3A_195 = arith.addi %mul3A_193, %add3A_194 : i32
      %dma_wait3A_196 = arith.constant 0 : i32
      %dma_wait3A_197 = tpu.memref_slice %arg6[%add3A_195, %dma_wait3A_196] : memref<80x128xi32, #tpu.memory_space<vmem>> -> memref<1x128xi32, #tpu.memory_space<vmem>>
      %dma_wait3A_198 = tpu.memref_squeeze %dma_wait3A_197 : memref<1x128xi32, #tpu.memory_space<vmem>> -> memref<128xi32, #tpu.memory_space<vmem>>
      %dma_wait3A_199 = arith.constant 0 : i32
      %dma_wait3A_200 = arith.constant 0 : i32
      %dma_wait3A_201 = tpu.memref_slice %arg24[%dma_wait3A_199, %dma_wait3A_200] : memref<10000x16xf32, #tpu.memory_space<vmem_shared>> -> memref<10000x16xf32, #tpu.memory_space<vmem_shared>>
      tpu.wait_indirect_dma semaphore(%arg30 : memref<!tpu.dma_semaphore, #tpu.memory_space<semaphore_mem>>) src(%dma_wait3A_201 : memref<10000x16xf32, #tpu.memory_space<vmem_shared>>) dst(%arg12 : memref<128x16xf32, #tpu.memory_space<vmem>>)
      %dma_start3A_202 = arith.constant 0 : i32
      %dma_start3A_203 = tpu.memref_slice %arg7[%add3A_195, %dma_start3A_202] : memref<80x128xi32, #tpu.memory_space<vmem>> -> memref<1x128xi32, #tpu.memory_space<vmem>>
      %dma_start3A_204 = tpu.memref_squeeze %dma_start3A_203 : memref<1x128xi32, #tpu.memory_space<vmem>> -> memref<128xi32, #tpu.memory_space<vmem>>
      %dma_start3A_205 = arith.constant 0 : i32
      %dma_start3A_206 = arith.constant 0 : i32
      %dma_start3A_207 = tpu.memref_slice %arg25[%dma_start3A_205, %dma_start3A_206] : memref<10240x16xf32, #tpu.memory_space<vmem_shared>> -> memref<10240x16xf32, #tpu.memory_space<vmem_shared>>
      tpu.enqueue_indirect_dma source(%arg12 : memref<128x16xf32, #tpu.memory_space<vmem>>) target(%dma_start3A_207 : memref<10240x16xf32, #tpu.memory_space<vmem_shared>>) offsets(%dma_start3A_204 : memref<128xi32, #tpu.memory_space<vmem>>) semaphore(%arg30 : memref<!tpu.dma_semaphore, #tpu.memory_space<semaphore_mem>>) {add = true}
      %mul3A_208 = arith.constant 16 : i32
      %mul3A_209 = arith.muli %scan3A_129, %mul3A_208 : i32
      %add3A_210 = arith.constant 5 : i32
      %add3A_211 = arith.addi %mul3A_209, %add3A_210 : i32
      %dma_wait3A_212 = arith.constant 0 : i32
      %dma_wait3A_213 = tpu.memref_slice %arg6[%add3A_211, %dma_wait3A_212] : memref<80x128xi32, #tpu.memory_space<vmem>> -> memref<1x128xi32, #tpu.memory_space<vmem>>
      %dma_wait3A_214 = tpu.memref_squeeze %dma_wait3A_213 : memref<1x128xi32, #tpu.memory_space<vmem>> -> memref<128xi32, #tpu.memory_space<vmem>>
      %dma_wait3A_215 = arith.constant 0 : i32
      %dma_wait3A_216 = arith.constant 0 : i32
      %dma_wait3A_217 = tpu.memref_slice %arg24[%dma_wait3A_215, %dma_wait3A_216] : memref<10000x16xf32, #tpu.memory_space<vmem_shared>> -> memref<10000x16xf32, #tpu.memory_space<vmem_shared>>
      tpu.wait_indirect_dma semaphore(%arg31 : memref<!tpu.dma_semaphore, #tpu.memory_space<semaphore_mem>>) src(%dma_wait3A_217 : memref<10000x16xf32, #tpu.memory_space<vmem_shared>>) dst(%arg13 : memref<128x16xf32, #tpu.memory_space<vmem>>)
      %dma_start3A_218 = arith.constant 0 : i32
      %dma_start3A_219 = tpu.memref_slice %arg7[%add3A_211, %dma_start3A_218] : memref<80x128xi32, #tpu.memory_space<vmem>> -> memref<1x128xi32, #tpu.memory_space<vmem>>
      %dma_start3A_220 = tpu.memref_squeeze %dma_start3A_219 : memref<1x128xi32, #tpu.memory_space<vmem>> -> memref<128xi32, #tpu.memory_space<vmem>>
      %dma_start3A_221 = arith.constant 0 : i32
      %dma_start3A_222 = arith.constant 0 : i32
      %dma_start3A_223 = tpu.memref_slice %arg25[%dma_start3A_221, %dma_start3A_222] : memref<10240x16xf32, #tpu.memory_space<vmem_shared>> -> memref<10240x16xf32, #tpu.memory_space<vmem_shared>>
      tpu.enqueue_indirect_dma source(%arg13 : memref<128x16xf32, #tpu.memory_space<vmem>>) target(%dma_start3A_223 : memref<10240x16xf32, #tpu.memory_space<vmem_shared>>) offsets(%dma_start3A_220 : memref<128xi32, #tpu.memory_space<vmem>>) semaphore(%arg31 : memref<!tpu.dma_semaphore, #tpu.memory_space<semaphore_mem>>) {add = true}
      %mul3A_224 = arith.constant 16 : i32
      %mul3A_225 = arith.muli %scan3A_129, %mul3A_224 : i32
      %add3A_226 = arith.constant 6 : i32
      %add3A_227 = arith.addi %mul3A_225, %add3A_226 : i32
      %dma_wait3A_228 = arith.constant 0 : i32
      %dma_wait3A_229 = tpu.memref_slice %arg6[%add3A_227, %dma_wait3A_228] : memref<80x128xi32, #tpu.memory_space<vmem>> -> memref<1x128xi32, #tpu.memory_space<vmem>>
      %dma_wait3A_230 = tpu.memref_squeeze %dma_wait3A_229 : memref<1x128xi32, #tpu.memory_space<vmem>> -> memref<128xi32, #tpu.memory_space<vmem>>
      %dma_wait3A_231 = arith.constant 0 : i32
      %dma_wait3A_232 = arith.constant 0 : i32
      %dma_wait3A_233 = tpu.memref_slice %arg24[%dma_wait3A_231, %dma_wait3A_232] : memref<10000x16xf32, #tpu.memory_space<vmem_shared>> -> memref<10000x16xf32, #tpu.memory_space<vmem_shared>>
      tpu.wait_indirect_dma semaphore(%arg32 : memref<!tpu.dma_semaphore, #tpu.memory_space<semaphore_mem>>) src(%dma_wait3A_233 : memref<10000x16xf32, #tpu.memory_space<vmem_shared>>) dst(%arg14 : memref<128x16xf32, #tpu.memory_space<vmem>>)
      %dma_start3A_234 = arith.constant 0 : i32
      %dma_start3A_235 = tpu.memref_slice %arg7[%add3A_227, %dma_start3A_234] : memref<80x128xi32, #tpu.memory_space<vmem>> -> memref<1x128xi32, #tpu.memory_space<vmem>>
      %dma_start3A_236 = tpu.memref_squeeze %dma_start3A_235 : memref<1x128xi32, #tpu.memory_space<vmem>> -> memref<128xi32, #tpu.memory_space<vmem>>
      %dma_start3A_237 = arith.constant 0 : i32
      %dma_start3A_238 = arith.constant 0 : i32
      %dma_start3A_239 = tpu.memref_slice %arg25[%dma_start3A_237, %dma_start3A_238] : memref<10240x16xf32, #tpu.memory_space<vmem_shared>> -> memref<10240x16xf32, #tpu.memory_space<vmem_shared>>
      tpu.enqueue_indirect_dma source(%arg14 : memref<128x16xf32, #tpu.memory_space<vmem>>) target(%dma_start3A_239 : memref<10240x16xf32, #tpu.memory_space<vmem_shared>>) offsets(%dma_start3A_236 : memref<128xi32, #tpu.memory_space<vmem>>) semaphore(%arg32 : memref<!tpu.dma_semaphore, #tpu.memory_space<semaphore_mem>>) {add = true}
      %mul3A_240 = arith.constant 16 : i32
      %mul3A_241 = arith.muli %scan3A_129, %mul3A_240 : i32
      %add3A_242 = arith.constant 7 : i32
      %add3A_243 = arith.addi %mul3A_241, %add3A_242 : i32
      %dma_wait3A_244 = arith.constant 0 : i32
      %dma_wait3A_245 = tpu.memref_slice %arg6[%add3A_243, %dma_wait3A_244] : memref<80x128xi32, #tpu.memory_space<vmem>> -> memref<1x128xi32, #tpu.memory_space<vmem>>
      %dma_wait3A_246 = tpu.memref_squeeze %dma_wait3A_245 : memref<1x128xi32, #tpu.memory_space<vmem>> -> memref<128xi32, #tpu.memory_space<vmem>>
      %dma_wait3A_247 = arith.constant 0 : i32
      %dma_wait3A_248 = arith.constant 0 : i32
      %dma_wait3A_249 = tpu.memref_slice %arg24[%dma_wait3A_247, %dma_wait3A_248] : memref<10000x16xf32, #tpu.memory_space<vmem_shared>> -> memref<10000x16xf32, #tpu.memory_space<vmem_shared>>
      tpu.wait_indirect_dma semaphore(%arg33 : memref<!tpu.dma_semaphore, #tpu.memory_space<semaphore_mem>>) src(%dma_wait3A_249 : memref<10000x16xf32, #tpu.memory_space<vmem_shared>>) dst(%arg15 : memref<128x16xf32, #tpu.memory_space<vmem>>)
      %dma_start3A_250 = arith.constant 0 : i32
      %dma_start3A_251 = tpu.memref_slice %arg7[%add3A_243, %dma_start3A_250] : memref<80x128xi32, #tpu.memory_space<vmem>> -> memref<1x128xi32, #tpu.memory_space<vmem>>
      %dma_start3A_252 = tpu.memref_squeeze %dma_start3A_251 : memref<1x128xi32, #tpu.memory_space<vmem>> -> memref<128xi32, #tpu.memory_space<vmem>>
      %dma_start3A_253 = arith.constant 0 : i32
      %dma_start3A_254 = arith.constant 0 : i32
      %dma_start3A_255 = tpu.memref_slice %arg25[%dma_start3A_253, %dma_start3A_254] : memref<10240x16xf32, #tpu.memory_space<vmem_shared>> -> memref<10240x16xf32, #tpu.memory_space<vmem_shared>>
      tpu.enqueue_indirect_dma source(%arg15 : memref<128x16xf32, #tpu.memory_space<vmem>>) target(%dma_start3A_255 : memref<10240x16xf32, #tpu.memory_space<vmem_shared>>) offsets(%dma_start3A_252 : memref<128xi32, #tpu.memory_space<vmem>>) semaphore(%arg33 : memref<!tpu.dma_semaphore, #tpu.memory_space<semaphore_mem>>) {add = true}
      %mul3A_256 = arith.constant 16 : i32
      %mul3A_257 = arith.muli %scan3A_129, %mul3A_256 : i32
      %add3A_258 = arith.constant 8 : i32
      %add3A_259 = arith.addi %mul3A_257, %add3A_258 : i32
      %dma_wait3A_260 = arith.constant 0 : i32
      %dma_wait3A_261 = tpu.memref_slice %arg6[%add3A_259, %dma_wait3A_260] : memref<80x128xi32, #tpu.memory_space<vmem>> -> memref<1x128xi32, #tpu.memory_space<vmem>>
      %dma_wait3A_262 = tpu.memref_squeeze %dma_wait3A_261 : memref<1x128xi32, #tpu.memory_space<vmem>> -> memref<128xi32, #tpu.memory_space<vmem>>
      %dma_wait3A_263 = arith.constant 0 : i32
      %dma_wait3A_264 = arith.constant 0 : i32
      %dma_wait3A_265 = tpu.memref_slice %arg24[%dma_wait3A_263, %dma_wait3A_264] : memref<10000x16xf32, #tpu.memory_space<vmem_shared>> -> memref<10000x16xf32, #tpu.memory_space<vmem_shared>>
      tpu.wait_indirect_dma semaphore(%arg34 : memref<!tpu.dma_semaphore, #tpu.memory_space<semaphore_mem>>) src(%dma_wait3A_265 : memref<10000x16xf32, #tpu.memory_space<vmem_shared>>) dst(%arg16 : memref<128x16xf32, #tpu.memory_space<vmem>>)
      %dma_start3A_266 = arith.constant 0 : i32
      %dma_start3A_267 = tpu.memref_slice %arg7[%add3A_259, %dma_start3A_266] : memref<80x128xi32, #tpu.memory_space<vmem>> -> memref<1x128xi32, #tpu.memory_space<vmem>>
      %dma_start3A_268 = tpu.memref_squeeze %dma_start3A_267 : memref<1x128xi32, #tpu.memory_space<vmem>> -> memref<128xi32, #tpu.memory_space<vmem>>
      %dma_start3A_269 = arith.constant 0 : i32
      %dma_start3A_270 = arith.constant 0 : i32
      %dma_start3A_271 = tpu.memref_slice %arg25[%dma_start3A_269, %dma_start3A_270] : memref<10240x16xf32, #tpu.memory_space<vmem_shared>> -> memref<10240x16xf32, #tpu.memory_space<vmem_shared>>
      tpu.enqueue_indirect_dma source(%arg16 : memref<128x16xf32, #tpu.memory_space<vmem>>) target(%dma_start3A_271 : memref<10240x16xf32, #tpu.memory_space<vmem_shared>>) offsets(%dma_start3A_268 : memref<128xi32, #tpu.memory_space<vmem>>) semaphore(%arg34 : memref<!tpu.dma_semaphore, #tpu.memory_space<semaphore_mem>>) {add = true}
      %mul3A_272 = arith.constant 16 : i32
      %mul3A_273 = arith.muli %scan3A_129, %mul3A_272 : i32
      %add3A_274 = arith.constant 9 : i32
      %add3A_275 = arith.addi %mul3A_273, %add3A_274 : i32
      %dma_wait3A_276 = arith.constant 0 : i32
      %dma_wait3A_277 = tpu.memref_slice %arg6[%add3A_275, %dma_wait3A_276] : memref<80x128xi32, #tpu.memory_space<vmem>> -> memref<1x128xi32, #tpu.memory_space<vmem>>
      %dma_wait3A_278 = tpu.memref_squeeze %dma_wait3A_277 : memref<1x128xi32, #tpu.memory_space<vmem>> -> memref<128xi32, #tpu.memory_space<vmem>>
      %dma_wait3A_279 = arith.constant 0 : i32
      %dma_wait3A_280 = arith.constant 0 : i32
      %dma_wait3A_281 = tpu.memref_slice %arg24[%dma_wait3A_279, %dma_wait3A_280] : memref<10000x16xf32, #tpu.memory_space<vmem_shared>> -> memref<10000x16xf32, #tpu.memory_space<vmem_shared>>
      tpu.wait_indirect_dma semaphore(%arg35 : memref<!tpu.dma_semaphore, #tpu.memory_space<semaphore_mem>>) src(%dma_wait3A_281 : memref<10000x16xf32, #tpu.memory_space<vmem_shared>>) dst(%arg17 : memref<128x16xf32, #tpu.memory_space<vmem>>)
      %dma_start3A_282 = arith.constant 0 : i32
      %dma_start3A_283 = tpu.memref_slice %arg7[%add3A_275, %dma_start3A_282] : memref<80x128xi32, #tpu.memory_space<vmem>> -> memref<1x128xi32, #tpu.memory_space<vmem>>
      %dma_start3A_284 = tpu.memref_squeeze %dma_start3A_283 : memref<1x128xi32, #tpu.memory_space<vmem>> -> memref<128xi32, #tpu.memory_space<vmem>>
      %dma_start3A_285 = arith.constant 0 : i32
      %dma_start3A_286 = arith.constant 0 : i32
      %dma_start3A_287 = tpu.memref_slice %arg25[%dma_start3A_285, %dma_start3A_286] : memref<10240x16xf32, #tpu.memory_space<vmem_shared>> -> memref<10240x16xf32, #tpu.memory_space<vmem_shared>>
      tpu.enqueue_indirect_dma source(%arg17 : memref<128x16xf32, #tpu.memory_space<vmem>>) target(%dma_start3A_287 : memref<10240x16xf32, #tpu.memory_space<vmem_shared>>) offsets(%dma_start3A_284 : memref<128xi32, #tpu.memory_space<vmem>>) semaphore(%arg35 : memref<!tpu.dma_semaphore, #tpu.memory_space<semaphore_mem>>) {add = true}
      %mul3A_288 = arith.constant 16 : i32
      %mul3A_289 = arith.muli %scan3A_129, %mul3A_288 : i32
      %add3A_290 = arith.constant 10 : i32
      %add3A_291 = arith.addi %mul3A_289, %add3A_290 : i32
      %dma_wait3A_292 = arith.constant 0 : i32
      %dma_wait3A_293 = tpu.memref_slice %arg6[%add3A_291, %dma_wait3A_292] : memref<80x128xi32, #tpu.memory_space<vmem>> -> memref<1x128xi32, #tpu.memory_space<vmem>>
      %dma_wait3A_294 = tpu.memref_squeeze %dma_wait3A_293 : memref<1x128xi32, #tpu.memory_space<vmem>> -> memref<128xi32, #tpu.memory_space<vmem>>
      %dma_wait3A_295 = arith.constant 0 : i32
      %dma_wait3A_296 = arith.constant 0 : i32
      %dma_wait3A_297 = tpu.memref_slice %arg24[%dma_wait3A_295, %dma_wait3A_296] : memref<10000x16xf32, #tpu.memory_space<vmem_shared>> -> memref<10000x16xf32, #tpu.memory_space<vmem_shared>>
      tpu.wait_indirect_dma semaphore(%arg36 : memref<!tpu.dma_semaphore, #tpu.memory_space<semaphore_mem>>) src(%dma_wait3A_297 : memref<10000x16xf32, #tpu.memory_space<vmem_shared>>) dst(%arg18 : memref<128x16xf32, #tpu.memory_space<vmem>>)
      %dma_start3A_298 = arith.constant 0 : i32
      %dma_start3A_299 = tpu.memref_slice %arg7[%add3A_291, %dma_start3A_298] : memref<80x128xi32, #tpu.memory_space<vmem>> -> memref<1x128xi32, #tpu.memory_space<vmem>>
      %dma_start3A_300 = tpu.memref_squeeze %dma_start3A_299 : memref<1x128xi32, #tpu.memory_space<vmem>> -> memref<128xi32, #tpu.memory_space<vmem>>
      %dma_start3A_301 = arith.constant 0 : i32
      %dma_start3A_302 = arith.constant 0 : i32
      %dma_start3A_303 = tpu.memref_slice %arg25[%dma_start3A_301, %dma_start3A_302] : memref<10240x16xf32, #tpu.memory_space<vmem_shared>> -> memref<10240x16xf32, #tpu.memory_space<vmem_shared>>
      tpu.enqueue_indirect_dma source(%arg18 : memref<128x16xf32, #tpu.memory_space<vmem>>) target(%dma_start3A_303 : memref<10240x16xf32, #tpu.memory_space<vmem_shared>>) offsets(%dma_start3A_300 : memref<128xi32, #tpu.memory_space<vmem>>) semaphore(%arg36 : memref<!tpu.dma_semaphore, #tpu.memory_space<semaphore_mem>>) {add = true}
      %mul3A_304 = arith.constant 16 : i32
      %mul3A_305 = arith.muli %scan3A_129, %mul3A_304 : i32
      %add3A_306 = arith.constant 11 : i32
      %add3A_307 = arith.addi %mul3A_305, %add3A_306 : i32
      %dma_wait3A_308 = arith.constant 0 : i32
      %dma_wait3A_309 = tpu.memref_slice %arg6[%add3A_307, %dma_wait3A_308] : memref<80x128xi32, #tpu.memory_space<vmem>> -> memref<1x128xi32, #tpu.memory_space<vmem>>
      %dma_wait3A_310 = tpu.memref_squeeze %dma_wait3A_309 : memref<1x128xi32, #tpu.memory_space<vmem>> -> memref<128xi32, #tpu.memory_space<vmem>>
      %dma_wait3A_311 = arith.constant 0 : i32
      %dma_wait3A_312 = arith.constant 0 : i32
      %dma_wait3A_313 = tpu.memref_slice %arg24[%dma_wait3A_311, %dma_wait3A_312] : memref<10000x16xf32, #tpu.memory_space<vmem_shared>> -> memref<10000x16xf32, #tpu.memory_space<vmem_shared>>
      tpu.wait_indirect_dma semaphore(%arg37 : memref<!tpu.dma_semaphore, #tpu.memory_space<semaphore_mem>>) src(%dma_wait3A_313 : memref<10000x16xf32, #tpu.memory_space<vmem_shared>>) dst(%arg19 : memref<128x16xf32, #tpu.memory_space<vmem>>)
      %dma_start3A_314 = arith.constant 0 : i32
      %dma_start3A_315 = tpu.memref_slice %arg7[%add3A_307, %dma_start3A_314] : memref<80x128xi32, #tpu.memory_space<vmem>> -> memref<1x128xi32, #tpu.memory_space<vmem>>
      %dma_start3A_316 = tpu.memref_squeeze %dma_start3A_315 : memref<1x128xi32, #tpu.memory_space<vmem>> -> memref<128xi32, #tpu.memory_space<vmem>>
      %dma_start3A_317 = arith.constant 0 : i32
      %dma_start3A_318 = arith.constant 0 : i32
      %dma_start3A_319 = tpu.memref_slice %arg25[%dma_start3A_317, %dma_start3A_318] : memref<10240x16xf32, #tpu.memory_space<vmem_shared>> -> memref<10240x16xf32, #tpu.memory_space<vmem_shared>>
      tpu.enqueue_indirect_dma source(%arg19 : memref<128x16xf32, #tpu.memory_space<vmem>>) target(%dma_start3A_319 : memref<10240x16xf32, #tpu.memory_space<vmem_shared>>) offsets(%dma_start3A_316 : memref<128xi32, #tpu.memory_space<vmem>>) semaphore(%arg37 : memref<!tpu.dma_semaphore, #tpu.memory_space<semaphore_mem>>) {add = true}
      %mul3A_320 = arith.constant 16 : i32
      %mul3A_321 = arith.muli %scan3A_129, %mul3A_320 : i32
      %add3A_322 = arith.constant 12 : i32
      %add3A_323 = arith.addi %mul3A_321, %add3A_322 : i32
      %dma_wait3A_324 = arith.constant 0 : i32
      %dma_wait3A_325 = tpu.memref_slice %arg6[%add3A_323, %dma_wait3A_324] : memref<80x128xi32, #tpu.memory_space<vmem>> -> memref<1x128xi32, #tpu.memory_space<vmem>>
      %dma_wait3A_326 = tpu.memref_squeeze %dma_wait3A_325 : memref<1x128xi32, #tpu.memory_space<vmem>> -> memref<128xi32, #tpu.memory_space<vmem>>
      %dma_wait3A_327 = arith.constant 0 : i32
      %dma_wait3A_328 = arith.constant 0 : i32
      %dma_wait3A_329 = tpu.memref_slice %arg24[%dma_wait3A_327, %dma_wait3A_328] : memref<10000x16xf32, #tpu.memory_space<vmem_shared>> -> memref<10000x16xf32, #tpu.memory_space<vmem_shared>>
      tpu.wait_indirect_dma semaphore(%arg38 : memref<!tpu.dma_semaphore, #tpu.memory_space<semaphore_mem>>) src(%dma_wait3A_329 : memref<10000x16xf32, #tpu.memory_space<vmem_shared>>) dst(%arg20 : memref<128x16xf32, #tpu.memory_space<vmem>>)
      %dma_start3A_330 = arith.constant 0 : i32
      %dma_start3A_331 = tpu.memref_slice %arg7[%add3A_323, %dma_start3A_330] : memref<80x128xi32, #tpu.memory_space<vmem>> -> memref<1x128xi32, #tpu.memory_space<vmem>>
      %dma_start3A_332 = tpu.memref_squeeze %dma_start3A_331 : memref<1x128xi32, #tpu.memory_space<vmem>> -> memref<128xi32, #tpu.memory_space<vmem>>
      %dma_start3A_333 = arith.constant 0 : i32
      %dma_start3A_334 = arith.constant 0 : i32
      %dma_start3A_335 = tpu.memref_slice %arg25[%dma_start3A_333, %dma_start3A_334] : memref<10240x16xf32, #tpu.memory_space<vmem_shared>> -> memref<10240x16xf32, #tpu.memory_space<vmem_shared>>
      tpu.enqueue_indirect_dma source(%arg20 : memref<128x16xf32, #tpu.memory_space<vmem>>) target(%dma_start3A_335 : memref<10240x16xf32, #tpu.memory_space<vmem_shared>>) offsets(%dma_start3A_332 : memref<128xi32, #tpu.memory_space<vmem>>) semaphore(%arg38 : memref<!tpu.dma_semaphore, #tpu.memory_space<semaphore_mem>>) {add = true}
      %mul3A_336 = arith.constant 16 : i32
      %mul3A_337 = arith.muli %scan3A_129, %mul3A_336 : i32
      %add3A_338 = arith.constant 13 : i32
      %add3A_339 = arith.addi %mul3A_337, %add3A_338 : i32
      %dma_wait3A_340 = arith.constant 0 : i32
      %dma_wait3A_341 = tpu.memref_slice %arg6[%add3A_339, %dma_wait3A_340] : memref<80x128xi32, #tpu.memory_space<vmem>> -> memref<1x128xi32, #tpu.memory_space<vmem>>
      %dma_wait3A_342 = tpu.memref_squeeze %dma_wait3A_341 : memref<1x128xi32, #tpu.memory_space<vmem>> -> memref<128xi32, #tpu.memory_space<vmem>>
      %dma_wait3A_343 = arith.constant 0 : i32
      %dma_wait3A_344 = arith.constant 0 : i32
      %dma_wait3A_345 = tpu.memref_slice %arg24[%dma_wait3A_343, %dma_wait3A_344] : memref<10000x16xf32, #tpu.memory_space<vmem_shared>> -> memref<10000x16xf32, #tpu.memory_space<vmem_shared>>
      tpu.wait_indirect_dma semaphore(%arg39 : memref<!tpu.dma_semaphore, #tpu.memory_space<semaphore_mem>>) src(%dma_wait3A_345 : memref<10000x16xf32, #tpu.memory_space<vmem_shared>>) dst(%arg21 : memref<128x16xf32, #tpu.memory_space<vmem>>)
      %dma_start3A_346 = arith.constant 0 : i32
      %dma_start3A_347 = tpu.memref_slice %arg7[%add3A_339, %dma_start3A_346] : memref<80x128xi32, #tpu.memory_space<vmem>> -> memref<1x128xi32, #tpu.memory_space<vmem>>
      %dma_start3A_348 = tpu.memref_squeeze %dma_start3A_347 : memref<1x128xi32, #tpu.memory_space<vmem>> -> memref<128xi32, #tpu.memory_space<vmem>>
      %dma_start3A_349 = arith.constant 0 : i32
      %dma_start3A_350 = arith.constant 0 : i32
      %dma_start3A_351 = tpu.memref_slice %arg25[%dma_start3A_349, %dma_start3A_350] : memref<10240x16xf32, #tpu.memory_space<vmem_shared>> -> memref<10240x16xf32, #tpu.memory_space<vmem_shared>>
      tpu.enqueue_indirect_dma source(%arg21 : memref<128x16xf32, #tpu.memory_space<vmem>>) target(%dma_start3A_351 : memref<10240x16xf32, #tpu.memory_space<vmem_shared>>) offsets(%dma_start3A_348 : memref<128xi32, #tpu.memory_space<vmem>>) semaphore(%arg39 : memref<!tpu.dma_semaphore, #tpu.memory_space<semaphore_mem>>) {add = true}
      %mul3A_352 = arith.constant 16 : i32
      %mul3A_353 = arith.muli %scan3A_129, %mul3A_352 : i32
      %add3A_354 = arith.constant 14 : i32
      %add3A_355 = arith.addi %mul3A_353, %add3A_354 : i32
      %dma_wait3A_356 = arith.constant 0 : i32
      %dma_wait3A_357 = tpu.memref_slice %arg6[%add3A_355, %dma_wait3A_356] : memref<80x128xi32, #tpu.memory_space<vmem>> -> memref<1x128xi32, #tpu.memory_space<vmem>>
      %dma_wait3A_358 = tpu.memref_squeeze %dma_wait3A_357 : memref<1x128xi32, #tpu.memory_space<vmem>> -> memref<128xi32, #tpu.memory_space<vmem>>
      %dma_wait3A_359 = arith.constant 0 : i32
      %dma_wait3A_360 = arith.constant 0 : i32
      %dma_wait3A_361 = tpu.memref_slice %arg24[%dma_wait3A_359, %dma_wait3A_360] : memref<10000x16xf32, #tpu.memory_space<vmem_shared>> -> memref<10000x16xf32, #tpu.memory_space<vmem_shared>>
      tpu.wait_indirect_dma semaphore(%arg40 : memref<!tpu.dma_semaphore, #tpu.memory_space<semaphore_mem>>) src(%dma_wait3A_361 : memref<10000x16xf32, #tpu.memory_space<vmem_shared>>) dst(%arg22 : memref<128x16xf32, #tpu.memory_space<vmem>>)
      %dma_start3A_362 = arith.constant 0 : i32
      %dma_start3A_363 = tpu.memref_slice %arg7[%add3A_355, %dma_start3A_362] : memref<80x128xi32, #tpu.memory_space<vmem>> -> memref<1x128xi32, #tpu.memory_space<vmem>>
      %dma_start3A_364 = tpu.memref_squeeze %dma_start3A_363 : memref<1x128xi32, #tpu.memory_space<vmem>> -> memref<128xi32, #tpu.memory_space<vmem>>
      %dma_start3A_365 = arith.constant 0 : i32
      %dma_start3A_366 = arith.constant 0 : i32
      %dma_start3A_367 = tpu.memref_slice %arg25[%dma_start3A_365, %dma_start3A_366] : memref<10240x16xf32, #tpu.memory_space<vmem_shared>> -> memref<10240x16xf32, #tpu.memory_space<vmem_shared>>
      tpu.enqueue_indirect_dma source(%arg22 : memref<128x16xf32, #tpu.memory_space<vmem>>) target(%dma_start3A_367 : memref<10240x16xf32, #tpu.memory_space<vmem_shared>>) offsets(%dma_start3A_364 : memref<128xi32, #tpu.memory_space<vmem>>) semaphore(%arg40 : memref<!tpu.dma_semaphore, #tpu.memory_space<semaphore_mem>>) {add = true}
      %mul3A_368 = arith.constant 16 : i32
      %mul3A_369 = arith.muli %scan3A_129, %mul3A_368 : i32
      %add3A_370 = arith.constant 15 : i32
      %add3A_371 = arith.addi %mul3A_369, %add3A_370 : i32
      %dma_wait3A_372 = arith.constant 0 : i32
      %dma_wait3A_373 = tpu.memref_slice %arg6[%add3A_371, %dma_wait3A_372] : memref<80x128xi32, #tpu.memory_space<vmem>> -> memref<1x128xi32, #tpu.memory_space<vmem>>
      %dma_wait3A_374 = tpu.memref_squeeze %dma_wait3A_373 : memref<1x128xi32, #tpu.memory_space<vmem>> -> memref<128xi32, #tpu.memory_space<vmem>>
      %dma_wait3A_375 = arith.constant 0 : i32
      %dma_wait3A_376 = arith.constant 0 : i32
      %dma_wait3A_377 = tpu.memref_slice %arg24[%dma_wait3A_375, %dma_wait3A_376] : memref<10000x16xf32, #tpu.memory_space<vmem_shared>> -> memref<10000x16xf32, #tpu.memory_space<vmem_shared>>
      tpu.wait_indirect_dma semaphore(%arg41 : memref<!tpu.dma_semaphore, #tpu.memory_space<semaphore_mem>>) src(%dma_wait3A_377 : memref<10000x16xf32, #tpu.memory_space<vmem_shared>>) dst(%arg23 : memref<128x16xf32, #tpu.memory_space<vmem>>)
      %dma_start3A_378 = arith.constant 0 : i32
      %dma_start3A_379 = tpu.memref_slice %arg7[%add3A_371, %dma_start3A_378] : memref<80x128xi32, #tpu.memory_space<vmem>> -> memref<1x128xi32, #tpu.memory_space<vmem>>
      %dma_start3A_380 = tpu.memref_squeeze %dma_start3A_379 : memref<1x128xi32, #tpu.memory_space<vmem>> -> memref<128xi32, #tpu.memory_space<vmem>>
      %dma_start3A_381 = arith.constant 0 : i32
      %dma_start3A_382 = arith.constant 0 : i32
      %dma_start3A_383 = tpu.memref_slice %arg25[%dma_start3A_381, %dma_start3A_382] : memref<10240x16xf32, #tpu.memory_space<vmem_shared>> -> memref<10240x16xf32, #tpu.memory_space<vmem_shared>>
      tpu.enqueue_indirect_dma source(%arg23 : memref<128x16xf32, #tpu.memory_space<vmem>>) target(%dma_start3A_383 : memref<10240x16xf32, #tpu.memory_space<vmem_shared>>) offsets(%dma_start3A_380 : memref<128xi32, #tpu.memory_space<vmem>>) semaphore(%arg41 : memref<!tpu.dma_semaphore, #tpu.memory_space<semaphore_mem>>) {add = true}
      %mul3A_384 = arith.constant 16 : i32
      %mul3A_385 = arith.muli %scan3A_129, %mul3A_384 : i32
      %add3A_386 = arith.constant 0 : i32
      %add3A_387 = arith.addi %mul3A_385, %add3A_386 : i32
      %dma_wait3A_388 = arith.constant 0 : i32
      %dma_wait3A_389 = tpu.memref_slice %arg7[%add3A_387, %dma_wait3A_388] : memref<80x128xi32, #tpu.memory_space<vmem>> -> memref<1x128xi32, #tpu.memory_space<vmem>>
      %dma_wait3A_390 = tpu.memref_squeeze %dma_wait3A_389 : memref<1x128xi32, #tpu.memory_space<vmem>> -> memref<128xi32, #tpu.memory_space<vmem>>
      %dma_wait3A_391 = arith.constant 0 : i32
      %dma_wait3A_392 = arith.constant 0 : i32
      %dma_wait3A_393 = tpu.memref_slice %arg25[%dma_wait3A_391, %dma_wait3A_392] : memref<10240x16xf32, #tpu.memory_space<vmem_shared>> -> memref<10240x16xf32, #tpu.memory_space<vmem_shared>>
      tpu.wait_indirect_dma semaphore(%arg26 : memref<!tpu.dma_semaphore, #tpu.memory_space<semaphore_mem>>) src(%arg8 : memref<128x16xf32, #tpu.memory_space<vmem>>) dst(%dma_wait3A_393 : memref<10240x16xf32, #tpu.memory_space<vmem_shared>>)
      %lt3A = arith.constant 4 : i32
      %lt3A_394 = arith.cmpi slt, %scan3A_129, %lt3A : i32
      %convert_element_type3A_395 = arith.extui %lt3A_394 : i1 to i32
      %cond3A_396 = arith.constant 0 : i32
      %cond3A_397 = arith.cmpi ne, %convert_element_type3A_395, %cond3A_396 : i32
      scf.if %cond3A_397 {
        %add3A_623 = arith.constant 1 : i32
        %add3A_624 = arith.addi %scan3A_129, %add3A_623 : i32
        %mul3A_625 = arith.constant 16 : i32
        %mul3A_626 = arith.muli %add3A_624, %mul3A_625 : i32
        %add3A_627 = arith.constant 0 : i32
        %add3A_628 = arith.addi %mul3A_626, %add3A_627 : i32
        %dma_start3A_629 = arith.constant 0 : i32
        %dma_start3A_630 = tpu.memref_slice %arg6[%add3A_628, %dma_start3A_629] : memref<80x128xi32, #tpu.memory_space<vmem>> -> memref<1x128xi32, #tpu.memory_space<vmem>>
        %dma_start3A_631 = tpu.memref_squeeze %dma_start3A_630 : memref<1x128xi32, #tpu.memory_space<vmem>> -> memref<128xi32, #tpu.memory_space<vmem>>
        %dma_start3A_632 = arith.constant 0 : i32
        %dma_start3A_633 = arith.constant 0 : i32
        %dma_start3A_634 = tpu.memref_slice %arg24[%dma_start3A_632, %dma_start3A_633] : memref<10000x16xf32, #tpu.memory_space<vmem_shared>> -> memref<10000x16xf32, #tpu.memory_space<vmem_shared>>
        tpu.enqueue_indirect_dma source(%dma_start3A_634 : memref<10000x16xf32, #tpu.memory_space<vmem_shared>>) target(%arg8 : memref<128x16xf32, #tpu.memory_space<vmem>>) offsets(%dma_start3A_631 : memref<128xi32, #tpu.memory_space<vmem>>) semaphore(%arg26 : memref<!tpu.dma_semaphore, #tpu.memory_space<semaphore_mem>>)
      } else {
      }
      %mul3A_398 = arith.constant 16 : i32
      %mul3A_399 = arith.muli %scan3A_129, %mul3A_398 : i32
      %add3A_400 = arith.constant 1 : i32
      %add3A_401 = arith.addi %mul3A_399, %add3A_400 : i32
      %dma_wait3A_402 = arith.constant 0 : i32
      %dma_wait3A_403 = tpu.memref_slice %arg7[%add3A_401, %dma_wait3A_402] : memref<80x128xi32, #tpu.memory_space<vmem>> -> memref<1x128xi32, #tpu.memory_space<vmem>>
      %dma_wait3A_404 = tpu.memref_squeeze %dma_wait3A_403 : memref<1x128xi32, #tpu.memory_space<vmem>> -> memref<128xi32, #tpu.memory_space<vmem>>
      %dma_wait3A_405 = arith.constant 0 : i32
      %dma_wait3A_406 = arith.constant 0 : i32
      %dma_wait3A_407 = tpu.memref_slice %arg25[%dma_wait3A_405, %dma_wait3A_406] : memref<10240x16xf32, #tpu.memory_space<vmem_shared>> -> memref<10240x16xf32, #tpu.memory_space<vmem_shared>>
      tpu.wait_indirect_dma semaphore(%arg27 : memref<!tpu.dma_semaphore, #tpu.memory_space<semaphore_mem>>) src(%arg9 : memref<128x16xf32, #tpu.memory_space<vmem>>) dst(%dma_wait3A_407 : memref<10240x16xf32, #tpu.memory_space<vmem_shared>>)
      %lt3A_408 = arith.constant 4 : i32
      %lt3A_409 = arith.cmpi slt, %scan3A_129, %lt3A_408 : i32
      %convert_element_type3A_410 = arith.extui %lt3A_409 : i1 to i32
      %cond3A_411 = arith.constant 0 : i32
      %cond3A_412 = arith.cmpi ne, %convert_element_type3A_410, %cond3A_411 : i32
      scf.if %cond3A_412 {
        %add3A_623 = arith.constant 1 : i32
        %add3A_624 = arith.addi %scan3A_129, %add3A_623 : i32
        %mul3A_625 = arith.constant 16 : i32
        %mul3A_626 = arith.muli %add3A_624, %mul3A_625 : i32
        %add3A_627 = arith.constant 1 : i32
        %add3A_628 = arith.addi %mul3A_626, %add3A_627 : i32
        %dma_start3A_629 = arith.constant 0 : i32
        %dma_start3A_630 = tpu.memref_slice %arg6[%add3A_628, %dma_start3A_629] : memref<80x128xi32, #tpu.memory_space<vmem>> -> memref<1x128xi32, #tpu.memory_space<vmem>>
        %dma_start3A_631 = tpu.memref_squeeze %dma_start3A_630 : memref<1x128xi32, #tpu.memory_space<vmem>> -> memref<128xi32, #tpu.memory_space<vmem>>
        %dma_start3A_632 = arith.constant 0 : i32
        %dma_start3A_633 = arith.constant 0 : i32
        %dma_start3A_634 = tpu.memref_slice %arg24[%dma_start3A_632, %dma_start3A_633] : memref<10000x16xf32, #tpu.memory_space<vmem_shared>> -> memref<10000x16xf32, #tpu.memory_space<vmem_shared>>
        tpu.enqueue_indirect_dma source(%dma_start3A_634 : memref<10000x16xf32, #tpu.memory_space<vmem_shared>>) target(%arg9 : memref<128x16xf32, #tpu.memory_space<vmem>>) offsets(%dma_start3A_631 : memref<128xi32, #tpu.memory_space<vmem>>) semaphore(%arg27 : memref<!tpu.dma_semaphore, #tpu.memory_space<semaphore_mem>>)
      } else {
      }
      %mul3A_413 = arith.constant 16 : i32
      %mul3A_414 = arith.muli %scan3A_129, %mul3A_413 : i32
      %add3A_415 = arith.constant 2 : i32
      %add3A_416 = arith.addi %mul3A_414, %add3A_415 : i32
      %dma_wait3A_417 = arith.constant 0 : i32
      %dma_wait3A_418 = tpu.memref_slice %arg7[%add3A_416, %dma_wait3A_417] : memref<80x128xi32, #tpu.memory_space<vmem>> -> memref<1x128xi32, #tpu.memory_space<vmem>>
      %dma_wait3A_419 = tpu.memref_squeeze %dma_wait3A_418 : memref<1x128xi32, #tpu.memory_space<vmem>> -> memref<128xi32, #tpu.memory_space<vmem>>
      %dma_wait3A_420 = arith.constant 0 : i32
      %dma_wait3A_421 = arith.constant 0 : i32
      %dma_wait3A_422 = tpu.memref_slice %arg25[%dma_wait3A_420, %dma_wait3A_421] : memref<10240x16xf32, #tpu.memory_space<vmem_shared>> -> memref<10240x16xf32, #tpu.memory_space<vmem_shared>>
      tpu.wait_indirect_dma semaphore(%arg28 : memref<!tpu.dma_semaphore, #tpu.memory_space<semaphore_mem>>) src(%arg10 : memref<128x16xf32, #tpu.memory_space<vmem>>) dst(%dma_wait3A_422 : memref<10240x16xf32, #tpu.memory_space<vmem_shared>>)
      %lt3A_423 = arith.constant 4 : i32
      %lt3A_424 = arith.cmpi slt, %scan3A_129, %lt3A_423 : i32
      %convert_element_type3A_425 = arith.extui %lt3A_424 : i1 to i32
      %cond3A_426 = arith.constant 0 : i32
      %cond3A_427 = arith.cmpi ne, %convert_element_type3A_425, %cond3A_426 : i32
      scf.if %cond3A_427 {
        %add3A_623 = arith.constant 1 : i32
        %add3A_624 = arith.addi %scan3A_129, %add3A_623 : i32
        %mul3A_625 = arith.constant 16 : i32
        %mul3A_626 = arith.muli %add3A_624, %mul3A_625 : i32
        %add3A_627 = arith.constant 2 : i32
        %add3A_628 = arith.addi %mul3A_626, %add3A_627 : i32
        %dma_start3A_629 = arith.constant 0 : i32
        %dma_start3A_630 = tpu.memref_slice %arg6[%add3A_628, %dma_start3A_629] : memref<80x128xi32, #tpu.memory_space<vmem>> -> memref<1x128xi32, #tpu.memory_space<vmem>>
        %dma_start3A_631 = tpu.memref_squeeze %dma_start3A_630 : memref<1x128xi32, #tpu.memory_space<vmem>> -> memref<128xi32, #tpu.memory_space<vmem>>
        %dma_start3A_632 = arith.constant 0 : i32
        %dma_start3A_633 = arith.constant 0 : i32
        %dma_start3A_634 = tpu.memref_slice %arg24[%dma_start3A_632, %dma_start3A_633] : memref<10000x16xf32, #tpu.memory_space<vmem_shared>> -> memref<10000x16xf32, #tpu.memory_space<vmem_shared>>
        tpu.enqueue_indirect_dma source(%dma_start3A_634 : memref<10000x16xf32, #tpu.memory_space<vmem_shared>>) target(%arg10 : memref<128x16xf32, #tpu.memory_space<vmem>>) offsets(%dma_start3A_631 : memref<128xi32, #tpu.memory_space<vmem>>) semaphore(%arg28 : memref<!tpu.dma_semaphore, #tpu.memory_space<semaphore_mem>>)
      } else {
      }
      %mul3A_428 = arith.constant 16 : i32
      %mul3A_429 = arith.muli %scan3A_129, %mul3A_428 : i32
      %add3A_430 = arith.constant 3 : i32
      %add3A_431 = arith.addi %mul3A_429, %add3A_430 : i32
      %dma_wait3A_432 = arith.constant 0 : i32
      %dma_wait3A_433 = tpu.memref_slice %arg7[%add3A_431, %dma_wait3A_432] : memref<80x128xi32, #tpu.memory_space<vmem>> -> memref<1x128xi32, #tpu.memory_space<vmem>>
      %dma_wait3A_434 = tpu.memref_squeeze %dma_wait3A_433 : memref<1x128xi32, #tpu.memory_space<vmem>> -> memref<128xi32, #tpu.memory_space<vmem>>
      %dma_wait3A_435 = arith.constant 0 : i32
      %dma_wait3A_436 = arith.constant 0 : i32
      %dma_wait3A_437 = tpu.memref_slice %arg25[%dma_wait3A_435, %dma_wait3A_436] : memref<10240x16xf32, #tpu.memory_space<vmem_shared>> -> memref<10240x16xf32, #tpu.memory_space<vmem_shared>>
      tpu.wait_indirect_dma semaphore(%arg29 : memref<!tpu.dma_semaphore, #tpu.memory_space<semaphore_mem>>) src(%arg11 : memref<128x16xf32, #tpu.memory_space<vmem>>) dst(%dma_wait3A_437 : memref<10240x16xf32, #tpu.memory_space<vmem_shared>>)
      %lt3A_438 = arith.constant 4 : i32
      %lt3A_439 = arith.cmpi slt, %scan3A_129, %lt3A_438 : i32
      %convert_element_type3A_440 = arith.extui %lt3A_439 : i1 to i32
      %cond3A_441 = arith.constant 0 : i32
      %cond3A_442 = arith.cmpi ne, %convert_element_type3A_440, %cond3A_441 : i32
      scf.if %cond3A_442 {
        %add3A_623 = arith.constant 1 : i32
        %add3A_624 = arith.addi %scan3A_129, %add3A_623 : i32
        %mul3A_625 = arith.constant 16 : i32
        %mul3A_626 = arith.muli %add3A_624, %mul3A_625 : i32
        %add3A_627 = arith.constant 3 : i32
        %add3A_628 = arith.addi %mul3A_626, %add3A_627 : i32
        %dma_start3A_629 = arith.constant 0 : i32
        %dma_start3A_630 = tpu.memref_slice %arg6[%add3A_628, %dma_start3A_629] : memref<80x128xi32, #tpu.memory_space<vmem>> -> memref<1x128xi32, #tpu.memory_space<vmem>>
        %dma_start3A_631 = tpu.memref_squeeze %dma_start3A_630 : memref<1x128xi32, #tpu.memory_space<vmem>> -> memref<128xi32, #tpu.memory_space<vmem>>
        %dma_start3A_632 = arith.constant 0 : i32
        %dma_start3A_633 = arith.constant 0 : i32
        %dma_start3A_634 = tpu.memref_slice %arg24[%dma_start3A_632, %dma_start3A_633] : memref<10000x16xf32, #tpu.memory_space<vmem_shared>> -> memref<10000x16xf32, #tpu.memory_space<vmem_shared>>
        tpu.enqueue_indirect_dma source(%dma_start3A_634 : memref<10000x16xf32, #tpu.memory_space<vmem_shared>>) target(%arg11 : memref<128x16xf32, #tpu.memory_space<vmem>>) offsets(%dma_start3A_631 : memref<128xi32, #tpu.memory_space<vmem>>) semaphore(%arg29 : memref<!tpu.dma_semaphore, #tpu.memory_space<semaphore_mem>>)
      } else {
      }
      %mul3A_443 = arith.constant 16 : i32
      %mul3A_444 = arith.muli %scan3A_129, %mul3A_443 : i32
      %add3A_445 = arith.constant 4 : i32
      %add3A_446 = arith.addi %mul3A_444, %add3A_445 : i32
      %dma_wait3A_447 = arith.constant 0 : i32
      %dma_wait3A_448 = tpu.memref_slice %arg7[%add3A_446, %dma_wait3A_447] : memref<80x128xi32, #tpu.memory_space<vmem>> -> memref<1x128xi32, #tpu.memory_space<vmem>>
      %dma_wait3A_449 = tpu.memref_squeeze %dma_wait3A_448 : memref<1x128xi32, #tpu.memory_space<vmem>> -> memref<128xi32, #tpu.memory_space<vmem>>
      %dma_wait3A_450 = arith.constant 0 : i32
      %dma_wait3A_451 = arith.constant 0 : i32
      %dma_wait3A_452 = tpu.memref_slice %arg25[%dma_wait3A_450, %dma_wait3A_451] : memref<10240x16xf32, #tpu.memory_space<vmem_shared>> -> memref<10240x16xf32, #tpu.memory_space<vmem_shared>>
      tpu.wait_indirect_dma semaphore(%arg30 : memref<!tpu.dma_semaphore, #tpu.memory_space<semaphore_mem>>) src(%arg12 : memref<128x16xf32, #tpu.memory_space<vmem>>) dst(%dma_wait3A_452 : memref<10240x16xf32, #tpu.memory_space<vmem_shared>>)
      %lt3A_453 = arith.constant 4 : i32
      %lt3A_454 = arith.cmpi slt, %scan3A_129, %lt3A_453 : i32
      %convert_element_type3A_455 = arith.extui %lt3A_454 : i1 to i32
      %cond3A_456 = arith.constant 0 : i32
      %cond3A_457 = arith.cmpi ne, %convert_element_type3A_455, %cond3A_456 : i32
      scf.if %cond3A_457 {
        %add3A_623 = arith.constant 1 : i32
        %add3A_624 = arith.addi %scan3A_129, %add3A_623 : i32
        %mul3A_625 = arith.constant 16 : i32
        %mul3A_626 = arith.muli %add3A_624, %mul3A_625 : i32
        %add3A_627 = arith.constant 4 : i32
        %add3A_628 = arith.addi %mul3A_626, %add3A_627 : i32
        %dma_start3A_629 = arith.constant 0 : i32
        %dma_start3A_630 = tpu.memref_slice %arg6[%add3A_628, %dma_start3A_629] : memref<80x128xi32, #tpu.memory_space<vmem>> -> memref<1x128xi32, #tpu.memory_space<vmem>>
        %dma_start3A_631 = tpu.memref_squeeze %dma_start3A_630 : memref<1x128xi32, #tpu.memory_space<vmem>> -> memref<128xi32, #tpu.memory_space<vmem>>
        %dma_start3A_632 = arith.constant 0 : i32
        %dma_start3A_633 = arith.constant 0 : i32
        %dma_start3A_634 = tpu.memref_slice %arg24[%dma_start3A_632, %dma_start3A_633] : memref<10000x16xf32, #tpu.memory_space<vmem_shared>> -> memref<10000x16xf32, #tpu.memory_space<vmem_shared>>
        tpu.enqueue_indirect_dma source(%dma_start3A_634 : memref<10000x16xf32, #tpu.memory_space<vmem_shared>>) target(%arg12 : memref<128x16xf32, #tpu.memory_space<vmem>>) offsets(%dma_start3A_631 : memref<128xi32, #tpu.memory_space<vmem>>) semaphore(%arg30 : memref<!tpu.dma_semaphore, #tpu.memory_space<semaphore_mem>>)
      } else {
      }
      %mul3A_458 = arith.constant 16 : i32
      %mul3A_459 = arith.muli %scan3A_129, %mul3A_458 : i32
      %add3A_460 = arith.constant 5 : i32
      %add3A_461 = arith.addi %mul3A_459, %add3A_460 : i32
      %dma_wait3A_462 = arith.constant 0 : i32
      %dma_wait3A_463 = tpu.memref_slice %arg7[%add3A_461, %dma_wait3A_462] : memref<80x128xi32, #tpu.memory_space<vmem>> -> memref<1x128xi32, #tpu.memory_space<vmem>>
      %dma_wait3A_464 = tpu.memref_squeeze %dma_wait3A_463 : memref<1x128xi32, #tpu.memory_space<vmem>> -> memref<128xi32, #tpu.memory_space<vmem>>
      %dma_wait3A_465 = arith.constant 0 : i32
      %dma_wait3A_466 = arith.constant 0 : i32
      %dma_wait3A_467 = tpu.memref_slice %arg25[%dma_wait3A_465, %dma_wait3A_466] : memref<10240x16xf32, #tpu.memory_space<vmem_shared>> -> memref<10240x16xf32, #tpu.memory_space<vmem_shared>>
      tpu.wait_indirect_dma semaphore(%arg31 : memref<!tpu.dma_semaphore, #tpu.memory_space<semaphore_mem>>) src(%arg13 : memref<128x16xf32, #tpu.memory_space<vmem>>) dst(%dma_wait3A_467 : memref<10240x16xf32, #tpu.memory_space<vmem_shared>>)
      %lt3A_468 = arith.constant 4 : i32
      %lt3A_469 = arith.cmpi slt, %scan3A_129, %lt3A_468 : i32
      %convert_element_type3A_470 = arith.extui %lt3A_469 : i1 to i32
      %cond3A_471 = arith.constant 0 : i32
      %cond3A_472 = arith.cmpi ne, %convert_element_type3A_470, %cond3A_471 : i32
      scf.if %cond3A_472 {
        %add3A_623 = arith.constant 1 : i32
        %add3A_624 = arith.addi %scan3A_129, %add3A_623 : i32
        %mul3A_625 = arith.constant 16 : i32
        %mul3A_626 = arith.muli %add3A_624, %mul3A_625 : i32
        %add3A_627 = arith.constant 5 : i32
        %add3A_628 = arith.addi %mul3A_626, %add3A_627 : i32
        %dma_start3A_629 = arith.constant 0 : i32
        %dma_start3A_630 = tpu.memref_slice %arg6[%add3A_628, %dma_start3A_629] : memref<80x128xi32, #tpu.memory_space<vmem>> -> memref<1x128xi32, #tpu.memory_space<vmem>>
        %dma_start3A_631 = tpu.memref_squeeze %dma_start3A_630 : memref<1x128xi32, #tpu.memory_space<vmem>> -> memref<128xi32, #tpu.memory_space<vmem>>
        %dma_start3A_632 = arith.constant 0 : i32
        %dma_start3A_633 = arith.constant 0 : i32
        %dma_start3A_634 = tpu.memref_slice %arg24[%dma_start3A_632, %dma_start3A_633] : memref<10000x16xf32, #tpu.memory_space<vmem_shared>> -> memref<10000x16xf32, #tpu.memory_space<vmem_shared>>
        tpu.enqueue_indirect_dma source(%dma_start3A_634 : memref<10000x16xf32, #tpu.memory_space<vmem_shared>>) target(%arg13 : memref<128x16xf32, #tpu.memory_space<vmem>>) offsets(%dma_start3A_631 : memref<128xi32, #tpu.memory_space<vmem>>) semaphore(%arg31 : memref<!tpu.dma_semaphore, #tpu.memory_space<semaphore_mem>>)
      } else {
      }
      %mul3A_473 = arith.constant 16 : i32
      %mul3A_474 = arith.muli %scan3A_129, %mul3A_473 : i32
      %add3A_475 = arith.constant 6 : i32
      %add3A_476 = arith.addi %mul3A_474, %add3A_475 : i32
      %dma_wait3A_477 = arith.constant 0 : i32
      %dma_wait3A_478 = tpu.memref_slice %arg7[%add3A_476, %dma_wait3A_477] : memref<80x128xi32, #tpu.memory_space<vmem>> -> memref<1x128xi32, #tpu.memory_space<vmem>>
      %dma_wait3A_479 = tpu.memref_squeeze %dma_wait3A_478 : memref<1x128xi32, #tpu.memory_space<vmem>> -> memref<128xi32, #tpu.memory_space<vmem>>
      %dma_wait3A_480 = arith.constant 0 : i32
      %dma_wait3A_481 = arith.constant 0 : i32
      %dma_wait3A_482 = tpu.memref_slice %arg25[%dma_wait3A_480, %dma_wait3A_481] : memref<10240x16xf32, #tpu.memory_space<vmem_shared>> -> memref<10240x16xf32, #tpu.memory_space<vmem_shared>>
      tpu.wait_indirect_dma semaphore(%arg32 : memref<!tpu.dma_semaphore, #tpu.memory_space<semaphore_mem>>) src(%arg14 : memref<128x16xf32, #tpu.memory_space<vmem>>) dst(%dma_wait3A_482 : memref<10240x16xf32, #tpu.memory_space<vmem_shared>>)
      %lt3A_483 = arith.constant 4 : i32
      %lt3A_484 = arith.cmpi slt, %scan3A_129, %lt3A_483 : i32
      %convert_element_type3A_485 = arith.extui %lt3A_484 : i1 to i32
      %cond3A_486 = arith.constant 0 : i32
      %cond3A_487 = arith.cmpi ne, %convert_element_type3A_485, %cond3A_486 : i32
      scf.if %cond3A_487 {
        %add3A_623 = arith.constant 1 : i32
        %add3A_624 = arith.addi %scan3A_129, %add3A_623 : i32
        %mul3A_625 = arith.constant 16 : i32
        %mul3A_626 = arith.muli %add3A_624, %mul3A_625 : i32
        %add3A_627 = arith.constant 6 : i32
        %add3A_628 = arith.addi %mul3A_626, %add3A_627 : i32
        %dma_start3A_629 = arith.constant 0 : i32
        %dma_start3A_630 = tpu.memref_slice %arg6[%add3A_628, %dma_start3A_629] : memref<80x128xi32, #tpu.memory_space<vmem>> -> memref<1x128xi32, #tpu.memory_space<vmem>>
        %dma_start3A_631 = tpu.memref_squeeze %dma_start3A_630 : memref<1x128xi32, #tpu.memory_space<vmem>> -> memref<128xi32, #tpu.memory_space<vmem>>
        %dma_start3A_632 = arith.constant 0 : i32
        %dma_start3A_633 = arith.constant 0 : i32
        %dma_start3A_634 = tpu.memref_slice %arg24[%dma_start3A_632, %dma_start3A_633] : memref<10000x16xf32, #tpu.memory_space<vmem_shared>> -> memref<10000x16xf32, #tpu.memory_space<vmem_shared>>
        tpu.enqueue_indirect_dma source(%dma_start3A_634 : memref<10000x16xf32, #tpu.memory_space<vmem_shared>>) target(%arg14 : memref<128x16xf32, #tpu.memory_space<vmem>>) offsets(%dma_start3A_631 : memref<128xi32, #tpu.memory_space<vmem>>) semaphore(%arg32 : memref<!tpu.dma_semaphore, #tpu.memory_space<semaphore_mem>>)
      } else {
      }
      %mul3A_488 = arith.constant 16 : i32
      %mul3A_489 = arith.muli %scan3A_129, %mul3A_488 : i32
      %add3A_490 = arith.constant 7 : i32
      %add3A_491 = arith.addi %mul3A_489, %add3A_490 : i32
      %dma_wait3A_492 = arith.constant 0 : i32
      %dma_wait3A_493 = tpu.memref_slice %arg7[%add3A_491, %dma_wait3A_492] : memref<80x128xi32, #tpu.memory_space<vmem>> -> memref<1x128xi32, #tpu.memory_space<vmem>>
      %dma_wait3A_494 = tpu.memref_squeeze %dma_wait3A_493 : memref<1x128xi32, #tpu.memory_space<vmem>> -> memref<128xi32, #tpu.memory_space<vmem>>
      %dma_wait3A_495 = arith.constant 0 : i32
      %dma_wait3A_496 = arith.constant 0 : i32
      %dma_wait3A_497 = tpu.memref_slice %arg25[%dma_wait3A_495, %dma_wait3A_496] : memref<10240x16xf32, #tpu.memory_space<vmem_shared>> -> memref<10240x16xf32, #tpu.memory_space<vmem_shared>>
      tpu.wait_indirect_dma semaphore(%arg33 : memref<!tpu.dma_semaphore, #tpu.memory_space<semaphore_mem>>) src(%arg15 : memref<128x16xf32, #tpu.memory_space<vmem>>) dst(%dma_wait3A_497 : memref<10240x16xf32, #tpu.memory_space<vmem_shared>>)
      %lt3A_498 = arith.constant 4 : i32
      %lt3A_499 = arith.cmpi slt, %scan3A_129, %lt3A_498 : i32
      %convert_element_type3A_500 = arith.extui %lt3A_499 : i1 to i32
      %cond3A_501 = arith.constant 0 : i32
      %cond3A_502 = arith.cmpi ne, %convert_element_type3A_500, %cond3A_501 : i32
      scf.if %cond3A_502 {
        %add3A_623 = arith.constant 1 : i32
        %add3A_624 = arith.addi %scan3A_129, %add3A_623 : i32
        %mul3A_625 = arith.constant 16 : i32
        %mul3A_626 = arith.muli %add3A_624, %mul3A_625 : i32
        %add3A_627 = arith.constant 7 : i32
        %add3A_628 = arith.addi %mul3A_626, %add3A_627 : i32
        %dma_start3A_629 = arith.constant 0 : i32
        %dma_start3A_630 = tpu.memref_slice %arg6[%add3A_628, %dma_start3A_629] : memref<80x128xi32, #tpu.memory_space<vmem>> -> memref<1x128xi32, #tpu.memory_space<vmem>>
        %dma_start3A_631 = tpu.memref_squeeze %dma_start3A_630 : memref<1x128xi32, #tpu.memory_space<vmem>> -> memref<128xi32, #tpu.memory_space<vmem>>
        %dma_start3A_632 = arith.constant 0 : i32
        %dma_start3A_633 = arith.constant 0 : i32
        %dma_start3A_634 = tpu.memref_slice %arg24[%dma_start3A_632, %dma_start3A_633] : memref<10000x16xf32, #tpu.memory_space<vmem_shared>> -> memref<10000x16xf32, #tpu.memory_space<vmem_shared>>
        tpu.enqueue_indirect_dma source(%dma_start3A_634 : memref<10000x16xf32, #tpu.memory_space<vmem_shared>>) target(%arg15 : memref<128x16xf32, #tpu.memory_space<vmem>>) offsets(%dma_start3A_631 : memref<128xi32, #tpu.memory_space<vmem>>) semaphore(%arg33 : memref<!tpu.dma_semaphore, #tpu.memory_space<semaphore_mem>>)
      } else {
      }
      %mul3A_503 = arith.constant 16 : i32
      %mul3A_504 = arith.muli %scan3A_129, %mul3A_503 : i32
      %add3A_505 = arith.constant 8 : i32
      %add3A_506 = arith.addi %mul3A_504, %add3A_505 : i32
      %dma_wait3A_507 = arith.constant 0 : i32
      %dma_wait3A_508 = tpu.memref_slice %arg7[%add3A_506, %dma_wait3A_507] : memref<80x128xi32, #tpu.memory_space<vmem>> -> memref<1x128xi32, #tpu.memory_space<vmem>>
      %dma_wait3A_509 = tpu.memref_squeeze %dma_wait3A_508 : memref<1x128xi32, #tpu.memory_space<vmem>> -> memref<128xi32, #tpu.memory_space<vmem>>
      %dma_wait3A_510 = arith.constant 0 : i32
      %dma_wait3A_511 = arith.constant 0 : i32
      %dma_wait3A_512 = tpu.memref_slice %arg25[%dma_wait3A_510, %dma_wait3A_511] : memref<10240x16xf32, #tpu.memory_space<vmem_shared>> -> memref<10240x16xf32, #tpu.memory_space<vmem_shared>>
      tpu.wait_indirect_dma semaphore(%arg34 : memref<!tpu.dma_semaphore, #tpu.memory_space<semaphore_mem>>) src(%arg16 : memref<128x16xf32, #tpu.memory_space<vmem>>) dst(%dma_wait3A_512 : memref<10240x16xf32, #tpu.memory_space<vmem_shared>>)
      %lt3A_513 = arith.constant 4 : i32
      %lt3A_514 = arith.cmpi slt, %scan3A_129, %lt3A_513 : i32
      %convert_element_type3A_515 = arith.extui %lt3A_514 : i1 to i32
      %cond3A_516 = arith.constant 0 : i32
      %cond3A_517 = arith.cmpi ne, %convert_element_type3A_515, %cond3A_516 : i32
      scf.if %cond3A_517 {
        %add3A_623 = arith.constant 1 : i32
        %add3A_624 = arith.addi %scan3A_129, %add3A_623 : i32
        %mul3A_625 = arith.constant 16 : i32
        %mul3A_626 = arith.muli %add3A_624, %mul3A_625 : i32
        %add3A_627 = arith.constant 8 : i32
        %add3A_628 = arith.addi %mul3A_626, %add3A_627 : i32
        %dma_start3A_629 = arith.constant 0 : i32
        %dma_start3A_630 = tpu.memref_slice %arg6[%add3A_628, %dma_start3A_629] : memref<80x128xi32, #tpu.memory_space<vmem>> -> memref<1x128xi32, #tpu.memory_space<vmem>>
        %dma_start3A_631 = tpu.memref_squeeze %dma_start3A_630 : memref<1x128xi32, #tpu.memory_space<vmem>> -> memref<128xi32, #tpu.memory_space<vmem>>
        %dma_start3A_632 = arith.constant 0 : i32
        %dma_start3A_633 = arith.constant 0 : i32
        %dma_start3A_634 = tpu.memref_slice %arg24[%dma_start3A_632, %dma_start3A_633] : memref<10000x16xf32, #tpu.memory_space<vmem_shared>> -> memref<10000x16xf32, #tpu.memory_space<vmem_shared>>
        tpu.enqueue_indirect_dma source(%dma_start3A_634 : memref<10000x16xf32, #tpu.memory_space<vmem_shared>>) target(%arg16 : memref<128x16xf32, #tpu.memory_space<vmem>>) offsets(%dma_start3A_631 : memref<128xi32, #tpu.memory_space<vmem>>) semaphore(%arg34 : memref<!tpu.dma_semaphore, #tpu.memory_space<semaphore_mem>>)
      } else {
      }
      %mul3A_518 = arith.constant 16 : i32
      %mul3A_519 = arith.muli %scan3A_129, %mul3A_518 : i32
      %add3A_520 = arith.constant 9 : i32
      %add3A_521 = arith.addi %mul3A_519, %add3A_520 : i32
      %dma_wait3A_522 = arith.constant 0 : i32
      %dma_wait3A_523 = tpu.memref_slice %arg7[%add3A_521, %dma_wait3A_522] : memref<80x128xi32, #tpu.memory_space<vmem>> -> memref<1x128xi32, #tpu.memory_space<vmem>>
      %dma_wait3A_524 = tpu.memref_squeeze %dma_wait3A_523 : memref<1x128xi32, #tpu.memory_space<vmem>> -> memref<128xi32, #tpu.memory_space<vmem>>
      %dma_wait3A_525 = arith.constant 0 : i32
      %dma_wait3A_526 = arith.constant 0 : i32
      %dma_wait3A_527 = tpu.memref_slice %arg25[%dma_wait3A_525, %dma_wait3A_526] : memref<10240x16xf32, #tpu.memory_space<vmem_shared>> -> memref<10240x16xf32, #tpu.memory_space<vmem_shared>>
      tpu.wait_indirect_dma semaphore(%arg35 : memref<!tpu.dma_semaphore, #tpu.memory_space<semaphore_mem>>) src(%arg17 : memref<128x16xf32, #tpu.memory_space<vmem>>) dst(%dma_wait3A_527 : memref<10240x16xf32, #tpu.memory_space<vmem_shared>>)
      %lt3A_528 = arith.constant 4 : i32
      %lt3A_529 = arith.cmpi slt, %scan3A_129, %lt3A_528 : i32
      %convert_element_type3A_530 = arith.extui %lt3A_529 : i1 to i32
      %cond3A_531 = arith.constant 0 : i32
      %cond3A_532 = arith.cmpi ne, %convert_element_type3A_530, %cond3A_531 : i32
      scf.if %cond3A_532 {
        %add3A_623 = arith.constant 1 : i32
        %add3A_624 = arith.addi %scan3A_129, %add3A_623 : i32
        %mul3A_625 = arith.constant 16 : i32
        %mul3A_626 = arith.muli %add3A_624, %mul3A_625 : i32
        %add3A_627 = arith.constant 9 : i32
        %add3A_628 = arith.addi %mul3A_626, %add3A_627 : i32
        %dma_start3A_629 = arith.constant 0 : i32
        %dma_start3A_630 = tpu.memref_slice %arg6[%add3A_628, %dma_start3A_629] : memref<80x128xi32, #tpu.memory_space<vmem>> -> memref<1x128xi32, #tpu.memory_space<vmem>>
        %dma_start3A_631 = tpu.memref_squeeze %dma_start3A_630 : memref<1x128xi32, #tpu.memory_space<vmem>> -> memref<128xi32, #tpu.memory_space<vmem>>
        %dma_start3A_632 = arith.constant 0 : i32
        %dma_start3A_633 = arith.constant 0 : i32
        %dma_start3A_634 = tpu.memref_slice %arg24[%dma_start3A_632, %dma_start3A_633] : memref<10000x16xf32, #tpu.memory_space<vmem_shared>> -> memref<10000x16xf32, #tpu.memory_space<vmem_shared>>
        tpu.enqueue_indirect_dma source(%dma_start3A_634 : memref<10000x16xf32, #tpu.memory_space<vmem_shared>>) target(%arg17 : memref<128x16xf32, #tpu.memory_space<vmem>>) offsets(%dma_start3A_631 : memref<128xi32, #tpu.memory_space<vmem>>) semaphore(%arg35 : memref<!tpu.dma_semaphore, #tpu.memory_space<semaphore_mem>>)
      } else {
      }
      %mul3A_533 = arith.constant 16 : i32
      %mul3A_534 = arith.muli %scan3A_129, %mul3A_533 : i32
      %add3A_535 = arith.constant 10 : i32
      %add3A_536 = arith.addi %mul3A_534, %add3A_535 : i32
      %dma_wait3A_537 = arith.constant 0 : i32
      %dma_wait3A_538 = tpu.memref_slice %arg7[%add3A_536, %dma_wait3A_537] : memref<80x128xi32, #tpu.memory_space<vmem>> -> memref<1x128xi32, #tpu.memory_space<vmem>>
      %dma_wait3A_539 = tpu.memref_squeeze %dma_wait3A_538 : memref<1x128xi32, #tpu.memory_space<vmem>> -> memref<128xi32, #tpu.memory_space<vmem>>
      %dma_wait3A_540 = arith.constant 0 : i32
      %dma_wait3A_541 = arith.constant 0 : i32
      %dma_wait3A_542 = tpu.memref_slice %arg25[%dma_wait3A_540, %dma_wait3A_541] : memref<10240x16xf32, #tpu.memory_space<vmem_shared>> -> memref<10240x16xf32, #tpu.memory_space<vmem_shared>>
      tpu.wait_indirect_dma semaphore(%arg36 : memref<!tpu.dma_semaphore, #tpu.memory_space<semaphore_mem>>) src(%arg18 : memref<128x16xf32, #tpu.memory_space<vmem>>) dst(%dma_wait3A_542 : memref<10240x16xf32, #tpu.memory_space<vmem_shared>>)
      %lt3A_543 = arith.constant 4 : i32
      %lt3A_544 = arith.cmpi slt, %scan3A_129, %lt3A_543 : i32
      %convert_element_type3A_545 = arith.extui %lt3A_544 : i1 to i32
      %cond3A_546 = arith.constant 0 : i32
      %cond3A_547 = arith.cmpi ne, %convert_element_type3A_545, %cond3A_546 : i32
      scf.if %cond3A_547 {
        %add3A_623 = arith.constant 1 : i32
        %add3A_624 = arith.addi %scan3A_129, %add3A_623 : i32
        %mul3A_625 = arith.constant 16 : i32
        %mul3A_626 = arith.muli %add3A_624, %mul3A_625 : i32
        %add3A_627 = arith.constant 10 : i32
        %add3A_628 = arith.addi %mul3A_626, %add3A_627 : i32
        %dma_start3A_629 = arith.constant 0 : i32
        %dma_start3A_630 = tpu.memref_slice %arg6[%add3A_628, %dma_start3A_629] : memref<80x128xi32, #tpu.memory_space<vmem>> -> memref<1x128xi32, #tpu.memory_space<vmem>>
        %dma_start3A_631 = tpu.memref_squeeze %dma_start3A_630 : memref<1x128xi32, #tpu.memory_space<vmem>> -> memref<128xi32, #tpu.memory_space<vmem>>
        %dma_start3A_632 = arith.constant 0 : i32
        %dma_start3A_633 = arith.constant 0 : i32
        %dma_start3A_634 = tpu.memref_slice %arg24[%dma_start3A_632, %dma_start3A_633] : memref<10000x16xf32, #tpu.memory_space<vmem_shared>> -> memref<10000x16xf32, #tpu.memory_space<vmem_shared>>
        tpu.enqueue_indirect_dma source(%dma_start3A_634 : memref<10000x16xf32, #tpu.memory_space<vmem_shared>>) target(%arg18 : memref<128x16xf32, #tpu.memory_space<vmem>>) offsets(%dma_start3A_631 : memref<128xi32, #tpu.memory_space<vmem>>) semaphore(%arg36 : memref<!tpu.dma_semaphore, #tpu.memory_space<semaphore_mem>>)
      } else {
      }
      %mul3A_548 = arith.constant 16 : i32
      %mul3A_549 = arith.muli %scan3A_129, %mul3A_548 : i32
      %add3A_550 = arith.constant 11 : i32
      %add3A_551 = arith.addi %mul3A_549, %add3A_550 : i32
      %dma_wait3A_552 = arith.constant 0 : i32
      %dma_wait3A_553 = tpu.memref_slice %arg7[%add3A_551, %dma_wait3A_552] : memref<80x128xi32, #tpu.memory_space<vmem>> -> memref<1x128xi32, #tpu.memory_space<vmem>>
      %dma_wait3A_554 = tpu.memref_squeeze %dma_wait3A_553 : memref<1x128xi32, #tpu.memory_space<vmem>> -> memref<128xi32, #tpu.memory_space<vmem>>
      %dma_wait3A_555 = arith.constant 0 : i32
      %dma_wait3A_556 = arith.constant 0 : i32
      %dma_wait3A_557 = tpu.memref_slice %arg25[%dma_wait3A_555, %dma_wait3A_556] : memref<10240x16xf32, #tpu.memory_space<vmem_shared>> -> memref<10240x16xf32, #tpu.memory_space<vmem_shared>>
      tpu.wait_indirect_dma semaphore(%arg37 : memref<!tpu.dma_semaphore, #tpu.memory_space<semaphore_mem>>) src(%arg19 : memref<128x16xf32, #tpu.memory_space<vmem>>) dst(%dma_wait3A_557 : memref<10240x16xf32, #tpu.memory_space<vmem_shared>>)
      %lt3A_558 = arith.constant 4 : i32
      %lt3A_559 = arith.cmpi slt, %scan3A_129, %lt3A_558 : i32
      %convert_element_type3A_560 = arith.extui %lt3A_559 : i1 to i32
      %cond3A_561 = arith.constant 0 : i32
      %cond3A_562 = arith.cmpi ne, %convert_element_type3A_560, %cond3A_561 : i32
      scf.if %cond3A_562 {
        %add3A_623 = arith.constant 1 : i32
        %add3A_624 = arith.addi %scan3A_129, %add3A_623 : i32
        %mul3A_625 = arith.constant 16 : i32
        %mul3A_626 = arith.muli %add3A_624, %mul3A_625 : i32
        %add3A_627 = arith.constant 11 : i32
        %add3A_628 = arith.addi %mul3A_626, %add3A_627 : i32
        %dma_start3A_629 = arith.constant 0 : i32
        %dma_start3A_630 = tpu.memref_slice %arg6[%add3A_628, %dma_start3A_629] : memref<80x128xi32, #tpu.memory_space<vmem>> -> memref<1x128xi32, #tpu.memory_space<vmem>>
        %dma_start3A_631 = tpu.memref_squeeze %dma_start3A_630 : memref<1x128xi32, #tpu.memory_space<vmem>> -> memref<128xi32, #tpu.memory_space<vmem>>
        %dma_start3A_632 = arith.constant 0 : i32
        %dma_start3A_633 = arith.constant 0 : i32
        %dma_start3A_634 = tpu.memref_slice %arg24[%dma_start3A_632, %dma_start3A_633] : memref<10000x16xf32, #tpu.memory_space<vmem_shared>> -> memref<10000x16xf32, #tpu.memory_space<vmem_shared>>
        tpu.enqueue_indirect_dma source(%dma_start3A_634 : memref<10000x16xf32, #tpu.memory_space<vmem_shared>>) target(%arg19 : memref<128x16xf32, #tpu.memory_space<vmem>>) offsets(%dma_start3A_631 : memref<128xi32, #tpu.memory_space<vmem>>) semaphore(%arg37 : memref<!tpu.dma_semaphore, #tpu.memory_space<semaphore_mem>>)
      } else {
      }
      %mul3A_563 = arith.constant 16 : i32
      %mul3A_564 = arith.muli %scan3A_129, %mul3A_563 : i32
      %add3A_565 = arith.constant 12 : i32
      %add3A_566 = arith.addi %mul3A_564, %add3A_565 : i32
      %dma_wait3A_567 = arith.constant 0 : i32
      %dma_wait3A_568 = tpu.memref_slice %arg7[%add3A_566, %dma_wait3A_567] : memref<80x128xi32, #tpu.memory_space<vmem>> -> memref<1x128xi32, #tpu.memory_space<vmem>>
      %dma_wait3A_569 = tpu.memref_squeeze %dma_wait3A_568 : memref<1x128xi32, #tpu.memory_space<vmem>> -> memref<128xi32, #tpu.memory_space<vmem>>
      %dma_wait3A_570 = arith.constant 0 : i32
      %dma_wait3A_571 = arith.constant 0 : i32
      %dma_wait3A_572 = tpu.memref_slice %arg25[%dma_wait3A_570, %dma_wait3A_571] : memref<10240x16xf32, #tpu.memory_space<vmem_shared>> -> memref<10240x16xf32, #tpu.memory_space<vmem_shared>>
      tpu.wait_indirect_dma semaphore(%arg38 : memref<!tpu.dma_semaphore, #tpu.memory_space<semaphore_mem>>) src(%arg20 : memref<128x16xf32, #tpu.memory_space<vmem>>) dst(%dma_wait3A_572 : memref<10240x16xf32, #tpu.memory_space<vmem_shared>>)
      %lt3A_573 = arith.constant 4 : i32
      %lt3A_574 = arith.cmpi slt, %scan3A_129, %lt3A_573 : i32
      %convert_element_type3A_575 = arith.extui %lt3A_574 : i1 to i32
      %cond3A_576 = arith.constant 0 : i32
      %cond3A_577 = arith.cmpi ne, %convert_element_type3A_575, %cond3A_576 : i32
      scf.if %cond3A_577 {
        %add3A_623 = arith.constant 1 : i32
        %add3A_624 = arith.addi %scan3A_129, %add3A_623 : i32
        %mul3A_625 = arith.constant 16 : i32
        %mul3A_626 = arith.muli %add3A_624, %mul3A_625 : i32
        %add3A_627 = arith.constant 12 : i32
        %add3A_628 = arith.addi %mul3A_626, %add3A_627 : i32
        %dma_start3A_629 = arith.constant 0 : i32
        %dma_start3A_630 = tpu.memref_slice %arg6[%add3A_628, %dma_start3A_629] : memref<80x128xi32, #tpu.memory_space<vmem>> -> memref<1x128xi32, #tpu.memory_space<vmem>>
        %dma_start3A_631 = tpu.memref_squeeze %dma_start3A_630 : memref<1x128xi32, #tpu.memory_space<vmem>> -> memref<128xi32, #tpu.memory_space<vmem>>
        %dma_start3A_632 = arith.constant 0 : i32
        %dma_start3A_633 = arith.constant 0 : i32
        %dma_start3A_634 = tpu.memref_slice %arg24[%dma_start3A_632, %dma_start3A_633] : memref<10000x16xf32, #tpu.memory_space<vmem_shared>> -> memref<10000x16xf32, #tpu.memory_space<vmem_shared>>
        tpu.enqueue_indirect_dma source(%dma_start3A_634 : memref<10000x16xf32, #tpu.memory_space<vmem_shared>>) target(%arg20 : memref<128x16xf32, #tpu.memory_space<vmem>>) offsets(%dma_start3A_631 : memref<128xi32, #tpu.memory_space<vmem>>) semaphore(%arg38 : memref<!tpu.dma_semaphore, #tpu.memory_space<semaphore_mem>>)
      } else {
      }
      %mul3A_578 = arith.constant 16 : i32
      %mul3A_579 = arith.muli %scan3A_129, %mul3A_578 : i32
      %add3A_580 = arith.constant 13 : i32
      %add3A_581 = arith.addi %mul3A_579, %add3A_580 : i32
      %dma_wait3A_582 = arith.constant 0 : i32
      %dma_wait3A_583 = tpu.memref_slice %arg7[%add3A_581, %dma_wait3A_582] : memref<80x128xi32, #tpu.memory_space<vmem>> -> memref<1x128xi32, #tpu.memory_space<vmem>>
      %dma_wait3A_584 = tpu.memref_squeeze %dma_wait3A_583 : memref<1x128xi32, #tpu.memory_space<vmem>> -> memref<128xi32, #tpu.memory_space<vmem>>
      %dma_wait3A_585 = arith.constant 0 : i32
      %dma_wait3A_586 = arith.constant 0 : i32
      %dma_wait3A_587 = tpu.memref_slice %arg25[%dma_wait3A_585, %dma_wait3A_586] : memref<10240x16xf32, #tpu.memory_space<vmem_shared>> -> memref<10240x16xf32, #tpu.memory_space<vmem_shared>>
      tpu.wait_indirect_dma semaphore(%arg39 : memref<!tpu.dma_semaphore, #tpu.memory_space<semaphore_mem>>) src(%arg21 : memref<128x16xf32, #tpu.memory_space<vmem>>) dst(%dma_wait3A_587 : memref<10240x16xf32, #tpu.memory_space<vmem_shared>>)
      %lt3A_588 = arith.constant 4 : i32
      %lt3A_589 = arith.cmpi slt, %scan3A_129, %lt3A_588 : i32
      %convert_element_type3A_590 = arith.extui %lt3A_589 : i1 to i32
      %cond3A_591 = arith.constant 0 : i32
      %cond3A_592 = arith.cmpi ne, %convert_element_type3A_590, %cond3A_591 : i32
      scf.if %cond3A_592 {
        %add3A_623 = arith.constant 1 : i32
        %add3A_624 = arith.addi %scan3A_129, %add3A_623 : i32
        %mul3A_625 = arith.constant 16 : i32
        %mul3A_626 = arith.muli %add3A_624, %mul3A_625 : i32
        %add3A_627 = arith.constant 13 : i32
        %add3A_628 = arith.addi %mul3A_626, %add3A_627 : i32
        %dma_start3A_629 = arith.constant 0 : i32
        %dma_start3A_630 = tpu.memref_slice %arg6[%add3A_628, %dma_start3A_629] : memref<80x128xi32, #tpu.memory_space<vmem>> -> memref<1x128xi32, #tpu.memory_space<vmem>>
        %dma_start3A_631 = tpu.memref_squeeze %dma_start3A_630 : memref<1x128xi32, #tpu.memory_space<vmem>> -> memref<128xi32, #tpu.memory_space<vmem>>
        %dma_start3A_632 = arith.constant 0 : i32
        %dma_start3A_633 = arith.constant 0 : i32
        %dma_start3A_634 = tpu.memref_slice %arg24[%dma_start3A_632, %dma_start3A_633] : memref<10000x16xf32, #tpu.memory_space<vmem_shared>> -> memref<10000x16xf32, #tpu.memory_space<vmem_shared>>
        tpu.enqueue_indirect_dma source(%dma_start3A_634 : memref<10000x16xf32, #tpu.memory_space<vmem_shared>>) target(%arg21 : memref<128x16xf32, #tpu.memory_space<vmem>>) offsets(%dma_start3A_631 : memref<128xi32, #tpu.memory_space<vmem>>) semaphore(%arg39 : memref<!tpu.dma_semaphore, #tpu.memory_space<semaphore_mem>>)
      } else {
      }
      %mul3A_593 = arith.constant 16 : i32
      %mul3A_594 = arith.muli %scan3A_129, %mul3A_593 : i32
      %add3A_595 = arith.constant 14 : i32
      %add3A_596 = arith.addi %mul3A_594, %add3A_595 : i32
      %dma_wait3A_597 = arith.constant 0 : i32
      %dma_wait3A_598 = tpu.memref_slice %arg7[%add3A_596, %dma_wait3A_597] : memref<80x128xi32, #tpu.memory_space<vmem>> -> memref<1x128xi32, #tpu.memory_space<vmem>>
      %dma_wait3A_599 = tpu.memref_squeeze %dma_wait3A_598 : memref<1x128xi32, #tpu.memory_space<vmem>> -> memref<128xi32, #tpu.memory_space<vmem>>
      %dma_wait3A_600 = arith.constant 0 : i32
      %dma_wait3A_601 = arith.constant 0 : i32
      %dma_wait3A_602 = tpu.memref_slice %arg25[%dma_wait3A_600, %dma_wait3A_601] : memref<10240x16xf32, #tpu.memory_space<vmem_shared>> -> memref<10240x16xf32, #tpu.memory_space<vmem_shared>>
      tpu.wait_indirect_dma semaphore(%arg40 : memref<!tpu.dma_semaphore, #tpu.memory_space<semaphore_mem>>) src(%arg22 : memref<128x16xf32, #tpu.memory_space<vmem>>) dst(%dma_wait3A_602 : memref<10240x16xf32, #tpu.memory_space<vmem_shared>>)
      %lt3A_603 = arith.constant 4 : i32
      %lt3A_604 = arith.cmpi slt, %scan3A_129, %lt3A_603 : i32
      %convert_element_type3A_605 = arith.extui %lt3A_604 : i1 to i32
      %cond3A_606 = arith.constant 0 : i32
      %cond3A_607 = arith.cmpi ne, %convert_element_type3A_605, %cond3A_606 : i32
      scf.if %cond3A_607 {
        %add3A_623 = arith.constant 1 : i32
        %add3A_624 = arith.addi %scan3A_129, %add3A_623 : i32
        %mul3A_625 = arith.constant 16 : i32
        %mul3A_626 = arith.muli %add3A_624, %mul3A_625 : i32
        %add3A_627 = arith.constant 14 : i32
        %add3A_628 = arith.addi %mul3A_626, %add3A_627 : i32
        %dma_start3A_629 = arith.constant 0 : i32
        %dma_start3A_630 = tpu.memref_slice %arg6[%add3A_628, %dma_start3A_629] : memref<80x128xi32, #tpu.memory_space<vmem>> -> memref<1x128xi32, #tpu.memory_space<vmem>>
        %dma_start3A_631 = tpu.memref_squeeze %dma_start3A_630 : memref<1x128xi32, #tpu.memory_space<vmem>> -> memref<128xi32, #tpu.memory_space<vmem>>
        %dma_start3A_632 = arith.constant 0 : i32
        %dma_start3A_633 = arith.constant 0 : i32
        %dma_start3A_634 = tpu.memref_slice %arg24[%dma_start3A_632, %dma_start3A_633] : memref<10000x16xf32, #tpu.memory_space<vmem_shared>> -> memref<10000x16xf32, #tpu.memory_space<vmem_shared>>
        tpu.enqueue_indirect_dma source(%dma_start3A_634 : memref<10000x16xf32, #tpu.memory_space<vmem_shared>>) target(%arg22 : memref<128x16xf32, #tpu.memory_space<vmem>>) offsets(%dma_start3A_631 : memref<128xi32, #tpu.memory_space<vmem>>) semaphore(%arg40 : memref<!tpu.dma_semaphore, #tpu.memory_space<semaphore_mem>>)
      } else {
      }
      %mul3A_608 = arith.constant 16 : i32
      %mul3A_609 = arith.muli %scan3A_129, %mul3A_608 : i32
      %add3A_610 = arith.constant 15 : i32
      %add3A_611 = arith.addi %mul3A_609, %add3A_610 : i32
      %dma_wait3A_612 = arith.constant 0 : i32
      %dma_wait3A_613 = tpu.memref_slice %arg7[%add3A_611, %dma_wait3A_612] : memref<80x128xi32, #tpu.memory_space<vmem>> -> memref<1x128xi32, #tpu.memory_space<vmem>>
      %dma_wait3A_614 = tpu.memref_squeeze %dma_wait3A_613 : memref<1x128xi32, #tpu.memory_space<vmem>> -> memref<128xi32, #tpu.memory_space<vmem>>
      %dma_wait3A_615 = arith.constant 0 : i32
      %dma_wait3A_616 = arith.constant 0 : i32
      %dma_wait3A_617 = tpu.memref_slice %arg25[%dma_wait3A_615, %dma_wait3A_616] : memref<10240x16xf32, #tpu.memory_space<vmem_shared>> -> memref<10240x16xf32, #tpu.memory_space<vmem_shared>>
      tpu.wait_indirect_dma semaphore(%arg41 : memref<!tpu.dma_semaphore, #tpu.memory_space<semaphore_mem>>) src(%arg23 : memref<128x16xf32, #tpu.memory_space<vmem>>) dst(%dma_wait3A_617 : memref<10240x16xf32, #tpu.memory_space<vmem_shared>>)
      %lt3A_618 = arith.constant 4 : i32
      %lt3A_619 = arith.cmpi slt, %scan3A_129, %lt3A_618 : i32
      %convert_element_type3A_620 = arith.extui %lt3A_619 : i1 to i32
      %cond3A_621 = arith.constant 0 : i32
      %cond3A_622 = arith.cmpi ne, %convert_element_type3A_620, %cond3A_621 : i32
      scf.if %cond3A_622 {
        %add3A_623 = arith.constant 1 : i32
        %add3A_624 = arith.addi %scan3A_129, %add3A_623 : i32
        %mul3A_625 = arith.constant 16 : i32
        %mul3A_626 = arith.muli %add3A_624, %mul3A_625 : i32
        %add3A_627 = arith.constant 15 : i32
        %add3A_628 = arith.addi %mul3A_626, %add3A_627 : i32
        %dma_start3A_629 = arith.constant 0 : i32
        %dma_start3A_630 = tpu.memref_slice %arg6[%add3A_628, %dma_start3A_629] : memref<80x128xi32, #tpu.memory_space<vmem>> -> memref<1x128xi32, #tpu.memory_space<vmem>>
        %dma_start3A_631 = tpu.memref_squeeze %dma_start3A_630 : memref<1x128xi32, #tpu.memory_space<vmem>> -> memref<128xi32, #tpu.memory_space<vmem>>
        %dma_start3A_632 = arith.constant 0 : i32
        %dma_start3A_633 = arith.constant 0 : i32
        %dma_start3A_634 = tpu.memref_slice %arg24[%dma_start3A_632, %dma_start3A_633] : memref<10000x16xf32, #tpu.memory_space<vmem_shared>> -> memref<10000x16xf32, #tpu.memory_space<vmem_shared>>
        tpu.enqueue_indirect_dma source(%dma_start3A_634 : memref<10000x16xf32, #tpu.memory_space<vmem_shared>>) target(%arg23 : memref<128x16xf32, #tpu.memory_space<vmem>>) offsets(%dma_start3A_631 : memref<128xi32, #tpu.memory_space<vmem>>) semaphore(%arg41 : memref<!tpu.dma_semaphore, #tpu.memory_space<semaphore_mem>>)
      } else {
      }
    }
    %scan3A_122 = arith.constant 5 : i32
    %barrier3A_123 = arith.constant 0 : index
    tpu.barrier barrier_id(%barrier3A_123)
    "tpu.region"() ({
      %run_scoped3A = tpu.sem_alloc : memref<!tpu.dma_semaphore, #tpu.memory_space<semaphore_mem>>
      %dma_start3A_129 = arith.constant 0 : i32
      %dma_start3A_130 = tpu.memref_slice %arg5[%arg0, %mul3A_4, %dma_start3A_129] : memref<2x10000x16xf32, #tpu.memory_space<hbm>> -> memref<1x624x16xf32, #tpu.memory_space<hbm>>
      %dma_start3A_131 = tpu.memref_squeeze %dma_start3A_130 : memref<1x624x16xf32, #tpu.memory_space<hbm>> -> memref<624x16xf32, #tpu.memory_space<hbm>>
      %dma_start3A_132 = arith.constant 0 : i32
      %dma_start3A_133 = tpu.memref_slice %arg25[%mul3A_4, %dma_start3A_132] : memref<10240x16xf32, #tpu.memory_space<vmem_shared>> -> memref<624x16xf32, #tpu.memory_space<vmem_shared>>
      tpu.enqueue_dma source(%dma_start3A_133 : memref<624x16xf32, #tpu.memory_space<vmem_shared>>) target(%dma_start3A_131 : memref<624x16xf32, #tpu.memory_space<hbm>>) target_semaphore(%run_scoped3A : memref<!tpu.dma_semaphore, #tpu.memory_space<semaphore_mem>>)
      %dma_wait3A = arith.constant 0 : i32
      %dma_wait3A_134 = tpu.memref_slice %arg5[%arg0, %mul3A_4, %dma_wait3A] : memref<2x10000x16xf32, #tpu.memory_space<hbm>> -> memref<1x624x16xf32, #tpu.memory_space<hbm>>
      %dma_wait3A_135 = tpu.memref_squeeze %dma_wait3A_134 : memref<1x624x16xf32, #tpu.memory_space<hbm>> -> memref<624x16xf32, #tpu.memory_space<hbm>>
      %dma_wait3A_136 = arith.constant 0 : i32
      %dma_wait3A_137 = tpu.memref_slice %arg25[%mul3A_4, %dma_wait3A_136] : memref<10240x16xf32, #tpu.memory_space<vmem_shared>> -> memref<624x16xf32, #tpu.memory_space<vmem_shared>>
      tpu.wait_dma2 semaphore(%run_scoped3A : memref<!tpu.dma_semaphore, #tpu.memory_space<semaphore_mem>>) src(%dma_wait3A_137 : memref<624x16xf32, #tpu.memory_space<vmem_shared>>) dst(%dma_wait3A_135 : memref<624x16xf32, #tpu.memory_space<hbm>>)
      tpu.yield
    }) : () -> ()
    %eq3A_124 = arith.constant 15 : i32
    %eq3A_125 = arith.cmpi eq, %arg1, %eq3A_124 : i32
    %convert_element_type3A_126 = arith.extui %eq3A_125 : i1 to i32
    %cond3A_127 = arith.constant 0 : i32
    %cond3A_128 = arith.cmpi ne, %convert_element_type3A_126, %cond3A_127 : i32
    scf.if %cond3A_128 {
      "tpu.region"() ({
        %run_scoped3A = tpu.sem_alloc : memref<!tpu.dma_semaphore, #tpu.memory_space<semaphore_mem>>
        %dma_start3A_129 = arith.constant 9984 : i32
        %dma_start3A_130 = arith.constant 0 : i32
        %dma_start3A_131 = tpu.memref_slice %arg5[%arg0, %dma_start3A_129, %dma_start3A_130] : memref<2x10000x16xf32, #tpu.memory_space<hbm>> -> memref<1x16x16xf32, #tpu.memory_space<hbm>>
        %dma_start3A_132 = tpu.memref_squeeze %dma_start3A_131 : memref<1x16x16xf32, #tpu.memory_space<hbm>> -> memref<16x16xf32, #tpu.memory_space<hbm>>
        %dma_start3A_133 = arith.constant 9984 : i32
        %dma_start3A_134 = arith.constant 0 : i32
        %dma_start3A_135 = tpu.memref_slice %arg25[%dma_start3A_133, %dma_start3A_134] : memref<10240x16xf32, #tpu.memory_space<vmem_shared>> -> memref<16x16xf32, #tpu.memory_space<vmem_shared>>
        tpu.enqueue_dma source(%dma_start3A_135 : memref<16x16xf32, #tpu.memory_space<vmem_shared>>) target(%dma_start3A_132 : memref<16x16xf32, #tpu.memory_space<hbm>>) target_semaphore(%run_scoped3A : memref<!tpu.dma_semaphore, #tpu.memory_space<semaphore_mem>>)
        %dma_wait3A = arith.constant 9984 : i32
        %dma_wait3A_136 = arith.constant 0 : i32
        %dma_wait3A_137 = tpu.memref_slice %arg5[%arg0, %dma_wait3A, %dma_wait3A_136] : memref<2x10000x16xf32, #tpu.memory_space<hbm>> -> memref<1x16x16xf32, #tpu.memory_space<hbm>>
        %dma_wait3A_138 = tpu.memref_squeeze %dma_wait3A_137 : memref<1x16x16xf32, #tpu.memory_space<hbm>> -> memref<16x16xf32, #tpu.memory_space<hbm>>
        %dma_wait3A_139 = arith.constant 9984 : i32
        %dma_wait3A_140 = arith.constant 0 : i32
        %dma_wait3A_141 = tpu.memref_slice %arg25[%dma_wait3A_139, %dma_wait3A_140] : memref<10240x16xf32, #tpu.memory_space<vmem_shared>> -> memref<16x16xf32, #tpu.memory_space<vmem_shared>>
        tpu.wait_dma2 semaphore(%run_scoped3A : memref<!tpu.dma_semaphore, #tpu.memory_space<semaphore_mem>>) src(%dma_wait3A_141 : memref<16x16xf32, #tpu.memory_space<vmem_shared>>) dst(%dma_wait3A_138 : memref<16x16xf32, #tpu.memory_space<hbm>>)
        tpu.yield
      }) : () -> ()
    } else {
    }
    return
  }
}

#map = affine_map<(d0, d1) -> (0, 0)>
#map1 = affine_map<(d0, d1) -> (0, 0, 0)>
module attributes {stable_mosaic.version = 14 : i64} {
  func.func @k(%arg0: i32, %arg1: i32, %arg2: memref<10000x64xf32, #tpu.memory_space<hbm>>, %arg3: memref<16x160x128xi32, #tpu.memory_space<hbm>>, %arg4: memref<16x160x128xi32, #tpu.memory_space<hbm>>, %arg5: memref<10000x64xf32, #tpu.memory_space<hbm>>, %arg6: memref<160x128xi32, #tpu.memory_space<vmem>>, %arg7: memref<160x128xi32, #tpu.memory_space<vmem>>, %arg8: memref<128x32xf32, #tpu.memory_space<vmem>>, %arg9: memref<128x32xf32, #tpu.memory_space<vmem>>, %arg10: memref<128x32xf32, #tpu.memory_space<vmem>>, %arg11: memref<128x32xf32, #tpu.memory_space<vmem>>, %arg12: memref<128x32xf32, #tpu.memory_space<vmem>>, %arg13: memref<128x32xf32, #tpu.memory_space<vmem>>, %arg14: memref<128x32xf32, #tpu.memory_space<vmem>>, %arg15: memref<128x32xf32, #tpu.memory_space<vmem>>, %arg16: memref<128x32xf32, #tpu.memory_space<vmem>>, %arg17: memref<128x32xf32, #tpu.memory_space<vmem>>, %arg18: memref<10000x32xf32, #tpu.memory_space<vmem_shared>>, %arg19: memref<10240x32xf32, #tpu.memory_space<vmem_shared>>, %arg20: memref<!tpu.dma_semaphore, #tpu.memory_space<semaphore_mem>>, %arg21: memref<!tpu.dma_semaphore, #tpu.memory_space<semaphore_mem>>, %arg22: memref<!tpu.dma_semaphore, #tpu.memory_space<semaphore_mem>>, %arg23: memref<!tpu.dma_semaphore, #tpu.memory_space<semaphore_mem>>, %arg24: memref<!tpu.dma_semaphore, #tpu.memory_space<semaphore_mem>>, %arg25: memref<!tpu.dma_semaphore, #tpu.memory_space<semaphore_mem>>, %arg26: memref<!tpu.dma_semaphore, #tpu.memory_space<semaphore_mem>>, %arg27: memref<!tpu.dma_semaphore, #tpu.memory_space<semaphore_mem>>, %arg28: memref<!tpu.dma_semaphore, #tpu.memory_space<semaphore_mem>>, %arg29: memref<!tpu.dma_semaphore, #tpu.memory_space<semaphore_mem>>) attributes {dimension_semantics = [#tpu.dimension_semantics<core_parallel>, #tpu.dimension_semantics<subcore_parallel>], iteration_bounds = array<i64: 2, 16>, scalar_prefetch = 0 : i64, scratch_operands = 24 : i64, tpu.core_type = #tpu.core_type<sc_vector_subcore>, window_params = [{transform_indices = #map}, {transform_indices = #map1}, {transform_indices = #map1}, {transform_indices = #map}]} {
    "tpu.region"() ({
      %run_scoped3A = tpu.sem_alloc : memref<!tpu.dma_semaphore, #tpu.memory_space<semaphore_mem>>
      %dma_start3A_85 = arith.constant 0 : i32
      %dma_start3A_86 = arith.constant 0 : i32
      %dma_start3A_87 = tpu.memref_slice %arg3[%arg1, %dma_start3A_85, %dma_start3A_86] : memref<16x160x128xi32, #tpu.memory_space<hbm>> -> memref<1x160x128xi32, #tpu.memory_space<hbm>>
      %dma_start3A_88 = tpu.memref_squeeze %dma_start3A_87 : memref<1x160x128xi32, #tpu.memory_space<hbm>> -> memref<160x128xi32, #tpu.memory_space<hbm>>
      %dma_start3A_89 = arith.constant 0 : i32
      %dma_start3A_90 = arith.constant 0 : i32
      %dma_start3A_91 = tpu.memref_slice %arg3[%arg1, %dma_start3A_89, %dma_start3A_90] : memref<16x160x128xi32, #tpu.memory_space<hbm>> -> memref<1x160x128xi32, #tpu.memory_space<hbm>>
      %dma_start3A_92 = tpu.memref_squeeze %dma_start3A_91 : memref<1x160x128xi32, #tpu.memory_space<hbm>> -> memref<160x128xi32, #tpu.memory_space<hbm>>
      tpu.enqueue_dma source(%dma_start3A_92 : memref<160x128xi32, #tpu.memory_space<hbm>>) target(%arg6 : memref<160x128xi32, #tpu.memory_space<vmem>>) target_semaphore(%run_scoped3A : memref<!tpu.dma_semaphore, #tpu.memory_space<semaphore_mem>>)
      %dma_wait3A = arith.constant 0 : i32
      %dma_wait3A_93 = arith.constant 0 : i32
      %dma_wait3A_94 = tpu.memref_slice %arg3[%arg1, %dma_wait3A, %dma_wait3A_93] : memref<16x160x128xi32, #tpu.memory_space<hbm>> -> memref<1x160x128xi32, #tpu.memory_space<hbm>>
      %dma_wait3A_95 = tpu.memref_squeeze %dma_wait3A_94 : memref<1x160x128xi32, #tpu.memory_space<hbm>> -> memref<160x128xi32, #tpu.memory_space<hbm>>
      %dma_wait3A_96 = arith.constant 0 : i32
      %dma_wait3A_97 = arith.constant 0 : i32
      %dma_wait3A_98 = tpu.memref_slice %arg3[%arg1, %dma_wait3A_96, %dma_wait3A_97] : memref<16x160x128xi32, #tpu.memory_space<hbm>> -> memref<1x160x128xi32, #tpu.memory_space<hbm>>
      %dma_wait3A_99 = tpu.memref_squeeze %dma_wait3A_98 : memref<1x160x128xi32, #tpu.memory_space<hbm>> -> memref<160x128xi32, #tpu.memory_space<hbm>>
      tpu.wait_dma2 semaphore(%run_scoped3A : memref<!tpu.dma_semaphore, #tpu.memory_space<semaphore_mem>>) src(%dma_wait3A_99 : memref<160x128xi32, #tpu.memory_space<hbm>>) dst(%arg6 : memref<160x128xi32, #tpu.memory_space<vmem>>)
      tpu.yield
    }) : () -> ()
    "tpu.region"() ({
      %run_scoped3A = tpu.sem_alloc : memref<!tpu.dma_semaphore, #tpu.memory_space<semaphore_mem>>
      %dma_start3A_85 = arith.constant 0 : i32
      %dma_start3A_86 = arith.constant 0 : i32
      %dma_start3A_87 = tpu.memref_slice %arg4[%arg1, %dma_start3A_85, %dma_start3A_86] : memref<16x160x128xi32, #tpu.memory_space<hbm>> -> memref<1x160x128xi32, #tpu.memory_space<hbm>>
      %dma_start3A_88 = tpu.memref_squeeze %dma_start3A_87 : memref<1x160x128xi32, #tpu.memory_space<hbm>> -> memref<160x128xi32, #tpu.memory_space<hbm>>
      %dma_start3A_89 = arith.constant 0 : i32
      %dma_start3A_90 = arith.constant 0 : i32
      %dma_start3A_91 = tpu.memref_slice %arg4[%arg1, %dma_start3A_89, %dma_start3A_90] : memref<16x160x128xi32, #tpu.memory_space<hbm>> -> memref<1x160x128xi32, #tpu.memory_space<hbm>>
      %dma_start3A_92 = tpu.memref_squeeze %dma_start3A_91 : memref<1x160x128xi32, #tpu.memory_space<hbm>> -> memref<160x128xi32, #tpu.memory_space<hbm>>
      tpu.enqueue_dma source(%dma_start3A_92 : memref<160x128xi32, #tpu.memory_space<hbm>>) target(%arg7 : memref<160x128xi32, #tpu.memory_space<vmem>>) target_semaphore(%run_scoped3A : memref<!tpu.dma_semaphore, #tpu.memory_space<semaphore_mem>>)
      %dma_wait3A = arith.constant 0 : i32
      %dma_wait3A_93 = arith.constant 0 : i32
      %dma_wait3A_94 = tpu.memref_slice %arg4[%arg1, %dma_wait3A, %dma_wait3A_93] : memref<16x160x128xi32, #tpu.memory_space<hbm>> -> memref<1x160x128xi32, #tpu.memory_space<hbm>>
      %dma_wait3A_95 = tpu.memref_squeeze %dma_wait3A_94 : memref<1x160x128xi32, #tpu.memory_space<hbm>> -> memref<160x128xi32, #tpu.memory_space<hbm>>
      %dma_wait3A_96 = arith.constant 0 : i32
      %dma_wait3A_97 = arith.constant 0 : i32
      %dma_wait3A_98 = tpu.memref_slice %arg4[%arg1, %dma_wait3A_96, %dma_wait3A_97] : memref<16x160x128xi32, #tpu.memory_space<hbm>> -> memref<1x160x128xi32, #tpu.memory_space<hbm>>
      %dma_wait3A_99 = tpu.memref_squeeze %dma_wait3A_98 : memref<1x160x128xi32, #tpu.memory_space<hbm>> -> memref<160x128xi32, #tpu.memory_space<hbm>>
      tpu.wait_dma2 semaphore(%run_scoped3A : memref<!tpu.dma_semaphore, #tpu.memory_space<semaphore_mem>>) src(%dma_wait3A_99 : memref<160x128xi32, #tpu.memory_space<hbm>>) dst(%arg7 : memref<160x128xi32, #tpu.memory_space<vmem>>)
      tpu.yield
    }) : () -> ()
    %mul3A = arith.constant 624 : i32
    %mul3A_0 = arith.muli %arg1, %mul3A : i32
    %mul3A_1 = arith.constant 32 : i32
    %mul3A_2 = arith.muli %arg0, %mul3A_1 : i32
    "tpu.region"() ({
      %run_scoped3A = tpu.sem_alloc : memref<!tpu.dma_semaphore, #tpu.memory_space<semaphore_mem>>
      %dma_start3A_85 = arith.constant 0 : i32
      %dma_start3A_86 = tpu.memref_slice %arg18[%mul3A_0, %dma_start3A_85] : memref<10000x32xf32, #tpu.memory_space<vmem_shared>> -> memref<624x32xf32, #tpu.memory_space<vmem_shared>>
      %dma_start3A_87 = tpu.memref_slice %arg2[%mul3A_0, %mul3A_2] : memref<10000x64xf32, #tpu.memory_space<hbm>> -> memref<624x32xf32, #tpu.memory_space<hbm>>
      tpu.enqueue_dma source(%dma_start3A_87 : memref<624x32xf32, #tpu.memory_space<hbm>>) target(%dma_start3A_86 : memref<624x32xf32, #tpu.memory_space<vmem_shared>>) target_semaphore(%run_scoped3A : memref<!tpu.dma_semaphore, #tpu.memory_space<semaphore_mem>>)
      %dma_wait3A = arith.constant 0 : i32
      %dma_wait3A_88 = tpu.memref_slice %arg18[%mul3A_0, %dma_wait3A] : memref<10000x32xf32, #tpu.memory_space<vmem_shared>> -> memref<624x32xf32, #tpu.memory_space<vmem_shared>>
      %dma_wait3A_89 = tpu.memref_slice %arg2[%mul3A_0, %mul3A_2] : memref<10000x64xf32, #tpu.memory_space<hbm>> -> memref<624x32xf32, #tpu.memory_space<hbm>>
      tpu.wait_dma2 semaphore(%run_scoped3A : memref<!tpu.dma_semaphore, #tpu.memory_space<semaphore_mem>>) src(%dma_wait3A_89 : memref<624x32xf32, #tpu.memory_space<hbm>>) dst(%dma_wait3A_88 : memref<624x32xf32, #tpu.memory_space<vmem_shared>>)
      tpu.yield
    }) : () -> ()
    "tpu.region"() ({
      %run_scoped3A = tpu.sem_alloc : memref<!tpu.dma_semaphore, #tpu.memory_space<semaphore_mem>>
      %dma_start3A_85 = arith.constant 0 : i32
      %dma_start3A_86 = tpu.memref_slice %arg19[%mul3A_0, %dma_start3A_85] : memref<10240x32xf32, #tpu.memory_space<vmem_shared>> -> memref<624x32xf32, #tpu.memory_space<vmem_shared>>
      %dma_start3A_87 = tpu.memref_slice %arg2[%mul3A_0, %mul3A_2] : memref<10000x64xf32, #tpu.memory_space<hbm>> -> memref<624x32xf32, #tpu.memory_space<hbm>>
      tpu.enqueue_dma source(%dma_start3A_87 : memref<624x32xf32, #tpu.memory_space<hbm>>) target(%dma_start3A_86 : memref<624x32xf32, #tpu.memory_space<vmem_shared>>) target_semaphore(%run_scoped3A : memref<!tpu.dma_semaphore, #tpu.memory_space<semaphore_mem>>)
      %dma_wait3A = arith.constant 0 : i32
      %dma_wait3A_88 = tpu.memref_slice %arg19[%mul3A_0, %dma_wait3A] : memref<10240x32xf32, #tpu.memory_space<vmem_shared>> -> memref<624x32xf32, #tpu.memory_space<vmem_shared>>
      %dma_wait3A_89 = tpu.memref_slice %arg2[%mul3A_0, %mul3A_2] : memref<10000x64xf32, #tpu.memory_space<hbm>> -> memref<624x32xf32, #tpu.memory_space<hbm>>
      tpu.wait_dma2 semaphore(%run_scoped3A : memref<!tpu.dma_semaphore, #tpu.memory_space<semaphore_mem>>) src(%dma_wait3A_89 : memref<624x32xf32, #tpu.memory_space<hbm>>) dst(%dma_wait3A_88 : memref<624x32xf32, #tpu.memory_space<vmem_shared>>)
      tpu.yield
    }) : () -> ()
    %eq3A = arith.constant 15 : i32
    %eq3A_3 = arith.cmpi eq, %arg1, %eq3A : i32
    %convert_element_type3A = arith.extui %eq3A_3 : i1 to i32
    %cond3A = arith.constant 0 : i32
    %cond3A_4 = arith.cmpi ne, %convert_element_type3A, %cond3A : i32
    scf.if %cond3A_4 {
      "tpu.region"() ({
        %run_scoped3A = tpu.sem_alloc : memref<!tpu.dma_semaphore, #tpu.memory_space<semaphore_mem>>
        %dma_start3A_85 = arith.constant 9984 : i32
        %dma_start3A_86 = arith.constant 0 : i32
        %dma_start3A_87 = tpu.memref_slice %arg18[%dma_start3A_85, %dma_start3A_86] : memref<10000x32xf32, #tpu.memory_space<vmem_shared>> -> memref<16x32xf32, #tpu.memory_space<vmem_shared>>
        %dma_start3A_88 = arith.constant 9984 : i32
        %dma_start3A_89 = tpu.memref_slice %arg2[%dma_start3A_88, %mul3A_2] : memref<10000x64xf32, #tpu.memory_space<hbm>> -> memref<16x32xf32, #tpu.memory_space<hbm>>
        tpu.enqueue_dma source(%dma_start3A_89 : memref<16x32xf32, #tpu.memory_space<hbm>>) target(%dma_start3A_87 : memref<16x32xf32, #tpu.memory_space<vmem_shared>>) target_semaphore(%run_scoped3A : memref<!tpu.dma_semaphore, #tpu.memory_space<semaphore_mem>>)
        %dma_wait3A = arith.constant 9984 : i32
        %dma_wait3A_90 = arith.constant 0 : i32
        %dma_wait3A_91 = tpu.memref_slice %arg18[%dma_wait3A, %dma_wait3A_90] : memref<10000x32xf32, #tpu.memory_space<vmem_shared>> -> memref<16x32xf32, #tpu.memory_space<vmem_shared>>
        %dma_wait3A_92 = arith.constant 9984 : i32
        %dma_wait3A_93 = tpu.memref_slice %arg2[%dma_wait3A_92, %mul3A_2] : memref<10000x64xf32, #tpu.memory_space<hbm>> -> memref<16x32xf32, #tpu.memory_space<hbm>>
        tpu.wait_dma2 semaphore(%run_scoped3A : memref<!tpu.dma_semaphore, #tpu.memory_space<semaphore_mem>>) src(%dma_wait3A_93 : memref<16x32xf32, #tpu.memory_space<hbm>>) dst(%dma_wait3A_91 : memref<16x32xf32, #tpu.memory_space<vmem_shared>>)
        tpu.yield
      }) : () -> ()
      "tpu.region"() ({
        %run_scoped3A = tpu.sem_alloc : memref<!tpu.dma_semaphore, #tpu.memory_space<semaphore_mem>>
        %dma_start3A_85 = arith.constant 9984 : i32
        %dma_start3A_86 = arith.constant 0 : i32
        %dma_start3A_87 = tpu.memref_slice %arg19[%dma_start3A_85, %dma_start3A_86] : memref<10240x32xf32, #tpu.memory_space<vmem_shared>> -> memref<16x32xf32, #tpu.memory_space<vmem_shared>>
        %dma_start3A_88 = arith.constant 9984 : i32
        %dma_start3A_89 = tpu.memref_slice %arg2[%dma_start3A_88, %mul3A_2] : memref<10000x64xf32, #tpu.memory_space<hbm>> -> memref<16x32xf32, #tpu.memory_space<hbm>>
        tpu.enqueue_dma source(%dma_start3A_89 : memref<16x32xf32, #tpu.memory_space<hbm>>) target(%dma_start3A_87 : memref<16x32xf32, #tpu.memory_space<vmem_shared>>) target_semaphore(%run_scoped3A : memref<!tpu.dma_semaphore, #tpu.memory_space<semaphore_mem>>)
        %dma_wait3A = arith.constant 9984 : i32
        %dma_wait3A_90 = arith.constant 0 : i32
        %dma_wait3A_91 = tpu.memref_slice %arg19[%dma_wait3A, %dma_wait3A_90] : memref<10240x32xf32, #tpu.memory_space<vmem_shared>> -> memref<16x32xf32, #tpu.memory_space<vmem_shared>>
        %dma_wait3A_92 = arith.constant 9984 : i32
        %dma_wait3A_93 = tpu.memref_slice %arg2[%dma_wait3A_92, %mul3A_2] : memref<10000x64xf32, #tpu.memory_space<hbm>> -> memref<16x32xf32, #tpu.memory_space<hbm>>
        tpu.wait_dma2 semaphore(%run_scoped3A : memref<!tpu.dma_semaphore, #tpu.memory_space<semaphore_mem>>) src(%dma_wait3A_93 : memref<16x32xf32, #tpu.memory_space<hbm>>) dst(%dma_wait3A_91 : memref<16x32xf32, #tpu.memory_space<vmem_shared>>)
        tpu.yield
      }) : () -> ()
    } else {
    }
    %barrier3A = arith.constant 0 : index
    tpu.barrier barrier_id(%barrier3A)
    %dma_start3A = arith.constant 0 : i32
    %dma_start3A_5 = arith.constant 0 : i32
    %dma_start3A_6 = tpu.memref_slice %arg6[%dma_start3A, %dma_start3A_5] : memref<160x128xi32, #tpu.memory_space<vmem>> -> memref<1x128xi32, #tpu.memory_space<vmem>>
    %dma_start3A_7 = tpu.memref_squeeze %dma_start3A_6 : memref<1x128xi32, #tpu.memory_space<vmem>> -> memref<128xi32, #tpu.memory_space<vmem>>
    %dma_start3A_8 = arith.constant 0 : i32
    %dma_start3A_9 = arith.constant 0 : i32
    %dma_start3A_10 = tpu.memref_slice %arg18[%dma_start3A_8, %dma_start3A_9] : memref<10000x32xf32, #tpu.memory_space<vmem_shared>> -> memref<10000x32xf32, #tpu.memory_space<vmem_shared>>
    tpu.enqueue_indirect_dma source(%dma_start3A_10 : memref<10000x32xf32, #tpu.memory_space<vmem_shared>>) target(%arg8 : memref<128x32xf32, #tpu.memory_space<vmem>>) offsets(%dma_start3A_7 : memref<128xi32, #tpu.memory_space<vmem>>) semaphore(%arg20 : memref<!tpu.dma_semaphore, #tpu.memory_space<semaphore_mem>>)
    %dma_start3A_11 = arith.constant 1 : i32
    %dma_start3A_12 = arith.constant 0 : i32
    %dma_start3A_13 = tpu.memref_slice %arg6[%dma_start3A_11, %dma_start3A_12] : memref<160x128xi32, #tpu.memory_space<vmem>> -> memref<1x128xi32, #tpu.memory_space<vmem>>
    %dma_start3A_14 = tpu.memref_squeeze %dma_start3A_13 : memref<1x128xi32, #tpu.memory_space<vmem>> -> memref<128xi32, #tpu.memory_space<vmem>>
    %dma_start3A_15 = arith.constant 0 : i32
    %dma_start3A_16 = arith.constant 0 : i32
    %dma_start3A_17 = tpu.memref_slice %arg18[%dma_start3A_15, %dma_start3A_16] : memref<10000x32xf32, #tpu.memory_space<vmem_shared>> -> memref<10000x32xf32, #tpu.memory_space<vmem_shared>>
    tpu.enqueue_indirect_dma source(%dma_start3A_17 : memref<10000x32xf32, #tpu.memory_space<vmem_shared>>) target(%arg9 : memref<128x32xf32, #tpu.memory_space<vmem>>) offsets(%dma_start3A_14 : memref<128xi32, #tpu.memory_space<vmem>>) semaphore(%arg21 : memref<!tpu.dma_semaphore, #tpu.memory_space<semaphore_mem>>)
    %dma_start3A_18 = arith.constant 2 : i32
    %dma_start3A_19 = arith.constant 0 : i32
    %dma_start3A_20 = tpu.memref_slice %arg6[%dma_start3A_18, %dma_start3A_19] : memref<160x128xi32, #tpu.memory_space<vmem>> -> memref<1x128xi32, #tpu.memory_space<vmem>>
    %dma_start3A_21 = tpu.memref_squeeze %dma_start3A_20 : memref<1x128xi32, #tpu.memory_space<vmem>> -> memref<128xi32, #tpu.memory_space<vmem>>
    %dma_start3A_22 = arith.constant 0 : i32
    %dma_start3A_23 = arith.constant 0 : i32
    %dma_start3A_24 = tpu.memref_slice %arg18[%dma_start3A_22, %dma_start3A_23] : memref<10000x32xf32, #tpu.memory_space<vmem_shared>> -> memref<10000x32xf32, #tpu.memory_space<vmem_shared>>
    tpu.enqueue_indirect_dma source(%dma_start3A_24 : memref<10000x32xf32, #tpu.memory_space<vmem_shared>>) target(%arg10 : memref<128x32xf32, #tpu.memory_space<vmem>>) offsets(%dma_start3A_21 : memref<128xi32, #tpu.memory_space<vmem>>) semaphore(%arg22 : memref<!tpu.dma_semaphore, #tpu.memory_space<semaphore_mem>>)
    %dma_start3A_25 = arith.constant 3 : i32
    %dma_start3A_26 = arith.constant 0 : i32
    %dma_start3A_27 = tpu.memref_slice %arg6[%dma_start3A_25, %dma_start3A_26] : memref<160x128xi32, #tpu.memory_space<vmem>> -> memref<1x128xi32, #tpu.memory_space<vmem>>
    %dma_start3A_28 = tpu.memref_squeeze %dma_start3A_27 : memref<1x128xi32, #tpu.memory_space<vmem>> -> memref<128xi32, #tpu.memory_space<vmem>>
    %dma_start3A_29 = arith.constant 0 : i32
    %dma_start3A_30 = arith.constant 0 : i32
    %dma_start3A_31 = tpu.memref_slice %arg18[%dma_start3A_29, %dma_start3A_30] : memref<10000x32xf32, #tpu.memory_space<vmem_shared>> -> memref<10000x32xf32, #tpu.memory_space<vmem_shared>>
    tpu.enqueue_indirect_dma source(%dma_start3A_31 : memref<10000x32xf32, #tpu.memory_space<vmem_shared>>) target(%arg11 : memref<128x32xf32, #tpu.memory_space<vmem>>) offsets(%dma_start3A_28 : memref<128xi32, #tpu.memory_space<vmem>>) semaphore(%arg23 : memref<!tpu.dma_semaphore, #tpu.memory_space<semaphore_mem>>)
    %dma_start3A_32 = arith.constant 4 : i32
    %dma_start3A_33 = arith.constant 0 : i32
    %dma_start3A_34 = tpu.memref_slice %arg6[%dma_start3A_32, %dma_start3A_33] : memref<160x128xi32, #tpu.memory_space<vmem>> -> memref<1x128xi32, #tpu.memory_space<vmem>>
    %dma_start3A_35 = tpu.memref_squeeze %dma_start3A_34 : memref<1x128xi32, #tpu.memory_space<vmem>> -> memref<128xi32, #tpu.memory_space<vmem>>
    %dma_start3A_36 = arith.constant 0 : i32
    %dma_start3A_37 = arith.constant 0 : i32
    %dma_start3A_38 = tpu.memref_slice %arg18[%dma_start3A_36, %dma_start3A_37] : memref<10000x32xf32, #tpu.memory_space<vmem_shared>> -> memref<10000x32xf32, #tpu.memory_space<vmem_shared>>
    tpu.enqueue_indirect_dma source(%dma_start3A_38 : memref<10000x32xf32, #tpu.memory_space<vmem_shared>>) target(%arg12 : memref<128x32xf32, #tpu.memory_space<vmem>>) offsets(%dma_start3A_35 : memref<128xi32, #tpu.memory_space<vmem>>) semaphore(%arg24 : memref<!tpu.dma_semaphore, #tpu.memory_space<semaphore_mem>>)
    %dma_start3A_39 = arith.constant 5 : i32
    %dma_start3A_40 = arith.constant 0 : i32
    %dma_start3A_41 = tpu.memref_slice %arg6[%dma_start3A_39, %dma_start3A_40] : memref<160x128xi32, #tpu.memory_space<vmem>> -> memref<1x128xi32, #tpu.memory_space<vmem>>
    %dma_start3A_42 = tpu.memref_squeeze %dma_start3A_41 : memref<1x128xi32, #tpu.memory_space<vmem>> -> memref<128xi32, #tpu.memory_space<vmem>>
    %dma_start3A_43 = arith.constant 0 : i32
    %dma_start3A_44 = arith.constant 0 : i32
    %dma_start3A_45 = tpu.memref_slice %arg18[%dma_start3A_43, %dma_start3A_44] : memref<10000x32xf32, #tpu.memory_space<vmem_shared>> -> memref<10000x32xf32, #tpu.memory_space<vmem_shared>>
    tpu.enqueue_indirect_dma source(%dma_start3A_45 : memref<10000x32xf32, #tpu.memory_space<vmem_shared>>) target(%arg13 : memref<128x32xf32, #tpu.memory_space<vmem>>) offsets(%dma_start3A_42 : memref<128xi32, #tpu.memory_space<vmem>>) semaphore(%arg25 : memref<!tpu.dma_semaphore, #tpu.memory_space<semaphore_mem>>)
    %dma_start3A_46 = arith.constant 6 : i32
    %dma_start3A_47 = arith.constant 0 : i32
    %dma_start3A_48 = tpu.memref_slice %arg6[%dma_start3A_46, %dma_start3A_47] : memref<160x128xi32, #tpu.memory_space<vmem>> -> memref<1x128xi32, #tpu.memory_space<vmem>>
    %dma_start3A_49 = tpu.memref_squeeze %dma_start3A_48 : memref<1x128xi32, #tpu.memory_space<vmem>> -> memref<128xi32, #tpu.memory_space<vmem>>
    %dma_start3A_50 = arith.constant 0 : i32
    %dma_start3A_51 = arith.constant 0 : i32
    %dma_start3A_52 = tpu.memref_slice %arg18[%dma_start3A_50, %dma_start3A_51] : memref<10000x32xf32, #tpu.memory_space<vmem_shared>> -> memref<10000x32xf32, #tpu.memory_space<vmem_shared>>
    tpu.enqueue_indirect_dma source(%dma_start3A_52 : memref<10000x32xf32, #tpu.memory_space<vmem_shared>>) target(%arg14 : memref<128x32xf32, #tpu.memory_space<vmem>>) offsets(%dma_start3A_49 : memref<128xi32, #tpu.memory_space<vmem>>) semaphore(%arg26 : memref<!tpu.dma_semaphore, #tpu.memory_space<semaphore_mem>>)
    %dma_start3A_53 = arith.constant 7 : i32
    %dma_start3A_54 = arith.constant 0 : i32
    %dma_start3A_55 = tpu.memref_slice %arg6[%dma_start3A_53, %dma_start3A_54] : memref<160x128xi32, #tpu.memory_space<vmem>> -> memref<1x128xi32, #tpu.memory_space<vmem>>
    %dma_start3A_56 = tpu.memref_squeeze %dma_start3A_55 : memref<1x128xi32, #tpu.memory_space<vmem>> -> memref<128xi32, #tpu.memory_space<vmem>>
    %dma_start3A_57 = arith.constant 0 : i32
    %dma_start3A_58 = arith.constant 0 : i32
    %dma_start3A_59 = tpu.memref_slice %arg18[%dma_start3A_57, %dma_start3A_58] : memref<10000x32xf32, #tpu.memory_space<vmem_shared>> -> memref<10000x32xf32, #tpu.memory_space<vmem_shared>>
    tpu.enqueue_indirect_dma source(%dma_start3A_59 : memref<10000x32xf32, #tpu.memory_space<vmem_shared>>) target(%arg15 : memref<128x32xf32, #tpu.memory_space<vmem>>) offsets(%dma_start3A_56 : memref<128xi32, #tpu.memory_space<vmem>>) semaphore(%arg27 : memref<!tpu.dma_semaphore, #tpu.memory_space<semaphore_mem>>)
    %dma_start3A_60 = arith.constant 8 : i32
    %dma_start3A_61 = arith.constant 0 : i32
    %dma_start3A_62 = tpu.memref_slice %arg6[%dma_start3A_60, %dma_start3A_61] : memref<160x128xi32, #tpu.memory_space<vmem>> -> memref<1x128xi32, #tpu.memory_space<vmem>>
    %dma_start3A_63 = tpu.memref_squeeze %dma_start3A_62 : memref<1x128xi32, #tpu.memory_space<vmem>> -> memref<128xi32, #tpu.memory_space<vmem>>
    %dma_start3A_64 = arith.constant 0 : i32
    %dma_start3A_65 = arith.constant 0 : i32
    %dma_start3A_66 = tpu.memref_slice %arg18[%dma_start3A_64, %dma_start3A_65] : memref<10000x32xf32, #tpu.memory_space<vmem_shared>> -> memref<10000x32xf32, #tpu.memory_space<vmem_shared>>
    tpu.enqueue_indirect_dma source(%dma_start3A_66 : memref<10000x32xf32, #tpu.memory_space<vmem_shared>>) target(%arg16 : memref<128x32xf32, #tpu.memory_space<vmem>>) offsets(%dma_start3A_63 : memref<128xi32, #tpu.memory_space<vmem>>) semaphore(%arg28 : memref<!tpu.dma_semaphore, #tpu.memory_space<semaphore_mem>>)
    %dma_start3A_67 = arith.constant 9 : i32
    %dma_start3A_68 = arith.constant 0 : i32
    %dma_start3A_69 = tpu.memref_slice %arg6[%dma_start3A_67, %dma_start3A_68] : memref<160x128xi32, #tpu.memory_space<vmem>> -> memref<1x128xi32, #tpu.memory_space<vmem>>
    %dma_start3A_70 = tpu.memref_squeeze %dma_start3A_69 : memref<1x128xi32, #tpu.memory_space<vmem>> -> memref<128xi32, #tpu.memory_space<vmem>>
    %dma_start3A_71 = arith.constant 0 : i32
    %dma_start3A_72 = arith.constant 0 : i32
    %dma_start3A_73 = tpu.memref_slice %arg18[%dma_start3A_71, %dma_start3A_72] : memref<10000x32xf32, #tpu.memory_space<vmem_shared>> -> memref<10000x32xf32, #tpu.memory_space<vmem_shared>>
    tpu.enqueue_indirect_dma source(%dma_start3A_73 : memref<10000x32xf32, #tpu.memory_space<vmem_shared>>) target(%arg17 : memref<128x32xf32, #tpu.memory_space<vmem>>) offsets(%dma_start3A_70 : memref<128xi32, #tpu.memory_space<vmem>>) semaphore(%arg29 : memref<!tpu.dma_semaphore, #tpu.memory_space<semaphore_mem>>)
    %scan3A = arith.constant 0 : i32
    %scan3A_74 = arith.constant 0 : i32
    %scan3A_75 = arith.constant 16 : i32
    %scan3A_76 = arith.addi %scan3A_74, %scan3A_75 : i32
    %scan3A_77 = arith.constant 1 : i32
    scf.for %scan3A_85 = %scan3A_74 to %scan3A_76 step %scan3A_77  : i32 {
      %mul3A_86 = arith.constant 10 : i32
      %mul3A_87 = arith.muli %scan3A_85, %mul3A_86 : i32
      %add3A = arith.constant 0 : i32
      %add3A_88 = arith.addi %mul3A_87, %add3A : i32
      %dma_wait3A = arith.constant 0 : i32
      %dma_wait3A_89 = tpu.memref_slice %arg6[%add3A_88, %dma_wait3A] : memref<160x128xi32, #tpu.memory_space<vmem>> -> memref<1x128xi32, #tpu.memory_space<vmem>>
      %dma_wait3A_90 = tpu.memref_squeeze %dma_wait3A_89 : memref<1x128xi32, #tpu.memory_space<vmem>> -> memref<128xi32, #tpu.memory_space<vmem>>
      %dma_wait3A_91 = arith.constant 0 : i32
      %dma_wait3A_92 = arith.constant 0 : i32
      %dma_wait3A_93 = tpu.memref_slice %arg18[%dma_wait3A_91, %dma_wait3A_92] : memref<10000x32xf32, #tpu.memory_space<vmem_shared>> -> memref<10000x32xf32, #tpu.memory_space<vmem_shared>>
      tpu.wait_indirect_dma semaphore(%arg20 : memref<!tpu.dma_semaphore, #tpu.memory_space<semaphore_mem>>) src(%dma_wait3A_93 : memref<10000x32xf32, #tpu.memory_space<vmem_shared>>) dst(%arg8 : memref<128x32xf32, #tpu.memory_space<vmem>>)
      %dma_start3A_94 = arith.constant 0 : i32
      %dma_start3A_95 = tpu.memref_slice %arg7[%add3A_88, %dma_start3A_94] : memref<160x128xi32, #tpu.memory_space<vmem>> -> memref<1x128xi32, #tpu.memory_space<vmem>>
      %dma_start3A_96 = tpu.memref_squeeze %dma_start3A_95 : memref<1x128xi32, #tpu.memory_space<vmem>> -> memref<128xi32, #tpu.memory_space<vmem>>
      %dma_start3A_97 = arith.constant 0 : i32
      %dma_start3A_98 = arith.constant 0 : i32
      %dma_start3A_99 = tpu.memref_slice %arg19[%dma_start3A_97, %dma_start3A_98] : memref<10240x32xf32, #tpu.memory_space<vmem_shared>> -> memref<10240x32xf32, #tpu.memory_space<vmem_shared>>
      tpu.enqueue_indirect_dma source(%arg8 : memref<128x32xf32, #tpu.memory_space<vmem>>) target(%dma_start3A_99 : memref<10240x32xf32, #tpu.memory_space<vmem_shared>>) offsets(%dma_start3A_96 : memref<128xi32, #tpu.memory_space<vmem>>) semaphore(%arg20 : memref<!tpu.dma_semaphore, #tpu.memory_space<semaphore_mem>>) {add = true}
      %mul3A_100 = arith.constant 10 : i32
      %mul3A_101 = arith.muli %scan3A_85, %mul3A_100 : i32
      %add3A_102 = arith.constant 1 : i32
      %add3A_103 = arith.addi %mul3A_101, %add3A_102 : i32
      %dma_wait3A_104 = arith.constant 0 : i32
      %dma_wait3A_105 = tpu.memref_slice %arg6[%add3A_103, %dma_wait3A_104] : memref<160x128xi32, #tpu.memory_space<vmem>> -> memref<1x128xi32, #tpu.memory_space<vmem>>
      %dma_wait3A_106 = tpu.memref_squeeze %dma_wait3A_105 : memref<1x128xi32, #tpu.memory_space<vmem>> -> memref<128xi32, #tpu.memory_space<vmem>>
      %dma_wait3A_107 = arith.constant 0 : i32
      %dma_wait3A_108 = arith.constant 0 : i32
      %dma_wait3A_109 = tpu.memref_slice %arg18[%dma_wait3A_107, %dma_wait3A_108] : memref<10000x32xf32, #tpu.memory_space<vmem_shared>> -> memref<10000x32xf32, #tpu.memory_space<vmem_shared>>
      tpu.wait_indirect_dma semaphore(%arg21 : memref<!tpu.dma_semaphore, #tpu.memory_space<semaphore_mem>>) src(%dma_wait3A_109 : memref<10000x32xf32, #tpu.memory_space<vmem_shared>>) dst(%arg9 : memref<128x32xf32, #tpu.memory_space<vmem>>)
      %dma_start3A_110 = arith.constant 0 : i32
      %dma_start3A_111 = tpu.memref_slice %arg7[%add3A_103, %dma_start3A_110] : memref<160x128xi32, #tpu.memory_space<vmem>> -> memref<1x128xi32, #tpu.memory_space<vmem>>
      %dma_start3A_112 = tpu.memref_squeeze %dma_start3A_111 : memref<1x128xi32, #tpu.memory_space<vmem>> -> memref<128xi32, #tpu.memory_space<vmem>>
      %dma_start3A_113 = arith.constant 0 : i32
      %dma_start3A_114 = arith.constant 0 : i32
      %dma_start3A_115 = tpu.memref_slice %arg19[%dma_start3A_113, %dma_start3A_114] : memref<10240x32xf32, #tpu.memory_space<vmem_shared>> -> memref<10240x32xf32, #tpu.memory_space<vmem_shared>>
      tpu.enqueue_indirect_dma source(%arg9 : memref<128x32xf32, #tpu.memory_space<vmem>>) target(%dma_start3A_115 : memref<10240x32xf32, #tpu.memory_space<vmem_shared>>) offsets(%dma_start3A_112 : memref<128xi32, #tpu.memory_space<vmem>>) semaphore(%arg21 : memref<!tpu.dma_semaphore, #tpu.memory_space<semaphore_mem>>) {add = true}
      %mul3A_116 = arith.constant 10 : i32
      %mul3A_117 = arith.muli %scan3A_85, %mul3A_116 : i32
      %add3A_118 = arith.constant 2 : i32
      %add3A_119 = arith.addi %mul3A_117, %add3A_118 : i32
      %dma_wait3A_120 = arith.constant 0 : i32
      %dma_wait3A_121 = tpu.memref_slice %arg6[%add3A_119, %dma_wait3A_120] : memref<160x128xi32, #tpu.memory_space<vmem>> -> memref<1x128xi32, #tpu.memory_space<vmem>>
      %dma_wait3A_122 = tpu.memref_squeeze %dma_wait3A_121 : memref<1x128xi32, #tpu.memory_space<vmem>> -> memref<128xi32, #tpu.memory_space<vmem>>
      %dma_wait3A_123 = arith.constant 0 : i32
      %dma_wait3A_124 = arith.constant 0 : i32
      %dma_wait3A_125 = tpu.memref_slice %arg18[%dma_wait3A_123, %dma_wait3A_124] : memref<10000x32xf32, #tpu.memory_space<vmem_shared>> -> memref<10000x32xf32, #tpu.memory_space<vmem_shared>>
      tpu.wait_indirect_dma semaphore(%arg22 : memref<!tpu.dma_semaphore, #tpu.memory_space<semaphore_mem>>) src(%dma_wait3A_125 : memref<10000x32xf32, #tpu.memory_space<vmem_shared>>) dst(%arg10 : memref<128x32xf32, #tpu.memory_space<vmem>>)
      %dma_start3A_126 = arith.constant 0 : i32
      %dma_start3A_127 = tpu.memref_slice %arg7[%add3A_119, %dma_start3A_126] : memref<160x128xi32, #tpu.memory_space<vmem>> -> memref<1x128xi32, #tpu.memory_space<vmem>>
      %dma_start3A_128 = tpu.memref_squeeze %dma_start3A_127 : memref<1x128xi32, #tpu.memory_space<vmem>> -> memref<128xi32, #tpu.memory_space<vmem>>
      %dma_start3A_129 = arith.constant 0 : i32
      %dma_start3A_130 = arith.constant 0 : i32
      %dma_start3A_131 = tpu.memref_slice %arg19[%dma_start3A_129, %dma_start3A_130] : memref<10240x32xf32, #tpu.memory_space<vmem_shared>> -> memref<10240x32xf32, #tpu.memory_space<vmem_shared>>
      tpu.enqueue_indirect_dma source(%arg10 : memref<128x32xf32, #tpu.memory_space<vmem>>) target(%dma_start3A_131 : memref<10240x32xf32, #tpu.memory_space<vmem_shared>>) offsets(%dma_start3A_128 : memref<128xi32, #tpu.memory_space<vmem>>) semaphore(%arg22 : memref<!tpu.dma_semaphore, #tpu.memory_space<semaphore_mem>>) {add = true}
      %mul3A_132 = arith.constant 10 : i32
      %mul3A_133 = arith.muli %scan3A_85, %mul3A_132 : i32
      %add3A_134 = arith.constant 3 : i32
      %add3A_135 = arith.addi %mul3A_133, %add3A_134 : i32
      %dma_wait3A_136 = arith.constant 0 : i32
      %dma_wait3A_137 = tpu.memref_slice %arg6[%add3A_135, %dma_wait3A_136] : memref<160x128xi32, #tpu.memory_space<vmem>> -> memref<1x128xi32, #tpu.memory_space<vmem>>
      %dma_wait3A_138 = tpu.memref_squeeze %dma_wait3A_137 : memref<1x128xi32, #tpu.memory_space<vmem>> -> memref<128xi32, #tpu.memory_space<vmem>>
      %dma_wait3A_139 = arith.constant 0 : i32
      %dma_wait3A_140 = arith.constant 0 : i32
      %dma_wait3A_141 = tpu.memref_slice %arg18[%dma_wait3A_139, %dma_wait3A_140] : memref<10000x32xf32, #tpu.memory_space<vmem_shared>> -> memref<10000x32xf32, #tpu.memory_space<vmem_shared>>
      tpu.wait_indirect_dma semaphore(%arg23 : memref<!tpu.dma_semaphore, #tpu.memory_space<semaphore_mem>>) src(%dma_wait3A_141 : memref<10000x32xf32, #tpu.memory_space<vmem_shared>>) dst(%arg11 : memref<128x32xf32, #tpu.memory_space<vmem>>)
      %dma_start3A_142 = arith.constant 0 : i32
      %dma_start3A_143 = tpu.memref_slice %arg7[%add3A_135, %dma_start3A_142] : memref<160x128xi32, #tpu.memory_space<vmem>> -> memref<1x128xi32, #tpu.memory_space<vmem>>
      %dma_start3A_144 = tpu.memref_squeeze %dma_start3A_143 : memref<1x128xi32, #tpu.memory_space<vmem>> -> memref<128xi32, #tpu.memory_space<vmem>>
      %dma_start3A_145 = arith.constant 0 : i32
      %dma_start3A_146 = arith.constant 0 : i32
      %dma_start3A_147 = tpu.memref_slice %arg19[%dma_start3A_145, %dma_start3A_146] : memref<10240x32xf32, #tpu.memory_space<vmem_shared>> -> memref<10240x32xf32, #tpu.memory_space<vmem_shared>>
      tpu.enqueue_indirect_dma source(%arg11 : memref<128x32xf32, #tpu.memory_space<vmem>>) target(%dma_start3A_147 : memref<10240x32xf32, #tpu.memory_space<vmem_shared>>) offsets(%dma_start3A_144 : memref<128xi32, #tpu.memory_space<vmem>>) semaphore(%arg23 : memref<!tpu.dma_semaphore, #tpu.memory_space<semaphore_mem>>) {add = true}
      %mul3A_148 = arith.constant 10 : i32
      %mul3A_149 = arith.muli %scan3A_85, %mul3A_148 : i32
      %add3A_150 = arith.constant 4 : i32
      %add3A_151 = arith.addi %mul3A_149, %add3A_150 : i32
      %dma_wait3A_152 = arith.constant 0 : i32
      %dma_wait3A_153 = tpu.memref_slice %arg6[%add3A_151, %dma_wait3A_152] : memref<160x128xi32, #tpu.memory_space<vmem>> -> memref<1x128xi32, #tpu.memory_space<vmem>>
      %dma_wait3A_154 = tpu.memref_squeeze %dma_wait3A_153 : memref<1x128xi32, #tpu.memory_space<vmem>> -> memref<128xi32, #tpu.memory_space<vmem>>
      %dma_wait3A_155 = arith.constant 0 : i32
      %dma_wait3A_156 = arith.constant 0 : i32
      %dma_wait3A_157 = tpu.memref_slice %arg18[%dma_wait3A_155, %dma_wait3A_156] : memref<10000x32xf32, #tpu.memory_space<vmem_shared>> -> memref<10000x32xf32, #tpu.memory_space<vmem_shared>>
      tpu.wait_indirect_dma semaphore(%arg24 : memref<!tpu.dma_semaphore, #tpu.memory_space<semaphore_mem>>) src(%dma_wait3A_157 : memref<10000x32xf32, #tpu.memory_space<vmem_shared>>) dst(%arg12 : memref<128x32xf32, #tpu.memory_space<vmem>>)
      %dma_start3A_158 = arith.constant 0 : i32
      %dma_start3A_159 = tpu.memref_slice %arg7[%add3A_151, %dma_start3A_158] : memref<160x128xi32, #tpu.memory_space<vmem>> -> memref<1x128xi32, #tpu.memory_space<vmem>>
      %dma_start3A_160 = tpu.memref_squeeze %dma_start3A_159 : memref<1x128xi32, #tpu.memory_space<vmem>> -> memref<128xi32, #tpu.memory_space<vmem>>
      %dma_start3A_161 = arith.constant 0 : i32
      %dma_start3A_162 = arith.constant 0 : i32
      %dma_start3A_163 = tpu.memref_slice %arg19[%dma_start3A_161, %dma_start3A_162] : memref<10240x32xf32, #tpu.memory_space<vmem_shared>> -> memref<10240x32xf32, #tpu.memory_space<vmem_shared>>
      tpu.enqueue_indirect_dma source(%arg12 : memref<128x32xf32, #tpu.memory_space<vmem>>) target(%dma_start3A_163 : memref<10240x32xf32, #tpu.memory_space<vmem_shared>>) offsets(%dma_start3A_160 : memref<128xi32, #tpu.memory_space<vmem>>) semaphore(%arg24 : memref<!tpu.dma_semaphore, #tpu.memory_space<semaphore_mem>>) {add = true}
      %mul3A_164 = arith.constant 10 : i32
      %mul3A_165 = arith.muli %scan3A_85, %mul3A_164 : i32
      %add3A_166 = arith.constant 5 : i32
      %add3A_167 = arith.addi %mul3A_165, %add3A_166 : i32
      %dma_wait3A_168 = arith.constant 0 : i32
      %dma_wait3A_169 = tpu.memref_slice %arg6[%add3A_167, %dma_wait3A_168] : memref<160x128xi32, #tpu.memory_space<vmem>> -> memref<1x128xi32, #tpu.memory_space<vmem>>
      %dma_wait3A_170 = tpu.memref_squeeze %dma_wait3A_169 : memref<1x128xi32, #tpu.memory_space<vmem>> -> memref<128xi32, #tpu.memory_space<vmem>>
      %dma_wait3A_171 = arith.constant 0 : i32
      %dma_wait3A_172 = arith.constant 0 : i32
      %dma_wait3A_173 = tpu.memref_slice %arg18[%dma_wait3A_171, %dma_wait3A_172] : memref<10000x32xf32, #tpu.memory_space<vmem_shared>> -> memref<10000x32xf32, #tpu.memory_space<vmem_shared>>
      tpu.wait_indirect_dma semaphore(%arg25 : memref<!tpu.dma_semaphore, #tpu.memory_space<semaphore_mem>>) src(%dma_wait3A_173 : memref<10000x32xf32, #tpu.memory_space<vmem_shared>>) dst(%arg13 : memref<128x32xf32, #tpu.memory_space<vmem>>)
      %dma_start3A_174 = arith.constant 0 : i32
      %dma_start3A_175 = tpu.memref_slice %arg7[%add3A_167, %dma_start3A_174] : memref<160x128xi32, #tpu.memory_space<vmem>> -> memref<1x128xi32, #tpu.memory_space<vmem>>
      %dma_start3A_176 = tpu.memref_squeeze %dma_start3A_175 : memref<1x128xi32, #tpu.memory_space<vmem>> -> memref<128xi32, #tpu.memory_space<vmem>>
      %dma_start3A_177 = arith.constant 0 : i32
      %dma_start3A_178 = arith.constant 0 : i32
      %dma_start3A_179 = tpu.memref_slice %arg19[%dma_start3A_177, %dma_start3A_178] : memref<10240x32xf32, #tpu.memory_space<vmem_shared>> -> memref<10240x32xf32, #tpu.memory_space<vmem_shared>>
      tpu.enqueue_indirect_dma source(%arg13 : memref<128x32xf32, #tpu.memory_space<vmem>>) target(%dma_start3A_179 : memref<10240x32xf32, #tpu.memory_space<vmem_shared>>) offsets(%dma_start3A_176 : memref<128xi32, #tpu.memory_space<vmem>>) semaphore(%arg25 : memref<!tpu.dma_semaphore, #tpu.memory_space<semaphore_mem>>) {add = true}
      %mul3A_180 = arith.constant 10 : i32
      %mul3A_181 = arith.muli %scan3A_85, %mul3A_180 : i32
      %add3A_182 = arith.constant 6 : i32
      %add3A_183 = arith.addi %mul3A_181, %add3A_182 : i32
      %dma_wait3A_184 = arith.constant 0 : i32
      %dma_wait3A_185 = tpu.memref_slice %arg6[%add3A_183, %dma_wait3A_184] : memref<160x128xi32, #tpu.memory_space<vmem>> -> memref<1x128xi32, #tpu.memory_space<vmem>>
      %dma_wait3A_186 = tpu.memref_squeeze %dma_wait3A_185 : memref<1x128xi32, #tpu.memory_space<vmem>> -> memref<128xi32, #tpu.memory_space<vmem>>
      %dma_wait3A_187 = arith.constant 0 : i32
      %dma_wait3A_188 = arith.constant 0 : i32
      %dma_wait3A_189 = tpu.memref_slice %arg18[%dma_wait3A_187, %dma_wait3A_188] : memref<10000x32xf32, #tpu.memory_space<vmem_shared>> -> memref<10000x32xf32, #tpu.memory_space<vmem_shared>>
      tpu.wait_indirect_dma semaphore(%arg26 : memref<!tpu.dma_semaphore, #tpu.memory_space<semaphore_mem>>) src(%dma_wait3A_189 : memref<10000x32xf32, #tpu.memory_space<vmem_shared>>) dst(%arg14 : memref<128x32xf32, #tpu.memory_space<vmem>>)
      %dma_start3A_190 = arith.constant 0 : i32
      %dma_start3A_191 = tpu.memref_slice %arg7[%add3A_183, %dma_start3A_190] : memref<160x128xi32, #tpu.memory_space<vmem>> -> memref<1x128xi32, #tpu.memory_space<vmem>>
      %dma_start3A_192 = tpu.memref_squeeze %dma_start3A_191 : memref<1x128xi32, #tpu.memory_space<vmem>> -> memref<128xi32, #tpu.memory_space<vmem>>
      %dma_start3A_193 = arith.constant 0 : i32
      %dma_start3A_194 = arith.constant 0 : i32
      %dma_start3A_195 = tpu.memref_slice %arg19[%dma_start3A_193, %dma_start3A_194] : memref<10240x32xf32, #tpu.memory_space<vmem_shared>> -> memref<10240x32xf32, #tpu.memory_space<vmem_shared>>
      tpu.enqueue_indirect_dma source(%arg14 : memref<128x32xf32, #tpu.memory_space<vmem>>) target(%dma_start3A_195 : memref<10240x32xf32, #tpu.memory_space<vmem_shared>>) offsets(%dma_start3A_192 : memref<128xi32, #tpu.memory_space<vmem>>) semaphore(%arg26 : memref<!tpu.dma_semaphore, #tpu.memory_space<semaphore_mem>>) {add = true}
      %mul3A_196 = arith.constant 10 : i32
      %mul3A_197 = arith.muli %scan3A_85, %mul3A_196 : i32
      %add3A_198 = arith.constant 7 : i32
      %add3A_199 = arith.addi %mul3A_197, %add3A_198 : i32
      %dma_wait3A_200 = arith.constant 0 : i32
      %dma_wait3A_201 = tpu.memref_slice %arg6[%add3A_199, %dma_wait3A_200] : memref<160x128xi32, #tpu.memory_space<vmem>> -> memref<1x128xi32, #tpu.memory_space<vmem>>
      %dma_wait3A_202 = tpu.memref_squeeze %dma_wait3A_201 : memref<1x128xi32, #tpu.memory_space<vmem>> -> memref<128xi32, #tpu.memory_space<vmem>>
      %dma_wait3A_203 = arith.constant 0 : i32
      %dma_wait3A_204 = arith.constant 0 : i32
      %dma_wait3A_205 = tpu.memref_slice %arg18[%dma_wait3A_203, %dma_wait3A_204] : memref<10000x32xf32, #tpu.memory_space<vmem_shared>> -> memref<10000x32xf32, #tpu.memory_space<vmem_shared>>
      tpu.wait_indirect_dma semaphore(%arg27 : memref<!tpu.dma_semaphore, #tpu.memory_space<semaphore_mem>>) src(%dma_wait3A_205 : memref<10000x32xf32, #tpu.memory_space<vmem_shared>>) dst(%arg15 : memref<128x32xf32, #tpu.memory_space<vmem>>)
      %dma_start3A_206 = arith.constant 0 : i32
      %dma_start3A_207 = tpu.memref_slice %arg7[%add3A_199, %dma_start3A_206] : memref<160x128xi32, #tpu.memory_space<vmem>> -> memref<1x128xi32, #tpu.memory_space<vmem>>
      %dma_start3A_208 = tpu.memref_squeeze %dma_start3A_207 : memref<1x128xi32, #tpu.memory_space<vmem>> -> memref<128xi32, #tpu.memory_space<vmem>>
      %dma_start3A_209 = arith.constant 0 : i32
      %dma_start3A_210 = arith.constant 0 : i32
      %dma_start3A_211 = tpu.memref_slice %arg19[%dma_start3A_209, %dma_start3A_210] : memref<10240x32xf32, #tpu.memory_space<vmem_shared>> -> memref<10240x32xf32, #tpu.memory_space<vmem_shared>>
      tpu.enqueue_indirect_dma source(%arg15 : memref<128x32xf32, #tpu.memory_space<vmem>>) target(%dma_start3A_211 : memref<10240x32xf32, #tpu.memory_space<vmem_shared>>) offsets(%dma_start3A_208 : memref<128xi32, #tpu.memory_space<vmem>>) semaphore(%arg27 : memref<!tpu.dma_semaphore, #tpu.memory_space<semaphore_mem>>) {add = true}
      %mul3A_212 = arith.constant 10 : i32
      %mul3A_213 = arith.muli %scan3A_85, %mul3A_212 : i32
      %add3A_214 = arith.constant 8 : i32
      %add3A_215 = arith.addi %mul3A_213, %add3A_214 : i32
      %dma_wait3A_216 = arith.constant 0 : i32
      %dma_wait3A_217 = tpu.memref_slice %arg6[%add3A_215, %dma_wait3A_216] : memref<160x128xi32, #tpu.memory_space<vmem>> -> memref<1x128xi32, #tpu.memory_space<vmem>>
      %dma_wait3A_218 = tpu.memref_squeeze %dma_wait3A_217 : memref<1x128xi32, #tpu.memory_space<vmem>> -> memref<128xi32, #tpu.memory_space<vmem>>
      %dma_wait3A_219 = arith.constant 0 : i32
      %dma_wait3A_220 = arith.constant 0 : i32
      %dma_wait3A_221 = tpu.memref_slice %arg18[%dma_wait3A_219, %dma_wait3A_220] : memref<10000x32xf32, #tpu.memory_space<vmem_shared>> -> memref<10000x32xf32, #tpu.memory_space<vmem_shared>>
      tpu.wait_indirect_dma semaphore(%arg28 : memref<!tpu.dma_semaphore, #tpu.memory_space<semaphore_mem>>) src(%dma_wait3A_221 : memref<10000x32xf32, #tpu.memory_space<vmem_shared>>) dst(%arg16 : memref<128x32xf32, #tpu.memory_space<vmem>>)
      %dma_start3A_222 = arith.constant 0 : i32
      %dma_start3A_223 = tpu.memref_slice %arg7[%add3A_215, %dma_start3A_222] : memref<160x128xi32, #tpu.memory_space<vmem>> -> memref<1x128xi32, #tpu.memory_space<vmem>>
      %dma_start3A_224 = tpu.memref_squeeze %dma_start3A_223 : memref<1x128xi32, #tpu.memory_space<vmem>> -> memref<128xi32, #tpu.memory_space<vmem>>
      %dma_start3A_225 = arith.constant 0 : i32
      %dma_start3A_226 = arith.constant 0 : i32
      %dma_start3A_227 = tpu.memref_slice %arg19[%dma_start3A_225, %dma_start3A_226] : memref<10240x32xf32, #tpu.memory_space<vmem_shared>> -> memref<10240x32xf32, #tpu.memory_space<vmem_shared>>
      tpu.enqueue_indirect_dma source(%arg16 : memref<128x32xf32, #tpu.memory_space<vmem>>) target(%dma_start3A_227 : memref<10240x32xf32, #tpu.memory_space<vmem_shared>>) offsets(%dma_start3A_224 : memref<128xi32, #tpu.memory_space<vmem>>) semaphore(%arg28 : memref<!tpu.dma_semaphore, #tpu.memory_space<semaphore_mem>>) {add = true}
      %mul3A_228 = arith.constant 10 : i32
      %mul3A_229 = arith.muli %scan3A_85, %mul3A_228 : i32
      %add3A_230 = arith.constant 9 : i32
      %add3A_231 = arith.addi %mul3A_229, %add3A_230 : i32
      %dma_wait3A_232 = arith.constant 0 : i32
      %dma_wait3A_233 = tpu.memref_slice %arg6[%add3A_231, %dma_wait3A_232] : memref<160x128xi32, #tpu.memory_space<vmem>> -> memref<1x128xi32, #tpu.memory_space<vmem>>
      %dma_wait3A_234 = tpu.memref_squeeze %dma_wait3A_233 : memref<1x128xi32, #tpu.memory_space<vmem>> -> memref<128xi32, #tpu.memory_space<vmem>>
      %dma_wait3A_235 = arith.constant 0 : i32
      %dma_wait3A_236 = arith.constant 0 : i32
      %dma_wait3A_237 = tpu.memref_slice %arg18[%dma_wait3A_235, %dma_wait3A_236] : memref<10000x32xf32, #tpu.memory_space<vmem_shared>> -> memref<10000x32xf32, #tpu.memory_space<vmem_shared>>
      tpu.wait_indirect_dma semaphore(%arg29 : memref<!tpu.dma_semaphore, #tpu.memory_space<semaphore_mem>>) src(%dma_wait3A_237 : memref<10000x32xf32, #tpu.memory_space<vmem_shared>>) dst(%arg17 : memref<128x32xf32, #tpu.memory_space<vmem>>)
      %dma_start3A_238 = arith.constant 0 : i32
      %dma_start3A_239 = tpu.memref_slice %arg7[%add3A_231, %dma_start3A_238] : memref<160x128xi32, #tpu.memory_space<vmem>> -> memref<1x128xi32, #tpu.memory_space<vmem>>
      %dma_start3A_240 = tpu.memref_squeeze %dma_start3A_239 : memref<1x128xi32, #tpu.memory_space<vmem>> -> memref<128xi32, #tpu.memory_space<vmem>>
      %dma_start3A_241 = arith.constant 0 : i32
      %dma_start3A_242 = arith.constant 0 : i32
      %dma_start3A_243 = tpu.memref_slice %arg19[%dma_start3A_241, %dma_start3A_242] : memref<10240x32xf32, #tpu.memory_space<vmem_shared>> -> memref<10240x32xf32, #tpu.memory_space<vmem_shared>>
      tpu.enqueue_indirect_dma source(%arg17 : memref<128x32xf32, #tpu.memory_space<vmem>>) target(%dma_start3A_243 : memref<10240x32xf32, #tpu.memory_space<vmem_shared>>) offsets(%dma_start3A_240 : memref<128xi32, #tpu.memory_space<vmem>>) semaphore(%arg29 : memref<!tpu.dma_semaphore, #tpu.memory_space<semaphore_mem>>) {add = true}
      %mul3A_244 = arith.constant 10 : i32
      %mul3A_245 = arith.muli %scan3A_85, %mul3A_244 : i32
      %add3A_246 = arith.constant 0 : i32
      %add3A_247 = arith.addi %mul3A_245, %add3A_246 : i32
      %dma_wait3A_248 = arith.constant 0 : i32
      %dma_wait3A_249 = tpu.memref_slice %arg7[%add3A_247, %dma_wait3A_248] : memref<160x128xi32, #tpu.memory_space<vmem>> -> memref<1x128xi32, #tpu.memory_space<vmem>>
      %dma_wait3A_250 = tpu.memref_squeeze %dma_wait3A_249 : memref<1x128xi32, #tpu.memory_space<vmem>> -> memref<128xi32, #tpu.memory_space<vmem>>
      %dma_wait3A_251 = arith.constant 0 : i32
      %dma_wait3A_252 = arith.constant 0 : i32
      %dma_wait3A_253 = tpu.memref_slice %arg19[%dma_wait3A_251, %dma_wait3A_252] : memref<10240x32xf32, #tpu.memory_space<vmem_shared>> -> memref<10240x32xf32, #tpu.memory_space<vmem_shared>>
      tpu.wait_indirect_dma semaphore(%arg20 : memref<!tpu.dma_semaphore, #tpu.memory_space<semaphore_mem>>) src(%arg8 : memref<128x32xf32, #tpu.memory_space<vmem>>) dst(%dma_wait3A_253 : memref<10240x32xf32, #tpu.memory_space<vmem_shared>>)
      %lt3A = arith.constant 15 : i32
      %lt3A_254 = arith.cmpi slt, %scan3A_85, %lt3A : i32
      %convert_element_type3A_255 = arith.extui %lt3A_254 : i1 to i32
      %cond3A_256 = arith.constant 0 : i32
      %cond3A_257 = arith.cmpi ne, %convert_element_type3A_255, %cond3A_256 : i32
      scf.if %cond3A_257 {
        %add3A_393 = arith.constant 1 : i32
        %add3A_394 = arith.addi %scan3A_85, %add3A_393 : i32
        %mul3A_395 = arith.constant 10 : i32
        %mul3A_396 = arith.muli %add3A_394, %mul3A_395 : i32
        %add3A_397 = arith.constant 0 : i32
        %add3A_398 = arith.addi %mul3A_396, %add3A_397 : i32
        %dma_start3A_399 = arith.constant 0 : i32
        %dma_start3A_400 = tpu.memref_slice %arg6[%add3A_398, %dma_start3A_399] : memref<160x128xi32, #tpu.memory_space<vmem>> -> memref<1x128xi32, #tpu.memory_space<vmem>>
        %dma_start3A_401 = tpu.memref_squeeze %dma_start3A_400 : memref<1x128xi32, #tpu.memory_space<vmem>> -> memref<128xi32, #tpu.memory_space<vmem>>
        %dma_start3A_402 = arith.constant 0 : i32
        %dma_start3A_403 = arith.constant 0 : i32
        %dma_start3A_404 = tpu.memref_slice %arg18[%dma_start3A_402, %dma_start3A_403] : memref<10000x32xf32, #tpu.memory_space<vmem_shared>> -> memref<10000x32xf32, #tpu.memory_space<vmem_shared>>
        tpu.enqueue_indirect_dma source(%dma_start3A_404 : memref<10000x32xf32, #tpu.memory_space<vmem_shared>>) target(%arg8 : memref<128x32xf32, #tpu.memory_space<vmem>>) offsets(%dma_start3A_401 : memref<128xi32, #tpu.memory_space<vmem>>) semaphore(%arg20 : memref<!tpu.dma_semaphore, #tpu.memory_space<semaphore_mem>>)
      } else {
      }
      %mul3A_258 = arith.constant 10 : i32
      %mul3A_259 = arith.muli %scan3A_85, %mul3A_258 : i32
      %add3A_260 = arith.constant 1 : i32
      %add3A_261 = arith.addi %mul3A_259, %add3A_260 : i32
      %dma_wait3A_262 = arith.constant 0 : i32
      %dma_wait3A_263 = tpu.memref_slice %arg7[%add3A_261, %dma_wait3A_262] : memref<160x128xi32, #tpu.memory_space<vmem>> -> memref<1x128xi32, #tpu.memory_space<vmem>>
      %dma_wait3A_264 = tpu.memref_squeeze %dma_wait3A_263 : memref<1x128xi32, #tpu.memory_space<vmem>> -> memref<128xi32, #tpu.memory_space<vmem>>
      %dma_wait3A_265 = arith.constant 0 : i32
      %dma_wait3A_266 = arith.constant 0 : i32
      %dma_wait3A_267 = tpu.memref_slice %arg19[%dma_wait3A_265, %dma_wait3A_266] : memref<10240x32xf32, #tpu.memory_space<vmem_shared>> -> memref<10240x32xf32, #tpu.memory_space<vmem_shared>>
      tpu.wait_indirect_dma semaphore(%arg21 : memref<!tpu.dma_semaphore, #tpu.memory_space<semaphore_mem>>) src(%arg9 : memref<128x32xf32, #tpu.memory_space<vmem>>) dst(%dma_wait3A_267 : memref<10240x32xf32, #tpu.memory_space<vmem_shared>>)
      %lt3A_268 = arith.constant 15 : i32
      %lt3A_269 = arith.cmpi slt, %scan3A_85, %lt3A_268 : i32
      %convert_element_type3A_270 = arith.extui %lt3A_269 : i1 to i32
      %cond3A_271 = arith.constant 0 : i32
      %cond3A_272 = arith.cmpi ne, %convert_element_type3A_270, %cond3A_271 : i32
      scf.if %cond3A_272 {
        %add3A_393 = arith.constant 1 : i32
        %add3A_394 = arith.addi %scan3A_85, %add3A_393 : i32
        %mul3A_395 = arith.constant 10 : i32
        %mul3A_396 = arith.muli %add3A_394, %mul3A_395 : i32
        %add3A_397 = arith.constant 1 : i32
        %add3A_398 = arith.addi %mul3A_396, %add3A_397 : i32
        %dma_start3A_399 = arith.constant 0 : i32
        %dma_start3A_400 = tpu.memref_slice %arg6[%add3A_398, %dma_start3A_399] : memref<160x128xi32, #tpu.memory_space<vmem>> -> memref<1x128xi32, #tpu.memory_space<vmem>>
        %dma_start3A_401 = tpu.memref_squeeze %dma_start3A_400 : memref<1x128xi32, #tpu.memory_space<vmem>> -> memref<128xi32, #tpu.memory_space<vmem>>
        %dma_start3A_402 = arith.constant 0 : i32
        %dma_start3A_403 = arith.constant 0 : i32
        %dma_start3A_404 = tpu.memref_slice %arg18[%dma_start3A_402, %dma_start3A_403] : memref<10000x32xf32, #tpu.memory_space<vmem_shared>> -> memref<10000x32xf32, #tpu.memory_space<vmem_shared>>
        tpu.enqueue_indirect_dma source(%dma_start3A_404 : memref<10000x32xf32, #tpu.memory_space<vmem_shared>>) target(%arg9 : memref<128x32xf32, #tpu.memory_space<vmem>>) offsets(%dma_start3A_401 : memref<128xi32, #tpu.memory_space<vmem>>) semaphore(%arg21 : memref<!tpu.dma_semaphore, #tpu.memory_space<semaphore_mem>>)
      } else {
      }
      %mul3A_273 = arith.constant 10 : i32
      %mul3A_274 = arith.muli %scan3A_85, %mul3A_273 : i32
      %add3A_275 = arith.constant 2 : i32
      %add3A_276 = arith.addi %mul3A_274, %add3A_275 : i32
      %dma_wait3A_277 = arith.constant 0 : i32
      %dma_wait3A_278 = tpu.memref_slice %arg7[%add3A_276, %dma_wait3A_277] : memref<160x128xi32, #tpu.memory_space<vmem>> -> memref<1x128xi32, #tpu.memory_space<vmem>>
      %dma_wait3A_279 = tpu.memref_squeeze %dma_wait3A_278 : memref<1x128xi32, #tpu.memory_space<vmem>> -> memref<128xi32, #tpu.memory_space<vmem>>
      %dma_wait3A_280 = arith.constant 0 : i32
      %dma_wait3A_281 = arith.constant 0 : i32
      %dma_wait3A_282 = tpu.memref_slice %arg19[%dma_wait3A_280, %dma_wait3A_281] : memref<10240x32xf32, #tpu.memory_space<vmem_shared>> -> memref<10240x32xf32, #tpu.memory_space<vmem_shared>>
      tpu.wait_indirect_dma semaphore(%arg22 : memref<!tpu.dma_semaphore, #tpu.memory_space<semaphore_mem>>) src(%arg10 : memref<128x32xf32, #tpu.memory_space<vmem>>) dst(%dma_wait3A_282 : memref<10240x32xf32, #tpu.memory_space<vmem_shared>>)
      %lt3A_283 = arith.constant 15 : i32
      %lt3A_284 = arith.cmpi slt, %scan3A_85, %lt3A_283 : i32
      %convert_element_type3A_285 = arith.extui %lt3A_284 : i1 to i32
      %cond3A_286 = arith.constant 0 : i32
      %cond3A_287 = arith.cmpi ne, %convert_element_type3A_285, %cond3A_286 : i32
      scf.if %cond3A_287 {
        %add3A_393 = arith.constant 1 : i32
        %add3A_394 = arith.addi %scan3A_85, %add3A_393 : i32
        %mul3A_395 = arith.constant 10 : i32
        %mul3A_396 = arith.muli %add3A_394, %mul3A_395 : i32
        %add3A_397 = arith.constant 2 : i32
        %add3A_398 = arith.addi %mul3A_396, %add3A_397 : i32
        %dma_start3A_399 = arith.constant 0 : i32
        %dma_start3A_400 = tpu.memref_slice %arg6[%add3A_398, %dma_start3A_399] : memref<160x128xi32, #tpu.memory_space<vmem>> -> memref<1x128xi32, #tpu.memory_space<vmem>>
        %dma_start3A_401 = tpu.memref_squeeze %dma_start3A_400 : memref<1x128xi32, #tpu.memory_space<vmem>> -> memref<128xi32, #tpu.memory_space<vmem>>
        %dma_start3A_402 = arith.constant 0 : i32
        %dma_start3A_403 = arith.constant 0 : i32
        %dma_start3A_404 = tpu.memref_slice %arg18[%dma_start3A_402, %dma_start3A_403] : memref<10000x32xf32, #tpu.memory_space<vmem_shared>> -> memref<10000x32xf32, #tpu.memory_space<vmem_shared>>
        tpu.enqueue_indirect_dma source(%dma_start3A_404 : memref<10000x32xf32, #tpu.memory_space<vmem_shared>>) target(%arg10 : memref<128x32xf32, #tpu.memory_space<vmem>>) offsets(%dma_start3A_401 : memref<128xi32, #tpu.memory_space<vmem>>) semaphore(%arg22 : memref<!tpu.dma_semaphore, #tpu.memory_space<semaphore_mem>>)
      } else {
      }
      %mul3A_288 = arith.constant 10 : i32
      %mul3A_289 = arith.muli %scan3A_85, %mul3A_288 : i32
      %add3A_290 = arith.constant 3 : i32
      %add3A_291 = arith.addi %mul3A_289, %add3A_290 : i32
      %dma_wait3A_292 = arith.constant 0 : i32
      %dma_wait3A_293 = tpu.memref_slice %arg7[%add3A_291, %dma_wait3A_292] : memref<160x128xi32, #tpu.memory_space<vmem>> -> memref<1x128xi32, #tpu.memory_space<vmem>>
      %dma_wait3A_294 = tpu.memref_squeeze %dma_wait3A_293 : memref<1x128xi32, #tpu.memory_space<vmem>> -> memref<128xi32, #tpu.memory_space<vmem>>
      %dma_wait3A_295 = arith.constant 0 : i32
      %dma_wait3A_296 = arith.constant 0 : i32
      %dma_wait3A_297 = tpu.memref_slice %arg19[%dma_wait3A_295, %dma_wait3A_296] : memref<10240x32xf32, #tpu.memory_space<vmem_shared>> -> memref<10240x32xf32, #tpu.memory_space<vmem_shared>>
      tpu.wait_indirect_dma semaphore(%arg23 : memref<!tpu.dma_semaphore, #tpu.memory_space<semaphore_mem>>) src(%arg11 : memref<128x32xf32, #tpu.memory_space<vmem>>) dst(%dma_wait3A_297 : memref<10240x32xf32, #tpu.memory_space<vmem_shared>>)
      %lt3A_298 = arith.constant 15 : i32
      %lt3A_299 = arith.cmpi slt, %scan3A_85, %lt3A_298 : i32
      %convert_element_type3A_300 = arith.extui %lt3A_299 : i1 to i32
      %cond3A_301 = arith.constant 0 : i32
      %cond3A_302 = arith.cmpi ne, %convert_element_type3A_300, %cond3A_301 : i32
      scf.if %cond3A_302 {
        %add3A_393 = arith.constant 1 : i32
        %add3A_394 = arith.addi %scan3A_85, %add3A_393 : i32
        %mul3A_395 = arith.constant 10 : i32
        %mul3A_396 = arith.muli %add3A_394, %mul3A_395 : i32
        %add3A_397 = arith.constant 3 : i32
        %add3A_398 = arith.addi %mul3A_396, %add3A_397 : i32
        %dma_start3A_399 = arith.constant 0 : i32
        %dma_start3A_400 = tpu.memref_slice %arg6[%add3A_398, %dma_start3A_399] : memref<160x128xi32, #tpu.memory_space<vmem>> -> memref<1x128xi32, #tpu.memory_space<vmem>>
        %dma_start3A_401 = tpu.memref_squeeze %dma_start3A_400 : memref<1x128xi32, #tpu.memory_space<vmem>> -> memref<128xi32, #tpu.memory_space<vmem>>
        %dma_start3A_402 = arith.constant 0 : i32
        %dma_start3A_403 = arith.constant 0 : i32
        %dma_start3A_404 = tpu.memref_slice %arg18[%dma_start3A_402, %dma_start3A_403] : memref<10000x32xf32, #tpu.memory_space<vmem_shared>> -> memref<10000x32xf32, #tpu.memory_space<vmem_shared>>
        tpu.enqueue_indirect_dma source(%dma_start3A_404 : memref<10000x32xf32, #tpu.memory_space<vmem_shared>>) target(%arg11 : memref<128x32xf32, #tpu.memory_space<vmem>>) offsets(%dma_start3A_401 : memref<128xi32, #tpu.memory_space<vmem>>) semaphore(%arg23 : memref<!tpu.dma_semaphore, #tpu.memory_space<semaphore_mem>>)
      } else {
      }
      %mul3A_303 = arith.constant 10 : i32
      %mul3A_304 = arith.muli %scan3A_85, %mul3A_303 : i32
      %add3A_305 = arith.constant 4 : i32
      %add3A_306 = arith.addi %mul3A_304, %add3A_305 : i32
      %dma_wait3A_307 = arith.constant 0 : i32
      %dma_wait3A_308 = tpu.memref_slice %arg7[%add3A_306, %dma_wait3A_307] : memref<160x128xi32, #tpu.memory_space<vmem>> -> memref<1x128xi32, #tpu.memory_space<vmem>>
      %dma_wait3A_309 = tpu.memref_squeeze %dma_wait3A_308 : memref<1x128xi32, #tpu.memory_space<vmem>> -> memref<128xi32, #tpu.memory_space<vmem>>
      %dma_wait3A_310 = arith.constant 0 : i32
      %dma_wait3A_311 = arith.constant 0 : i32
      %dma_wait3A_312 = tpu.memref_slice %arg19[%dma_wait3A_310, %dma_wait3A_311] : memref<10240x32xf32, #tpu.memory_space<vmem_shared>> -> memref<10240x32xf32, #tpu.memory_space<vmem_shared>>
      tpu.wait_indirect_dma semaphore(%arg24 : memref<!tpu.dma_semaphore, #tpu.memory_space<semaphore_mem>>) src(%arg12 : memref<128x32xf32, #tpu.memory_space<vmem>>) dst(%dma_wait3A_312 : memref<10240x32xf32, #tpu.memory_space<vmem_shared>>)
      %lt3A_313 = arith.constant 15 : i32
      %lt3A_314 = arith.cmpi slt, %scan3A_85, %lt3A_313 : i32
      %convert_element_type3A_315 = arith.extui %lt3A_314 : i1 to i32
      %cond3A_316 = arith.constant 0 : i32
      %cond3A_317 = arith.cmpi ne, %convert_element_type3A_315, %cond3A_316 : i32
      scf.if %cond3A_317 {
        %add3A_393 = arith.constant 1 : i32
        %add3A_394 = arith.addi %scan3A_85, %add3A_393 : i32
        %mul3A_395 = arith.constant 10 : i32
        %mul3A_396 = arith.muli %add3A_394, %mul3A_395 : i32
        %add3A_397 = arith.constant 4 : i32
        %add3A_398 = arith.addi %mul3A_396, %add3A_397 : i32
        %dma_start3A_399 = arith.constant 0 : i32
        %dma_start3A_400 = tpu.memref_slice %arg6[%add3A_398, %dma_start3A_399] : memref<160x128xi32, #tpu.memory_space<vmem>> -> memref<1x128xi32, #tpu.memory_space<vmem>>
        %dma_start3A_401 = tpu.memref_squeeze %dma_start3A_400 : memref<1x128xi32, #tpu.memory_space<vmem>> -> memref<128xi32, #tpu.memory_space<vmem>>
        %dma_start3A_402 = arith.constant 0 : i32
        %dma_start3A_403 = arith.constant 0 : i32
        %dma_start3A_404 = tpu.memref_slice %arg18[%dma_start3A_402, %dma_start3A_403] : memref<10000x32xf32, #tpu.memory_space<vmem_shared>> -> memref<10000x32xf32, #tpu.memory_space<vmem_shared>>
        tpu.enqueue_indirect_dma source(%dma_start3A_404 : memref<10000x32xf32, #tpu.memory_space<vmem_shared>>) target(%arg12 : memref<128x32xf32, #tpu.memory_space<vmem>>) offsets(%dma_start3A_401 : memref<128xi32, #tpu.memory_space<vmem>>) semaphore(%arg24 : memref<!tpu.dma_semaphore, #tpu.memory_space<semaphore_mem>>)
      } else {
      }
      %mul3A_318 = arith.constant 10 : i32
      %mul3A_319 = arith.muli %scan3A_85, %mul3A_318 : i32
      %add3A_320 = arith.constant 5 : i32
      %add3A_321 = arith.addi %mul3A_319, %add3A_320 : i32
      %dma_wait3A_322 = arith.constant 0 : i32
      %dma_wait3A_323 = tpu.memref_slice %arg7[%add3A_321, %dma_wait3A_322] : memref<160x128xi32, #tpu.memory_space<vmem>> -> memref<1x128xi32, #tpu.memory_space<vmem>>
      %dma_wait3A_324 = tpu.memref_squeeze %dma_wait3A_323 : memref<1x128xi32, #tpu.memory_space<vmem>> -> memref<128xi32, #tpu.memory_space<vmem>>
      %dma_wait3A_325 = arith.constant 0 : i32
      %dma_wait3A_326 = arith.constant 0 : i32
      %dma_wait3A_327 = tpu.memref_slice %arg19[%dma_wait3A_325, %dma_wait3A_326] : memref<10240x32xf32, #tpu.memory_space<vmem_shared>> -> memref<10240x32xf32, #tpu.memory_space<vmem_shared>>
      tpu.wait_indirect_dma semaphore(%arg25 : memref<!tpu.dma_semaphore, #tpu.memory_space<semaphore_mem>>) src(%arg13 : memref<128x32xf32, #tpu.memory_space<vmem>>) dst(%dma_wait3A_327 : memref<10240x32xf32, #tpu.memory_space<vmem_shared>>)
      %lt3A_328 = arith.constant 15 : i32
      %lt3A_329 = arith.cmpi slt, %scan3A_85, %lt3A_328 : i32
      %convert_element_type3A_330 = arith.extui %lt3A_329 : i1 to i32
      %cond3A_331 = arith.constant 0 : i32
      %cond3A_332 = arith.cmpi ne, %convert_element_type3A_330, %cond3A_331 : i32
      scf.if %cond3A_332 {
        %add3A_393 = arith.constant 1 : i32
        %add3A_394 = arith.addi %scan3A_85, %add3A_393 : i32
        %mul3A_395 = arith.constant 10 : i32
        %mul3A_396 = arith.muli %add3A_394, %mul3A_395 : i32
        %add3A_397 = arith.constant 5 : i32
        %add3A_398 = arith.addi %mul3A_396, %add3A_397 : i32
        %dma_start3A_399 = arith.constant 0 : i32
        %dma_start3A_400 = tpu.memref_slice %arg6[%add3A_398, %dma_start3A_399] : memref<160x128xi32, #tpu.memory_space<vmem>> -> memref<1x128xi32, #tpu.memory_space<vmem>>
        %dma_start3A_401 = tpu.memref_squeeze %dma_start3A_400 : memref<1x128xi32, #tpu.memory_space<vmem>> -> memref<128xi32, #tpu.memory_space<vmem>>
        %dma_start3A_402 = arith.constant 0 : i32
        %dma_start3A_403 = arith.constant 0 : i32
        %dma_start3A_404 = tpu.memref_slice %arg18[%dma_start3A_402, %dma_start3A_403] : memref<10000x32xf32, #tpu.memory_space<vmem_shared>> -> memref<10000x32xf32, #tpu.memory_space<vmem_shared>>
        tpu.enqueue_indirect_dma source(%dma_start3A_404 : memref<10000x32xf32, #tpu.memory_space<vmem_shared>>) target(%arg13 : memref<128x32xf32, #tpu.memory_space<vmem>>) offsets(%dma_start3A_401 : memref<128xi32, #tpu.memory_space<vmem>>) semaphore(%arg25 : memref<!tpu.dma_semaphore, #tpu.memory_space<semaphore_mem>>)
      } else {
      }
      %mul3A_333 = arith.constant 10 : i32
      %mul3A_334 = arith.muli %scan3A_85, %mul3A_333 : i32
      %add3A_335 = arith.constant 6 : i32
      %add3A_336 = arith.addi %mul3A_334, %add3A_335 : i32
      %dma_wait3A_337 = arith.constant 0 : i32
      %dma_wait3A_338 = tpu.memref_slice %arg7[%add3A_336, %dma_wait3A_337] : memref<160x128xi32, #tpu.memory_space<vmem>> -> memref<1x128xi32, #tpu.memory_space<vmem>>
      %dma_wait3A_339 = tpu.memref_squeeze %dma_wait3A_338 : memref<1x128xi32, #tpu.memory_space<vmem>> -> memref<128xi32, #tpu.memory_space<vmem>>
      %dma_wait3A_340 = arith.constant 0 : i32
      %dma_wait3A_341 = arith.constant 0 : i32
      %dma_wait3A_342 = tpu.memref_slice %arg19[%dma_wait3A_340, %dma_wait3A_341] : memref<10240x32xf32, #tpu.memory_space<vmem_shared>> -> memref<10240x32xf32, #tpu.memory_space<vmem_shared>>
      tpu.wait_indirect_dma semaphore(%arg26 : memref<!tpu.dma_semaphore, #tpu.memory_space<semaphore_mem>>) src(%arg14 : memref<128x32xf32, #tpu.memory_space<vmem>>) dst(%dma_wait3A_342 : memref<10240x32xf32, #tpu.memory_space<vmem_shared>>)
      %lt3A_343 = arith.constant 15 : i32
      %lt3A_344 = arith.cmpi slt, %scan3A_85, %lt3A_343 : i32
      %convert_element_type3A_345 = arith.extui %lt3A_344 : i1 to i32
      %cond3A_346 = arith.constant 0 : i32
      %cond3A_347 = arith.cmpi ne, %convert_element_type3A_345, %cond3A_346 : i32
      scf.if %cond3A_347 {
        %add3A_393 = arith.constant 1 : i32
        %add3A_394 = arith.addi %scan3A_85, %add3A_393 : i32
        %mul3A_395 = arith.constant 10 : i32
        %mul3A_396 = arith.muli %add3A_394, %mul3A_395 : i32
        %add3A_397 = arith.constant 6 : i32
        %add3A_398 = arith.addi %mul3A_396, %add3A_397 : i32
        %dma_start3A_399 = arith.constant 0 : i32
        %dma_start3A_400 = tpu.memref_slice %arg6[%add3A_398, %dma_start3A_399] : memref<160x128xi32, #tpu.memory_space<vmem>> -> memref<1x128xi32, #tpu.memory_space<vmem>>
        %dma_start3A_401 = tpu.memref_squeeze %dma_start3A_400 : memref<1x128xi32, #tpu.memory_space<vmem>> -> memref<128xi32, #tpu.memory_space<vmem>>
        %dma_start3A_402 = arith.constant 0 : i32
        %dma_start3A_403 = arith.constant 0 : i32
        %dma_start3A_404 = tpu.memref_slice %arg18[%dma_start3A_402, %dma_start3A_403] : memref<10000x32xf32, #tpu.memory_space<vmem_shared>> -> memref<10000x32xf32, #tpu.memory_space<vmem_shared>>
        tpu.enqueue_indirect_dma source(%dma_start3A_404 : memref<10000x32xf32, #tpu.memory_space<vmem_shared>>) target(%arg14 : memref<128x32xf32, #tpu.memory_space<vmem>>) offsets(%dma_start3A_401 : memref<128xi32, #tpu.memory_space<vmem>>) semaphore(%arg26 : memref<!tpu.dma_semaphore, #tpu.memory_space<semaphore_mem>>)
      } else {
      }
      %mul3A_348 = arith.constant 10 : i32
      %mul3A_349 = arith.muli %scan3A_85, %mul3A_348 : i32
      %add3A_350 = arith.constant 7 : i32
      %add3A_351 = arith.addi %mul3A_349, %add3A_350 : i32
      %dma_wait3A_352 = arith.constant 0 : i32
      %dma_wait3A_353 = tpu.memref_slice %arg7[%add3A_351, %dma_wait3A_352] : memref<160x128xi32, #tpu.memory_space<vmem>> -> memref<1x128xi32, #tpu.memory_space<vmem>>
      %dma_wait3A_354 = tpu.memref_squeeze %dma_wait3A_353 : memref<1x128xi32, #tpu.memory_space<vmem>> -> memref<128xi32, #tpu.memory_space<vmem>>
      %dma_wait3A_355 = arith.constant 0 : i32
      %dma_wait3A_356 = arith.constant 0 : i32
      %dma_wait3A_357 = tpu.memref_slice %arg19[%dma_wait3A_355, %dma_wait3A_356] : memref<10240x32xf32, #tpu.memory_space<vmem_shared>> -> memref<10240x32xf32, #tpu.memory_space<vmem_shared>>
      tpu.wait_indirect_dma semaphore(%arg27 : memref<!tpu.dma_semaphore, #tpu.memory_space<semaphore_mem>>) src(%arg15 : memref<128x32xf32, #tpu.memory_space<vmem>>) dst(%dma_wait3A_357 : memref<10240x32xf32, #tpu.memory_space<vmem_shared>>)
      %lt3A_358 = arith.constant 15 : i32
      %lt3A_359 = arith.cmpi slt, %scan3A_85, %lt3A_358 : i32
      %convert_element_type3A_360 = arith.extui %lt3A_359 : i1 to i32
      %cond3A_361 = arith.constant 0 : i32
      %cond3A_362 = arith.cmpi ne, %convert_element_type3A_360, %cond3A_361 : i32
      scf.if %cond3A_362 {
        %add3A_393 = arith.constant 1 : i32
        %add3A_394 = arith.addi %scan3A_85, %add3A_393 : i32
        %mul3A_395 = arith.constant 10 : i32
        %mul3A_396 = arith.muli %add3A_394, %mul3A_395 : i32
        %add3A_397 = arith.constant 7 : i32
        %add3A_398 = arith.addi %mul3A_396, %add3A_397 : i32
        %dma_start3A_399 = arith.constant 0 : i32
        %dma_start3A_400 = tpu.memref_slice %arg6[%add3A_398, %dma_start3A_399] : memref<160x128xi32, #tpu.memory_space<vmem>> -> memref<1x128xi32, #tpu.memory_space<vmem>>
        %dma_start3A_401 = tpu.memref_squeeze %dma_start3A_400 : memref<1x128xi32, #tpu.memory_space<vmem>> -> memref<128xi32, #tpu.memory_space<vmem>>
        %dma_start3A_402 = arith.constant 0 : i32
        %dma_start3A_403 = arith.constant 0 : i32
        %dma_start3A_404 = tpu.memref_slice %arg18[%dma_start3A_402, %dma_start3A_403] : memref<10000x32xf32, #tpu.memory_space<vmem_shared>> -> memref<10000x32xf32, #tpu.memory_space<vmem_shared>>
        tpu.enqueue_indirect_dma source(%dma_start3A_404 : memref<10000x32xf32, #tpu.memory_space<vmem_shared>>) target(%arg15 : memref<128x32xf32, #tpu.memory_space<vmem>>) offsets(%dma_start3A_401 : memref<128xi32, #tpu.memory_space<vmem>>) semaphore(%arg27 : memref<!tpu.dma_semaphore, #tpu.memory_space<semaphore_mem>>)
      } else {
      }
      %mul3A_363 = arith.constant 10 : i32
      %mul3A_364 = arith.muli %scan3A_85, %mul3A_363 : i32
      %add3A_365 = arith.constant 8 : i32
      %add3A_366 = arith.addi %mul3A_364, %add3A_365 : i32
      %dma_wait3A_367 = arith.constant 0 : i32
      %dma_wait3A_368 = tpu.memref_slice %arg7[%add3A_366, %dma_wait3A_367] : memref<160x128xi32, #tpu.memory_space<vmem>> -> memref<1x128xi32, #tpu.memory_space<vmem>>
      %dma_wait3A_369 = tpu.memref_squeeze %dma_wait3A_368 : memref<1x128xi32, #tpu.memory_space<vmem>> -> memref<128xi32, #tpu.memory_space<vmem>>
      %dma_wait3A_370 = arith.constant 0 : i32
      %dma_wait3A_371 = arith.constant 0 : i32
      %dma_wait3A_372 = tpu.memref_slice %arg19[%dma_wait3A_370, %dma_wait3A_371] : memref<10240x32xf32, #tpu.memory_space<vmem_shared>> -> memref<10240x32xf32, #tpu.memory_space<vmem_shared>>
      tpu.wait_indirect_dma semaphore(%arg28 : memref<!tpu.dma_semaphore, #tpu.memory_space<semaphore_mem>>) src(%arg16 : memref<128x32xf32, #tpu.memory_space<vmem>>) dst(%dma_wait3A_372 : memref<10240x32xf32, #tpu.memory_space<vmem_shared>>)
      %lt3A_373 = arith.constant 15 : i32
      %lt3A_374 = arith.cmpi slt, %scan3A_85, %lt3A_373 : i32
      %convert_element_type3A_375 = arith.extui %lt3A_374 : i1 to i32
      %cond3A_376 = arith.constant 0 : i32
      %cond3A_377 = arith.cmpi ne, %convert_element_type3A_375, %cond3A_376 : i32
      scf.if %cond3A_377 {
        %add3A_393 = arith.constant 1 : i32
        %add3A_394 = arith.addi %scan3A_85, %add3A_393 : i32
        %mul3A_395 = arith.constant 10 : i32
        %mul3A_396 = arith.muli %add3A_394, %mul3A_395 : i32
        %add3A_397 = arith.constant 8 : i32
        %add3A_398 = arith.addi %mul3A_396, %add3A_397 : i32
        %dma_start3A_399 = arith.constant 0 : i32
        %dma_start3A_400 = tpu.memref_slice %arg6[%add3A_398, %dma_start3A_399] : memref<160x128xi32, #tpu.memory_space<vmem>> -> memref<1x128xi32, #tpu.memory_space<vmem>>
        %dma_start3A_401 = tpu.memref_squeeze %dma_start3A_400 : memref<1x128xi32, #tpu.memory_space<vmem>> -> memref<128xi32, #tpu.memory_space<vmem>>
        %dma_start3A_402 = arith.constant 0 : i32
        %dma_start3A_403 = arith.constant 0 : i32
        %dma_start3A_404 = tpu.memref_slice %arg18[%dma_start3A_402, %dma_start3A_403] : memref<10000x32xf32, #tpu.memory_space<vmem_shared>> -> memref<10000x32xf32, #tpu.memory_space<vmem_shared>>
        tpu.enqueue_indirect_dma source(%dma_start3A_404 : memref<10000x32xf32, #tpu.memory_space<vmem_shared>>) target(%arg16 : memref<128x32xf32, #tpu.memory_space<vmem>>) offsets(%dma_start3A_401 : memref<128xi32, #tpu.memory_space<vmem>>) semaphore(%arg28 : memref<!tpu.dma_semaphore, #tpu.memory_space<semaphore_mem>>)
      } else {
      }
      %mul3A_378 = arith.constant 10 : i32
      %mul3A_379 = arith.muli %scan3A_85, %mul3A_378 : i32
      %add3A_380 = arith.constant 9 : i32
      %add3A_381 = arith.addi %mul3A_379, %add3A_380 : i32
      %dma_wait3A_382 = arith.constant 0 : i32
      %dma_wait3A_383 = tpu.memref_slice %arg7[%add3A_381, %dma_wait3A_382] : memref<160x128xi32, #tpu.memory_space<vmem>> -> memref<1x128xi32, #tpu.memory_space<vmem>>
      %dma_wait3A_384 = tpu.memref_squeeze %dma_wait3A_383 : memref<1x128xi32, #tpu.memory_space<vmem>> -> memref<128xi32, #tpu.memory_space<vmem>>
      %dma_wait3A_385 = arith.constant 0 : i32
      %dma_wait3A_386 = arith.constant 0 : i32
      %dma_wait3A_387 = tpu.memref_slice %arg19[%dma_wait3A_385, %dma_wait3A_386] : memref<10240x32xf32, #tpu.memory_space<vmem_shared>> -> memref<10240x32xf32, #tpu.memory_space<vmem_shared>>
      tpu.wait_indirect_dma semaphore(%arg29 : memref<!tpu.dma_semaphore, #tpu.memory_space<semaphore_mem>>) src(%arg17 : memref<128x32xf32, #tpu.memory_space<vmem>>) dst(%dma_wait3A_387 : memref<10240x32xf32, #tpu.memory_space<vmem_shared>>)
      %lt3A_388 = arith.constant 15 : i32
      %lt3A_389 = arith.cmpi slt, %scan3A_85, %lt3A_388 : i32
      %convert_element_type3A_390 = arith.extui %lt3A_389 : i1 to i32
      %cond3A_391 = arith.constant 0 : i32
      %cond3A_392 = arith.cmpi ne, %convert_element_type3A_390, %cond3A_391 : i32
      scf.if %cond3A_392 {
        %add3A_393 = arith.constant 1 : i32
        %add3A_394 = arith.addi %scan3A_85, %add3A_393 : i32
        %mul3A_395 = arith.constant 10 : i32
        %mul3A_396 = arith.muli %add3A_394, %mul3A_395 : i32
        %add3A_397 = arith.constant 9 : i32
        %add3A_398 = arith.addi %mul3A_396, %add3A_397 : i32
        %dma_start3A_399 = arith.constant 0 : i32
        %dma_start3A_400 = tpu.memref_slice %arg6[%add3A_398, %dma_start3A_399] : memref<160x128xi32, #tpu.memory_space<vmem>> -> memref<1x128xi32, #tpu.memory_space<vmem>>
        %dma_start3A_401 = tpu.memref_squeeze %dma_start3A_400 : memref<1x128xi32, #tpu.memory_space<vmem>> -> memref<128xi32, #tpu.memory_space<vmem>>
        %dma_start3A_402 = arith.constant 0 : i32
        %dma_start3A_403 = arith.constant 0 : i32
        %dma_start3A_404 = tpu.memref_slice %arg18[%dma_start3A_402, %dma_start3A_403] : memref<10000x32xf32, #tpu.memory_space<vmem_shared>> -> memref<10000x32xf32, #tpu.memory_space<vmem_shared>>
        tpu.enqueue_indirect_dma source(%dma_start3A_404 : memref<10000x32xf32, #tpu.memory_space<vmem_shared>>) target(%arg17 : memref<128x32xf32, #tpu.memory_space<vmem>>) offsets(%dma_start3A_401 : memref<128xi32, #tpu.memory_space<vmem>>) semaphore(%arg29 : memref<!tpu.dma_semaphore, #tpu.memory_space<semaphore_mem>>)
      } else {
      }
    }
    %scan3A_78 = arith.constant 16 : i32
    %barrier3A_79 = arith.constant 0 : index
    tpu.barrier barrier_id(%barrier3A_79)
    "tpu.region"() ({
      %run_scoped3A = tpu.sem_alloc : memref<!tpu.dma_semaphore, #tpu.memory_space<semaphore_mem>>
      %dma_start3A_85 = tpu.memref_slice %arg5[%mul3A_0, %mul3A_2] : memref<10000x64xf32, #tpu.memory_space<hbm>> -> memref<624x32xf32, #tpu.memory_space<hbm>>
      %dma_start3A_86 = arith.constant 0 : i32
      %dma_start3A_87 = tpu.memref_slice %arg19[%mul3A_0, %dma_start3A_86] : memref<10240x32xf32, #tpu.memory_space<vmem_shared>> -> memref<624x32xf32, #tpu.memory_space<vmem_shared>>
      tpu.enqueue_dma source(%dma_start3A_87 : memref<624x32xf32, #tpu.memory_space<vmem_shared>>) target(%dma_start3A_85 : memref<624x32xf32, #tpu.memory_space<hbm>>) target_semaphore(%run_scoped3A : memref<!tpu.dma_semaphore, #tpu.memory_space<semaphore_mem>>)
      %dma_wait3A = tpu.memref_slice %arg5[%mul3A_0, %mul3A_2] : memref<10000x64xf32, #tpu.memory_space<hbm>> -> memref<624x32xf32, #tpu.memory_space<hbm>>
      %dma_wait3A_88 = arith.constant 0 : i32
      %dma_wait3A_89 = tpu.memref_slice %arg19[%mul3A_0, %dma_wait3A_88] : memref<10240x32xf32, #tpu.memory_space<vmem_shared>> -> memref<624x32xf32, #tpu.memory_space<vmem_shared>>
      tpu.wait_dma2 semaphore(%run_scoped3A : memref<!tpu.dma_semaphore, #tpu.memory_space<semaphore_mem>>) src(%dma_wait3A_89 : memref<624x32xf32, #tpu.memory_space<vmem_shared>>) dst(%dma_wait3A : memref<624x32xf32, #tpu.memory_space<hbm>>)
      tpu.yield
    }) : () -> ()
    %eq3A_80 = arith.constant 15 : i32
    %eq3A_81 = arith.cmpi eq, %arg1, %eq3A_80 : i32
    %convert_element_type3A_82 = arith.extui %eq3A_81 : i1 to i32
    %cond3A_83 = arith.constant 0 : i32
    %cond3A_84 = arith.cmpi ne, %convert_element_type3A_82, %cond3A_83 : i32
    scf.if %cond3A_84 {
      "tpu.region"() ({
        %run_scoped3A = tpu.sem_alloc : memref<!tpu.dma_semaphore, #tpu.memory_space<semaphore_mem>>
        %dma_start3A_85 = arith.constant 9984 : i32
        %dma_start3A_86 = tpu.memref_slice %arg5[%dma_start3A_85, %mul3A_2] : memref<10000x64xf32, #tpu.memory_space<hbm>> -> memref<16x32xf32, #tpu.memory_space<hbm>>
        %dma_start3A_87 = arith.constant 9984 : i32
        %dma_start3A_88 = arith.constant 0 : i32
        %dma_start3A_89 = tpu.memref_slice %arg19[%dma_start3A_87, %dma_start3A_88] : memref<10240x32xf32, #tpu.memory_space<vmem_shared>> -> memref<16x32xf32, #tpu.memory_space<vmem_shared>>
        tpu.enqueue_dma source(%dma_start3A_89 : memref<16x32xf32, #tpu.memory_space<vmem_shared>>) target(%dma_start3A_86 : memref<16x32xf32, #tpu.memory_space<hbm>>) target_semaphore(%run_scoped3A : memref<!tpu.dma_semaphore, #tpu.memory_space<semaphore_mem>>)
        %dma_wait3A = arith.constant 9984 : i32
        %dma_wait3A_90 = tpu.memref_slice %arg5[%dma_wait3A, %mul3A_2] : memref<10000x64xf32, #tpu.memory_space<hbm>> -> memref<16x32xf32, #tpu.memory_space<hbm>>
        %dma_wait3A_91 = arith.constant 9984 : i32
        %dma_wait3A_92 = arith.constant 0 : i32
        %dma_wait3A_93 = tpu.memref_slice %arg19[%dma_wait3A_91, %dma_wait3A_92] : memref<10240x32xf32, #tpu.memory_space<vmem_shared>> -> memref<16x32xf32, #tpu.memory_space<vmem_shared>>
        tpu.wait_dma2 semaphore(%run_scoped3A : memref<!tpu.dma_semaphore, #tpu.memory_space<semaphore_mem>>) src(%dma_wait3A_93 : memref<16x32xf32, #tpu.memory_space<vmem_shared>>) dst(%dma_wait3A_90 : memref<16x32xf32, #tpu.memory_space<hbm>>)
        tpu.yield
      }) : () -> ()
    } else {
    }
    return
  }
}

#map = affine_map<(d0, d1) -> (0, 0)>
#map1 = affine_map<(d0, d1) -> (0, 0, 0)>
module attributes {stable_mosaic.version = 14 : i64} {
  func.func @k(%arg0: i32, %arg1: i32, %arg2: memref<10000x32xf32, #tpu.memory_space<hbm>>, %arg3: memref<16x160x128xi32, #tpu.memory_space<hbm>>, %arg4: memref<16x160x128xi32, #tpu.memory_space<hbm>>, %arg5: memref<2x10000x32xf32, #tpu.memory_space<hbm>>, %arg6: memref<80x128xi32, #tpu.memory_space<vmem>>, %arg7: memref<80x128xi32, #tpu.memory_space<vmem>>, %arg8: memref<128x32xf32, #tpu.memory_space<vmem>>, %arg9: memref<128x32xf32, #tpu.memory_space<vmem>>, %arg10: memref<128x32xf32, #tpu.memory_space<vmem>>, %arg11: memref<128x32xf32, #tpu.memory_space<vmem>>, %arg12: memref<128x32xf32, #tpu.memory_space<vmem>>, %arg13: memref<128x32xf32, #tpu.memory_space<vmem>>, %arg14: memref<128x32xf32, #tpu.memory_space<vmem>>, %arg15: memref<128x32xf32, #tpu.memory_space<vmem>>, %arg16: memref<128x32xf32, #tpu.memory_space<vmem>>, %arg17: memref<128x32xf32, #tpu.memory_space<vmem>>, %arg18: memref<128x32xf32, #tpu.memory_space<vmem>>, %arg19: memref<128x32xf32, #tpu.memory_space<vmem>>, %arg20: memref<128x32xf32, #tpu.memory_space<vmem>>, %arg21: memref<128x32xf32, #tpu.memory_space<vmem>>, %arg22: memref<128x32xf32, #tpu.memory_space<vmem>>, %arg23: memref<128x32xf32, #tpu.memory_space<vmem>>, %arg24: memref<10000x32xf32, #tpu.memory_space<vmem_shared>>, %arg25: memref<10240x32xf32, #tpu.memory_space<vmem_shared>>, %arg26: memref<!tpu.dma_semaphore, #tpu.memory_space<semaphore_mem>>, %arg27: memref<!tpu.dma_semaphore, #tpu.memory_space<semaphore_mem>>, %arg28: memref<!tpu.dma_semaphore, #tpu.memory_space<semaphore_mem>>, %arg29: memref<!tpu.dma_semaphore, #tpu.memory_space<semaphore_mem>>, %arg30: memref<!tpu.dma_semaphore, #tpu.memory_space<semaphore_mem>>, %arg31: memref<!tpu.dma_semaphore, #tpu.memory_space<semaphore_mem>>, %arg32: memref<!tpu.dma_semaphore, #tpu.memory_space<semaphore_mem>>, %arg33: memref<!tpu.dma_semaphore, #tpu.memory_space<semaphore_mem>>, %arg34: memref<!tpu.dma_semaphore, #tpu.memory_space<semaphore_mem>>, %arg35: memref<!tpu.dma_semaphore, #tpu.memory_space<semaphore_mem>>, %arg36: memref<!tpu.dma_semaphore, #tpu.memory_space<semaphore_mem>>, %arg37: memref<!tpu.dma_semaphore, #tpu.memory_space<semaphore_mem>>, %arg38: memref<!tpu.dma_semaphore, #tpu.memory_space<semaphore_mem>>, %arg39: memref<!tpu.dma_semaphore, #tpu.memory_space<semaphore_mem>>, %arg40: memref<!tpu.dma_semaphore, #tpu.memory_space<semaphore_mem>>, %arg41: memref<!tpu.dma_semaphore, #tpu.memory_space<semaphore_mem>>) attributes {dimension_semantics = [#tpu.dimension_semantics<core_parallel>, #tpu.dimension_semantics<subcore_parallel>], iteration_bounds = array<i64: 2, 16>, scalar_prefetch = 0 : i64, scratch_operands = 36 : i64, tpu.core_type = #tpu.core_type<sc_vector_subcore>, window_params = [{transform_indices = #map}, {transform_indices = #map1}, {transform_indices = #map1}, {transform_indices = #map1}]} {
    %mul3A = arith.constant 80 : i32
    %mul3A_0 = arith.muli %arg0, %mul3A : i32
    "tpu.region"() ({
      %run_scoped3A = tpu.sem_alloc : memref<!tpu.dma_semaphore, #tpu.memory_space<semaphore_mem>>
      %dma_start3A_129 = arith.constant 0 : i32
      %dma_start3A_130 = tpu.memref_slice %arg3[%arg1, %mul3A_0, %dma_start3A_129] : memref<16x160x128xi32, #tpu.memory_space<hbm>> -> memref<1x80x128xi32, #tpu.memory_space<hbm>>
      %dma_start3A_131 = tpu.memref_squeeze %dma_start3A_130 : memref<1x80x128xi32, #tpu.memory_space<hbm>> -> memref<80x128xi32, #tpu.memory_space<hbm>>
      %dma_start3A_132 = arith.constant 0 : i32
      %dma_start3A_133 = tpu.memref_slice %arg3[%arg1, %mul3A_0, %dma_start3A_132] : memref<16x160x128xi32, #tpu.memory_space<hbm>> -> memref<1x80x128xi32, #tpu.memory_space<hbm>>
      %dma_start3A_134 = tpu.memref_squeeze %dma_start3A_133 : memref<1x80x128xi32, #tpu.memory_space<hbm>> -> memref<80x128xi32, #tpu.memory_space<hbm>>
      tpu.enqueue_dma source(%dma_start3A_134 : memref<80x128xi32, #tpu.memory_space<hbm>>) target(%arg6 : memref<80x128xi32, #tpu.memory_space<vmem>>) target_semaphore(%run_scoped3A : memref<!tpu.dma_semaphore, #tpu.memory_space<semaphore_mem>>)
      %dma_wait3A = arith.constant 0 : i32
      %dma_wait3A_135 = tpu.memref_slice %arg3[%arg1, %mul3A_0, %dma_wait3A] : memref<16x160x128xi32, #tpu.memory_space<hbm>> -> memref<1x80x128xi32, #tpu.memory_space<hbm>>
      %dma_wait3A_136 = tpu.memref_squeeze %dma_wait3A_135 : memref<1x80x128xi32, #tpu.memory_space<hbm>> -> memref<80x128xi32, #tpu.memory_space<hbm>>
      %dma_wait3A_137 = arith.constant 0 : i32
      %dma_wait3A_138 = tpu.memref_slice %arg3[%arg1, %mul3A_0, %dma_wait3A_137] : memref<16x160x128xi32, #tpu.memory_space<hbm>> -> memref<1x80x128xi32, #tpu.memory_space<hbm>>
      %dma_wait3A_139 = tpu.memref_squeeze %dma_wait3A_138 : memref<1x80x128xi32, #tpu.memory_space<hbm>> -> memref<80x128xi32, #tpu.memory_space<hbm>>
      tpu.wait_dma2 semaphore(%run_scoped3A : memref<!tpu.dma_semaphore, #tpu.memory_space<semaphore_mem>>) src(%dma_wait3A_139 : memref<80x128xi32, #tpu.memory_space<hbm>>) dst(%arg6 : memref<80x128xi32, #tpu.memory_space<vmem>>)
      tpu.yield
    }) : () -> ()
    %mul3A_1 = arith.constant 80 : i32
    %mul3A_2 = arith.muli %arg0, %mul3A_1 : i32
    "tpu.region"() ({
      %run_scoped3A = tpu.sem_alloc : memref<!tpu.dma_semaphore, #tpu.memory_space<semaphore_mem>>
      %dma_start3A_129 = arith.constant 0 : i32
      %dma_start3A_130 = tpu.memref_slice %arg4[%arg1, %mul3A_2, %dma_start3A_129] : memref<16x160x128xi32, #tpu.memory_space<hbm>> -> memref<1x80x128xi32, #tpu.memory_space<hbm>>
      %dma_start3A_131 = tpu.memref_squeeze %dma_start3A_130 : memref<1x80x128xi32, #tpu.memory_space<hbm>> -> memref<80x128xi32, #tpu.memory_space<hbm>>
      %dma_start3A_132 = arith.constant 0 : i32
      %dma_start3A_133 = tpu.memref_slice %arg4[%arg1, %mul3A_2, %dma_start3A_132] : memref<16x160x128xi32, #tpu.memory_space<hbm>> -> memref<1x80x128xi32, #tpu.memory_space<hbm>>
      %dma_start3A_134 = tpu.memref_squeeze %dma_start3A_133 : memref<1x80x128xi32, #tpu.memory_space<hbm>> -> memref<80x128xi32, #tpu.memory_space<hbm>>
      tpu.enqueue_dma source(%dma_start3A_134 : memref<80x128xi32, #tpu.memory_space<hbm>>) target(%arg7 : memref<80x128xi32, #tpu.memory_space<vmem>>) target_semaphore(%run_scoped3A : memref<!tpu.dma_semaphore, #tpu.memory_space<semaphore_mem>>)
      %dma_wait3A = arith.constant 0 : i32
      %dma_wait3A_135 = tpu.memref_slice %arg4[%arg1, %mul3A_2, %dma_wait3A] : memref<16x160x128xi32, #tpu.memory_space<hbm>> -> memref<1x80x128xi32, #tpu.memory_space<hbm>>
      %dma_wait3A_136 = tpu.memref_squeeze %dma_wait3A_135 : memref<1x80x128xi32, #tpu.memory_space<hbm>> -> memref<80x128xi32, #tpu.memory_space<hbm>>
      %dma_wait3A_137 = arith.constant 0 : i32
      %dma_wait3A_138 = tpu.memref_slice %arg4[%arg1, %mul3A_2, %dma_wait3A_137] : memref<16x160x128xi32, #tpu.memory_space<hbm>> -> memref<1x80x128xi32, #tpu.memory_space<hbm>>
      %dma_wait3A_139 = tpu.memref_squeeze %dma_wait3A_138 : memref<1x80x128xi32, #tpu.memory_space<hbm>> -> memref<80x128xi32, #tpu.memory_space<hbm>>
      tpu.wait_dma2 semaphore(%run_scoped3A : memref<!tpu.dma_semaphore, #tpu.memory_space<semaphore_mem>>) src(%dma_wait3A_139 : memref<80x128xi32, #tpu.memory_space<hbm>>) dst(%arg7 : memref<80x128xi32, #tpu.memory_space<vmem>>)
      tpu.yield
    }) : () -> ()
    %mul3A_3 = arith.constant 624 : i32
    %mul3A_4 = arith.muli %arg1, %mul3A_3 : i32
    "tpu.region"() ({
      %run_scoped3A = tpu.sem_alloc : memref<!tpu.dma_semaphore, #tpu.memory_space<semaphore_mem>>
      %dma_start3A_129 = arith.constant 0 : i32
      %dma_start3A_130 = tpu.memref_slice %arg24[%mul3A_4, %dma_start3A_129] : memref<10000x32xf32, #tpu.memory_space<vmem_shared>> -> memref<624x32xf32, #tpu.memory_space<vmem_shared>>
      %dma_start3A_131 = arith.constant 0 : i32
      %dma_start3A_132 = tpu.memref_slice %arg2[%mul3A_4, %dma_start3A_131] : memref<10000x32xf32, #tpu.memory_space<hbm>> -> memref<624x32xf32, #tpu.memory_space<hbm>>
      tpu.enqueue_dma source(%dma_start3A_132 : memref<624x32xf32, #tpu.memory_space<hbm>>) target(%dma_start3A_130 : memref<624x32xf32, #tpu.memory_space<vmem_shared>>) target_semaphore(%run_scoped3A : memref<!tpu.dma_semaphore, #tpu.memory_space<semaphore_mem>>)
      %dma_wait3A = arith.constant 0 : i32
      %dma_wait3A_133 = tpu.memref_slice %arg24[%mul3A_4, %dma_wait3A] : memref<10000x32xf32, #tpu.memory_space<vmem_shared>> -> memref<624x32xf32, #tpu.memory_space<vmem_shared>>
      %dma_wait3A_134 = arith.constant 0 : i32
      %dma_wait3A_135 = tpu.memref_slice %arg2[%mul3A_4, %dma_wait3A_134] : memref<10000x32xf32, #tpu.memory_space<hbm>> -> memref<624x32xf32, #tpu.memory_space<hbm>>
      tpu.wait_dma2 semaphore(%run_scoped3A : memref<!tpu.dma_semaphore, #tpu.memory_space<semaphore_mem>>) src(%dma_wait3A_135 : memref<624x32xf32, #tpu.memory_space<hbm>>) dst(%dma_wait3A_133 : memref<624x32xf32, #tpu.memory_space<vmem_shared>>)
      tpu.yield
    }) : () -> ()
    "tpu.region"() ({
      %run_scoped3A = tpu.sem_alloc : memref<!tpu.dma_semaphore, #tpu.memory_space<semaphore_mem>>
      %dma_start3A_129 = arith.constant 0 : i32
      %dma_start3A_130 = tpu.memref_slice %arg25[%mul3A_4, %dma_start3A_129] : memref<10240x32xf32, #tpu.memory_space<vmem_shared>> -> memref<624x32xf32, #tpu.memory_space<vmem_shared>>
      %dma_start3A_131 = arith.constant 0 : i32
      %dma_start3A_132 = tpu.memref_slice %arg2[%mul3A_4, %dma_start3A_131] : memref<10000x32xf32, #tpu.memory_space<hbm>> -> memref<624x32xf32, #tpu.memory_space<hbm>>
      tpu.enqueue_dma source(%dma_start3A_132 : memref<624x32xf32, #tpu.memory_space<hbm>>) target(%dma_start3A_130 : memref<624x32xf32, #tpu.memory_space<vmem_shared>>) target_semaphore(%run_scoped3A : memref<!tpu.dma_semaphore, #tpu.memory_space<semaphore_mem>>)
      %dma_wait3A = arith.constant 0 : i32
      %dma_wait3A_133 = tpu.memref_slice %arg25[%mul3A_4, %dma_wait3A] : memref<10240x32xf32, #tpu.memory_space<vmem_shared>> -> memref<624x32xf32, #tpu.memory_space<vmem_shared>>
      %dma_wait3A_134 = arith.constant 0 : i32
      %dma_wait3A_135 = tpu.memref_slice %arg2[%mul3A_4, %dma_wait3A_134] : memref<10000x32xf32, #tpu.memory_space<hbm>> -> memref<624x32xf32, #tpu.memory_space<hbm>>
      tpu.wait_dma2 semaphore(%run_scoped3A : memref<!tpu.dma_semaphore, #tpu.memory_space<semaphore_mem>>) src(%dma_wait3A_135 : memref<624x32xf32, #tpu.memory_space<hbm>>) dst(%dma_wait3A_133 : memref<624x32xf32, #tpu.memory_space<vmem_shared>>)
      tpu.yield
    }) : () -> ()
    %eq3A = arith.constant 15 : i32
    %eq3A_5 = arith.cmpi eq, %arg1, %eq3A : i32
    %convert_element_type3A = arith.extui %eq3A_5 : i1 to i32
    %cond3A = arith.constant 0 : i32
    %cond3A_6 = arith.cmpi ne, %convert_element_type3A, %cond3A : i32
    scf.if %cond3A_6 {
      "tpu.region"() ({
        %run_scoped3A = tpu.sem_alloc : memref<!tpu.dma_semaphore, #tpu.memory_space<semaphore_mem>>
        %dma_start3A_129 = arith.constant 9984 : i32
        %dma_start3A_130 = arith.constant 0 : i32
        %dma_start3A_131 = tpu.memref_slice %arg24[%dma_start3A_129, %dma_start3A_130] : memref<10000x32xf32, #tpu.memory_space<vmem_shared>> -> memref<16x32xf32, #tpu.memory_space<vmem_shared>>
        %dma_start3A_132 = arith.constant 9984 : i32
        %dma_start3A_133 = arith.constant 0 : i32
        %dma_start3A_134 = tpu.memref_slice %arg2[%dma_start3A_132, %dma_start3A_133] : memref<10000x32xf32, #tpu.memory_space<hbm>> -> memref<16x32xf32, #tpu.memory_space<hbm>>
        tpu.enqueue_dma source(%dma_start3A_134 : memref<16x32xf32, #tpu.memory_space<hbm>>) target(%dma_start3A_131 : memref<16x32xf32, #tpu.memory_space<vmem_shared>>) target_semaphore(%run_scoped3A : memref<!tpu.dma_semaphore, #tpu.memory_space<semaphore_mem>>)
        %dma_wait3A = arith.constant 9984 : i32
        %dma_wait3A_135 = arith.constant 0 : i32
        %dma_wait3A_136 = tpu.memref_slice %arg24[%dma_wait3A, %dma_wait3A_135] : memref<10000x32xf32, #tpu.memory_space<vmem_shared>> -> memref<16x32xf32, #tpu.memory_space<vmem_shared>>
        %dma_wait3A_137 = arith.constant 9984 : i32
        %dma_wait3A_138 = arith.constant 0 : i32
        %dma_wait3A_139 = tpu.memref_slice %arg2[%dma_wait3A_137, %dma_wait3A_138] : memref<10000x32xf32, #tpu.memory_space<hbm>> -> memref<16x32xf32, #tpu.memory_space<hbm>>
        tpu.wait_dma2 semaphore(%run_scoped3A : memref<!tpu.dma_semaphore, #tpu.memory_space<semaphore_mem>>) src(%dma_wait3A_139 : memref<16x32xf32, #tpu.memory_space<hbm>>) dst(%dma_wait3A_136 : memref<16x32xf32, #tpu.memory_space<vmem_shared>>)
        tpu.yield
      }) : () -> ()
      "tpu.region"() ({
        %run_scoped3A = tpu.sem_alloc : memref<!tpu.dma_semaphore, #tpu.memory_space<semaphore_mem>>
        %dma_start3A_129 = arith.constant 9984 : i32
        %dma_start3A_130 = arith.constant 0 : i32
        %dma_start3A_131 = tpu.memref_slice %arg25[%dma_start3A_129, %dma_start3A_130] : memref<10240x32xf32, #tpu.memory_space<vmem_shared>> -> memref<16x32xf32, #tpu.memory_space<vmem_shared>>
        %dma_start3A_132 = arith.constant 9984 : i32
        %dma_start3A_133 = arith.constant 0 : i32
        %dma_start3A_134 = tpu.memref_slice %arg2[%dma_start3A_132, %dma_start3A_133] : memref<10000x32xf32, #tpu.memory_space<hbm>> -> memref<16x32xf32, #tpu.memory_space<hbm>>
        tpu.enqueue_dma source(%dma_start3A_134 : memref<16x32xf32, #tpu.memory_space<hbm>>) target(%dma_start3A_131 : memref<16x32xf32, #tpu.memory_space<vmem_shared>>) target_semaphore(%run_scoped3A : memref<!tpu.dma_semaphore, #tpu.memory_space<semaphore_mem>>)
        %dma_wait3A = arith.constant 9984 : i32
        %dma_wait3A_135 = arith.constant 0 : i32
        %dma_wait3A_136 = tpu.memref_slice %arg25[%dma_wait3A, %dma_wait3A_135] : memref<10240x32xf32, #tpu.memory_space<vmem_shared>> -> memref<16x32xf32, #tpu.memory_space<vmem_shared>>
        %dma_wait3A_137 = arith.constant 9984 : i32
        %dma_wait3A_138 = arith.constant 0 : i32
        %dma_wait3A_139 = tpu.memref_slice %arg2[%dma_wait3A_137, %dma_wait3A_138] : memref<10000x32xf32, #tpu.memory_space<hbm>> -> memref<16x32xf32, #tpu.memory_space<hbm>>
        tpu.wait_dma2 semaphore(%run_scoped3A : memref<!tpu.dma_semaphore, #tpu.memory_space<semaphore_mem>>) src(%dma_wait3A_139 : memref<16x32xf32, #tpu.memory_space<hbm>>) dst(%dma_wait3A_136 : memref<16x32xf32, #tpu.memory_space<vmem_shared>>)
        tpu.yield
      }) : () -> ()
    } else {
    }
    %barrier3A = arith.constant 0 : index
    tpu.barrier barrier_id(%barrier3A)
    %dma_start3A = arith.constant 0 : i32
    %dma_start3A_7 = arith.constant 0 : i32
    %dma_start3A_8 = tpu.memref_slice %arg6[%dma_start3A, %dma_start3A_7] : memref<80x128xi32, #tpu.memory_space<vmem>> -> memref<1x128xi32, #tpu.memory_space<vmem>>
    %dma_start3A_9 = tpu.memref_squeeze %dma_start3A_8 : memref<1x128xi32, #tpu.memory_space<vmem>> -> memref<128xi32, #tpu.memory_space<vmem>>
    %dma_start3A_10 = arith.constant 0 : i32
    %dma_start3A_11 = arith.constant 0 : i32
    %dma_start3A_12 = tpu.memref_slice %arg24[%dma_start3A_10, %dma_start3A_11] : memref<10000x32xf32, #tpu.memory_space<vmem_shared>> -> memref<10000x32xf32, #tpu.memory_space<vmem_shared>>
    tpu.enqueue_indirect_dma source(%dma_start3A_12 : memref<10000x32xf32, #tpu.memory_space<vmem_shared>>) target(%arg8 : memref<128x32xf32, #tpu.memory_space<vmem>>) offsets(%dma_start3A_9 : memref<128xi32, #tpu.memory_space<vmem>>) semaphore(%arg26 : memref<!tpu.dma_semaphore, #tpu.memory_space<semaphore_mem>>)
    %dma_start3A_13 = arith.constant 1 : i32
    %dma_start3A_14 = arith.constant 0 : i32
    %dma_start3A_15 = tpu.memref_slice %arg6[%dma_start3A_13, %dma_start3A_14] : memref<80x128xi32, #tpu.memory_space<vmem>> -> memref<1x128xi32, #tpu.memory_space<vmem>>
    %dma_start3A_16 = tpu.memref_squeeze %dma_start3A_15 : memref<1x128xi32, #tpu.memory_space<vmem>> -> memref<128xi32, #tpu.memory_space<vmem>>
    %dma_start3A_17 = arith.constant 0 : i32
    %dma_start3A_18 = arith.constant 0 : i32
    %dma_start3A_19 = tpu.memref_slice %arg24[%dma_start3A_17, %dma_start3A_18] : memref<10000x32xf32, #tpu.memory_space<vmem_shared>> -> memref<10000x32xf32, #tpu.memory_space<vmem_shared>>
    tpu.enqueue_indirect_dma source(%dma_start3A_19 : memref<10000x32xf32, #tpu.memory_space<vmem_shared>>) target(%arg9 : memref<128x32xf32, #tpu.memory_space<vmem>>) offsets(%dma_start3A_16 : memref<128xi32, #tpu.memory_space<vmem>>) semaphore(%arg27 : memref<!tpu.dma_semaphore, #tpu.memory_space<semaphore_mem>>)
    %dma_start3A_20 = arith.constant 2 : i32
    %dma_start3A_21 = arith.constant 0 : i32
    %dma_start3A_22 = tpu.memref_slice %arg6[%dma_start3A_20, %dma_start3A_21] : memref<80x128xi32, #tpu.memory_space<vmem>> -> memref<1x128xi32, #tpu.memory_space<vmem>>
    %dma_start3A_23 = tpu.memref_squeeze %dma_start3A_22 : memref<1x128xi32, #tpu.memory_space<vmem>> -> memref<128xi32, #tpu.memory_space<vmem>>
    %dma_start3A_24 = arith.constant 0 : i32
    %dma_start3A_25 = arith.constant 0 : i32
    %dma_start3A_26 = tpu.memref_slice %arg24[%dma_start3A_24, %dma_start3A_25] : memref<10000x32xf32, #tpu.memory_space<vmem_shared>> -> memref<10000x32xf32, #tpu.memory_space<vmem_shared>>
    tpu.enqueue_indirect_dma source(%dma_start3A_26 : memref<10000x32xf32, #tpu.memory_space<vmem_shared>>) target(%arg10 : memref<128x32xf32, #tpu.memory_space<vmem>>) offsets(%dma_start3A_23 : memref<128xi32, #tpu.memory_space<vmem>>) semaphore(%arg28 : memref<!tpu.dma_semaphore, #tpu.memory_space<semaphore_mem>>)
    %dma_start3A_27 = arith.constant 3 : i32
    %dma_start3A_28 = arith.constant 0 : i32
    %dma_start3A_29 = tpu.memref_slice %arg6[%dma_start3A_27, %dma_start3A_28] : memref<80x128xi32, #tpu.memory_space<vmem>> -> memref<1x128xi32, #tpu.memory_space<vmem>>
    %dma_start3A_30 = tpu.memref_squeeze %dma_start3A_29 : memref<1x128xi32, #tpu.memory_space<vmem>> -> memref<128xi32, #tpu.memory_space<vmem>>
    %dma_start3A_31 = arith.constant 0 : i32
    %dma_start3A_32 = arith.constant 0 : i32
    %dma_start3A_33 = tpu.memref_slice %arg24[%dma_start3A_31, %dma_start3A_32] : memref<10000x32xf32, #tpu.memory_space<vmem_shared>> -> memref<10000x32xf32, #tpu.memory_space<vmem_shared>>
    tpu.enqueue_indirect_dma source(%dma_start3A_33 : memref<10000x32xf32, #tpu.memory_space<vmem_shared>>) target(%arg11 : memref<128x32xf32, #tpu.memory_space<vmem>>) offsets(%dma_start3A_30 : memref<128xi32, #tpu.memory_space<vmem>>) semaphore(%arg29 : memref<!tpu.dma_semaphore, #tpu.memory_space<semaphore_mem>>)
    %dma_start3A_34 = arith.constant 4 : i32
    %dma_start3A_35 = arith.constant 0 : i32
    %dma_start3A_36 = tpu.memref_slice %arg6[%dma_start3A_34, %dma_start3A_35] : memref<80x128xi32, #tpu.memory_space<vmem>> -> memref<1x128xi32, #tpu.memory_space<vmem>>
    %dma_start3A_37 = tpu.memref_squeeze %dma_start3A_36 : memref<1x128xi32, #tpu.memory_space<vmem>> -> memref<128xi32, #tpu.memory_space<vmem>>
    %dma_start3A_38 = arith.constant 0 : i32
    %dma_start3A_39 = arith.constant 0 : i32
    %dma_start3A_40 = tpu.memref_slice %arg24[%dma_start3A_38, %dma_start3A_39] : memref<10000x32xf32, #tpu.memory_space<vmem_shared>> -> memref<10000x32xf32, #tpu.memory_space<vmem_shared>>
    tpu.enqueue_indirect_dma source(%dma_start3A_40 : memref<10000x32xf32, #tpu.memory_space<vmem_shared>>) target(%arg12 : memref<128x32xf32, #tpu.memory_space<vmem>>) offsets(%dma_start3A_37 : memref<128xi32, #tpu.memory_space<vmem>>) semaphore(%arg30 : memref<!tpu.dma_semaphore, #tpu.memory_space<semaphore_mem>>)
    %dma_start3A_41 = arith.constant 5 : i32
    %dma_start3A_42 = arith.constant 0 : i32
    %dma_start3A_43 = tpu.memref_slice %arg6[%dma_start3A_41, %dma_start3A_42] : memref<80x128xi32, #tpu.memory_space<vmem>> -> memref<1x128xi32, #tpu.memory_space<vmem>>
    %dma_start3A_44 = tpu.memref_squeeze %dma_start3A_43 : memref<1x128xi32, #tpu.memory_space<vmem>> -> memref<128xi32, #tpu.memory_space<vmem>>
    %dma_start3A_45 = arith.constant 0 : i32
    %dma_start3A_46 = arith.constant 0 : i32
    %dma_start3A_47 = tpu.memref_slice %arg24[%dma_start3A_45, %dma_start3A_46] : memref<10000x32xf32, #tpu.memory_space<vmem_shared>> -> memref<10000x32xf32, #tpu.memory_space<vmem_shared>>
    tpu.enqueue_indirect_dma source(%dma_start3A_47 : memref<10000x32xf32, #tpu.memory_space<vmem_shared>>) target(%arg13 : memref<128x32xf32, #tpu.memory_space<vmem>>) offsets(%dma_start3A_44 : memref<128xi32, #tpu.memory_space<vmem>>) semaphore(%arg31 : memref<!tpu.dma_semaphore, #tpu.memory_space<semaphore_mem>>)
    %dma_start3A_48 = arith.constant 6 : i32
    %dma_start3A_49 = arith.constant 0 : i32
    %dma_start3A_50 = tpu.memref_slice %arg6[%dma_start3A_48, %dma_start3A_49] : memref<80x128xi32, #tpu.memory_space<vmem>> -> memref<1x128xi32, #tpu.memory_space<vmem>>
    %dma_start3A_51 = tpu.memref_squeeze %dma_start3A_50 : memref<1x128xi32, #tpu.memory_space<vmem>> -> memref<128xi32, #tpu.memory_space<vmem>>
    %dma_start3A_52 = arith.constant 0 : i32
    %dma_start3A_53 = arith.constant 0 : i32
    %dma_start3A_54 = tpu.memref_slice %arg24[%dma_start3A_52, %dma_start3A_53] : memref<10000x32xf32, #tpu.memory_space<vmem_shared>> -> memref<10000x32xf32, #tpu.memory_space<vmem_shared>>
    tpu.enqueue_indirect_dma source(%dma_start3A_54 : memref<10000x32xf32, #tpu.memory_space<vmem_shared>>) target(%arg14 : memref<128x32xf32, #tpu.memory_space<vmem>>) offsets(%dma_start3A_51 : memref<128xi32, #tpu.memory_space<vmem>>) semaphore(%arg32 : memref<!tpu.dma_semaphore, #tpu.memory_space<semaphore_mem>>)
    %dma_start3A_55 = arith.constant 7 : i32
    %dma_start3A_56 = arith.constant 0 : i32
    %dma_start3A_57 = tpu.memref_slice %arg6[%dma_start3A_55, %dma_start3A_56] : memref<80x128xi32, #tpu.memory_space<vmem>> -> memref<1x128xi32, #tpu.memory_space<vmem>>
    %dma_start3A_58 = tpu.memref_squeeze %dma_start3A_57 : memref<1x128xi32, #tpu.memory_space<vmem>> -> memref<128xi32, #tpu.memory_space<vmem>>
    %dma_start3A_59 = arith.constant 0 : i32
    %dma_start3A_60 = arith.constant 0 : i32
    %dma_start3A_61 = tpu.memref_slice %arg24[%dma_start3A_59, %dma_start3A_60] : memref<10000x32xf32, #tpu.memory_space<vmem_shared>> -> memref<10000x32xf32, #tpu.memory_space<vmem_shared>>
    tpu.enqueue_indirect_dma source(%dma_start3A_61 : memref<10000x32xf32, #tpu.memory_space<vmem_shared>>) target(%arg15 : memref<128x32xf32, #tpu.memory_space<vmem>>) offsets(%dma_start3A_58 : memref<128xi32, #tpu.memory_space<vmem>>) semaphore(%arg33 : memref<!tpu.dma_semaphore, #tpu.memory_space<semaphore_mem>>)
    %dma_start3A_62 = arith.constant 8 : i32
    %dma_start3A_63 = arith.constant 0 : i32
    %dma_start3A_64 = tpu.memref_slice %arg6[%dma_start3A_62, %dma_start3A_63] : memref<80x128xi32, #tpu.memory_space<vmem>> -> memref<1x128xi32, #tpu.memory_space<vmem>>
    %dma_start3A_65 = tpu.memref_squeeze %dma_start3A_64 : memref<1x128xi32, #tpu.memory_space<vmem>> -> memref<128xi32, #tpu.memory_space<vmem>>
    %dma_start3A_66 = arith.constant 0 : i32
    %dma_start3A_67 = arith.constant 0 : i32
    %dma_start3A_68 = tpu.memref_slice %arg24[%dma_start3A_66, %dma_start3A_67] : memref<10000x32xf32, #tpu.memory_space<vmem_shared>> -> memref<10000x32xf32, #tpu.memory_space<vmem_shared>>
    tpu.enqueue_indirect_dma source(%dma_start3A_68 : memref<10000x32xf32, #tpu.memory_space<vmem_shared>>) target(%arg16 : memref<128x32xf32, #tpu.memory_space<vmem>>) offsets(%dma_start3A_65 : memref<128xi32, #tpu.memory_space<vmem>>) semaphore(%arg34 : memref<!tpu.dma_semaphore, #tpu.memory_space<semaphore_mem>>)
    %dma_start3A_69 = arith.constant 9 : i32
    %dma_start3A_70 = arith.constant 0 : i32
    %dma_start3A_71 = tpu.memref_slice %arg6[%dma_start3A_69, %dma_start3A_70] : memref<80x128xi32, #tpu.memory_space<vmem>> -> memref<1x128xi32, #tpu.memory_space<vmem>>
    %dma_start3A_72 = tpu.memref_squeeze %dma_start3A_71 : memref<1x128xi32, #tpu.memory_space<vmem>> -> memref<128xi32, #tpu.memory_space<vmem>>
    %dma_start3A_73 = arith.constant 0 : i32
    %dma_start3A_74 = arith.constant 0 : i32
    %dma_start3A_75 = tpu.memref_slice %arg24[%dma_start3A_73, %dma_start3A_74] : memref<10000x32xf32, #tpu.memory_space<vmem_shared>> -> memref<10000x32xf32, #tpu.memory_space<vmem_shared>>
    tpu.enqueue_indirect_dma source(%dma_start3A_75 : memref<10000x32xf32, #tpu.memory_space<vmem_shared>>) target(%arg17 : memref<128x32xf32, #tpu.memory_space<vmem>>) offsets(%dma_start3A_72 : memref<128xi32, #tpu.memory_space<vmem>>) semaphore(%arg35 : memref<!tpu.dma_semaphore, #tpu.memory_space<semaphore_mem>>)
    %dma_start3A_76 = arith.constant 10 : i32
    %dma_start3A_77 = arith.constant 0 : i32
    %dma_start3A_78 = tpu.memref_slice %arg6[%dma_start3A_76, %dma_start3A_77] : memref<80x128xi32, #tpu.memory_space<vmem>> -> memref<1x128xi32, #tpu.memory_space<vmem>>
    %dma_start3A_79 = tpu.memref_squeeze %dma_start3A_78 : memref<1x128xi32, #tpu.memory_space<vmem>> -> memref<128xi32, #tpu.memory_space<vmem>>
    %dma_start3A_80 = arith.constant 0 : i32
    %dma_start3A_81 = arith.constant 0 : i32
    %dma_start3A_82 = tpu.memref_slice %arg24[%dma_start3A_80, %dma_start3A_81] : memref<10000x32xf32, #tpu.memory_space<vmem_shared>> -> memref<10000x32xf32, #tpu.memory_space<vmem_shared>>
    tpu.enqueue_indirect_dma source(%dma_start3A_82 : memref<10000x32xf32, #tpu.memory_space<vmem_shared>>) target(%arg18 : memref<128x32xf32, #tpu.memory_space<vmem>>) offsets(%dma_start3A_79 : memref<128xi32, #tpu.memory_space<vmem>>) semaphore(%arg36 : memref<!tpu.dma_semaphore, #tpu.memory_space<semaphore_mem>>)
    %dma_start3A_83 = arith.constant 11 : i32
    %dma_start3A_84 = arith.constant 0 : i32
    %dma_start3A_85 = tpu.memref_slice %arg6[%dma_start3A_83, %dma_start3A_84] : memref<80x128xi32, #tpu.memory_space<vmem>> -> memref<1x128xi32, #tpu.memory_space<vmem>>
    %dma_start3A_86 = tpu.memref_squeeze %dma_start3A_85 : memref<1x128xi32, #tpu.memory_space<vmem>> -> memref<128xi32, #tpu.memory_space<vmem>>
    %dma_start3A_87 = arith.constant 0 : i32
    %dma_start3A_88 = arith.constant 0 : i32
    %dma_start3A_89 = tpu.memref_slice %arg24[%dma_start3A_87, %dma_start3A_88] : memref<10000x32xf32, #tpu.memory_space<vmem_shared>> -> memref<10000x32xf32, #tpu.memory_space<vmem_shared>>
    tpu.enqueue_indirect_dma source(%dma_start3A_89 : memref<10000x32xf32, #tpu.memory_space<vmem_shared>>) target(%arg19 : memref<128x32xf32, #tpu.memory_space<vmem>>) offsets(%dma_start3A_86 : memref<128xi32, #tpu.memory_space<vmem>>) semaphore(%arg37 : memref<!tpu.dma_semaphore, #tpu.memory_space<semaphore_mem>>)
    %dma_start3A_90 = arith.constant 12 : i32
    %dma_start3A_91 = arith.constant 0 : i32
    %dma_start3A_92 = tpu.memref_slice %arg6[%dma_start3A_90, %dma_start3A_91] : memref<80x128xi32, #tpu.memory_space<vmem>> -> memref<1x128xi32, #tpu.memory_space<vmem>>
    %dma_start3A_93 = tpu.memref_squeeze %dma_start3A_92 : memref<1x128xi32, #tpu.memory_space<vmem>> -> memref<128xi32, #tpu.memory_space<vmem>>
    %dma_start3A_94 = arith.constant 0 : i32
    %dma_start3A_95 = arith.constant 0 : i32
    %dma_start3A_96 = tpu.memref_slice %arg24[%dma_start3A_94, %dma_start3A_95] : memref<10000x32xf32, #tpu.memory_space<vmem_shared>> -> memref<10000x32xf32, #tpu.memory_space<vmem_shared>>
    tpu.enqueue_indirect_dma source(%dma_start3A_96 : memref<10000x32xf32, #tpu.memory_space<vmem_shared>>) target(%arg20 : memref<128x32xf32, #tpu.memory_space<vmem>>) offsets(%dma_start3A_93 : memref<128xi32, #tpu.memory_space<vmem>>) semaphore(%arg38 : memref<!tpu.dma_semaphore, #tpu.memory_space<semaphore_mem>>)
    %dma_start3A_97 = arith.constant 13 : i32
    %dma_start3A_98 = arith.constant 0 : i32
    %dma_start3A_99 = tpu.memref_slice %arg6[%dma_start3A_97, %dma_start3A_98] : memref<80x128xi32, #tpu.memory_space<vmem>> -> memref<1x128xi32, #tpu.memory_space<vmem>>
    %dma_start3A_100 = tpu.memref_squeeze %dma_start3A_99 : memref<1x128xi32, #tpu.memory_space<vmem>> -> memref<128xi32, #tpu.memory_space<vmem>>
    %dma_start3A_101 = arith.constant 0 : i32
    %dma_start3A_102 = arith.constant 0 : i32
    %dma_start3A_103 = tpu.memref_slice %arg24[%dma_start3A_101, %dma_start3A_102] : memref<10000x32xf32, #tpu.memory_space<vmem_shared>> -> memref<10000x32xf32, #tpu.memory_space<vmem_shared>>
    tpu.enqueue_indirect_dma source(%dma_start3A_103 : memref<10000x32xf32, #tpu.memory_space<vmem_shared>>) target(%arg21 : memref<128x32xf32, #tpu.memory_space<vmem>>) offsets(%dma_start3A_100 : memref<128xi32, #tpu.memory_space<vmem>>) semaphore(%arg39 : memref<!tpu.dma_semaphore, #tpu.memory_space<semaphore_mem>>)
    %dma_start3A_104 = arith.constant 14 : i32
    %dma_start3A_105 = arith.constant 0 : i32
    %dma_start3A_106 = tpu.memref_slice %arg6[%dma_start3A_104, %dma_start3A_105] : memref<80x128xi32, #tpu.memory_space<vmem>> -> memref<1x128xi32, #tpu.memory_space<vmem>>
    %dma_start3A_107 = tpu.memref_squeeze %dma_start3A_106 : memref<1x128xi32, #tpu.memory_space<vmem>> -> memref<128xi32, #tpu.memory_space<vmem>>
    %dma_start3A_108 = arith.constant 0 : i32
    %dma_start3A_109 = arith.constant 0 : i32
    %dma_start3A_110 = tpu.memref_slice %arg24[%dma_start3A_108, %dma_start3A_109] : memref<10000x32xf32, #tpu.memory_space<vmem_shared>> -> memref<10000x32xf32, #tpu.memory_space<vmem_shared>>
    tpu.enqueue_indirect_dma source(%dma_start3A_110 : memref<10000x32xf32, #tpu.memory_space<vmem_shared>>) target(%arg22 : memref<128x32xf32, #tpu.memory_space<vmem>>) offsets(%dma_start3A_107 : memref<128xi32, #tpu.memory_space<vmem>>) semaphore(%arg40 : memref<!tpu.dma_semaphore, #tpu.memory_space<semaphore_mem>>)
    %dma_start3A_111 = arith.constant 15 : i32
    %dma_start3A_112 = arith.constant 0 : i32
    %dma_start3A_113 = tpu.memref_slice %arg6[%dma_start3A_111, %dma_start3A_112] : memref<80x128xi32, #tpu.memory_space<vmem>> -> memref<1x128xi32, #tpu.memory_space<vmem>>
    %dma_start3A_114 = tpu.memref_squeeze %dma_start3A_113 : memref<1x128xi32, #tpu.memory_space<vmem>> -> memref<128xi32, #tpu.memory_space<vmem>>
    %dma_start3A_115 = arith.constant 0 : i32
    %dma_start3A_116 = arith.constant 0 : i32
    %dma_start3A_117 = tpu.memref_slice %arg24[%dma_start3A_115, %dma_start3A_116] : memref<10000x32xf32, #tpu.memory_space<vmem_shared>> -> memref<10000x32xf32, #tpu.memory_space<vmem_shared>>
    tpu.enqueue_indirect_dma source(%dma_start3A_117 : memref<10000x32xf32, #tpu.memory_space<vmem_shared>>) target(%arg23 : memref<128x32xf32, #tpu.memory_space<vmem>>) offsets(%dma_start3A_114 : memref<128xi32, #tpu.memory_space<vmem>>) semaphore(%arg41 : memref<!tpu.dma_semaphore, #tpu.memory_space<semaphore_mem>>)
    %scan3A = arith.constant 0 : i32
    %scan3A_118 = arith.constant 0 : i32
    %scan3A_119 = arith.constant 5 : i32
    %scan3A_120 = arith.addi %scan3A_118, %scan3A_119 : i32
    %scan3A_121 = arith.constant 1 : i32
    scf.for %scan3A_129 = %scan3A_118 to %scan3A_120 step %scan3A_121  : i32 {
      %mul3A_130 = arith.constant 16 : i32
      %mul3A_131 = arith.muli %scan3A_129, %mul3A_130 : i32
      %add3A = arith.constant 0 : i32
      %add3A_132 = arith.addi %mul3A_131, %add3A : i32
      %dma_wait3A = arith.constant 0 : i32
      %dma_wait3A_133 = tpu.memref_slice %arg6[%add3A_132, %dma_wait3A] : memref<80x128xi32, #tpu.memory_space<vmem>> -> memref<1x128xi32, #tpu.memory_space<vmem>>
      %dma_wait3A_134 = tpu.memref_squeeze %dma_wait3A_133 : memref<1x128xi32, #tpu.memory_space<vmem>> -> memref<128xi32, #tpu.memory_space<vmem>>
      %dma_wait3A_135 = arith.constant 0 : i32
      %dma_wait3A_136 = arith.constant 0 : i32
      %dma_wait3A_137 = tpu.memref_slice %arg24[%dma_wait3A_135, %dma_wait3A_136] : memref<10000x32xf32, #tpu.memory_space<vmem_shared>> -> memref<10000x32xf32, #tpu.memory_space<vmem_shared>>
      tpu.wait_indirect_dma semaphore(%arg26 : memref<!tpu.dma_semaphore, #tpu.memory_space<semaphore_mem>>) src(%dma_wait3A_137 : memref<10000x32xf32, #tpu.memory_space<vmem_shared>>) dst(%arg8 : memref<128x32xf32, #tpu.memory_space<vmem>>)
      %dma_start3A_138 = arith.constant 0 : i32
      %dma_start3A_139 = tpu.memref_slice %arg7[%add3A_132, %dma_start3A_138] : memref<80x128xi32, #tpu.memory_space<vmem>> -> memref<1x128xi32, #tpu.memory_space<vmem>>
      %dma_start3A_140 = tpu.memref_squeeze %dma_start3A_139 : memref<1x128xi32, #tpu.memory_space<vmem>> -> memref<128xi32, #tpu.memory_space<vmem>>
      %dma_start3A_141 = arith.constant 0 : i32
      %dma_start3A_142 = arith.constant 0 : i32
      %dma_start3A_143 = tpu.memref_slice %arg25[%dma_start3A_141, %dma_start3A_142] : memref<10240x32xf32, #tpu.memory_space<vmem_shared>> -> memref<10240x32xf32, #tpu.memory_space<vmem_shared>>
      tpu.enqueue_indirect_dma source(%arg8 : memref<128x32xf32, #tpu.memory_space<vmem>>) target(%dma_start3A_143 : memref<10240x32xf32, #tpu.memory_space<vmem_shared>>) offsets(%dma_start3A_140 : memref<128xi32, #tpu.memory_space<vmem>>) semaphore(%arg26 : memref<!tpu.dma_semaphore, #tpu.memory_space<semaphore_mem>>) {add = true}
      %mul3A_144 = arith.constant 16 : i32
      %mul3A_145 = arith.muli %scan3A_129, %mul3A_144 : i32
      %add3A_146 = arith.constant 1 : i32
      %add3A_147 = arith.addi %mul3A_145, %add3A_146 : i32
      %dma_wait3A_148 = arith.constant 0 : i32
      %dma_wait3A_149 = tpu.memref_slice %arg6[%add3A_147, %dma_wait3A_148] : memref<80x128xi32, #tpu.memory_space<vmem>> -> memref<1x128xi32, #tpu.memory_space<vmem>>
      %dma_wait3A_150 = tpu.memref_squeeze %dma_wait3A_149 : memref<1x128xi32, #tpu.memory_space<vmem>> -> memref<128xi32, #tpu.memory_space<vmem>>
      %dma_wait3A_151 = arith.constant 0 : i32
      %dma_wait3A_152 = arith.constant 0 : i32
      %dma_wait3A_153 = tpu.memref_slice %arg24[%dma_wait3A_151, %dma_wait3A_152] : memref<10000x32xf32, #tpu.memory_space<vmem_shared>> -> memref<10000x32xf32, #tpu.memory_space<vmem_shared>>
      tpu.wait_indirect_dma semaphore(%arg27 : memref<!tpu.dma_semaphore, #tpu.memory_space<semaphore_mem>>) src(%dma_wait3A_153 : memref<10000x32xf32, #tpu.memory_space<vmem_shared>>) dst(%arg9 : memref<128x32xf32, #tpu.memory_space<vmem>>)
      %dma_start3A_154 = arith.constant 0 : i32
      %dma_start3A_155 = tpu.memref_slice %arg7[%add3A_147, %dma_start3A_154] : memref<80x128xi32, #tpu.memory_space<vmem>> -> memref<1x128xi32, #tpu.memory_space<vmem>>
      %dma_start3A_156 = tpu.memref_squeeze %dma_start3A_155 : memref<1x128xi32, #tpu.memory_space<vmem>> -> memref<128xi32, #tpu.memory_space<vmem>>
      %dma_start3A_157 = arith.constant 0 : i32
      %dma_start3A_158 = arith.constant 0 : i32
      %dma_start3A_159 = tpu.memref_slice %arg25[%dma_start3A_157, %dma_start3A_158] : memref<10240x32xf32, #tpu.memory_space<vmem_shared>> -> memref<10240x32xf32, #tpu.memory_space<vmem_shared>>
      tpu.enqueue_indirect_dma source(%arg9 : memref<128x32xf32, #tpu.memory_space<vmem>>) target(%dma_start3A_159 : memref<10240x32xf32, #tpu.memory_space<vmem_shared>>) offsets(%dma_start3A_156 : memref<128xi32, #tpu.memory_space<vmem>>) semaphore(%arg27 : memref<!tpu.dma_semaphore, #tpu.memory_space<semaphore_mem>>) {add = true}
      %mul3A_160 = arith.constant 16 : i32
      %mul3A_161 = arith.muli %scan3A_129, %mul3A_160 : i32
      %add3A_162 = arith.constant 2 : i32
      %add3A_163 = arith.addi %mul3A_161, %add3A_162 : i32
      %dma_wait3A_164 = arith.constant 0 : i32
      %dma_wait3A_165 = tpu.memref_slice %arg6[%add3A_163, %dma_wait3A_164] : memref<80x128xi32, #tpu.memory_space<vmem>> -> memref<1x128xi32, #tpu.memory_space<vmem>>
      %dma_wait3A_166 = tpu.memref_squeeze %dma_wait3A_165 : memref<1x128xi32, #tpu.memory_space<vmem>> -> memref<128xi32, #tpu.memory_space<vmem>>
      %dma_wait3A_167 = arith.constant 0 : i32
      %dma_wait3A_168 = arith.constant 0 : i32
      %dma_wait3A_169 = tpu.memref_slice %arg24[%dma_wait3A_167, %dma_wait3A_168] : memref<10000x32xf32, #tpu.memory_space<vmem_shared>> -> memref<10000x32xf32, #tpu.memory_space<vmem_shared>>
      tpu.wait_indirect_dma semaphore(%arg28 : memref<!tpu.dma_semaphore, #tpu.memory_space<semaphore_mem>>) src(%dma_wait3A_169 : memref<10000x32xf32, #tpu.memory_space<vmem_shared>>) dst(%arg10 : memref<128x32xf32, #tpu.memory_space<vmem>>)
      %dma_start3A_170 = arith.constant 0 : i32
      %dma_start3A_171 = tpu.memref_slice %arg7[%add3A_163, %dma_start3A_170] : memref<80x128xi32, #tpu.memory_space<vmem>> -> memref<1x128xi32, #tpu.memory_space<vmem>>
      %dma_start3A_172 = tpu.memref_squeeze %dma_start3A_171 : memref<1x128xi32, #tpu.memory_space<vmem>> -> memref<128xi32, #tpu.memory_space<vmem>>
      %dma_start3A_173 = arith.constant 0 : i32
      %dma_start3A_174 = arith.constant 0 : i32
      %dma_start3A_175 = tpu.memref_slice %arg25[%dma_start3A_173, %dma_start3A_174] : memref<10240x32xf32, #tpu.memory_space<vmem_shared>> -> memref<10240x32xf32, #tpu.memory_space<vmem_shared>>
      tpu.enqueue_indirect_dma source(%arg10 : memref<128x32xf32, #tpu.memory_space<vmem>>) target(%dma_start3A_175 : memref<10240x32xf32, #tpu.memory_space<vmem_shared>>) offsets(%dma_start3A_172 : memref<128xi32, #tpu.memory_space<vmem>>) semaphore(%arg28 : memref<!tpu.dma_semaphore, #tpu.memory_space<semaphore_mem>>) {add = true}
      %mul3A_176 = arith.constant 16 : i32
      %mul3A_177 = arith.muli %scan3A_129, %mul3A_176 : i32
      %add3A_178 = arith.constant 3 : i32
      %add3A_179 = arith.addi %mul3A_177, %add3A_178 : i32
      %dma_wait3A_180 = arith.constant 0 : i32
      %dma_wait3A_181 = tpu.memref_slice %arg6[%add3A_179, %dma_wait3A_180] : memref<80x128xi32, #tpu.memory_space<vmem>> -> memref<1x128xi32, #tpu.memory_space<vmem>>
      %dma_wait3A_182 = tpu.memref_squeeze %dma_wait3A_181 : memref<1x128xi32, #tpu.memory_space<vmem>> -> memref<128xi32, #tpu.memory_space<vmem>>
      %dma_wait3A_183 = arith.constant 0 : i32
      %dma_wait3A_184 = arith.constant 0 : i32
      %dma_wait3A_185 = tpu.memref_slice %arg24[%dma_wait3A_183, %dma_wait3A_184] : memref<10000x32xf32, #tpu.memory_space<vmem_shared>> -> memref<10000x32xf32, #tpu.memory_space<vmem_shared>>
      tpu.wait_indirect_dma semaphore(%arg29 : memref<!tpu.dma_semaphore, #tpu.memory_space<semaphore_mem>>) src(%dma_wait3A_185 : memref<10000x32xf32, #tpu.memory_space<vmem_shared>>) dst(%arg11 : memref<128x32xf32, #tpu.memory_space<vmem>>)
      %dma_start3A_186 = arith.constant 0 : i32
      %dma_start3A_187 = tpu.memref_slice %arg7[%add3A_179, %dma_start3A_186] : memref<80x128xi32, #tpu.memory_space<vmem>> -> memref<1x128xi32, #tpu.memory_space<vmem>>
      %dma_start3A_188 = tpu.memref_squeeze %dma_start3A_187 : memref<1x128xi32, #tpu.memory_space<vmem>> -> memref<128xi32, #tpu.memory_space<vmem>>
      %dma_start3A_189 = arith.constant 0 : i32
      %dma_start3A_190 = arith.constant 0 : i32
      %dma_start3A_191 = tpu.memref_slice %arg25[%dma_start3A_189, %dma_start3A_190] : memref<10240x32xf32, #tpu.memory_space<vmem_shared>> -> memref<10240x32xf32, #tpu.memory_space<vmem_shared>>
      tpu.enqueue_indirect_dma source(%arg11 : memref<128x32xf32, #tpu.memory_space<vmem>>) target(%dma_start3A_191 : memref<10240x32xf32, #tpu.memory_space<vmem_shared>>) offsets(%dma_start3A_188 : memref<128xi32, #tpu.memory_space<vmem>>) semaphore(%arg29 : memref<!tpu.dma_semaphore, #tpu.memory_space<semaphore_mem>>) {add = true}
      %mul3A_192 = arith.constant 16 : i32
      %mul3A_193 = arith.muli %scan3A_129, %mul3A_192 : i32
      %add3A_194 = arith.constant 4 : i32
      %add3A_195 = arith.addi %mul3A_193, %add3A_194 : i32
      %dma_wait3A_196 = arith.constant 0 : i32
      %dma_wait3A_197 = tpu.memref_slice %arg6[%add3A_195, %dma_wait3A_196] : memref<80x128xi32, #tpu.memory_space<vmem>> -> memref<1x128xi32, #tpu.memory_space<vmem>>
      %dma_wait3A_198 = tpu.memref_squeeze %dma_wait3A_197 : memref<1x128xi32, #tpu.memory_space<vmem>> -> memref<128xi32, #tpu.memory_space<vmem>>
      %dma_wait3A_199 = arith.constant 0 : i32
      %dma_wait3A_200 = arith.constant 0 : i32
      %dma_wait3A_201 = tpu.memref_slice %arg24[%dma_wait3A_199, %dma_wait3A_200] : memref<10000x32xf32, #tpu.memory_space<vmem_shared>> -> memref<10000x32xf32, #tpu.memory_space<vmem_shared>>
      tpu.wait_indirect_dma semaphore(%arg30 : memref<!tpu.dma_semaphore, #tpu.memory_space<semaphore_mem>>) src(%dma_wait3A_201 : memref<10000x32xf32, #tpu.memory_space<vmem_shared>>) dst(%arg12 : memref<128x32xf32, #tpu.memory_space<vmem>>)
      %dma_start3A_202 = arith.constant 0 : i32
      %dma_start3A_203 = tpu.memref_slice %arg7[%add3A_195, %dma_start3A_202] : memref<80x128xi32, #tpu.memory_space<vmem>> -> memref<1x128xi32, #tpu.memory_space<vmem>>
      %dma_start3A_204 = tpu.memref_squeeze %dma_start3A_203 : memref<1x128xi32, #tpu.memory_space<vmem>> -> memref<128xi32, #tpu.memory_space<vmem>>
      %dma_start3A_205 = arith.constant 0 : i32
      %dma_start3A_206 = arith.constant 0 : i32
      %dma_start3A_207 = tpu.memref_slice %arg25[%dma_start3A_205, %dma_start3A_206] : memref<10240x32xf32, #tpu.memory_space<vmem_shared>> -> memref<10240x32xf32, #tpu.memory_space<vmem_shared>>
      tpu.enqueue_indirect_dma source(%arg12 : memref<128x32xf32, #tpu.memory_space<vmem>>) target(%dma_start3A_207 : memref<10240x32xf32, #tpu.memory_space<vmem_shared>>) offsets(%dma_start3A_204 : memref<128xi32, #tpu.memory_space<vmem>>) semaphore(%arg30 : memref<!tpu.dma_semaphore, #tpu.memory_space<semaphore_mem>>) {add = true}
      %mul3A_208 = arith.constant 16 : i32
      %mul3A_209 = arith.muli %scan3A_129, %mul3A_208 : i32
      %add3A_210 = arith.constant 5 : i32
      %add3A_211 = arith.addi %mul3A_209, %add3A_210 : i32
      %dma_wait3A_212 = arith.constant 0 : i32
      %dma_wait3A_213 = tpu.memref_slice %arg6[%add3A_211, %dma_wait3A_212] : memref<80x128xi32, #tpu.memory_space<vmem>> -> memref<1x128xi32, #tpu.memory_space<vmem>>
      %dma_wait3A_214 = tpu.memref_squeeze %dma_wait3A_213 : memref<1x128xi32, #tpu.memory_space<vmem>> -> memref<128xi32, #tpu.memory_space<vmem>>
      %dma_wait3A_215 = arith.constant 0 : i32
      %dma_wait3A_216 = arith.constant 0 : i32
      %dma_wait3A_217 = tpu.memref_slice %arg24[%dma_wait3A_215, %dma_wait3A_216] : memref<10000x32xf32, #tpu.memory_space<vmem_shared>> -> memref<10000x32xf32, #tpu.memory_space<vmem_shared>>
      tpu.wait_indirect_dma semaphore(%arg31 : memref<!tpu.dma_semaphore, #tpu.memory_space<semaphore_mem>>) src(%dma_wait3A_217 : memref<10000x32xf32, #tpu.memory_space<vmem_shared>>) dst(%arg13 : memref<128x32xf32, #tpu.memory_space<vmem>>)
      %dma_start3A_218 = arith.constant 0 : i32
      %dma_start3A_219 = tpu.memref_slice %arg7[%add3A_211, %dma_start3A_218] : memref<80x128xi32, #tpu.memory_space<vmem>> -> memref<1x128xi32, #tpu.memory_space<vmem>>
      %dma_start3A_220 = tpu.memref_squeeze %dma_start3A_219 : memref<1x128xi32, #tpu.memory_space<vmem>> -> memref<128xi32, #tpu.memory_space<vmem>>
      %dma_start3A_221 = arith.constant 0 : i32
      %dma_start3A_222 = arith.constant 0 : i32
      %dma_start3A_223 = tpu.memref_slice %arg25[%dma_start3A_221, %dma_start3A_222] : memref<10240x32xf32, #tpu.memory_space<vmem_shared>> -> memref<10240x32xf32, #tpu.memory_space<vmem_shared>>
      tpu.enqueue_indirect_dma source(%arg13 : memref<128x32xf32, #tpu.memory_space<vmem>>) target(%dma_start3A_223 : memref<10240x32xf32, #tpu.memory_space<vmem_shared>>) offsets(%dma_start3A_220 : memref<128xi32, #tpu.memory_space<vmem>>) semaphore(%arg31 : memref<!tpu.dma_semaphore, #tpu.memory_space<semaphore_mem>>) {add = true}
      %mul3A_224 = arith.constant 16 : i32
      %mul3A_225 = arith.muli %scan3A_129, %mul3A_224 : i32
      %add3A_226 = arith.constant 6 : i32
      %add3A_227 = arith.addi %mul3A_225, %add3A_226 : i32
      %dma_wait3A_228 = arith.constant 0 : i32
      %dma_wait3A_229 = tpu.memref_slice %arg6[%add3A_227, %dma_wait3A_228] : memref<80x128xi32, #tpu.memory_space<vmem>> -> memref<1x128xi32, #tpu.memory_space<vmem>>
      %dma_wait3A_230 = tpu.memref_squeeze %dma_wait3A_229 : memref<1x128xi32, #tpu.memory_space<vmem>> -> memref<128xi32, #tpu.memory_space<vmem>>
      %dma_wait3A_231 = arith.constant 0 : i32
      %dma_wait3A_232 = arith.constant 0 : i32
      %dma_wait3A_233 = tpu.memref_slice %arg24[%dma_wait3A_231, %dma_wait3A_232] : memref<10000x32xf32, #tpu.memory_space<vmem_shared>> -> memref<10000x32xf32, #tpu.memory_space<vmem_shared>>
      tpu.wait_indirect_dma semaphore(%arg32 : memref<!tpu.dma_semaphore, #tpu.memory_space<semaphore_mem>>) src(%dma_wait3A_233 : memref<10000x32xf32, #tpu.memory_space<vmem_shared>>) dst(%arg14 : memref<128x32xf32, #tpu.memory_space<vmem>>)
      %dma_start3A_234 = arith.constant 0 : i32
      %dma_start3A_235 = tpu.memref_slice %arg7[%add3A_227, %dma_start3A_234] : memref<80x128xi32, #tpu.memory_space<vmem>> -> memref<1x128xi32, #tpu.memory_space<vmem>>
      %dma_start3A_236 = tpu.memref_squeeze %dma_start3A_235 : memref<1x128xi32, #tpu.memory_space<vmem>> -> memref<128xi32, #tpu.memory_space<vmem>>
      %dma_start3A_237 = arith.constant 0 : i32
      %dma_start3A_238 = arith.constant 0 : i32
      %dma_start3A_239 = tpu.memref_slice %arg25[%dma_start3A_237, %dma_start3A_238] : memref<10240x32xf32, #tpu.memory_space<vmem_shared>> -> memref<10240x32xf32, #tpu.memory_space<vmem_shared>>
      tpu.enqueue_indirect_dma source(%arg14 : memref<128x32xf32, #tpu.memory_space<vmem>>) target(%dma_start3A_239 : memref<10240x32xf32, #tpu.memory_space<vmem_shared>>) offsets(%dma_start3A_236 : memref<128xi32, #tpu.memory_space<vmem>>) semaphore(%arg32 : memref<!tpu.dma_semaphore, #tpu.memory_space<semaphore_mem>>) {add = true}
      %mul3A_240 = arith.constant 16 : i32
      %mul3A_241 = arith.muli %scan3A_129, %mul3A_240 : i32
      %add3A_242 = arith.constant 7 : i32
      %add3A_243 = arith.addi %mul3A_241, %add3A_242 : i32
      %dma_wait3A_244 = arith.constant 0 : i32
      %dma_wait3A_245 = tpu.memref_slice %arg6[%add3A_243, %dma_wait3A_244] : memref<80x128xi32, #tpu.memory_space<vmem>> -> memref<1x128xi32, #tpu.memory_space<vmem>>
      %dma_wait3A_246 = tpu.memref_squeeze %dma_wait3A_245 : memref<1x128xi32, #tpu.memory_space<vmem>> -> memref<128xi32, #tpu.memory_space<vmem>>
      %dma_wait3A_247 = arith.constant 0 : i32
      %dma_wait3A_248 = arith.constant 0 : i32
      %dma_wait3A_249 = tpu.memref_slice %arg24[%dma_wait3A_247, %dma_wait3A_248] : memref<10000x32xf32, #tpu.memory_space<vmem_shared>> -> memref<10000x32xf32, #tpu.memory_space<vmem_shared>>
      tpu.wait_indirect_dma semaphore(%arg33 : memref<!tpu.dma_semaphore, #tpu.memory_space<semaphore_mem>>) src(%dma_wait3A_249 : memref<10000x32xf32, #tpu.memory_space<vmem_shared>>) dst(%arg15 : memref<128x32xf32, #tpu.memory_space<vmem>>)
      %dma_start3A_250 = arith.constant 0 : i32
      %dma_start3A_251 = tpu.memref_slice %arg7[%add3A_243, %dma_start3A_250] : memref<80x128xi32, #tpu.memory_space<vmem>> -> memref<1x128xi32, #tpu.memory_space<vmem>>
      %dma_start3A_252 = tpu.memref_squeeze %dma_start3A_251 : memref<1x128xi32, #tpu.memory_space<vmem>> -> memref<128xi32, #tpu.memory_space<vmem>>
      %dma_start3A_253 = arith.constant 0 : i32
      %dma_start3A_254 = arith.constant 0 : i32
      %dma_start3A_255 = tpu.memref_slice %arg25[%dma_start3A_253, %dma_start3A_254] : memref<10240x32xf32, #tpu.memory_space<vmem_shared>> -> memref<10240x32xf32, #tpu.memory_space<vmem_shared>>
      tpu.enqueue_indirect_dma source(%arg15 : memref<128x32xf32, #tpu.memory_space<vmem>>) target(%dma_start3A_255 : memref<10240x32xf32, #tpu.memory_space<vmem_shared>>) offsets(%dma_start3A_252 : memref<128xi32, #tpu.memory_space<vmem>>) semaphore(%arg33 : memref<!tpu.dma_semaphore, #tpu.memory_space<semaphore_mem>>) {add = true}
      %mul3A_256 = arith.constant 16 : i32
      %mul3A_257 = arith.muli %scan3A_129, %mul3A_256 : i32
      %add3A_258 = arith.constant 8 : i32
      %add3A_259 = arith.addi %mul3A_257, %add3A_258 : i32
      %dma_wait3A_260 = arith.constant 0 : i32
      %dma_wait3A_261 = tpu.memref_slice %arg6[%add3A_259, %dma_wait3A_260] : memref<80x128xi32, #tpu.memory_space<vmem>> -> memref<1x128xi32, #tpu.memory_space<vmem>>
      %dma_wait3A_262 = tpu.memref_squeeze %dma_wait3A_261 : memref<1x128xi32, #tpu.memory_space<vmem>> -> memref<128xi32, #tpu.memory_space<vmem>>
      %dma_wait3A_263 = arith.constant 0 : i32
      %dma_wait3A_264 = arith.constant 0 : i32
      %dma_wait3A_265 = tpu.memref_slice %arg24[%dma_wait3A_263, %dma_wait3A_264] : memref<10000x32xf32, #tpu.memory_space<vmem_shared>> -> memref<10000x32xf32, #tpu.memory_space<vmem_shared>>
      tpu.wait_indirect_dma semaphore(%arg34 : memref<!tpu.dma_semaphore, #tpu.memory_space<semaphore_mem>>) src(%dma_wait3A_265 : memref<10000x32xf32, #tpu.memory_space<vmem_shared>>) dst(%arg16 : memref<128x32xf32, #tpu.memory_space<vmem>>)
      %dma_start3A_266 = arith.constant 0 : i32
      %dma_start3A_267 = tpu.memref_slice %arg7[%add3A_259, %dma_start3A_266] : memref<80x128xi32, #tpu.memory_space<vmem>> -> memref<1x128xi32, #tpu.memory_space<vmem>>
      %dma_start3A_268 = tpu.memref_squeeze %dma_start3A_267 : memref<1x128xi32, #tpu.memory_space<vmem>> -> memref<128xi32, #tpu.memory_space<vmem>>
      %dma_start3A_269 = arith.constant 0 : i32
      %dma_start3A_270 = arith.constant 0 : i32
      %dma_start3A_271 = tpu.memref_slice %arg25[%dma_start3A_269, %dma_start3A_270] : memref<10240x32xf32, #tpu.memory_space<vmem_shared>> -> memref<10240x32xf32, #tpu.memory_space<vmem_shared>>
      tpu.enqueue_indirect_dma source(%arg16 : memref<128x32xf32, #tpu.memory_space<vmem>>) target(%dma_start3A_271 : memref<10240x32xf32, #tpu.memory_space<vmem_shared>>) offsets(%dma_start3A_268 : memref<128xi32, #tpu.memory_space<vmem>>) semaphore(%arg34 : memref<!tpu.dma_semaphore, #tpu.memory_space<semaphore_mem>>) {add = true}
      %mul3A_272 = arith.constant 16 : i32
      %mul3A_273 = arith.muli %scan3A_129, %mul3A_272 : i32
      %add3A_274 = arith.constant 9 : i32
      %add3A_275 = arith.addi %mul3A_273, %add3A_274 : i32
      %dma_wait3A_276 = arith.constant 0 : i32
      %dma_wait3A_277 = tpu.memref_slice %arg6[%add3A_275, %dma_wait3A_276] : memref<80x128xi32, #tpu.memory_space<vmem>> -> memref<1x128xi32, #tpu.memory_space<vmem>>
      %dma_wait3A_278 = tpu.memref_squeeze %dma_wait3A_277 : memref<1x128xi32, #tpu.memory_space<vmem>> -> memref<128xi32, #tpu.memory_space<vmem>>
      %dma_wait3A_279 = arith.constant 0 : i32
      %dma_wait3A_280 = arith.constant 0 : i32
      %dma_wait3A_281 = tpu.memref_slice %arg24[%dma_wait3A_279, %dma_wait3A_280] : memref<10000x32xf32, #tpu.memory_space<vmem_shared>> -> memref<10000x32xf32, #tpu.memory_space<vmem_shared>>
      tpu.wait_indirect_dma semaphore(%arg35 : memref<!tpu.dma_semaphore, #tpu.memory_space<semaphore_mem>>) src(%dma_wait3A_281 : memref<10000x32xf32, #tpu.memory_space<vmem_shared>>) dst(%arg17 : memref<128x32xf32, #tpu.memory_space<vmem>>)
      %dma_start3A_282 = arith.constant 0 : i32
      %dma_start3A_283 = tpu.memref_slice %arg7[%add3A_275, %dma_start3A_282] : memref<80x128xi32, #tpu.memory_space<vmem>> -> memref<1x128xi32, #tpu.memory_space<vmem>>
      %dma_start3A_284 = tpu.memref_squeeze %dma_start3A_283 : memref<1x128xi32, #tpu.memory_space<vmem>> -> memref<128xi32, #tpu.memory_space<vmem>>
      %dma_start3A_285 = arith.constant 0 : i32
      %dma_start3A_286 = arith.constant 0 : i32
      %dma_start3A_287 = tpu.memref_slice %arg25[%dma_start3A_285, %dma_start3A_286] : memref<10240x32xf32, #tpu.memory_space<vmem_shared>> -> memref<10240x32xf32, #tpu.memory_space<vmem_shared>>
      tpu.enqueue_indirect_dma source(%arg17 : memref<128x32xf32, #tpu.memory_space<vmem>>) target(%dma_start3A_287 : memref<10240x32xf32, #tpu.memory_space<vmem_shared>>) offsets(%dma_start3A_284 : memref<128xi32, #tpu.memory_space<vmem>>) semaphore(%arg35 : memref<!tpu.dma_semaphore, #tpu.memory_space<semaphore_mem>>) {add = true}
      %mul3A_288 = arith.constant 16 : i32
      %mul3A_289 = arith.muli %scan3A_129, %mul3A_288 : i32
      %add3A_290 = arith.constant 10 : i32
      %add3A_291 = arith.addi %mul3A_289, %add3A_290 : i32
      %dma_wait3A_292 = arith.constant 0 : i32
      %dma_wait3A_293 = tpu.memref_slice %arg6[%add3A_291, %dma_wait3A_292] : memref<80x128xi32, #tpu.memory_space<vmem>> -> memref<1x128xi32, #tpu.memory_space<vmem>>
      %dma_wait3A_294 = tpu.memref_squeeze %dma_wait3A_293 : memref<1x128xi32, #tpu.memory_space<vmem>> -> memref<128xi32, #tpu.memory_space<vmem>>
      %dma_wait3A_295 = arith.constant 0 : i32
      %dma_wait3A_296 = arith.constant 0 : i32
      %dma_wait3A_297 = tpu.memref_slice %arg24[%dma_wait3A_295, %dma_wait3A_296] : memref<10000x32xf32, #tpu.memory_space<vmem_shared>> -> memref<10000x32xf32, #tpu.memory_space<vmem_shared>>
      tpu.wait_indirect_dma semaphore(%arg36 : memref<!tpu.dma_semaphore, #tpu.memory_space<semaphore_mem>>) src(%dma_wait3A_297 : memref<10000x32xf32, #tpu.memory_space<vmem_shared>>) dst(%arg18 : memref<128x32xf32, #tpu.memory_space<vmem>>)
      %dma_start3A_298 = arith.constant 0 : i32
      %dma_start3A_299 = tpu.memref_slice %arg7[%add3A_291, %dma_start3A_298] : memref<80x128xi32, #tpu.memory_space<vmem>> -> memref<1x128xi32, #tpu.memory_space<vmem>>
      %dma_start3A_300 = tpu.memref_squeeze %dma_start3A_299 : memref<1x128xi32, #tpu.memory_space<vmem>> -> memref<128xi32, #tpu.memory_space<vmem>>
      %dma_start3A_301 = arith.constant 0 : i32
      %dma_start3A_302 = arith.constant 0 : i32
      %dma_start3A_303 = tpu.memref_slice %arg25[%dma_start3A_301, %dma_start3A_302] : memref<10240x32xf32, #tpu.memory_space<vmem_shared>> -> memref<10240x32xf32, #tpu.memory_space<vmem_shared>>
      tpu.enqueue_indirect_dma source(%arg18 : memref<128x32xf32, #tpu.memory_space<vmem>>) target(%dma_start3A_303 : memref<10240x32xf32, #tpu.memory_space<vmem_shared>>) offsets(%dma_start3A_300 : memref<128xi32, #tpu.memory_space<vmem>>) semaphore(%arg36 : memref<!tpu.dma_semaphore, #tpu.memory_space<semaphore_mem>>) {add = true}
      %mul3A_304 = arith.constant 16 : i32
      %mul3A_305 = arith.muli %scan3A_129, %mul3A_304 : i32
      %add3A_306 = arith.constant 11 : i32
      %add3A_307 = arith.addi %mul3A_305, %add3A_306 : i32
      %dma_wait3A_308 = arith.constant 0 : i32
      %dma_wait3A_309 = tpu.memref_slice %arg6[%add3A_307, %dma_wait3A_308] : memref<80x128xi32, #tpu.memory_space<vmem>> -> memref<1x128xi32, #tpu.memory_space<vmem>>
      %dma_wait3A_310 = tpu.memref_squeeze %dma_wait3A_309 : memref<1x128xi32, #tpu.memory_space<vmem>> -> memref<128xi32, #tpu.memory_space<vmem>>
      %dma_wait3A_311 = arith.constant 0 : i32
      %dma_wait3A_312 = arith.constant 0 : i32
      %dma_wait3A_313 = tpu.memref_slice %arg24[%dma_wait3A_311, %dma_wait3A_312] : memref<10000x32xf32, #tpu.memory_space<vmem_shared>> -> memref<10000x32xf32, #tpu.memory_space<vmem_shared>>
      tpu.wait_indirect_dma semaphore(%arg37 : memref<!tpu.dma_semaphore, #tpu.memory_space<semaphore_mem>>) src(%dma_wait3A_313 : memref<10000x32xf32, #tpu.memory_space<vmem_shared>>) dst(%arg19 : memref<128x32xf32, #tpu.memory_space<vmem>>)
      %dma_start3A_314 = arith.constant 0 : i32
      %dma_start3A_315 = tpu.memref_slice %arg7[%add3A_307, %dma_start3A_314] : memref<80x128xi32, #tpu.memory_space<vmem>> -> memref<1x128xi32, #tpu.memory_space<vmem>>
      %dma_start3A_316 = tpu.memref_squeeze %dma_start3A_315 : memref<1x128xi32, #tpu.memory_space<vmem>> -> memref<128xi32, #tpu.memory_space<vmem>>
      %dma_start3A_317 = arith.constant 0 : i32
      %dma_start3A_318 = arith.constant 0 : i32
      %dma_start3A_319 = tpu.memref_slice %arg25[%dma_start3A_317, %dma_start3A_318] : memref<10240x32xf32, #tpu.memory_space<vmem_shared>> -> memref<10240x32xf32, #tpu.memory_space<vmem_shared>>
      tpu.enqueue_indirect_dma source(%arg19 : memref<128x32xf32, #tpu.memory_space<vmem>>) target(%dma_start3A_319 : memref<10240x32xf32, #tpu.memory_space<vmem_shared>>) offsets(%dma_start3A_316 : memref<128xi32, #tpu.memory_space<vmem>>) semaphore(%arg37 : memref<!tpu.dma_semaphore, #tpu.memory_space<semaphore_mem>>) {add = true}
      %mul3A_320 = arith.constant 16 : i32
      %mul3A_321 = arith.muli %scan3A_129, %mul3A_320 : i32
      %add3A_322 = arith.constant 12 : i32
      %add3A_323 = arith.addi %mul3A_321, %add3A_322 : i32
      %dma_wait3A_324 = arith.constant 0 : i32
      %dma_wait3A_325 = tpu.memref_slice %arg6[%add3A_323, %dma_wait3A_324] : memref<80x128xi32, #tpu.memory_space<vmem>> -> memref<1x128xi32, #tpu.memory_space<vmem>>
      %dma_wait3A_326 = tpu.memref_squeeze %dma_wait3A_325 : memref<1x128xi32, #tpu.memory_space<vmem>> -> memref<128xi32, #tpu.memory_space<vmem>>
      %dma_wait3A_327 = arith.constant 0 : i32
      %dma_wait3A_328 = arith.constant 0 : i32
      %dma_wait3A_329 = tpu.memref_slice %arg24[%dma_wait3A_327, %dma_wait3A_328] : memref<10000x32xf32, #tpu.memory_space<vmem_shared>> -> memref<10000x32xf32, #tpu.memory_space<vmem_shared>>
      tpu.wait_indirect_dma semaphore(%arg38 : memref<!tpu.dma_semaphore, #tpu.memory_space<semaphore_mem>>) src(%dma_wait3A_329 : memref<10000x32xf32, #tpu.memory_space<vmem_shared>>) dst(%arg20 : memref<128x32xf32, #tpu.memory_space<vmem>>)
      %dma_start3A_330 = arith.constant 0 : i32
      %dma_start3A_331 = tpu.memref_slice %arg7[%add3A_323, %dma_start3A_330] : memref<80x128xi32, #tpu.memory_space<vmem>> -> memref<1x128xi32, #tpu.memory_space<vmem>>
      %dma_start3A_332 = tpu.memref_squeeze %dma_start3A_331 : memref<1x128xi32, #tpu.memory_space<vmem>> -> memref<128xi32, #tpu.memory_space<vmem>>
      %dma_start3A_333 = arith.constant 0 : i32
      %dma_start3A_334 = arith.constant 0 : i32
      %dma_start3A_335 = tpu.memref_slice %arg25[%dma_start3A_333, %dma_start3A_334] : memref<10240x32xf32, #tpu.memory_space<vmem_shared>> -> memref<10240x32xf32, #tpu.memory_space<vmem_shared>>
      tpu.enqueue_indirect_dma source(%arg20 : memref<128x32xf32, #tpu.memory_space<vmem>>) target(%dma_start3A_335 : memref<10240x32xf32, #tpu.memory_space<vmem_shared>>) offsets(%dma_start3A_332 : memref<128xi32, #tpu.memory_space<vmem>>) semaphore(%arg38 : memref<!tpu.dma_semaphore, #tpu.memory_space<semaphore_mem>>) {add = true}
      %mul3A_336 = arith.constant 16 : i32
      %mul3A_337 = arith.muli %scan3A_129, %mul3A_336 : i32
      %add3A_338 = arith.constant 13 : i32
      %add3A_339 = arith.addi %mul3A_337, %add3A_338 : i32
      %dma_wait3A_340 = arith.constant 0 : i32
      %dma_wait3A_341 = tpu.memref_slice %arg6[%add3A_339, %dma_wait3A_340] : memref<80x128xi32, #tpu.memory_space<vmem>> -> memref<1x128xi32, #tpu.memory_space<vmem>>
      %dma_wait3A_342 = tpu.memref_squeeze %dma_wait3A_341 : memref<1x128xi32, #tpu.memory_space<vmem>> -> memref<128xi32, #tpu.memory_space<vmem>>
      %dma_wait3A_343 = arith.constant 0 : i32
      %dma_wait3A_344 = arith.constant 0 : i32
      %dma_wait3A_345 = tpu.memref_slice %arg24[%dma_wait3A_343, %dma_wait3A_344] : memref<10000x32xf32, #tpu.memory_space<vmem_shared>> -> memref<10000x32xf32, #tpu.memory_space<vmem_shared>>
      tpu.wait_indirect_dma semaphore(%arg39 : memref<!tpu.dma_semaphore, #tpu.memory_space<semaphore_mem>>) src(%dma_wait3A_345 : memref<10000x32xf32, #tpu.memory_space<vmem_shared>>) dst(%arg21 : memref<128x32xf32, #tpu.memory_space<vmem>>)
      %dma_start3A_346 = arith.constant 0 : i32
      %dma_start3A_347 = tpu.memref_slice %arg7[%add3A_339, %dma_start3A_346] : memref<80x128xi32, #tpu.memory_space<vmem>> -> memref<1x128xi32, #tpu.memory_space<vmem>>
      %dma_start3A_348 = tpu.memref_squeeze %dma_start3A_347 : memref<1x128xi32, #tpu.memory_space<vmem>> -> memref<128xi32, #tpu.memory_space<vmem>>
      %dma_start3A_349 = arith.constant 0 : i32
      %dma_start3A_350 = arith.constant 0 : i32
      %dma_start3A_351 = tpu.memref_slice %arg25[%dma_start3A_349, %dma_start3A_350] : memref<10240x32xf32, #tpu.memory_space<vmem_shared>> -> memref<10240x32xf32, #tpu.memory_space<vmem_shared>>
      tpu.enqueue_indirect_dma source(%arg21 : memref<128x32xf32, #tpu.memory_space<vmem>>) target(%dma_start3A_351 : memref<10240x32xf32, #tpu.memory_space<vmem_shared>>) offsets(%dma_start3A_348 : memref<128xi32, #tpu.memory_space<vmem>>) semaphore(%arg39 : memref<!tpu.dma_semaphore, #tpu.memory_space<semaphore_mem>>) {add = true}
      %mul3A_352 = arith.constant 16 : i32
      %mul3A_353 = arith.muli %scan3A_129, %mul3A_352 : i32
      %add3A_354 = arith.constant 14 : i32
      %add3A_355 = arith.addi %mul3A_353, %add3A_354 : i32
      %dma_wait3A_356 = arith.constant 0 : i32
      %dma_wait3A_357 = tpu.memref_slice %arg6[%add3A_355, %dma_wait3A_356] : memref<80x128xi32, #tpu.memory_space<vmem>> -> memref<1x128xi32, #tpu.memory_space<vmem>>
      %dma_wait3A_358 = tpu.memref_squeeze %dma_wait3A_357 : memref<1x128xi32, #tpu.memory_space<vmem>> -> memref<128xi32, #tpu.memory_space<vmem>>
      %dma_wait3A_359 = arith.constant 0 : i32
      %dma_wait3A_360 = arith.constant 0 : i32
      %dma_wait3A_361 = tpu.memref_slice %arg24[%dma_wait3A_359, %dma_wait3A_360] : memref<10000x32xf32, #tpu.memory_space<vmem_shared>> -> memref<10000x32xf32, #tpu.memory_space<vmem_shared>>
      tpu.wait_indirect_dma semaphore(%arg40 : memref<!tpu.dma_semaphore, #tpu.memory_space<semaphore_mem>>) src(%dma_wait3A_361 : memref<10000x32xf32, #tpu.memory_space<vmem_shared>>) dst(%arg22 : memref<128x32xf32, #tpu.memory_space<vmem>>)
      %dma_start3A_362 = arith.constant 0 : i32
      %dma_start3A_363 = tpu.memref_slice %arg7[%add3A_355, %dma_start3A_362] : memref<80x128xi32, #tpu.memory_space<vmem>> -> memref<1x128xi32, #tpu.memory_space<vmem>>
      %dma_start3A_364 = tpu.memref_squeeze %dma_start3A_363 : memref<1x128xi32, #tpu.memory_space<vmem>> -> memref<128xi32, #tpu.memory_space<vmem>>
      %dma_start3A_365 = arith.constant 0 : i32
      %dma_start3A_366 = arith.constant 0 : i32
      %dma_start3A_367 = tpu.memref_slice %arg25[%dma_start3A_365, %dma_start3A_366] : memref<10240x32xf32, #tpu.memory_space<vmem_shared>> -> memref<10240x32xf32, #tpu.memory_space<vmem_shared>>
      tpu.enqueue_indirect_dma source(%arg22 : memref<128x32xf32, #tpu.memory_space<vmem>>) target(%dma_start3A_367 : memref<10240x32xf32, #tpu.memory_space<vmem_shared>>) offsets(%dma_start3A_364 : memref<128xi32, #tpu.memory_space<vmem>>) semaphore(%arg40 : memref<!tpu.dma_semaphore, #tpu.memory_space<semaphore_mem>>) {add = true}
      %mul3A_368 = arith.constant 16 : i32
      %mul3A_369 = arith.muli %scan3A_129, %mul3A_368 : i32
      %add3A_370 = arith.constant 15 : i32
      %add3A_371 = arith.addi %mul3A_369, %add3A_370 : i32
      %dma_wait3A_372 = arith.constant 0 : i32
      %dma_wait3A_373 = tpu.memref_slice %arg6[%add3A_371, %dma_wait3A_372] : memref<80x128xi32, #tpu.memory_space<vmem>> -> memref<1x128xi32, #tpu.memory_space<vmem>>
      %dma_wait3A_374 = tpu.memref_squeeze %dma_wait3A_373 : memref<1x128xi32, #tpu.memory_space<vmem>> -> memref<128xi32, #tpu.memory_space<vmem>>
      %dma_wait3A_375 = arith.constant 0 : i32
      %dma_wait3A_376 = arith.constant 0 : i32
      %dma_wait3A_377 = tpu.memref_slice %arg24[%dma_wait3A_375, %dma_wait3A_376] : memref<10000x32xf32, #tpu.memory_space<vmem_shared>> -> memref<10000x32xf32, #tpu.memory_space<vmem_shared>>
      tpu.wait_indirect_dma semaphore(%arg41 : memref<!tpu.dma_semaphore, #tpu.memory_space<semaphore_mem>>) src(%dma_wait3A_377 : memref<10000x32xf32, #tpu.memory_space<vmem_shared>>) dst(%arg23 : memref<128x32xf32, #tpu.memory_space<vmem>>)
      %dma_start3A_378 = arith.constant 0 : i32
      %dma_start3A_379 = tpu.memref_slice %arg7[%add3A_371, %dma_start3A_378] : memref<80x128xi32, #tpu.memory_space<vmem>> -> memref<1x128xi32, #tpu.memory_space<vmem>>
      %dma_start3A_380 = tpu.memref_squeeze %dma_start3A_379 : memref<1x128xi32, #tpu.memory_space<vmem>> -> memref<128xi32, #tpu.memory_space<vmem>>
      %dma_start3A_381 = arith.constant 0 : i32
      %dma_start3A_382 = arith.constant 0 : i32
      %dma_start3A_383 = tpu.memref_slice %arg25[%dma_start3A_381, %dma_start3A_382] : memref<10240x32xf32, #tpu.memory_space<vmem_shared>> -> memref<10240x32xf32, #tpu.memory_space<vmem_shared>>
      tpu.enqueue_indirect_dma source(%arg23 : memref<128x32xf32, #tpu.memory_space<vmem>>) target(%dma_start3A_383 : memref<10240x32xf32, #tpu.memory_space<vmem_shared>>) offsets(%dma_start3A_380 : memref<128xi32, #tpu.memory_space<vmem>>) semaphore(%arg41 : memref<!tpu.dma_semaphore, #tpu.memory_space<semaphore_mem>>) {add = true}
      %mul3A_384 = arith.constant 16 : i32
      %mul3A_385 = arith.muli %scan3A_129, %mul3A_384 : i32
      %add3A_386 = arith.constant 0 : i32
      %add3A_387 = arith.addi %mul3A_385, %add3A_386 : i32
      %dma_wait3A_388 = arith.constant 0 : i32
      %dma_wait3A_389 = tpu.memref_slice %arg7[%add3A_387, %dma_wait3A_388] : memref<80x128xi32, #tpu.memory_space<vmem>> -> memref<1x128xi32, #tpu.memory_space<vmem>>
      %dma_wait3A_390 = tpu.memref_squeeze %dma_wait3A_389 : memref<1x128xi32, #tpu.memory_space<vmem>> -> memref<128xi32, #tpu.memory_space<vmem>>
      %dma_wait3A_391 = arith.constant 0 : i32
      %dma_wait3A_392 = arith.constant 0 : i32
      %dma_wait3A_393 = tpu.memref_slice %arg25[%dma_wait3A_391, %dma_wait3A_392] : memref<10240x32xf32, #tpu.memory_space<vmem_shared>> -> memref<10240x32xf32, #tpu.memory_space<vmem_shared>>
      tpu.wait_indirect_dma semaphore(%arg26 : memref<!tpu.dma_semaphore, #tpu.memory_space<semaphore_mem>>) src(%arg8 : memref<128x32xf32, #tpu.memory_space<vmem>>) dst(%dma_wait3A_393 : memref<10240x32xf32, #tpu.memory_space<vmem_shared>>)
      %lt3A = arith.constant 4 : i32
      %lt3A_394 = arith.cmpi slt, %scan3A_129, %lt3A : i32
      %convert_element_type3A_395 = arith.extui %lt3A_394 : i1 to i32
      %cond3A_396 = arith.constant 0 : i32
      %cond3A_397 = arith.cmpi ne, %convert_element_type3A_395, %cond3A_396 : i32
      scf.if %cond3A_397 {
        %add3A_623 = arith.constant 1 : i32
        %add3A_624 = arith.addi %scan3A_129, %add3A_623 : i32
        %mul3A_625 = arith.constant 16 : i32
        %mul3A_626 = arith.muli %add3A_624, %mul3A_625 : i32
        %add3A_627 = arith.constant 0 : i32
        %add3A_628 = arith.addi %mul3A_626, %add3A_627 : i32
        %dma_start3A_629 = arith.constant 0 : i32
        %dma_start3A_630 = tpu.memref_slice %arg6[%add3A_628, %dma_start3A_629] : memref<80x128xi32, #tpu.memory_space<vmem>> -> memref<1x128xi32, #tpu.memory_space<vmem>>
        %dma_start3A_631 = tpu.memref_squeeze %dma_start3A_630 : memref<1x128xi32, #tpu.memory_space<vmem>> -> memref<128xi32, #tpu.memory_space<vmem>>
        %dma_start3A_632 = arith.constant 0 : i32
        %dma_start3A_633 = arith.constant 0 : i32
        %dma_start3A_634 = tpu.memref_slice %arg24[%dma_start3A_632, %dma_start3A_633] : memref<10000x32xf32, #tpu.memory_space<vmem_shared>> -> memref<10000x32xf32, #tpu.memory_space<vmem_shared>>
        tpu.enqueue_indirect_dma source(%dma_start3A_634 : memref<10000x32xf32, #tpu.memory_space<vmem_shared>>) target(%arg8 : memref<128x32xf32, #tpu.memory_space<vmem>>) offsets(%dma_start3A_631 : memref<128xi32, #tpu.memory_space<vmem>>) semaphore(%arg26 : memref<!tpu.dma_semaphore, #tpu.memory_space<semaphore_mem>>)
      } else {
      }
      %mul3A_398 = arith.constant 16 : i32
      %mul3A_399 = arith.muli %scan3A_129, %mul3A_398 : i32
      %add3A_400 = arith.constant 1 : i32
      %add3A_401 = arith.addi %mul3A_399, %add3A_400 : i32
      %dma_wait3A_402 = arith.constant 0 : i32
      %dma_wait3A_403 = tpu.memref_slice %arg7[%add3A_401, %dma_wait3A_402] : memref<80x128xi32, #tpu.memory_space<vmem>> -> memref<1x128xi32, #tpu.memory_space<vmem>>
      %dma_wait3A_404 = tpu.memref_squeeze %dma_wait3A_403 : memref<1x128xi32, #tpu.memory_space<vmem>> -> memref<128xi32, #tpu.memory_space<vmem>>
      %dma_wait3A_405 = arith.constant 0 : i32
      %dma_wait3A_406 = arith.constant 0 : i32
      %dma_wait3A_407 = tpu.memref_slice %arg25[%dma_wait3A_405, %dma_wait3A_406] : memref<10240x32xf32, #tpu.memory_space<vmem_shared>> -> memref<10240x32xf32, #tpu.memory_space<vmem_shared>>
      tpu.wait_indirect_dma semaphore(%arg27 : memref<!tpu.dma_semaphore, #tpu.memory_space<semaphore_mem>>) src(%arg9 : memref<128x32xf32, #tpu.memory_space<vmem>>) dst(%dma_wait3A_407 : memref<10240x32xf32, #tpu.memory_space<vmem_shared>>)
      %lt3A_408 = arith.constant 4 : i32
      %lt3A_409 = arith.cmpi slt, %scan3A_129, %lt3A_408 : i32
      %convert_element_type3A_410 = arith.extui %lt3A_409 : i1 to i32
      %cond3A_411 = arith.constant 0 : i32
      %cond3A_412 = arith.cmpi ne, %convert_element_type3A_410, %cond3A_411 : i32
      scf.if %cond3A_412 {
        %add3A_623 = arith.constant 1 : i32
        %add3A_624 = arith.addi %scan3A_129, %add3A_623 : i32
        %mul3A_625 = arith.constant 16 : i32
        %mul3A_626 = arith.muli %add3A_624, %mul3A_625 : i32
        %add3A_627 = arith.constant 1 : i32
        %add3A_628 = arith.addi %mul3A_626, %add3A_627 : i32
        %dma_start3A_629 = arith.constant 0 : i32
        %dma_start3A_630 = tpu.memref_slice %arg6[%add3A_628, %dma_start3A_629] : memref<80x128xi32, #tpu.memory_space<vmem>> -> memref<1x128xi32, #tpu.memory_space<vmem>>
        %dma_start3A_631 = tpu.memref_squeeze %dma_start3A_630 : memref<1x128xi32, #tpu.memory_space<vmem>> -> memref<128xi32, #tpu.memory_space<vmem>>
        %dma_start3A_632 = arith.constant 0 : i32
        %dma_start3A_633 = arith.constant 0 : i32
        %dma_start3A_634 = tpu.memref_slice %arg24[%dma_start3A_632, %dma_start3A_633] : memref<10000x32xf32, #tpu.memory_space<vmem_shared>> -> memref<10000x32xf32, #tpu.memory_space<vmem_shared>>
        tpu.enqueue_indirect_dma source(%dma_start3A_634 : memref<10000x32xf32, #tpu.memory_space<vmem_shared>>) target(%arg9 : memref<128x32xf32, #tpu.memory_space<vmem>>) offsets(%dma_start3A_631 : memref<128xi32, #tpu.memory_space<vmem>>) semaphore(%arg27 : memref<!tpu.dma_semaphore, #tpu.memory_space<semaphore_mem>>)
      } else {
      }
      %mul3A_413 = arith.constant 16 : i32
      %mul3A_414 = arith.muli %scan3A_129, %mul3A_413 : i32
      %add3A_415 = arith.constant 2 : i32
      %add3A_416 = arith.addi %mul3A_414, %add3A_415 : i32
      %dma_wait3A_417 = arith.constant 0 : i32
      %dma_wait3A_418 = tpu.memref_slice %arg7[%add3A_416, %dma_wait3A_417] : memref<80x128xi32, #tpu.memory_space<vmem>> -> memref<1x128xi32, #tpu.memory_space<vmem>>
      %dma_wait3A_419 = tpu.memref_squeeze %dma_wait3A_418 : memref<1x128xi32, #tpu.memory_space<vmem>> -> memref<128xi32, #tpu.memory_space<vmem>>
      %dma_wait3A_420 = arith.constant 0 : i32
      %dma_wait3A_421 = arith.constant 0 : i32
      %dma_wait3A_422 = tpu.memref_slice %arg25[%dma_wait3A_420, %dma_wait3A_421] : memref<10240x32xf32, #tpu.memory_space<vmem_shared>> -> memref<10240x32xf32, #tpu.memory_space<vmem_shared>>
      tpu.wait_indirect_dma semaphore(%arg28 : memref<!tpu.dma_semaphore, #tpu.memory_space<semaphore_mem>>) src(%arg10 : memref<128x32xf32, #tpu.memory_space<vmem>>) dst(%dma_wait3A_422 : memref<10240x32xf32, #tpu.memory_space<vmem_shared>>)
      %lt3A_423 = arith.constant 4 : i32
      %lt3A_424 = arith.cmpi slt, %scan3A_129, %lt3A_423 : i32
      %convert_element_type3A_425 = arith.extui %lt3A_424 : i1 to i32
      %cond3A_426 = arith.constant 0 : i32
      %cond3A_427 = arith.cmpi ne, %convert_element_type3A_425, %cond3A_426 : i32
      scf.if %cond3A_427 {
        %add3A_623 = arith.constant 1 : i32
        %add3A_624 = arith.addi %scan3A_129, %add3A_623 : i32
        %mul3A_625 = arith.constant 16 : i32
        %mul3A_626 = arith.muli %add3A_624, %mul3A_625 : i32
        %add3A_627 = arith.constant 2 : i32
        %add3A_628 = arith.addi %mul3A_626, %add3A_627 : i32
        %dma_start3A_629 = arith.constant 0 : i32
        %dma_start3A_630 = tpu.memref_slice %arg6[%add3A_628, %dma_start3A_629] : memref<80x128xi32, #tpu.memory_space<vmem>> -> memref<1x128xi32, #tpu.memory_space<vmem>>
        %dma_start3A_631 = tpu.memref_squeeze %dma_start3A_630 : memref<1x128xi32, #tpu.memory_space<vmem>> -> memref<128xi32, #tpu.memory_space<vmem>>
        %dma_start3A_632 = arith.constant 0 : i32
        %dma_start3A_633 = arith.constant 0 : i32
        %dma_start3A_634 = tpu.memref_slice %arg24[%dma_start3A_632, %dma_start3A_633] : memref<10000x32xf32, #tpu.memory_space<vmem_shared>> -> memref<10000x32xf32, #tpu.memory_space<vmem_shared>>
        tpu.enqueue_indirect_dma source(%dma_start3A_634 : memref<10000x32xf32, #tpu.memory_space<vmem_shared>>) target(%arg10 : memref<128x32xf32, #tpu.memory_space<vmem>>) offsets(%dma_start3A_631 : memref<128xi32, #tpu.memory_space<vmem>>) semaphore(%arg28 : memref<!tpu.dma_semaphore, #tpu.memory_space<semaphore_mem>>)
      } else {
      }
      %mul3A_428 = arith.constant 16 : i32
      %mul3A_429 = arith.muli %scan3A_129, %mul3A_428 : i32
      %add3A_430 = arith.constant 3 : i32
      %add3A_431 = arith.addi %mul3A_429, %add3A_430 : i32
      %dma_wait3A_432 = arith.constant 0 : i32
      %dma_wait3A_433 = tpu.memref_slice %arg7[%add3A_431, %dma_wait3A_432] : memref<80x128xi32, #tpu.memory_space<vmem>> -> memref<1x128xi32, #tpu.memory_space<vmem>>
      %dma_wait3A_434 = tpu.memref_squeeze %dma_wait3A_433 : memref<1x128xi32, #tpu.memory_space<vmem>> -> memref<128xi32, #tpu.memory_space<vmem>>
      %dma_wait3A_435 = arith.constant 0 : i32
      %dma_wait3A_436 = arith.constant 0 : i32
      %dma_wait3A_437 = tpu.memref_slice %arg25[%dma_wait3A_435, %dma_wait3A_436] : memref<10240x32xf32, #tpu.memory_space<vmem_shared>> -> memref<10240x32xf32, #tpu.memory_space<vmem_shared>>
      tpu.wait_indirect_dma semaphore(%arg29 : memref<!tpu.dma_semaphore, #tpu.memory_space<semaphore_mem>>) src(%arg11 : memref<128x32xf32, #tpu.memory_space<vmem>>) dst(%dma_wait3A_437 : memref<10240x32xf32, #tpu.memory_space<vmem_shared>>)
      %lt3A_438 = arith.constant 4 : i32
      %lt3A_439 = arith.cmpi slt, %scan3A_129, %lt3A_438 : i32
      %convert_element_type3A_440 = arith.extui %lt3A_439 : i1 to i32
      %cond3A_441 = arith.constant 0 : i32
      %cond3A_442 = arith.cmpi ne, %convert_element_type3A_440, %cond3A_441 : i32
      scf.if %cond3A_442 {
        %add3A_623 = arith.constant 1 : i32
        %add3A_624 = arith.addi %scan3A_129, %add3A_623 : i32
        %mul3A_625 = arith.constant 16 : i32
        %mul3A_626 = arith.muli %add3A_624, %mul3A_625 : i32
        %add3A_627 = arith.constant 3 : i32
        %add3A_628 = arith.addi %mul3A_626, %add3A_627 : i32
        %dma_start3A_629 = arith.constant 0 : i32
        %dma_start3A_630 = tpu.memref_slice %arg6[%add3A_628, %dma_start3A_629] : memref<80x128xi32, #tpu.memory_space<vmem>> -> memref<1x128xi32, #tpu.memory_space<vmem>>
        %dma_start3A_631 = tpu.memref_squeeze %dma_start3A_630 : memref<1x128xi32, #tpu.memory_space<vmem>> -> memref<128xi32, #tpu.memory_space<vmem>>
        %dma_start3A_632 = arith.constant 0 : i32
        %dma_start3A_633 = arith.constant 0 : i32
        %dma_start3A_634 = tpu.memref_slice %arg24[%dma_start3A_632, %dma_start3A_633] : memref<10000x32xf32, #tpu.memory_space<vmem_shared>> -> memref<10000x32xf32, #tpu.memory_space<vmem_shared>>
        tpu.enqueue_indirect_dma source(%dma_start3A_634 : memref<10000x32xf32, #tpu.memory_space<vmem_shared>>) target(%arg11 : memref<128x32xf32, #tpu.memory_space<vmem>>) offsets(%dma_start3A_631 : memref<128xi32, #tpu.memory_space<vmem>>) semaphore(%arg29 : memref<!tpu.dma_semaphore, #tpu.memory_space<semaphore_mem>>)
      } else {
      }
      %mul3A_443 = arith.constant 16 : i32
      %mul3A_444 = arith.muli %scan3A_129, %mul3A_443 : i32
      %add3A_445 = arith.constant 4 : i32
      %add3A_446 = arith.addi %mul3A_444, %add3A_445 : i32
      %dma_wait3A_447 = arith.constant 0 : i32
      %dma_wait3A_448 = tpu.memref_slice %arg7[%add3A_446, %dma_wait3A_447] : memref<80x128xi32, #tpu.memory_space<vmem>> -> memref<1x128xi32, #tpu.memory_space<vmem>>
      %dma_wait3A_449 = tpu.memref_squeeze %dma_wait3A_448 : memref<1x128xi32, #tpu.memory_space<vmem>> -> memref<128xi32, #tpu.memory_space<vmem>>
      %dma_wait3A_450 = arith.constant 0 : i32
      %dma_wait3A_451 = arith.constant 0 : i32
      %dma_wait3A_452 = tpu.memref_slice %arg25[%dma_wait3A_450, %dma_wait3A_451] : memref<10240x32xf32, #tpu.memory_space<vmem_shared>> -> memref<10240x32xf32, #tpu.memory_space<vmem_shared>>
      tpu.wait_indirect_dma semaphore(%arg30 : memref<!tpu.dma_semaphore, #tpu.memory_space<semaphore_mem>>) src(%arg12 : memref<128x32xf32, #tpu.memory_space<vmem>>) dst(%dma_wait3A_452 : memref<10240x32xf32, #tpu.memory_space<vmem_shared>>)
      %lt3A_453 = arith.constant 4 : i32
      %lt3A_454 = arith.cmpi slt, %scan3A_129, %lt3A_453 : i32
      %convert_element_type3A_455 = arith.extui %lt3A_454 : i1 to i32
      %cond3A_456 = arith.constant 0 : i32
      %cond3A_457 = arith.cmpi ne, %convert_element_type3A_455, %cond3A_456 : i32
      scf.if %cond3A_457 {
        %add3A_623 = arith.constant 1 : i32
        %add3A_624 = arith.addi %scan3A_129, %add3A_623 : i32
        %mul3A_625 = arith.constant 16 : i32
        %mul3A_626 = arith.muli %add3A_624, %mul3A_625 : i32
        %add3A_627 = arith.constant 4 : i32
        %add3A_628 = arith.addi %mul3A_626, %add3A_627 : i32
        %dma_start3A_629 = arith.constant 0 : i32
        %dma_start3A_630 = tpu.memref_slice %arg6[%add3A_628, %dma_start3A_629] : memref<80x128xi32, #tpu.memory_space<vmem>> -> memref<1x128xi32, #tpu.memory_space<vmem>>
        %dma_start3A_631 = tpu.memref_squeeze %dma_start3A_630 : memref<1x128xi32, #tpu.memory_space<vmem>> -> memref<128xi32, #tpu.memory_space<vmem>>
        %dma_start3A_632 = arith.constant 0 : i32
        %dma_start3A_633 = arith.constant 0 : i32
        %dma_start3A_634 = tpu.memref_slice %arg24[%dma_start3A_632, %dma_start3A_633] : memref<10000x32xf32, #tpu.memory_space<vmem_shared>> -> memref<10000x32xf32, #tpu.memory_space<vmem_shared>>
        tpu.enqueue_indirect_dma source(%dma_start3A_634 : memref<10000x32xf32, #tpu.memory_space<vmem_shared>>) target(%arg12 : memref<128x32xf32, #tpu.memory_space<vmem>>) offsets(%dma_start3A_631 : memref<128xi32, #tpu.memory_space<vmem>>) semaphore(%arg30 : memref<!tpu.dma_semaphore, #tpu.memory_space<semaphore_mem>>)
      } else {
      }
      %mul3A_458 = arith.constant 16 : i32
      %mul3A_459 = arith.muli %scan3A_129, %mul3A_458 : i32
      %add3A_460 = arith.constant 5 : i32
      %add3A_461 = arith.addi %mul3A_459, %add3A_460 : i32
      %dma_wait3A_462 = arith.constant 0 : i32
      %dma_wait3A_463 = tpu.memref_slice %arg7[%add3A_461, %dma_wait3A_462] : memref<80x128xi32, #tpu.memory_space<vmem>> -> memref<1x128xi32, #tpu.memory_space<vmem>>
      %dma_wait3A_464 = tpu.memref_squeeze %dma_wait3A_463 : memref<1x128xi32, #tpu.memory_space<vmem>> -> memref<128xi32, #tpu.memory_space<vmem>>
      %dma_wait3A_465 = arith.constant 0 : i32
      %dma_wait3A_466 = arith.constant 0 : i32
      %dma_wait3A_467 = tpu.memref_slice %arg25[%dma_wait3A_465, %dma_wait3A_466] : memref<10240x32xf32, #tpu.memory_space<vmem_shared>> -> memref<10240x32xf32, #tpu.memory_space<vmem_shared>>
      tpu.wait_indirect_dma semaphore(%arg31 : memref<!tpu.dma_semaphore, #tpu.memory_space<semaphore_mem>>) src(%arg13 : memref<128x32xf32, #tpu.memory_space<vmem>>) dst(%dma_wait3A_467 : memref<10240x32xf32, #tpu.memory_space<vmem_shared>>)
      %lt3A_468 = arith.constant 4 : i32
      %lt3A_469 = arith.cmpi slt, %scan3A_129, %lt3A_468 : i32
      %convert_element_type3A_470 = arith.extui %lt3A_469 : i1 to i32
      %cond3A_471 = arith.constant 0 : i32
      %cond3A_472 = arith.cmpi ne, %convert_element_type3A_470, %cond3A_471 : i32
      scf.if %cond3A_472 {
        %add3A_623 = arith.constant 1 : i32
        %add3A_624 = arith.addi %scan3A_129, %add3A_623 : i32
        %mul3A_625 = arith.constant 16 : i32
        %mul3A_626 = arith.muli %add3A_624, %mul3A_625 : i32
        %add3A_627 = arith.constant 5 : i32
        %add3A_628 = arith.addi %mul3A_626, %add3A_627 : i32
        %dma_start3A_629 = arith.constant 0 : i32
        %dma_start3A_630 = tpu.memref_slice %arg6[%add3A_628, %dma_start3A_629] : memref<80x128xi32, #tpu.memory_space<vmem>> -> memref<1x128xi32, #tpu.memory_space<vmem>>
        %dma_start3A_631 = tpu.memref_squeeze %dma_start3A_630 : memref<1x128xi32, #tpu.memory_space<vmem>> -> memref<128xi32, #tpu.memory_space<vmem>>
        %dma_start3A_632 = arith.constant 0 : i32
        %dma_start3A_633 = arith.constant 0 : i32
        %dma_start3A_634 = tpu.memref_slice %arg24[%dma_start3A_632, %dma_start3A_633] : memref<10000x32xf32, #tpu.memory_space<vmem_shared>> -> memref<10000x32xf32, #tpu.memory_space<vmem_shared>>
        tpu.enqueue_indirect_dma source(%dma_start3A_634 : memref<10000x32xf32, #tpu.memory_space<vmem_shared>>) target(%arg13 : memref<128x32xf32, #tpu.memory_space<vmem>>) offsets(%dma_start3A_631 : memref<128xi32, #tpu.memory_space<vmem>>) semaphore(%arg31 : memref<!tpu.dma_semaphore, #tpu.memory_space<semaphore_mem>>)
      } else {
      }
      %mul3A_473 = arith.constant 16 : i32
      %mul3A_474 = arith.muli %scan3A_129, %mul3A_473 : i32
      %add3A_475 = arith.constant 6 : i32
      %add3A_476 = arith.addi %mul3A_474, %add3A_475 : i32
      %dma_wait3A_477 = arith.constant 0 : i32
      %dma_wait3A_478 = tpu.memref_slice %arg7[%add3A_476, %dma_wait3A_477] : memref<80x128xi32, #tpu.memory_space<vmem>> -> memref<1x128xi32, #tpu.memory_space<vmem>>
      %dma_wait3A_479 = tpu.memref_squeeze %dma_wait3A_478 : memref<1x128xi32, #tpu.memory_space<vmem>> -> memref<128xi32, #tpu.memory_space<vmem>>
      %dma_wait3A_480 = arith.constant 0 : i32
      %dma_wait3A_481 = arith.constant 0 : i32
      %dma_wait3A_482 = tpu.memref_slice %arg25[%dma_wait3A_480, %dma_wait3A_481] : memref<10240x32xf32, #tpu.memory_space<vmem_shared>> -> memref<10240x32xf32, #tpu.memory_space<vmem_shared>>
      tpu.wait_indirect_dma semaphore(%arg32 : memref<!tpu.dma_semaphore, #tpu.memory_space<semaphore_mem>>) src(%arg14 : memref<128x32xf32, #tpu.memory_space<vmem>>) dst(%dma_wait3A_482 : memref<10240x32xf32, #tpu.memory_space<vmem_shared>>)
      %lt3A_483 = arith.constant 4 : i32
      %lt3A_484 = arith.cmpi slt, %scan3A_129, %lt3A_483 : i32
      %convert_element_type3A_485 = arith.extui %lt3A_484 : i1 to i32
      %cond3A_486 = arith.constant 0 : i32
      %cond3A_487 = arith.cmpi ne, %convert_element_type3A_485, %cond3A_486 : i32
      scf.if %cond3A_487 {
        %add3A_623 = arith.constant 1 : i32
        %add3A_624 = arith.addi %scan3A_129, %add3A_623 : i32
        %mul3A_625 = arith.constant 16 : i32
        %mul3A_626 = arith.muli %add3A_624, %mul3A_625 : i32
        %add3A_627 = arith.constant 6 : i32
        %add3A_628 = arith.addi %mul3A_626, %add3A_627 : i32
        %dma_start3A_629 = arith.constant 0 : i32
        %dma_start3A_630 = tpu.memref_slice %arg6[%add3A_628, %dma_start3A_629] : memref<80x128xi32, #tpu.memory_space<vmem>> -> memref<1x128xi32, #tpu.memory_space<vmem>>
        %dma_start3A_631 = tpu.memref_squeeze %dma_start3A_630 : memref<1x128xi32, #tpu.memory_space<vmem>> -> memref<128xi32, #tpu.memory_space<vmem>>
        %dma_start3A_632 = arith.constant 0 : i32
        %dma_start3A_633 = arith.constant 0 : i32
        %dma_start3A_634 = tpu.memref_slice %arg24[%dma_start3A_632, %dma_start3A_633] : memref<10000x32xf32, #tpu.memory_space<vmem_shared>> -> memref<10000x32xf32, #tpu.memory_space<vmem_shared>>
        tpu.enqueue_indirect_dma source(%dma_start3A_634 : memref<10000x32xf32, #tpu.memory_space<vmem_shared>>) target(%arg14 : memref<128x32xf32, #tpu.memory_space<vmem>>) offsets(%dma_start3A_631 : memref<128xi32, #tpu.memory_space<vmem>>) semaphore(%arg32 : memref<!tpu.dma_semaphore, #tpu.memory_space<semaphore_mem>>)
      } else {
      }
      %mul3A_488 = arith.constant 16 : i32
      %mul3A_489 = arith.muli %scan3A_129, %mul3A_488 : i32
      %add3A_490 = arith.constant 7 : i32
      %add3A_491 = arith.addi %mul3A_489, %add3A_490 : i32
      %dma_wait3A_492 = arith.constant 0 : i32
      %dma_wait3A_493 = tpu.memref_slice %arg7[%add3A_491, %dma_wait3A_492] : memref<80x128xi32, #tpu.memory_space<vmem>> -> memref<1x128xi32, #tpu.memory_space<vmem>>
      %dma_wait3A_494 = tpu.memref_squeeze %dma_wait3A_493 : memref<1x128xi32, #tpu.memory_space<vmem>> -> memref<128xi32, #tpu.memory_space<vmem>>
      %dma_wait3A_495 = arith.constant 0 : i32
      %dma_wait3A_496 = arith.constant 0 : i32
      %dma_wait3A_497 = tpu.memref_slice %arg25[%dma_wait3A_495, %dma_wait3A_496] : memref<10240x32xf32, #tpu.memory_space<vmem_shared>> -> memref<10240x32xf32, #tpu.memory_space<vmem_shared>>
      tpu.wait_indirect_dma semaphore(%arg33 : memref<!tpu.dma_semaphore, #tpu.memory_space<semaphore_mem>>) src(%arg15 : memref<128x32xf32, #tpu.memory_space<vmem>>) dst(%dma_wait3A_497 : memref<10240x32xf32, #tpu.memory_space<vmem_shared>>)
      %lt3A_498 = arith.constant 4 : i32
      %lt3A_499 = arith.cmpi slt, %scan3A_129, %lt3A_498 : i32
      %convert_element_type3A_500 = arith.extui %lt3A_499 : i1 to i32
      %cond3A_501 = arith.constant 0 : i32
      %cond3A_502 = arith.cmpi ne, %convert_element_type3A_500, %cond3A_501 : i32
      scf.if %cond3A_502 {
        %add3A_623 = arith.constant 1 : i32
        %add3A_624 = arith.addi %scan3A_129, %add3A_623 : i32
        %mul3A_625 = arith.constant 16 : i32
        %mul3A_626 = arith.muli %add3A_624, %mul3A_625 : i32
        %add3A_627 = arith.constant 7 : i32
        %add3A_628 = arith.addi %mul3A_626, %add3A_627 : i32
        %dma_start3A_629 = arith.constant 0 : i32
        %dma_start3A_630 = tpu.memref_slice %arg6[%add3A_628, %dma_start3A_629] : memref<80x128xi32, #tpu.memory_space<vmem>> -> memref<1x128xi32, #tpu.memory_space<vmem>>
        %dma_start3A_631 = tpu.memref_squeeze %dma_start3A_630 : memref<1x128xi32, #tpu.memory_space<vmem>> -> memref<128xi32, #tpu.memory_space<vmem>>
        %dma_start3A_632 = arith.constant 0 : i32
        %dma_start3A_633 = arith.constant 0 : i32
        %dma_start3A_634 = tpu.memref_slice %arg24[%dma_start3A_632, %dma_start3A_633] : memref<10000x32xf32, #tpu.memory_space<vmem_shared>> -> memref<10000x32xf32, #tpu.memory_space<vmem_shared>>
        tpu.enqueue_indirect_dma source(%dma_start3A_634 : memref<10000x32xf32, #tpu.memory_space<vmem_shared>>) target(%arg15 : memref<128x32xf32, #tpu.memory_space<vmem>>) offsets(%dma_start3A_631 : memref<128xi32, #tpu.memory_space<vmem>>) semaphore(%arg33 : memref<!tpu.dma_semaphore, #tpu.memory_space<semaphore_mem>>)
      } else {
      }
      %mul3A_503 = arith.constant 16 : i32
      %mul3A_504 = arith.muli %scan3A_129, %mul3A_503 : i32
      %add3A_505 = arith.constant 8 : i32
      %add3A_506 = arith.addi %mul3A_504, %add3A_505 : i32
      %dma_wait3A_507 = arith.constant 0 : i32
      %dma_wait3A_508 = tpu.memref_slice %arg7[%add3A_506, %dma_wait3A_507] : memref<80x128xi32, #tpu.memory_space<vmem>> -> memref<1x128xi32, #tpu.memory_space<vmem>>
      %dma_wait3A_509 = tpu.memref_squeeze %dma_wait3A_508 : memref<1x128xi32, #tpu.memory_space<vmem>> -> memref<128xi32, #tpu.memory_space<vmem>>
      %dma_wait3A_510 = arith.constant 0 : i32
      %dma_wait3A_511 = arith.constant 0 : i32
      %dma_wait3A_512 = tpu.memref_slice %arg25[%dma_wait3A_510, %dma_wait3A_511] : memref<10240x32xf32, #tpu.memory_space<vmem_shared>> -> memref<10240x32xf32, #tpu.memory_space<vmem_shared>>
      tpu.wait_indirect_dma semaphore(%arg34 : memref<!tpu.dma_semaphore, #tpu.memory_space<semaphore_mem>>) src(%arg16 : memref<128x32xf32, #tpu.memory_space<vmem>>) dst(%dma_wait3A_512 : memref<10240x32xf32, #tpu.memory_space<vmem_shared>>)
      %lt3A_513 = arith.constant 4 : i32
      %lt3A_514 = arith.cmpi slt, %scan3A_129, %lt3A_513 : i32
      %convert_element_type3A_515 = arith.extui %lt3A_514 : i1 to i32
      %cond3A_516 = arith.constant 0 : i32
      %cond3A_517 = arith.cmpi ne, %convert_element_type3A_515, %cond3A_516 : i32
      scf.if %cond3A_517 {
        %add3A_623 = arith.constant 1 : i32
        %add3A_624 = arith.addi %scan3A_129, %add3A_623 : i32
        %mul3A_625 = arith.constant 16 : i32
        %mul3A_626 = arith.muli %add3A_624, %mul3A_625 : i32
        %add3A_627 = arith.constant 8 : i32
        %add3A_628 = arith.addi %mul3A_626, %add3A_627 : i32
        %dma_start3A_629 = arith.constant 0 : i32
        %dma_start3A_630 = tpu.memref_slice %arg6[%add3A_628, %dma_start3A_629] : memref<80x128xi32, #tpu.memory_space<vmem>> -> memref<1x128xi32, #tpu.memory_space<vmem>>
        %dma_start3A_631 = tpu.memref_squeeze %dma_start3A_630 : memref<1x128xi32, #tpu.memory_space<vmem>> -> memref<128xi32, #tpu.memory_space<vmem>>
        %dma_start3A_632 = arith.constant 0 : i32
        %dma_start3A_633 = arith.constant 0 : i32
        %dma_start3A_634 = tpu.memref_slice %arg24[%dma_start3A_632, %dma_start3A_633] : memref<10000x32xf32, #tpu.memory_space<vmem_shared>> -> memref<10000x32xf32, #tpu.memory_space<vmem_shared>>
        tpu.enqueue_indirect_dma source(%dma_start3A_634 : memref<10000x32xf32, #tpu.memory_space<vmem_shared>>) target(%arg16 : memref<128x32xf32, #tpu.memory_space<vmem>>) offsets(%dma_start3A_631 : memref<128xi32, #tpu.memory_space<vmem>>) semaphore(%arg34 : memref<!tpu.dma_semaphore, #tpu.memory_space<semaphore_mem>>)
      } else {
      }
      %mul3A_518 = arith.constant 16 : i32
      %mul3A_519 = arith.muli %scan3A_129, %mul3A_518 : i32
      %add3A_520 = arith.constant 9 : i32
      %add3A_521 = arith.addi %mul3A_519, %add3A_520 : i32
      %dma_wait3A_522 = arith.constant 0 : i32
      %dma_wait3A_523 = tpu.memref_slice %arg7[%add3A_521, %dma_wait3A_522] : memref<80x128xi32, #tpu.memory_space<vmem>> -> memref<1x128xi32, #tpu.memory_space<vmem>>
      %dma_wait3A_524 = tpu.memref_squeeze %dma_wait3A_523 : memref<1x128xi32, #tpu.memory_space<vmem>> -> memref<128xi32, #tpu.memory_space<vmem>>
      %dma_wait3A_525 = arith.constant 0 : i32
      %dma_wait3A_526 = arith.constant 0 : i32
      %dma_wait3A_527 = tpu.memref_slice %arg25[%dma_wait3A_525, %dma_wait3A_526] : memref<10240x32xf32, #tpu.memory_space<vmem_shared>> -> memref<10240x32xf32, #tpu.memory_space<vmem_shared>>
      tpu.wait_indirect_dma semaphore(%arg35 : memref<!tpu.dma_semaphore, #tpu.memory_space<semaphore_mem>>) src(%arg17 : memref<128x32xf32, #tpu.memory_space<vmem>>) dst(%dma_wait3A_527 : memref<10240x32xf32, #tpu.memory_space<vmem_shared>>)
      %lt3A_528 = arith.constant 4 : i32
      %lt3A_529 = arith.cmpi slt, %scan3A_129, %lt3A_528 : i32
      %convert_element_type3A_530 = arith.extui %lt3A_529 : i1 to i32
      %cond3A_531 = arith.constant 0 : i32
      %cond3A_532 = arith.cmpi ne, %convert_element_type3A_530, %cond3A_531 : i32
      scf.if %cond3A_532 {
        %add3A_623 = arith.constant 1 : i32
        %add3A_624 = arith.addi %scan3A_129, %add3A_623 : i32
        %mul3A_625 = arith.constant 16 : i32
        %mul3A_626 = arith.muli %add3A_624, %mul3A_625 : i32
        %add3A_627 = arith.constant 9 : i32
        %add3A_628 = arith.addi %mul3A_626, %add3A_627 : i32
        %dma_start3A_629 = arith.constant 0 : i32
        %dma_start3A_630 = tpu.memref_slice %arg6[%add3A_628, %dma_start3A_629] : memref<80x128xi32, #tpu.memory_space<vmem>> -> memref<1x128xi32, #tpu.memory_space<vmem>>
        %dma_start3A_631 = tpu.memref_squeeze %dma_start3A_630 : memref<1x128xi32, #tpu.memory_space<vmem>> -> memref<128xi32, #tpu.memory_space<vmem>>
        %dma_start3A_632 = arith.constant 0 : i32
        %dma_start3A_633 = arith.constant 0 : i32
        %dma_start3A_634 = tpu.memref_slice %arg24[%dma_start3A_632, %dma_start3A_633] : memref<10000x32xf32, #tpu.memory_space<vmem_shared>> -> memref<10000x32xf32, #tpu.memory_space<vmem_shared>>
        tpu.enqueue_indirect_dma source(%dma_start3A_634 : memref<10000x32xf32, #tpu.memory_space<vmem_shared>>) target(%arg17 : memref<128x32xf32, #tpu.memory_space<vmem>>) offsets(%dma_start3A_631 : memref<128xi32, #tpu.memory_space<vmem>>) semaphore(%arg35 : memref<!tpu.dma_semaphore, #tpu.memory_space<semaphore_mem>>)
      } else {
      }
      %mul3A_533 = arith.constant 16 : i32
      %mul3A_534 = arith.muli %scan3A_129, %mul3A_533 : i32
      %add3A_535 = arith.constant 10 : i32
      %add3A_536 = arith.addi %mul3A_534, %add3A_535 : i32
      %dma_wait3A_537 = arith.constant 0 : i32
      %dma_wait3A_538 = tpu.memref_slice %arg7[%add3A_536, %dma_wait3A_537] : memref<80x128xi32, #tpu.memory_space<vmem>> -> memref<1x128xi32, #tpu.memory_space<vmem>>
      %dma_wait3A_539 = tpu.memref_squeeze %dma_wait3A_538 : memref<1x128xi32, #tpu.memory_space<vmem>> -> memref<128xi32, #tpu.memory_space<vmem>>
      %dma_wait3A_540 = arith.constant 0 : i32
      %dma_wait3A_541 = arith.constant 0 : i32
      %dma_wait3A_542 = tpu.memref_slice %arg25[%dma_wait3A_540, %dma_wait3A_541] : memref<10240x32xf32, #tpu.memory_space<vmem_shared>> -> memref<10240x32xf32, #tpu.memory_space<vmem_shared>>
      tpu.wait_indirect_dma semaphore(%arg36 : memref<!tpu.dma_semaphore, #tpu.memory_space<semaphore_mem>>) src(%arg18 : memref<128x32xf32, #tpu.memory_space<vmem>>) dst(%dma_wait3A_542 : memref<10240x32xf32, #tpu.memory_space<vmem_shared>>)
      %lt3A_543 = arith.constant 4 : i32
      %lt3A_544 = arith.cmpi slt, %scan3A_129, %lt3A_543 : i32
      %convert_element_type3A_545 = arith.extui %lt3A_544 : i1 to i32
      %cond3A_546 = arith.constant 0 : i32
      %cond3A_547 = arith.cmpi ne, %convert_element_type3A_545, %cond3A_546 : i32
      scf.if %cond3A_547 {
        %add3A_623 = arith.constant 1 : i32
        %add3A_624 = arith.addi %scan3A_129, %add3A_623 : i32
        %mul3A_625 = arith.constant 16 : i32
        %mul3A_626 = arith.muli %add3A_624, %mul3A_625 : i32
        %add3A_627 = arith.constant 10 : i32
        %add3A_628 = arith.addi %mul3A_626, %add3A_627 : i32
        %dma_start3A_629 = arith.constant 0 : i32
        %dma_start3A_630 = tpu.memref_slice %arg6[%add3A_628, %dma_start3A_629] : memref<80x128xi32, #tpu.memory_space<vmem>> -> memref<1x128xi32, #tpu.memory_space<vmem>>
        %dma_start3A_631 = tpu.memref_squeeze %dma_start3A_630 : memref<1x128xi32, #tpu.memory_space<vmem>> -> memref<128xi32, #tpu.memory_space<vmem>>
        %dma_start3A_632 = arith.constant 0 : i32
        %dma_start3A_633 = arith.constant 0 : i32
        %dma_start3A_634 = tpu.memref_slice %arg24[%dma_start3A_632, %dma_start3A_633] : memref<10000x32xf32, #tpu.memory_space<vmem_shared>> -> memref<10000x32xf32, #tpu.memory_space<vmem_shared>>
        tpu.enqueue_indirect_dma source(%dma_start3A_634 : memref<10000x32xf32, #tpu.memory_space<vmem_shared>>) target(%arg18 : memref<128x32xf32, #tpu.memory_space<vmem>>) offsets(%dma_start3A_631 : memref<128xi32, #tpu.memory_space<vmem>>) semaphore(%arg36 : memref<!tpu.dma_semaphore, #tpu.memory_space<semaphore_mem>>)
      } else {
      }
      %mul3A_548 = arith.constant 16 : i32
      %mul3A_549 = arith.muli %scan3A_129, %mul3A_548 : i32
      %add3A_550 = arith.constant 11 : i32
      %add3A_551 = arith.addi %mul3A_549, %add3A_550 : i32
      %dma_wait3A_552 = arith.constant 0 : i32
      %dma_wait3A_553 = tpu.memref_slice %arg7[%add3A_551, %dma_wait3A_552] : memref<80x128xi32, #tpu.memory_space<vmem>> -> memref<1x128xi32, #tpu.memory_space<vmem>>
      %dma_wait3A_554 = tpu.memref_squeeze %dma_wait3A_553 : memref<1x128xi32, #tpu.memory_space<vmem>> -> memref<128xi32, #tpu.memory_space<vmem>>
      %dma_wait3A_555 = arith.constant 0 : i32
      %dma_wait3A_556 = arith.constant 0 : i32
      %dma_wait3A_557 = tpu.memref_slice %arg25[%dma_wait3A_555, %dma_wait3A_556] : memref<10240x32xf32, #tpu.memory_space<vmem_shared>> -> memref<10240x32xf32, #tpu.memory_space<vmem_shared>>
      tpu.wait_indirect_dma semaphore(%arg37 : memref<!tpu.dma_semaphore, #tpu.memory_space<semaphore_mem>>) src(%arg19 : memref<128x32xf32, #tpu.memory_space<vmem>>) dst(%dma_wait3A_557 : memref<10240x32xf32, #tpu.memory_space<vmem_shared>>)
      %lt3A_558 = arith.constant 4 : i32
      %lt3A_559 = arith.cmpi slt, %scan3A_129, %lt3A_558 : i32
      %convert_element_type3A_560 = arith.extui %lt3A_559 : i1 to i32
      %cond3A_561 = arith.constant 0 : i32
      %cond3A_562 = arith.cmpi ne, %convert_element_type3A_560, %cond3A_561 : i32
      scf.if %cond3A_562 {
        %add3A_623 = arith.constant 1 : i32
        %add3A_624 = arith.addi %scan3A_129, %add3A_623 : i32
        %mul3A_625 = arith.constant 16 : i32
        %mul3A_626 = arith.muli %add3A_624, %mul3A_625 : i32
        %add3A_627 = arith.constant 11 : i32
        %add3A_628 = arith.addi %mul3A_626, %add3A_627 : i32
        %dma_start3A_629 = arith.constant 0 : i32
        %dma_start3A_630 = tpu.memref_slice %arg6[%add3A_628, %dma_start3A_629] : memref<80x128xi32, #tpu.memory_space<vmem>> -> memref<1x128xi32, #tpu.memory_space<vmem>>
        %dma_start3A_631 = tpu.memref_squeeze %dma_start3A_630 : memref<1x128xi32, #tpu.memory_space<vmem>> -> memref<128xi32, #tpu.memory_space<vmem>>
        %dma_start3A_632 = arith.constant 0 : i32
        %dma_start3A_633 = arith.constant 0 : i32
        %dma_start3A_634 = tpu.memref_slice %arg24[%dma_start3A_632, %dma_start3A_633] : memref<10000x32xf32, #tpu.memory_space<vmem_shared>> -> memref<10000x32xf32, #tpu.memory_space<vmem_shared>>
        tpu.enqueue_indirect_dma source(%dma_start3A_634 : memref<10000x32xf32, #tpu.memory_space<vmem_shared>>) target(%arg19 : memref<128x32xf32, #tpu.memory_space<vmem>>) offsets(%dma_start3A_631 : memref<128xi32, #tpu.memory_space<vmem>>) semaphore(%arg37 : memref<!tpu.dma_semaphore, #tpu.memory_space<semaphore_mem>>)
      } else {
      }
      %mul3A_563 = arith.constant 16 : i32
      %mul3A_564 = arith.muli %scan3A_129, %mul3A_563 : i32
      %add3A_565 = arith.constant 12 : i32
      %add3A_566 = arith.addi %mul3A_564, %add3A_565 : i32
      %dma_wait3A_567 = arith.constant 0 : i32
      %dma_wait3A_568 = tpu.memref_slice %arg7[%add3A_566, %dma_wait3A_567] : memref<80x128xi32, #tpu.memory_space<vmem>> -> memref<1x128xi32, #tpu.memory_space<vmem>>
      %dma_wait3A_569 = tpu.memref_squeeze %dma_wait3A_568 : memref<1x128xi32, #tpu.memory_space<vmem>> -> memref<128xi32, #tpu.memory_space<vmem>>
      %dma_wait3A_570 = arith.constant 0 : i32
      %dma_wait3A_571 = arith.constant 0 : i32
      %dma_wait3A_572 = tpu.memref_slice %arg25[%dma_wait3A_570, %dma_wait3A_571] : memref<10240x32xf32, #tpu.memory_space<vmem_shared>> -> memref<10240x32xf32, #tpu.memory_space<vmem_shared>>
      tpu.wait_indirect_dma semaphore(%arg38 : memref<!tpu.dma_semaphore, #tpu.memory_space<semaphore_mem>>) src(%arg20 : memref<128x32xf32, #tpu.memory_space<vmem>>) dst(%dma_wait3A_572 : memref<10240x32xf32, #tpu.memory_space<vmem_shared>>)
      %lt3A_573 = arith.constant 4 : i32
      %lt3A_574 = arith.cmpi slt, %scan3A_129, %lt3A_573 : i32
      %convert_element_type3A_575 = arith.extui %lt3A_574 : i1 to i32
      %cond3A_576 = arith.constant 0 : i32
      %cond3A_577 = arith.cmpi ne, %convert_element_type3A_575, %cond3A_576 : i32
      scf.if %cond3A_577 {
        %add3A_623 = arith.constant 1 : i32
        %add3A_624 = arith.addi %scan3A_129, %add3A_623 : i32
        %mul3A_625 = arith.constant 16 : i32
        %mul3A_626 = arith.muli %add3A_624, %mul3A_625 : i32
        %add3A_627 = arith.constant 12 : i32
        %add3A_628 = arith.addi %mul3A_626, %add3A_627 : i32
        %dma_start3A_629 = arith.constant 0 : i32
        %dma_start3A_630 = tpu.memref_slice %arg6[%add3A_628, %dma_start3A_629] : memref<80x128xi32, #tpu.memory_space<vmem>> -> memref<1x128xi32, #tpu.memory_space<vmem>>
        %dma_start3A_631 = tpu.memref_squeeze %dma_start3A_630 : memref<1x128xi32, #tpu.memory_space<vmem>> -> memref<128xi32, #tpu.memory_space<vmem>>
        %dma_start3A_632 = arith.constant 0 : i32
        %dma_start3A_633 = arith.constant 0 : i32
        %dma_start3A_634 = tpu.memref_slice %arg24[%dma_start3A_632, %dma_start3A_633] : memref<10000x32xf32, #tpu.memory_space<vmem_shared>> -> memref<10000x32xf32, #tpu.memory_space<vmem_shared>>
        tpu.enqueue_indirect_dma source(%dma_start3A_634 : memref<10000x32xf32, #tpu.memory_space<vmem_shared>>) target(%arg20 : memref<128x32xf32, #tpu.memory_space<vmem>>) offsets(%dma_start3A_631 : memref<128xi32, #tpu.memory_space<vmem>>) semaphore(%arg38 : memref<!tpu.dma_semaphore, #tpu.memory_space<semaphore_mem>>)
      } else {
      }
      %mul3A_578 = arith.constant 16 : i32
      %mul3A_579 = arith.muli %scan3A_129, %mul3A_578 : i32
      %add3A_580 = arith.constant 13 : i32
      %add3A_581 = arith.addi %mul3A_579, %add3A_580 : i32
      %dma_wait3A_582 = arith.constant 0 : i32
      %dma_wait3A_583 = tpu.memref_slice %arg7[%add3A_581, %dma_wait3A_582] : memref<80x128xi32, #tpu.memory_space<vmem>> -> memref<1x128xi32, #tpu.memory_space<vmem>>
      %dma_wait3A_584 = tpu.memref_squeeze %dma_wait3A_583 : memref<1x128xi32, #tpu.memory_space<vmem>> -> memref<128xi32, #tpu.memory_space<vmem>>
      %dma_wait3A_585 = arith.constant 0 : i32
      %dma_wait3A_586 = arith.constant 0 : i32
      %dma_wait3A_587 = tpu.memref_slice %arg25[%dma_wait3A_585, %dma_wait3A_586] : memref<10240x32xf32, #tpu.memory_space<vmem_shared>> -> memref<10240x32xf32, #tpu.memory_space<vmem_shared>>
      tpu.wait_indirect_dma semaphore(%arg39 : memref<!tpu.dma_semaphore, #tpu.memory_space<semaphore_mem>>) src(%arg21 : memref<128x32xf32, #tpu.memory_space<vmem>>) dst(%dma_wait3A_587 : memref<10240x32xf32, #tpu.memory_space<vmem_shared>>)
      %lt3A_588 = arith.constant 4 : i32
      %lt3A_589 = arith.cmpi slt, %scan3A_129, %lt3A_588 : i32
      %convert_element_type3A_590 = arith.extui %lt3A_589 : i1 to i32
      %cond3A_591 = arith.constant 0 : i32
      %cond3A_592 = arith.cmpi ne, %convert_element_type3A_590, %cond3A_591 : i32
      scf.if %cond3A_592 {
        %add3A_623 = arith.constant 1 : i32
        %add3A_624 = arith.addi %scan3A_129, %add3A_623 : i32
        %mul3A_625 = arith.constant 16 : i32
        %mul3A_626 = arith.muli %add3A_624, %mul3A_625 : i32
        %add3A_627 = arith.constant 13 : i32
        %add3A_628 = arith.addi %mul3A_626, %add3A_627 : i32
        %dma_start3A_629 = arith.constant 0 : i32
        %dma_start3A_630 = tpu.memref_slice %arg6[%add3A_628, %dma_start3A_629] : memref<80x128xi32, #tpu.memory_space<vmem>> -> memref<1x128xi32, #tpu.memory_space<vmem>>
        %dma_start3A_631 = tpu.memref_squeeze %dma_start3A_630 : memref<1x128xi32, #tpu.memory_space<vmem>> -> memref<128xi32, #tpu.memory_space<vmem>>
        %dma_start3A_632 = arith.constant 0 : i32
        %dma_start3A_633 = arith.constant 0 : i32
        %dma_start3A_634 = tpu.memref_slice %arg24[%dma_start3A_632, %dma_start3A_633] : memref<10000x32xf32, #tpu.memory_space<vmem_shared>> -> memref<10000x32xf32, #tpu.memory_space<vmem_shared>>
        tpu.enqueue_indirect_dma source(%dma_start3A_634 : memref<10000x32xf32, #tpu.memory_space<vmem_shared>>) target(%arg21 : memref<128x32xf32, #tpu.memory_space<vmem>>) offsets(%dma_start3A_631 : memref<128xi32, #tpu.memory_space<vmem>>) semaphore(%arg39 : memref<!tpu.dma_semaphore, #tpu.memory_space<semaphore_mem>>)
      } else {
      }
      %mul3A_593 = arith.constant 16 : i32
      %mul3A_594 = arith.muli %scan3A_129, %mul3A_593 : i32
      %add3A_595 = arith.constant 14 : i32
      %add3A_596 = arith.addi %mul3A_594, %add3A_595 : i32
      %dma_wait3A_597 = arith.constant 0 : i32
      %dma_wait3A_598 = tpu.memref_slice %arg7[%add3A_596, %dma_wait3A_597] : memref<80x128xi32, #tpu.memory_space<vmem>> -> memref<1x128xi32, #tpu.memory_space<vmem>>
      %dma_wait3A_599 = tpu.memref_squeeze %dma_wait3A_598 : memref<1x128xi32, #tpu.memory_space<vmem>> -> memref<128xi32, #tpu.memory_space<vmem>>
      %dma_wait3A_600 = arith.constant 0 : i32
      %dma_wait3A_601 = arith.constant 0 : i32
      %dma_wait3A_602 = tpu.memref_slice %arg25[%dma_wait3A_600, %dma_wait3A_601] : memref<10240x32xf32, #tpu.memory_space<vmem_shared>> -> memref<10240x32xf32, #tpu.memory_space<vmem_shared>>
      tpu.wait_indirect_dma semaphore(%arg40 : memref<!tpu.dma_semaphore, #tpu.memory_space<semaphore_mem>>) src(%arg22 : memref<128x32xf32, #tpu.memory_space<vmem>>) dst(%dma_wait3A_602 : memref<10240x32xf32, #tpu.memory_space<vmem_shared>>)
      %lt3A_603 = arith.constant 4 : i32
      %lt3A_604 = arith.cmpi slt, %scan3A_129, %lt3A_603 : i32
      %convert_element_type3A_605 = arith.extui %lt3A_604 : i1 to i32
      %cond3A_606 = arith.constant 0 : i32
      %cond3A_607 = arith.cmpi ne, %convert_element_type3A_605, %cond3A_606 : i32
      scf.if %cond3A_607 {
        %add3A_623 = arith.constant 1 : i32
        %add3A_624 = arith.addi %scan3A_129, %add3A_623 : i32
        %mul3A_625 = arith.constant 16 : i32
        %mul3A_626 = arith.muli %add3A_624, %mul3A_625 : i32
        %add3A_627 = arith.constant 14 : i32
        %add3A_628 = arith.addi %mul3A_626, %add3A_627 : i32
        %dma_start3A_629 = arith.constant 0 : i32
        %dma_start3A_630 = tpu.memref_slice %arg6[%add3A_628, %dma_start3A_629] : memref<80x128xi32, #tpu.memory_space<vmem>> -> memref<1x128xi32, #tpu.memory_space<vmem>>
        %dma_start3A_631 = tpu.memref_squeeze %dma_start3A_630 : memref<1x128xi32, #tpu.memory_space<vmem>> -> memref<128xi32, #tpu.memory_space<vmem>>
        %dma_start3A_632 = arith.constant 0 : i32
        %dma_start3A_633 = arith.constant 0 : i32
        %dma_start3A_634 = tpu.memref_slice %arg24[%dma_start3A_632, %dma_start3A_633] : memref<10000x32xf32, #tpu.memory_space<vmem_shared>> -> memref<10000x32xf32, #tpu.memory_space<vmem_shared>>
        tpu.enqueue_indirect_dma source(%dma_start3A_634 : memref<10000x32xf32, #tpu.memory_space<vmem_shared>>) target(%arg22 : memref<128x32xf32, #tpu.memory_space<vmem>>) offsets(%dma_start3A_631 : memref<128xi32, #tpu.memory_space<vmem>>) semaphore(%arg40 : memref<!tpu.dma_semaphore, #tpu.memory_space<semaphore_mem>>)
      } else {
      }
      %mul3A_608 = arith.constant 16 : i32
      %mul3A_609 = arith.muli %scan3A_129, %mul3A_608 : i32
      %add3A_610 = arith.constant 15 : i32
      %add3A_611 = arith.addi %mul3A_609, %add3A_610 : i32
      %dma_wait3A_612 = arith.constant 0 : i32
      %dma_wait3A_613 = tpu.memref_slice %arg7[%add3A_611, %dma_wait3A_612] : memref<80x128xi32, #tpu.memory_space<vmem>> -> memref<1x128xi32, #tpu.memory_space<vmem>>
      %dma_wait3A_614 = tpu.memref_squeeze %dma_wait3A_613 : memref<1x128xi32, #tpu.memory_space<vmem>> -> memref<128xi32, #tpu.memory_space<vmem>>
      %dma_wait3A_615 = arith.constant 0 : i32
      %dma_wait3A_616 = arith.constant 0 : i32
      %dma_wait3A_617 = tpu.memref_slice %arg25[%dma_wait3A_615, %dma_wait3A_616] : memref<10240x32xf32, #tpu.memory_space<vmem_shared>> -> memref<10240x32xf32, #tpu.memory_space<vmem_shared>>
      tpu.wait_indirect_dma semaphore(%arg41 : memref<!tpu.dma_semaphore, #tpu.memory_space<semaphore_mem>>) src(%arg23 : memref<128x32xf32, #tpu.memory_space<vmem>>) dst(%dma_wait3A_617 : memref<10240x32xf32, #tpu.memory_space<vmem_shared>>)
      %lt3A_618 = arith.constant 4 : i32
      %lt3A_619 = arith.cmpi slt, %scan3A_129, %lt3A_618 : i32
      %convert_element_type3A_620 = arith.extui %lt3A_619 : i1 to i32
      %cond3A_621 = arith.constant 0 : i32
      %cond3A_622 = arith.cmpi ne, %convert_element_type3A_620, %cond3A_621 : i32
      scf.if %cond3A_622 {
        %add3A_623 = arith.constant 1 : i32
        %add3A_624 = arith.addi %scan3A_129, %add3A_623 : i32
        %mul3A_625 = arith.constant 16 : i32
        %mul3A_626 = arith.muli %add3A_624, %mul3A_625 : i32
        %add3A_627 = arith.constant 15 : i32
        %add3A_628 = arith.addi %mul3A_626, %add3A_627 : i32
        %dma_start3A_629 = arith.constant 0 : i32
        %dma_start3A_630 = tpu.memref_slice %arg6[%add3A_628, %dma_start3A_629] : memref<80x128xi32, #tpu.memory_space<vmem>> -> memref<1x128xi32, #tpu.memory_space<vmem>>
        %dma_start3A_631 = tpu.memref_squeeze %dma_start3A_630 : memref<1x128xi32, #tpu.memory_space<vmem>> -> memref<128xi32, #tpu.memory_space<vmem>>
        %dma_start3A_632 = arith.constant 0 : i32
        %dma_start3A_633 = arith.constant 0 : i32
        %dma_start3A_634 = tpu.memref_slice %arg24[%dma_start3A_632, %dma_start3A_633] : memref<10000x32xf32, #tpu.memory_space<vmem_shared>> -> memref<10000x32xf32, #tpu.memory_space<vmem_shared>>
        tpu.enqueue_indirect_dma source(%dma_start3A_634 : memref<10000x32xf32, #tpu.memory_space<vmem_shared>>) target(%arg23 : memref<128x32xf32, #tpu.memory_space<vmem>>) offsets(%dma_start3A_631 : memref<128xi32, #tpu.memory_space<vmem>>) semaphore(%arg41 : memref<!tpu.dma_semaphore, #tpu.memory_space<semaphore_mem>>)
      } else {
      }
    }
    %scan3A_122 = arith.constant 5 : i32
    %barrier3A_123 = arith.constant 0 : index
    tpu.barrier barrier_id(%barrier3A_123)
    "tpu.region"() ({
      %run_scoped3A = tpu.sem_alloc : memref<!tpu.dma_semaphore, #tpu.memory_space<semaphore_mem>>
      %dma_start3A_129 = arith.constant 0 : i32
      %dma_start3A_130 = tpu.memref_slice %arg5[%arg0, %mul3A_4, %dma_start3A_129] : memref<2x10000x32xf32, #tpu.memory_space<hbm>> -> memref<1x624x32xf32, #tpu.memory_space<hbm>>
      %dma_start3A_131 = tpu.memref_squeeze %dma_start3A_130 : memref<1x624x32xf32, #tpu.memory_space<hbm>> -> memref<624x32xf32, #tpu.memory_space<hbm>>
      %dma_start3A_132 = arith.constant 0 : i32
      %dma_start3A_133 = tpu.memref_slice %arg25[%mul3A_4, %dma_start3A_132] : memref<10240x32xf32, #tpu.memory_space<vmem_shared>> -> memref<624x32xf32, #tpu.memory_space<vmem_shared>>
      tpu.enqueue_dma source(%dma_start3A_133 : memref<624x32xf32, #tpu.memory_space<vmem_shared>>) target(%dma_start3A_131 : memref<624x32xf32, #tpu.memory_space<hbm>>) target_semaphore(%run_scoped3A : memref<!tpu.dma_semaphore, #tpu.memory_space<semaphore_mem>>)
      %dma_wait3A = arith.constant 0 : i32
      %dma_wait3A_134 = tpu.memref_slice %arg5[%arg0, %mul3A_4, %dma_wait3A] : memref<2x10000x32xf32, #tpu.memory_space<hbm>> -> memref<1x624x32xf32, #tpu.memory_space<hbm>>
      %dma_wait3A_135 = tpu.memref_squeeze %dma_wait3A_134 : memref<1x624x32xf32, #tpu.memory_space<hbm>> -> memref<624x32xf32, #tpu.memory_space<hbm>>
      %dma_wait3A_136 = arith.constant 0 : i32
      %dma_wait3A_137 = tpu.memref_slice %arg25[%mul3A_4, %dma_wait3A_136] : memref<10240x32xf32, #tpu.memory_space<vmem_shared>> -> memref<624x32xf32, #tpu.memory_space<vmem_shared>>
      tpu.wait_dma2 semaphore(%run_scoped3A : memref<!tpu.dma_semaphore, #tpu.memory_space<semaphore_mem>>) src(%dma_wait3A_137 : memref<624x32xf32, #tpu.memory_space<vmem_shared>>) dst(%dma_wait3A_135 : memref<624x32xf32, #tpu.memory_space<hbm>>)
      tpu.yield
    }) : () -> ()
    %eq3A_124 = arith.constant 15 : i32
    %eq3A_125 = arith.cmpi eq, %arg1, %eq3A_124 : i32
    %convert_element_type3A_126 = arith.extui %eq3A_125 : i1 to i32
    %cond3A_127 = arith.constant 0 : i32
    %cond3A_128 = arith.cmpi ne, %convert_element_type3A_126, %cond3A_127 : i32
    scf.if %cond3A_128 {
      "tpu.region"() ({
        %run_scoped3A = tpu.sem_alloc : memref<!tpu.dma_semaphore, #tpu.memory_space<semaphore_mem>>
        %dma_start3A_129 = arith.constant 9984 : i32
        %dma_start3A_130 = arith.constant 0 : i32
        %dma_start3A_131 = tpu.memref_slice %arg5[%arg0, %dma_start3A_129, %dma_start3A_130] : memref<2x10000x32xf32, #tpu.memory_space<hbm>> -> memref<1x16x32xf32, #tpu.memory_space<hbm>>
        %dma_start3A_132 = tpu.memref_squeeze %dma_start3A_131 : memref<1x16x32xf32, #tpu.memory_space<hbm>> -> memref<16x32xf32, #tpu.memory_space<hbm>>
        %dma_start3A_133 = arith.constant 9984 : i32
        %dma_start3A_134 = arith.constant 0 : i32
        %dma_start3A_135 = tpu.memref_slice %arg25[%dma_start3A_133, %dma_start3A_134] : memref<10240x32xf32, #tpu.memory_space<vmem_shared>> -> memref<16x32xf32, #tpu.memory_space<vmem_shared>>
        tpu.enqueue_dma source(%dma_start3A_135 : memref<16x32xf32, #tpu.memory_space<vmem_shared>>) target(%dma_start3A_132 : memref<16x32xf32, #tpu.memory_space<hbm>>) target_semaphore(%run_scoped3A : memref<!tpu.dma_semaphore, #tpu.memory_space<semaphore_mem>>)
        %dma_wait3A = arith.constant 9984 : i32
        %dma_wait3A_136 = arith.constant 0 : i32
        %dma_wait3A_137 = tpu.memref_slice %arg5[%arg0, %dma_wait3A, %dma_wait3A_136] : memref<2x10000x32xf32, #tpu.memory_space<hbm>> -> memref<1x16x32xf32, #tpu.memory_space<hbm>>
        %dma_wait3A_138 = tpu.memref_squeeze %dma_wait3A_137 : memref<1x16x32xf32, #tpu.memory_space<hbm>> -> memref<16x32xf32, #tpu.memory_space<hbm>>
        %dma_wait3A_139 = arith.constant 9984 : i32
        %dma_wait3A_140 = arith.constant 0 : i32
        %dma_wait3A_141 = tpu.memref_slice %arg25[%dma_wait3A_139, %dma_wait3A_140] : memref<10240x32xf32, #tpu.memory_space<vmem_shared>> -> memref<16x32xf32, #tpu.memory_space<vmem_shared>>
        tpu.wait_dma2 semaphore(%run_scoped3A : memref<!tpu.dma_semaphore, #tpu.memory_space<semaphore_mem>>) src(%dma_wait3A_141 : memref<16x32xf32, #tpu.memory_space<vmem_shared>>) dst(%dma_wait3A_138 : memref<16x32xf32, #tpu.memory_space<hbm>>)
        tpu.yield
      }) : () -> ()
    } else {
    }
    return
  }
}

module attributes {stable_mosaic.version = 14 : i64} {
  func.func @body(%arg0: i32, %arg1: memref<5000x128xf32, #tpu.memory_space<vmem>>, %arg2: memref<128x64xf32, #tpu.memory_space<vmem>>, %arg3: memref<2x5000x16xf32, #tpu.memory_space<vmem>>, %arg4: memref<5000x64xf32, #tpu.memory_space<vmem>>) attributes {dimension_semantics = [#tpu.dimension_semantics<arbitrary>], iteration_bounds = array<i64: 2>, scalar_prefetch = 0 : i64, scratch_operands = 0 : i64, tpu.core_type = #tpu.core_type<tc>, window_params = [{transform_indices = @transform_0, window_bounds = array<i64: 5000, 128>}, {pipeline_mode = #tpu.pipeline_mode<synchronous>, transform_indices = @transform_1, window_bounds = array<i64: 128, 64>}, {transform_indices = @transform_2, window_bounds = array<i64: 2, 5000, 16>}, {transform_indices = @transform_3, window_bounds = array<i64: 5000, 64>}]} {
    %get3A = arith.constant 0 : index
    %get3A_0 = arith.constant 0 : index
    %get3A_1 = vector.load %arg1[%get3A, %get3A_0] : memref<5000x128xf32, #tpu.memory_space<vmem>>, vector<5000x128xf32>
    %get3A_2 = arith.constant 0 : index
    %get3A_3 = arith.constant 0 : index
    %get3A_4 = vector.load %arg2[%get3A_2, %get3A_3] : memref<128x64xf32, #tpu.memory_space<vmem>>, vector<128x64xf32>
    %dot_general3A = arith.constant dense<0.000000e+00> : vector<5000x64xf32>
    %dot_general3A_5 = tpu.matmul %get3A_1, %get3A_4, %dot_general3A {dimension_numbers = #tpu.dot_dimension_numbers<[1], [0], [0], [1], [0, 0, 1, 1], [], []>, transpose_lhs_hint = false} : vector<5000x128xf32>, vector<128x64xf32>, vector<5000x64xf32> -> vector<5000x64xf32>
    %get3A_6 = arith.constant 0 : index
    %get3A_7 = arith.constant 0 : index
    %get3A_8 = arith.constant 0 : index
    %get3A_9 = vector.load %arg3[%get3A_6, %get3A_7, %get3A_8] : memref<2x5000x16xf32, #tpu.memory_space<vmem>>, vector<2x5000x16xf32>
    %slice3A = vector.extract_strided_slice %get3A_9 {offsets = [0, 0, 0], sizes = [1, 5000, 1], strides = [1, 1, 1]} : vector<2x5000x16xf32> to vector<1x5000x1xf32>
    %squeeze3A = vector.shape_cast %slice3A : vector<1x5000x1xf32> to vector<5000x1xf32>
    %slice3A_10 = vector.extract_strided_slice %get3A_9 {offsets = [1, 0, 0], sizes = [1, 5000, 1], strides = [1, 1, 1]} : vector<2x5000x16xf32> to vector<1x5000x1xf32>
    %squeeze3A_11 = vector.shape_cast %slice3A_10 : vector<1x5000x1xf32> to vector<5000x1xf32>
    %add3A = arith.addf %squeeze3A, %squeeze3A_11 : vector<5000x1xf32>
    %sub3A = arith.constant 1.000000e+00 : f32
    %sub3A_12 = vector.broadcast %sub3A : f32 to vector<5000x1xf32>
    %sub3A_13 = arith.subf %add3A, %sub3A_12 : vector<5000x1xf32>
    %rsqrt3A = math.rsqrt %sub3A_13 : vector<5000x1xf32>
    %mul3A = vector.broadcast %rsqrt3A : vector<5000x1xf32> to vector<5000x64xf32>
    %mul3A_14 = arith.mulf %dot_general3A_5, %mul3A : vector<5000x64xf32>
    %swap3A = arith.constant 0 : index
    %swap3A_15 = arith.constant 0 : index
    %swap3A_16 = vector.load %arg4[%swap3A, %swap3A_15] : memref<5000x64xf32, #tpu.memory_space<vmem>>, vector<5000x64xf32>
    tpu.vector_store %arg4[%swap3A, %swap3A_15], %mul3A_14 {strides = array<i32>} : memref<5000x64xf32, #tpu.memory_space<vmem>>, vector<5000x64xf32>,
    return
  }
  func.func @transform_0(%arg0: i32) -> (i32, i32) {
    %c0_i32 = arith.constant 0 : i32
    %c0_i32_0 = arith.constant 0 : i32
    return %arg0, %c0_i32 : i32, i32
  }
  func.func @transform_1(%arg0: i32) -> (i32, i32) {
    %c0_i32 = arith.constant 0 : i32
    %c0_i32_0 = arith.constant 0 : i32
    %c0_i32_1 = arith.constant 0 : i32
    return %c0_i32, %c0_i32_0 : i32, i32
  }
  func.func @transform_2(%arg0: i32) -> (i32, i32, i32) {
    %c0_i32 = arith.constant 0 : i32
    %c0_i32_0 = arith.constant 0 : i32
    %c0_i32_1 = arith.constant 0 : i32
    return %c0_i32, %arg0, %c0_i32_0 : i32, i32, i32
  }
  func.func @transform_3(%arg0: i32) -> (i32, i32) {
    %c0_i32 = arith.constant 0 : i32
    %c0_i32_0 = arith.constant 0 : i32
    return %arg0, %c0_i32 : i32, i32
  }
}

module attributes {stable_mosaic.version = 14 : i64} {
  func.func @body(%arg0: i32, %arg1: memref<5000x64xf32, #tpu.memory_space<vmem>>, %arg2: memref<2x5000x16xf32, #tpu.memory_space<vmem>>, %arg3: memref<64x32xf32, #tpu.memory_space<vmem>>, %arg4: memref<1x64xf32, #tpu.memory_space<vmem>>, %arg5: memref<5000x64xf32, #tpu.memory_space<vmem>>, %arg6: memref<5000x32xf32, #tpu.memory_space<vmem>>) attributes {dimension_semantics = [#tpu.dimension_semantics<arbitrary>], iteration_bounds = array<i64: 2>, scalar_prefetch = 0 : i64, scratch_operands = 0 : i64, tpu.core_type = #tpu.core_type<tc>, window_params = [{transform_indices = @transform_0, window_bounds = array<i64: 5000, 64>}, {transform_indices = @transform_1, window_bounds = array<i64: 2, 5000, 16>}, {pipeline_mode = #tpu.pipeline_mode<synchronous>, transform_indices = @transform_2, window_bounds = array<i64: 64, 32>}, {pipeline_mode = #tpu.pipeline_mode<synchronous>, transform_indices = @transform_3, window_bounds = array<i64: 1, 64>}, {transform_indices = @transform_4, window_bounds = array<i64: 5000, 64>}, {transform_indices = @transform_5, window_bounds = array<i64: 5000, 32>}]} {
    %get3A = arith.constant 0 : index
    %get3A_0 = arith.constant 0 : index
    %get3A_1 = vector.load %arg1[%get3A, %get3A_0] : memref<5000x64xf32, #tpu.memory_space<vmem>>, vector<5000x64xf32>
    %get3A_2 = arith.constant 0 : index
    %get3A_3 = arith.constant 0 : index
    %get3A_4 = arith.constant 0 : index
    %get3A_5 = vector.load %arg2[%get3A_2, %get3A_3, %get3A_4] : memref<2x5000x16xf32, #tpu.memory_space<vmem>>, vector<2x5000x16xf32>
    %slice3A = vector.extract_strided_slice %get3A_5 {offsets = [0, 0, 0], sizes = [1, 5000, 1], strides = [1, 1, 1]} : vector<2x5000x16xf32> to vector<1x5000x1xf32>
    %squeeze3A = vector.shape_cast %slice3A : vector<1x5000x1xf32> to vector<5000x1xf32>
    %slice3A_6 = vector.extract_strided_slice %get3A_5 {offsets = [1, 0, 0], sizes = [1, 5000, 1], strides = [1, 1, 1]} : vector<2x5000x16xf32> to vector<1x5000x1xf32>
    %squeeze3A_7 = vector.shape_cast %slice3A_6 : vector<1x5000x1xf32> to vector<5000x1xf32>
    %add3A = arith.addf %squeeze3A, %squeeze3A_7 : vector<5000x1xf32>
    %sub3A = arith.constant 1.000000e+00 : f32
    %sub3A_8 = vector.broadcast %sub3A : f32 to vector<5000x1xf32>
    %sub3A_9 = arith.subf %add3A, %sub3A_8 : vector<5000x1xf32>
    %rsqrt3A = math.rsqrt %sub3A_9 : vector<5000x1xf32>
    %mul3A = vector.broadcast %rsqrt3A : vector<5000x1xf32> to vector<5000x64xf32>
    %mul3A_10 = arith.mulf %mul3A, %get3A_1 : vector<5000x64xf32>
    %get3A_11 = arith.constant 0 : index
    %get3A_12 = arith.constant 0 : index
    %get3A_13 = vector.load %arg4[%get3A_11, %get3A_12] : memref<1x64xf32, #tpu.memory_space<vmem>>, vector<1x64xf32>
    %add3A_14 = vector.broadcast %get3A_13 : vector<1x64xf32> to vector<5000x64xf32>
    %add3A_15 = arith.addf %mul3A_10, %add3A_14 : vector<5000x64xf32>
    %max3A = arith.constant 0.000000e+00 : f32
    %max3A_16 = vector.broadcast %max3A : f32 to vector<5000x64xf32>
    %max3A_17 = arith.maximumf %add3A_15, %max3A_16 : vector<5000x64xf32>
    %swap3A = arith.constant 0 : index
    %swap3A_18 = arith.constant 0 : index
    %swap3A_19 = vector.load %arg5[%swap3A, %swap3A_18] : memref<5000x64xf32, #tpu.memory_space<vmem>>, vector<5000x64xf32>
    tpu.vector_store %arg5[%swap3A, %swap3A_18], %max3A_17 {strides = array<i32>} : memref<5000x64xf32, #tpu.memory_space<vmem>>, vector<5000x64xf32>,
    %get3A_20 = arith.constant 0 : index
    %get3A_21 = arith.constant 0 : index
    %get3A_22 = vector.load %arg3[%get3A_20, %get3A_21] : memref<64x32xf32, #tpu.memory_space<vmem>>, vector<64x32xf32>
    %dot_general3A = arith.constant dense<0.000000e+00> : vector<5000x32xf32>
    %dot_general3A_23 = tpu.matmul %max3A_17, %get3A_22, %dot_general3A {dimension_numbers = #tpu.dot_dimension_numbers<[1], [0], [0], [1], [0, 0, 1, 1], [], []>, transpose_lhs_hint = false} : vector<5000x64xf32>, vector<64x32xf32>, vector<5000x32xf32> -> vector<5000x32xf32>
    %mul3A_24 = vector.broadcast %rsqrt3A : vector<5000x1xf32> to vector<5000x32xf32>
    %mul3A_25 = arith.mulf %dot_general3A_23, %mul3A_24 : vector<5000x32xf32>
    %swap3A_26 = arith.constant 0 : index
    %swap3A_27 = arith.constant 0 : index
    %swap3A_28 = vector.load %arg6[%swap3A_26, %swap3A_27] : memref<5000x32xf32, #tpu.memory_space<vmem>>, vector<5000x32xf32>
    tpu.vector_store %arg6[%swap3A_26, %swap3A_27], %mul3A_25 {strides = array<i32>} : memref<5000x32xf32, #tpu.memory_space<vmem>>, vector<5000x32xf32>,
    return
  }
  func.func @transform_0(%arg0: i32) -> (i32, i32) {
    %c0_i32 = arith.constant 0 : i32
    %c0_i32_0 = arith.constant 0 : i32
    return %arg0, %c0_i32 : i32, i32
  }
  func.func @transform_1(%arg0: i32) -> (i32, i32, i32) {
    %c0_i32 = arith.constant 0 : i32
    %c0_i32_0 = arith.constant 0 : i32
    %c0_i32_1 = arith.constant 0 : i32
    return %c0_i32, %arg0, %c0_i32_0 : i32, i32, i32
  }
  func.func @transform_2(%arg0: i32) -> (i32, i32) {
    %c0_i32 = arith.constant 0 : i32
    %c0_i32_0 = arith.constant 0 : i32
    %c0_i32_1 = arith.constant 0 : i32
    return %c0_i32, %c0_i32_0 : i32, i32
  }
  func.func @transform_3(%arg0: i32) -> (i32, i32) {
    %c0_i32 = arith.constant 0 : i32
    %c0_i32_0 = arith.constant 0 : i32
    %c0_i32_1 = arith.constant 0 : i32
    return %c0_i32, %c0_i32_0 : i32, i32
  }
  func.func @transform_4(%arg0: i32) -> (i32, i32) {
    %c0_i32 = arith.constant 0 : i32
    %c0_i32_0 = arith.constant 0 : i32
    return %arg0, %c0_i32 : i32, i32
  }
  func.func @transform_5(%arg0: i32) -> (i32, i32) {
    %c0_i32 = arith.constant 0 : i32
    %c0_i32_0 = arith.constant 0 : i32
    return %arg0, %c0_i32 : i32, i32
  }
}

module attributes {stable_mosaic.version = 14 : i64} {
  func.func @body(%arg0: i32, %arg1: memref<2x5000x32xf32, #tpu.memory_space<vmem>>, %arg2: memref<5000x32xf32, #tpu.memory_space<vmem>>, %arg3: memref<2x5000x16xf32, #tpu.memory_space<vmem>>, %arg4: memref<32x16xf32, #tpu.memory_space<vmem>>, %arg5: memref<1x32xf32, #tpu.memory_space<vmem>>, %arg6: memref<5000x32xf32, #tpu.memory_space<vmem>>, %arg7: memref<5000x16xf32, #tpu.memory_space<vmem>>) attributes {dimension_semantics = [#tpu.dimension_semantics<arbitrary>], iteration_bounds = array<i64: 2>, scalar_prefetch = 0 : i64, scratch_operands = 0 : i64, tpu.core_type = #tpu.core_type<tc>, window_params = [{transform_indices = @transform_0, window_bounds = array<i64: 2, 5000, 32>}, {transform_indices = @transform_1, window_bounds = array<i64: 5000, 32>}, {transform_indices = @transform_2, window_bounds = array<i64: 2, 5000, 16>}, {pipeline_mode = #tpu.pipeline_mode<synchronous>, transform_indices = @transform_3, window_bounds = array<i64: 32, 16>}, {pipeline_mode = #tpu.pipeline_mode<synchronous>, transform_indices = @transform_4, window_bounds = array<i64: 1, 32>}, {transform_indices = @transform_5, window_bounds = array<i64: 5000, 32>}, {transform_indices = @transform_6, window_bounds = array<i64: 5000, 16>}]} {
    %get3A = arith.constant 0 : index
    %get3A_0 = arith.constant 0 : index
    %get3A_1 = arith.constant 0 : index
    %get3A_2 = vector.load %arg1[%get3A, %get3A_0, %get3A_1] : memref<2x5000x32xf32, #tpu.memory_space<vmem>>, vector<1x5000x32xf32>
    %get3A_3 = vector.shape_cast %get3A_2 : vector<1x5000x32xf32> to vector<5000x32xf32>
    %get3A_4 = arith.constant 1 : index
    %get3A_5 = arith.constant 0 : index
    %get3A_6 = arith.constant 0 : index
    %get3A_7 = vector.load %arg1[%get3A_4, %get3A_5, %get3A_6] : memref<2x5000x32xf32, #tpu.memory_space<vmem>>, vector<1x5000x32xf32>
    %get3A_8 = vector.shape_cast %get3A_7 : vector<1x5000x32xf32> to vector<5000x32xf32>
    %add3A = arith.addf %get3A_3, %get3A_8 : vector<5000x32xf32>
    %get3A_9 = arith.constant 0 : index
    %get3A_10 = arith.constant 0 : index
    %get3A_11 = vector.load %arg2[%get3A_9, %get3A_10] : memref<5000x32xf32, #tpu.memory_space<vmem>>, vector<5000x32xf32>
    %sub3A = arith.subf %add3A, %get3A_11 : vector<5000x32xf32>
    %get3A_12 = arith.constant 0 : index
    %get3A_13 = arith.constant 0 : index
    %get3A_14 = arith.constant 0 : index
    %get3A_15 = vector.load %arg3[%get3A_12, %get3A_13, %get3A_14] : memref<2x5000x16xf32, #tpu.memory_space<vmem>>, vector<2x5000x16xf32>
    %slice3A = vector.extract_strided_slice %get3A_15 {offsets = [0, 0, 0], sizes = [1, 5000, 1], strides = [1, 1, 1]} : vector<2x5000x16xf32> to vector<1x5000x1xf32>
    %squeeze3A = vector.shape_cast %slice3A : vector<1x5000x1xf32> to vector<5000x1xf32>
    %slice3A_16 = vector.extract_strided_slice %get3A_15 {offsets = [1, 0, 0], sizes = [1, 5000, 1], strides = [1, 1, 1]} : vector<2x5000x16xf32> to vector<1x5000x1xf32>
    %squeeze3A_17 = vector.shape_cast %slice3A_16 : vector<1x5000x1xf32> to vector<5000x1xf32>
    %add3A_18 = arith.addf %squeeze3A, %squeeze3A_17 : vector<5000x1xf32>
    %sub3A_19 = arith.constant 1.000000e+00 : f32
    %sub3A_20 = vector.broadcast %sub3A_19 : f32 to vector<5000x1xf32>
    %sub3A_21 = arith.subf %add3A_18, %sub3A_20 : vector<5000x1xf32>
    %rsqrt3A = math.rsqrt %sub3A_21 : vector<5000x1xf32>
    %mul3A = vector.broadcast %rsqrt3A : vector<5000x1xf32> to vector<5000x32xf32>
    %mul3A_22 = arith.mulf %mul3A, %sub3A : vector<5000x32xf32>
    %get3A_23 = arith.constant 0 : index
    %get3A_24 = arith.constant 0 : index
    %get3A_25 = vector.load %arg5[%get3A_23, %get3A_24] : memref<1x32xf32, #tpu.memory_space<vmem>>, vector<1x32xf32>
    %add3A_26 = vector.broadcast %get3A_25 : vector<1x32xf32> to vector<5000x32xf32>
    %add3A_27 = arith.addf %mul3A_22, %add3A_26 : vector<5000x32xf32>
    %max3A = arith.constant 0.000000e+00 : f32
    %max3A_28 = vector.broadcast %max3A : f32 to vector<5000x32xf32>
    %max3A_29 = arith.maximumf %add3A_27, %max3A_28 : vector<5000x32xf32>
    %swap3A = arith.constant 0 : index
    %swap3A_30 = arith.constant 0 : index
    %swap3A_31 = vector.load %arg6[%swap3A, %swap3A_30] : memref<5000x32xf32, #tpu.memory_space<vmem>>, vector<5000x32xf32>
    tpu.vector_store %arg6[%swap3A, %swap3A_30], %max3A_29 {strides = array<i32>} : memref<5000x32xf32, #tpu.memory_space<vmem>>, vector<5000x32xf32>,
    %get3A_32 = arith.constant 0 : index
    %get3A_33 = arith.constant 0 : index
    %get3A_34 = vector.load %arg4[%get3A_32, %get3A_33] : memref<32x16xf32, #tpu.memory_space<vmem>>, vector<32x16xf32>
    %dot_general3A = arith.constant dense<0.000000e+00> : vector<5000x16xf32>
    %dot_general3A_35 = tpu.matmul %max3A_29, %get3A_34, %dot_general3A {dimension_numbers = #tpu.dot_dimension_numbers<[1], [0], [0], [1], [0, 0, 1, 1], [], []>, transpose_lhs_hint = false} : vector<5000x32xf32>, vector<32x16xf32>, vector<5000x16xf32> -> vector<5000x16xf32>
    %mul3A_36 = vector.broadcast %rsqrt3A : vector<5000x1xf32> to vector<5000x16xf32>
    %mul3A_37 = arith.mulf %dot_general3A_35, %mul3A_36 : vector<5000x16xf32>
    %swap3A_38 = arith.constant 0 : index
    %swap3A_39 = arith.constant 0 : index
    %swap3A_40 = vector.load %arg7[%swap3A_38, %swap3A_39] : memref<5000x16xf32, #tpu.memory_space<vmem>>, vector<5000x16xf32>
    tpu.vector_store %arg7[%swap3A_38, %swap3A_39], %mul3A_37 {strides = array<i32>} : memref<5000x16xf32, #tpu.memory_space<vmem>>, vector<5000x16xf32>,
    return
  }
  func.func @transform_0(%arg0: i32) -> (i32, i32, i32) {
    %c0_i32 = arith.constant 0 : i32
    %c0_i32_0 = arith.constant 0 : i32
    %c0_i32_1 = arith.constant 0 : i32
    return %c0_i32, %arg0, %c0_i32_0 : i32, i32, i32
  }
  func.func @transform_1(%arg0: i32) -> (i32, i32) {
    %c0_i32 = arith.constant 0 : i32
    %c0_i32_0 = arith.constant 0 : i32
    return %arg0, %c0_i32 : i32, i32
  }
  func.func @transform_2(%arg0: i32) -> (i32, i32, i32) {
    %c0_i32 = arith.constant 0 : i32
    %c0_i32_0 = arith.constant 0 : i32
    %c0_i32_1 = arith.constant 0 : i32
    return %c0_i32, %arg0, %c0_i32_0 : i32, i32, i32
  }
  func.func @transform_3(%arg0: i32) -> (i32, i32) {
    %c0_i32 = arith.constant 0 : i32
    %c0_i32_0 = arith.constant 0 : i32
    %c0_i32_1 = arith.constant 0 : i32
    return %c0_i32, %c0_i32_0 : i32, i32
  }
  func.func @transform_4(%arg0: i32) -> (i32, i32) {
    %c0_i32 = arith.constant 0 : i32
    %c0_i32_0 = arith.constant 0 : i32
    %c0_i32_1 = arith.constant 0 : i32
    return %c0_i32, %c0_i32_0 : i32, i32
  }
  func.func @transform_5(%arg0: i32) -> (i32, i32) {
    %c0_i32 = arith.constant 0 : i32
    %c0_i32_0 = arith.constant 0 : i32
    return %arg0, %c0_i32 : i32, i32
  }
  func.func @transform_6(%arg0: i32) -> (i32, i32) {
    %c0_i32 = arith.constant 0 : i32
    %c0_i32_0 = arith.constant 0 : i32
    return %arg0, %c0_i32 : i32, i32
  }
}

module attributes {stable_mosaic.version = 14 : i64} {
  func.func @body(%arg0: i32, %arg1: memref<5000x64xf32, #tpu.memory_space<vmem>>, %arg2: memref<5000x32xf32, #tpu.memory_space<vmem>>, %arg3: memref<64x16xf32, #tpu.memory_space<vmem>>, %arg4: memref<32x16xf32, #tpu.memory_space<vmem>>, %arg5: memref<1x16xf32, #tpu.memory_space<vmem>>, %arg6: memref<5000x16xf32, #tpu.memory_space<vmem>>) attributes {dimension_semantics = [#tpu.dimension_semantics<arbitrary>], iteration_bounds = array<i64: 2>, scalar_prefetch = 0 : i64, scratch_operands = 0 : i64, tpu.core_type = #tpu.core_type<tc>, window_params = [{transform_indices = @transform_0, window_bounds = array<i64: 5000, 64>}, {transform_indices = @transform_1, window_bounds = array<i64: 5000, 32>}, {pipeline_mode = #tpu.pipeline_mode<synchronous>, transform_indices = @transform_2, window_bounds = array<i64: 64, 16>}, {pipeline_mode = #tpu.pipeline_mode<synchronous>, transform_indices = @transform_3, window_bounds = array<i64: 32, 16>}, {pipeline_mode = #tpu.pipeline_mode<synchronous>, transform_indices = @transform_4, window_bounds = array<i64: 1, 16>}, {transform_indices = @transform_5, window_bounds = array<i64: 5000, 16>}]} {
    %get3A = arith.constant 0 : index
    %get3A_0 = arith.constant 0 : index
    %get3A_1 = vector.load %arg1[%get3A, %get3A_0] : memref<5000x64xf32, #tpu.memory_space<vmem>>, vector<5000x64xf32>
    %get3A_2 = arith.constant 0 : index
    %get3A_3 = arith.constant 0 : index
    %get3A_4 = vector.load %arg3[%get3A_2, %get3A_3] : memref<64x16xf32, #tpu.memory_space<vmem>>, vector<64x16xf32>
    %dot_general3A = arith.constant dense<0.000000e+00> : vector<5000x16xf32>
    %dot_general3A_5 = tpu.matmul %get3A_1, %get3A_4, %dot_general3A {dimension_numbers = #tpu.dot_dimension_numbers<[1], [0], [0], [1], [0, 0, 1, 1], [], []>, transpose_lhs_hint = false} : vector<5000x64xf32>, vector<64x16xf32>, vector<5000x16xf32> -> vector<5000x16xf32>
    %get3A_6 = arith.constant 0 : index
    %get3A_7 = arith.constant 0 : index
    %get3A_8 = vector.load %arg2[%get3A_6, %get3A_7] : memref<5000x32xf32, #tpu.memory_space<vmem>>, vector<5000x32xf32>
    %get3A_9 = arith.constant 0 : index
    %get3A_10 = arith.constant 0 : index
    %get3A_11 = vector.load %arg4[%get3A_9, %get3A_10] : memref<32x16xf32, #tpu.memory_space<vmem>>, vector<32x16xf32>
    %dot_general3A_12 = arith.constant dense<0.000000e+00> : vector<5000x16xf32>
    %dot_general3A_13 = tpu.matmul %get3A_8, %get3A_11, %dot_general3A_12 {dimension_numbers = #tpu.dot_dimension_numbers<[1], [0], [0], [1], [0, 0, 1, 1], [], []>, transpose_lhs_hint = false} : vector<5000x32xf32>, vector<32x16xf32>, vector<5000x16xf32> -> vector<5000x16xf32>
    %add3A = arith.addf %dot_general3A_5, %dot_general3A_13 : vector<5000x16xf32>
    %get3A_14 = arith.constant 0 : index
    %get3A_15 = arith.constant 0 : index
    %get3A_16 = vector.load %arg5[%get3A_14, %get3A_15] : memref<1x16xf32, #tpu.memory_space<vmem>>, vector<1x16xf32>
    %add3A_17 = vector.broadcast %get3A_16 : vector<1x16xf32> to vector<5000x16xf32>
    %add3A_18 = arith.addf %add3A, %add3A_17 : vector<5000x16xf32>
    %swap3A = arith.constant 0 : index
    %swap3A_19 = arith.constant 0 : index
    %swap3A_20 = vector.load %arg6[%swap3A, %swap3A_19] : memref<5000x16xf32, #tpu.memory_space<vmem>>, vector<5000x16xf32>
    tpu.vector_store %arg6[%swap3A, %swap3A_19], %add3A_18 {strides = array<i32>} : memref<5000x16xf32, #tpu.memory_space<vmem>>, vector<5000x16xf32>,
    return
  }
  func.func @transform_0(%arg0: i32) -> (i32, i32) {
    %c0_i32 = arith.constant 0 : i32
    %c0_i32_0 = arith.constant 0 : i32
    return %arg0, %c0_i32 : i32, i32
  }
  func.func @transform_1(%arg0: i32) -> (i32, i32) {
    %c0_i32 = arith.constant 0 : i32
    %c0_i32_0 = arith.constant 0 : i32
    return %arg0, %c0_i32 : i32, i32
  }
  func.func @transform_2(%arg0: i32) -> (i32, i32) {
    %c0_i32 = arith.constant 0 : i32
    %c0_i32_0 = arith.constant 0 : i32
    %c0_i32_1 = arith.constant 0 : i32
    return %c0_i32, %c0_i32_0 : i32, i32
  }
  func.func @transform_3(%arg0: i32) -> (i32, i32) {
    %c0_i32 = arith.constant 0 : i32
    %c0_i32_0 = arith.constant 0 : i32
    %c0_i32_1 = arith.constant 0 : i32
    return %c0_i32, %c0_i32_0 : i32, i32
  }
  func.func @transform_4(%arg0: i32) -> (i32, i32) {
    %c0_i32 = arith.constant 0 : i32
    %c0_i32_0 = arith.constant 0 : i32
    %c0_i32_1 = arith.constant 0 : i32
    return %c0_i32, %c0_i32_0 : i32, i32
  }
  func.func @transform_5(%arg0: i32) -> (i32, i32) {
    %c0_i32 = arith.constant 0 : i32
    %c0_i32_0 = arith.constant 0 : i32
    return %arg0, %c0_i32 : i32, i32
  }
}

module attributes {stable_mosaic.version = 14 : i64} {
  func.func @body(%arg0: i32, %arg1: memref<2x5000x16xf32, #tpu.memory_space<vmem>>, %arg2: memref<5000x16xf32, #tpu.memory_space<vmem>>, %arg3: memref<2x5000x16xf32, #tpu.memory_space<vmem>>, %arg4: memref<5000x16xf32, #tpu.memory_space<vmem>>, %arg5: memref<1x16xf32, #tpu.memory_space<vmem>>, %arg6: memref<16x16xf32, #tpu.memory_space<vmem>>, %arg7: memref<5000x16xf32, #tpu.memory_space<vmem>>) attributes {dimension_semantics = [#tpu.dimension_semantics<arbitrary>], iteration_bounds = array<i64: 2>, scalar_prefetch = 0 : i64, scratch_operands = 0 : i64, tpu.core_type = #tpu.core_type<tc>, window_params = [{transform_indices = @transform_0, window_bounds = array<i64: 2, 5000, 16>}, {transform_indices = @transform_1, window_bounds = array<i64: 5000, 16>}, {transform_indices = @transform_2, window_bounds = array<i64: 2, 5000, 16>}, {transform_indices = @transform_3, window_bounds = array<i64: 5000, 16>}, {pipeline_mode = #tpu.pipeline_mode<synchronous>, transform_indices = @transform_4, window_bounds = array<i64: 1, 16>}, {pipeline_mode = #tpu.pipeline_mode<synchronous>, transform_indices = @transform_5, window_bounds = array<i64: 16, 16>}, {transform_indices = @transform_6, window_bounds = array<i64: 5000, 16>}]} {
    %get3A = arith.constant 0 : index
    %get3A_0 = arith.constant 0 : index
    %get3A_1 = arith.constant 0 : index
    %get3A_2 = vector.load %arg3[%get3A, %get3A_0, %get3A_1] : memref<2x5000x16xf32, #tpu.memory_space<vmem>>, vector<2x5000x16xf32>
    %slice3A = vector.extract_strided_slice %get3A_2 {offsets = [0, 0, 0], sizes = [1, 5000, 1], strides = [1, 1, 1]} : vector<2x5000x16xf32> to vector<1x5000x1xf32>
    %squeeze3A = vector.shape_cast %slice3A : vector<1x5000x1xf32> to vector<5000x1xf32>
    %slice3A_3 = vector.extract_strided_slice %get3A_2 {offsets = [1, 0, 0], sizes = [1, 5000, 1], strides = [1, 1, 1]} : vector<2x5000x16xf32> to vector<1x5000x1xf32>
    %squeeze3A_4 = vector.shape_cast %slice3A_3 : vector<1x5000x1xf32> to vector<5000x1xf32>
    %add3A = arith.addf %squeeze3A, %squeeze3A_4 : vector<5000x1xf32>
    %sub3A = arith.constant 1.000000e+00 : f32
    %sub3A_5 = vector.broadcast %sub3A : f32 to vector<5000x1xf32>
    %sub3A_6 = arith.subf %add3A, %sub3A_5 : vector<5000x1xf32>
    %rsqrt3A = math.rsqrt %sub3A_6 : vector<5000x1xf32>
    %get3A_7 = arith.constant 0 : index
    %get3A_8 = arith.constant 0 : index
    %get3A_9 = arith.constant 0 : index
    %get3A_10 = vector.load %arg1[%get3A_7, %get3A_8, %get3A_9] : memref<2x5000x16xf32, #tpu.memory_space<vmem>>, vector<1x5000x16xf32>
    %get3A_11 = vector.shape_cast %get3A_10 : vector<1x5000x16xf32> to vector<5000x16xf32>
    %get3A_12 = arith.constant 1 : index
    %get3A_13 = arith.constant 0 : index
    %get3A_14 = arith.constant 0 : index
    %get3A_15 = vector.load %arg1[%get3A_12, %get3A_13, %get3A_14] : memref<2x5000x16xf32, #tpu.memory_space<vmem>>, vector<1x5000x16xf32>
    %get3A_16 = vector.shape_cast %get3A_15 : vector<1x5000x16xf32> to vector<5000x16xf32>
    %add3A_17 = arith.addf %get3A_11, %get3A_16 : vector<5000x16xf32>
    %get3A_18 = arith.constant 0 : index
    %get3A_19 = arith.constant 0 : index
    %get3A_20 = vector.load %arg2[%get3A_18, %get3A_19] : memref<5000x16xf32, #tpu.memory_space<vmem>>, vector<5000x16xf32>
    %sub3A_21 = arith.subf %add3A_17, %get3A_20 : vector<5000x16xf32>
    %mul3A = vector.broadcast %rsqrt3A : vector<5000x1xf32> to vector<5000x16xf32>
    %mul3A_22 = arith.mulf %mul3A, %sub3A_21 : vector<5000x16xf32>
    %get3A_23 = arith.constant 0 : index
    %get3A_24 = arith.constant 0 : index
    %get3A_25 = vector.load %arg5[%get3A_23, %get3A_24] : memref<1x16xf32, #tpu.memory_space<vmem>>, vector<1x16xf32>
    %add3A_26 = vector.broadcast %get3A_25 : vector<1x16xf32> to vector<5000x16xf32>
    %add3A_27 = arith.addf %mul3A_22, %add3A_26 : vector<5000x16xf32>
    %max3A = arith.constant 0.000000e+00 : f32
    %max3A_28 = vector.broadcast %max3A : f32 to vector<5000x16xf32>
    %max3A_29 = arith.maximumf %add3A_27, %max3A_28 : vector<5000x16xf32>
    %get3A_30 = arith.constant 0 : index
    %get3A_31 = arith.constant 0 : index
    %get3A_32 = vector.load %arg4[%get3A_30, %get3A_31] : memref<5000x16xf32, #tpu.memory_space<vmem>>, vector<5000x16xf32>
    %get3A_33 = arith.constant 0 : index
    %get3A_34 = arith.constant 0 : index
    %get3A_35 = vector.load %arg6[%get3A_33, %get3A_34] : memref<16x16xf32, #tpu.memory_space<vmem>>, vector<16x16xf32>
    %dot_general3A = arith.constant dense<0.000000e+00> : vector<5000x16xf32>
    %dot_general3A_36 = tpu.matmul %max3A_29, %get3A_35, %dot_general3A {dimension_numbers = #tpu.dot_dimension_numbers<[1], [0], [0], [1], [0, 0, 1, 1], [], []>, transpose_lhs_hint = false} : vector<5000x16xf32>, vector<16x16xf32>, vector<5000x16xf32> -> vector<5000x16xf32>
    %add3A_37 = arith.addf %get3A_32, %dot_general3A_36 : vector<5000x16xf32>
    %max3A_38 = arith.constant 0.000000e+00 : f32
    %max3A_39 = vector.broadcast %max3A_38 : f32 to vector<5000x16xf32>
    %max3A_40 = arith.maximumf %add3A_37, %max3A_39 : vector<5000x16xf32>
    %swap3A = arith.constant 0 : index
    %swap3A_41 = arith.constant 0 : index
    %swap3A_42 = vector.load %arg7[%swap3A, %swap3A_41] : memref<5000x16xf32, #tpu.memory_space<vmem>>, vector<5000x16xf32>
    tpu.vector_store %arg7[%swap3A, %swap3A_41], %max3A_40 {strides = array<i32>} : memref<5000x16xf32, #tpu.memory_space<vmem>>, vector<5000x16xf32>,
    return
  }
  func.func @transform_0(%arg0: i32) -> (i32, i32, i32) {
    %c0_i32 = arith.constant 0 : i32
    %c0_i32_0 = arith.constant 0 : i32
    %c0_i32_1 = arith.constant 0 : i32
    return %c0_i32, %arg0, %c0_i32_0 : i32, i32, i32
  }
  func.func @transform_1(%arg0: i32) -> (i32, i32) {
    %c0_i32 = arith.constant 0 : i32
    %c0_i32_0 = arith.constant 0 : i32
    return %arg0, %c0_i32 : i32, i32
  }
  func.func @transform_2(%arg0: i32) -> (i32, i32, i32) {
    %c0_i32 = arith.constant 0 : i32
    %c0_i32_0 = arith.constant 0 : i32
    %c0_i32_1 = arith.constant 0 : i32
    return %c0_i32, %arg0, %c0_i32_0 : i32, i32, i32
  }
  func.func @transform_3(%arg0: i32) -> (i32, i32) {
    %c0_i32 = arith.constant 0 : i32
    %c0_i32_0 = arith.constant 0 : i32
    return %arg0, %c0_i32 : i32, i32
  }
  func.func @transform_4(%arg0: i32) -> (i32, i32) {
    %c0_i32 = arith.constant 0 : i32
    %c0_i32_0 = arith.constant 0 : i32
    %c0_i32_1 = arith.constant 0 : i32
    return %c0_i32, %c0_i32_0 : i32, i32
  }
  func.func @transform_5(%arg0: i32) -> (i32, i32) {
    %c0_i32 = arith.constant 0 : i32
    %c0_i32_0 = arith.constant 0 : i32
    %c0_i32_1 = arith.constant 0 : i32
    return %c0_i32, %c0_i32_0 : i32, i32
  }
  func.func @transform_6(%arg0: i32) -> (i32, i32) {
    %c0_i32 = arith.constant 0 : i32
    %c0_i32_0 = arith.constant 0 : i32
    return %arg0, %c0_i32 : i32, i32
  }
}

</mosaic_0001>

<sc_bundles>
// kernel: kernel.11.cloned.1.call-start
scs
__scs_entry_jumppad:
0x0: {  	(pc) =	sbr.rel $0x88, $3  }
0x1: {  	(tag) =	ssettag $0x0;
	lr =	simm.s32 $0x1  }
0x2: {  	[smem:$0x3F97] =	sst lr;
	_ =	strace $0xD0000000  }
0x3: {  	_ = 	snop  }
0x4: {  	_ = 	snop  }
0x5: {  	_ = 	snop  }
0x6: {  	_ = 	snop  }
0x7: {  	_ = 	snop  }
__scs_overlays_trampoline_lowered:
0x8: {  	[smem:$0x3FA6] =	sst s0  }
0x9: {  	[smem:$0x3FA7] =	sst s1  }
0xa: {  	[smem:$0x3FA8] =	sst s2  }
0xb: {  	[smem:$0x3FA9] =	sst s3  }
0xc: {  	[smem:$0x3FAA] =	sst s4  }
0xd: {  	[smem:$0x3FAB] =	sst s5  }
0xe: {  	[smem:$0x3FAC] =	sst s6  }
0xf: {  	[smem:$0x3FAD] =	sst s7  }
0x10: {  	[smem:$0x3FAE] =	sst s8  }
0x11: {  	[smem:$0x3FAF] =	sst s9;
	s0 =	simm.s32 @!p0 $0x0  }
0x12: {  	s1 =	sld [smem:$0x3F95];
	s0 =	simm.s32 @p0 $0x1  }
0x13: {  	[smem:$0x3FB0] =	sst s0;
	s0 =	simm.s32 @!p1 $0x0  }
0x14: {  	s2 =	sld [smem:$0x3F94];
	s0 =	simm.s32 @p1 $0x1  }
0x15: {  	[smem:$0x3FB1] =	sst s0;
	s0 =	simm.s32 @!p2 $0x0  }
0x16: {  	s3 =	sld [smem:$0x3FDB];
	s0 =	simm.s32 @p2 $0x1  }
0x17: {  	s4 =	simm.s32 $0x1BF5;
	[smem:$0x3FB3] =	sst s0  }
0x18: {  	s0 =	sld [smem:$0x3F96];
	_ =	swait.ge [sflag:s4], $0x0  }
0x19: {  	s7 =	sld [smem:$0x3F97]  }
0x1a: {  	s8 =	sadd.s32 $0xFFFFE003, lr  }
0x1b: {  	s9 =	sadd.s32 $0xFFFFFEF7, lr;
	s5 =	simm.s32 $0xFFFFFFFF;
	p2 =	slt.u32 s8, $0xFFFFF086  }
0x1c: {  	p1 =	slt.u32 s9, $0xF7A;
	s5 =	simm.s32 @!p2 $0x0  }
0x1d: {  	s5 =	simm.s32 @p1 $0x1;
	p0 =	seq.s32 s7, s2  }
0x1e: {  	s7 =	smul.u32 @!p0 $0xF7A, s2;
	p2 =	seq.s32 @!p0 s5, $0x0  }
0x1f: {  	s9 =	smul.u32 $0xF7A, s1;
	s8 =	simm.s32 @!p0 $0x1BF5;
	p2 =	por !p2, p0  }
0x20: {  	[sflag:s8] =	ssyncset.s32 @!p0 $0xFFFFF086;
	s6 =	sadd.s32 @!p0 s3, s7;
	s7 =	simm.s32 @!p0 $0x108  }
0x21: {  	s3 =	sadd.s32 s3, s9;
	s6 =	sadd.s32 @!p0 $0x88, s6;
	s7 =	simm.s32 @p2 $0x1082  }
0x22: {  	[simem:s7], [sflag:s8] =	dma.local @!p0 [hbm:s6], $0xF7A  }
0x23: {  	s9 =	sor.u32 $0xD0000000, s2;
	s6 =	simm.s32 $0x108;
	_ =	swait.ge @!p0 [sflag:s8], $0x0  }
0x24: {  	s3 =	sadd.s32 $0x88, s3;
	s6 =	simm.s32 @!p1 $0x1082;
	[sflag:s4] =	ssyncset.s32 $0xFFFFF086  }
0x25: {  	[simem:s6], [sflag:s4] =	dma.local [hbm:s3], $0xF7A  }
0x26: {  	[smem:$0x3F97] =	sst s1;
	(tag) =	ssettag s2;
	_ =	strace s9  }
0x27: {  	s1 =	sld [smem:$0x3FA7]  }
0x28: {  	s2 =	sld [smem:$0x3FA8]  }
0x29: {  	s4 =	sld [smem:$0x3FAA]  }
0x2a: {  	p0 =	seq.s32 s5, $0x0;
	s5 =	sld [smem:$0x3FAB]  }
0x2b: {  	s6 =	sld [smem:$0x3FAC]  }
0x2c: {  	s7 =	sld [smem:$0x3FAD]  }
0x2d: {  	s3 =	simm.s32 $0x108;
	s8 =	sld [smem:$0x3FAE]  }
0x2e: {  	s3 =	simm.s32 @!p0 $0x1082;
	s9 =	sld [smem:$0x3FAF]  }
0x2f: {  	lr =	sadd.s32 s0, s3;
	s0 =	sld [smem:$0x3FA6]  }
0x30: {  	s3 =	sld [smem:$0x3FA9]  }
0x31: {  	[smem:$0x3FB2] =	sst s10  }
0x32: {  	s10 =	sld [smem:$0x3FB0];
	_ =	sdelay $0x3  }
0x33: {  	p0 =	seq.s32 s10, $0x1;
	s10 =	sld [smem:$0x3FB2];
	_ =	sdelay $0x3  }
0x34: {  	[smem:$0x3FB2] =	sst s10  }
0x35: {  	s10 =	sld [smem:$0x3FB1];
	_ =	sdelay $0x3  }
0x36: {  	p1 =	seq.s32 s10, $0x1;
	s10 =	sld [smem:$0x3FB2];
	_ =	sdelay $0x3  }
0x37: {  	[smem:$0x3FB2] =	sst s10  }
0x38: {  	s10 =	sld [smem:$0x3FB3]  }
0x39: {  	_ = 	snop;
	(pc) =	sbr.ind lr, $3  }
0x3a: {  	_ = 	snop  }
0x3b: {  	_ = 	snop  }
0x3c: {  	p2 =	seq.s32 s10, $0x1;
	s10 =	sld [smem:$0x3FB2]  }
0x3d: {  	_ =	shalt  }
0x3e: {  	_ =	shalt  }
0x3f: {  	_ =	shalt  }
0x40: {  	_ =	shalt  }
0x41: {  	_ =	shalt  }
0x42: {  	_ =	shalt  }
0x43: {  	_ =	shalt  }
0x44: {  	_ =	shalt  }
0x45: {  	_ =	shalt  }
0x46: {  	_ =	shalt  }
0x47: {  	_ =	shalt  }
0x48: {  	_ =	shalt  }
0x49: {  	_ =	shalt  }
0x4a: {  	_ =	shalt  }
0x4b: {  	_ =	shalt  }
0x4c: {  	_ =	shalt  }
0x4d: {  	_ =	shalt  }
0x4e: {  	_ =	shalt  }
0x4f: {  	_ =	shalt  }
0x50: {  	_ =	shalt  }
0x51: {  	_ =	shalt  }
0x52: {  	_ =	shalt  }
0x53: {  	_ =	shalt  }
0x54: {  	_ =	shalt  }
0x55: {  	_ =	shalt  }
0x56: {  	_ =	shalt  }
0x57: {  	_ =	shalt  }
0x58: {  	_ =	shalt  }
0x59: {  	_ =	shalt  }
0x5a: {  	_ =	shalt  }
0x5b: {  	_ =	shalt  }
0x5c: {  	_ =	shalt  }
0x5d: {  	_ =	shalt  }
0x5e: {  	_ =	shalt  }
0x5f: {  	_ =	shalt  }
0x60: {  	_ =	shalt  }
0x61: {  	_ =	shalt  }
0x62: {  	_ =	shalt  }
0x63: {  	_ =	shalt  }
0x64: {  	_ =	shalt  }
0x65: {  	_ =	shalt  }
0x66: {  	_ =	shalt  }
0x67: {  	_ =	shalt  }
0x68: {  	_ =	shalt  }
0x69: {  	_ =	shalt  }
0x6a: {  	_ =	shalt  }
0x6b: {  	_ =	shalt  }
0x6c: {  	_ =	shalt  }
0x6d: {  	_ =	shalt  }
0x6e: {  	_ =	shalt  }
0x6f: {  	_ =	shalt  }
0x70: {  	_ =	shalt  }
0x71: {  	_ =	shalt  }
0x72: {  	_ =	shalt  }
0x73: {  	_ =	shalt  }
0x74: {  	_ =	shalt  }
0x75: {  	_ =	shalt  }
0x76: {  	_ =	shalt  }
0x77: {  	_ =	shalt  }
0x78: {  	_ =	shalt  }
0x79: {  	_ =	shalt  }
0x7a: {  	_ =	shalt  }
0x7b: {  	_ =	shalt  }
0x7c: {  	_ =	shalt  }
0x7d: {  	_ =	shalt  }
0x7e: {  	_ =	shalt  }
0x7f: {  	_ =	shalt  }
0x80: {  	_ =	shalt  }
0x81: {  	_ =	shalt  }
0x82: {  	_ =	shalt  }
0x83: {  	_ =	shalt  }
0x84: {  	_ =	shalt  }
0x85: {  	_ =	shalt  }
0x86: {  	_ =	shalt  }
0x87: {  	_ =	shalt  }
.Lfunc_end0:
.L_simem_size_0:
called_computation_lowered:
.L_overlay_start_0:
0x88: {  	s2 =	sld [smem:$0x3FD9]  }
0x89: {  	s3 =	sld [smem:$0x3FFE];
	_ =	sdelay $0x1  }
0x8a: {  	s1 =	srdreg.scid  }
0x8b: {  	s0 =	sand.u32 $0x1, s1  }
0x8c: {  	s17 =	sshll.u32 s0, $0xA;
	s2 =	sadd.s32 s3, s2  }
0x8d: {  	s2 =	sadd.s32 s2, s17  }
0x8e: {  	[smem:$0x3FBE] =	sst s2  }
0x8f: {  	_ = 	snop  }
0x90: {  	s2 =	sld [smem:$0x3FD0];
	(tm) =	ssettm $0x1  }
0x91: {  	s18 =	sld [smem:$0x3FFB];
	_ =	sdelay $0x3  }
0x92: {  	_ =	strace s18  }
0x93: {  	s3 =	sld [smem:$0x3FFC];
	_ =	sdelay $0x3  }
0x94: {  	_ =	strace s3  }
0x95: {  	s3 =	sld [smem:$0x3FFD];
	_ =	sdelay $0x3  }
0x96: {  	_ =	strace s3  }
0x97: {  	_ =	strace $0x8FFFFFFF  }
0x98: {  	s19 =	sld [smem:$0x3FDB];
	_ =	sdelay $0x1  }
0x99: {  	s4 =	simm.s32 $_scs_section_size  }
0x9a: {  	s5 =	simm.s32 $_size__tile_overlayer_lowered;
	s6 =	simm.s32 $_tile_overlayer_lowered  }
0x9b: {  	s22 =	simm.s32 $0x1BFF;
	s21 =	sshll.u32 s6, $0x1;
	s3 =	sadd.s32 s4, s19  }
0x9c: {  	s7 =	simm.s32 $0x0;
	s20 =	sshll.u32 s5, $0x1;
	s5 =	sadd.s32 s21, s3  }
0x9d: {  	[timem:s7], [sflag:s22] =	dma.local [hbm:s5], s20  }
0x9e: {  	_ =	swait.ge [sflag:s22], s20  }
0x9f: {  	s4 =	ssub.s32 $0x0, s20;
	[sflag:s22] =	ssyncset.done $0x0  }
0xa0: {  	[sflag:s22] =	ssyncadd.s32 s4;
	_ =	sdelay $0x1  }
0xa1: {  	s23 =	simm.s32 $0x1B8B  }
0xa2: {  	_ =	swait.ge [sflag:s23], $0x1  }
0xa3: {  	[sflag:s23] =	ssyncset.done $0x0  }
0xa4: {  	s25 =	simm.s32 $0x1B8E;
	s24 =	sld [smem:$0x3FFE];
	[sflag:s23] =	ssyncadd.s32 $0xFFFFFFFF  }
0xa5: {  	s26 =	simm.s32 $execute0_lowered;
	[smem:$0x3FD2] =	sst s25  }
0xa6: {  	s5 =	sshll.u32 s26, $0x1;
	_ =	strace $0x80000046;
	[dreg:$0x1] =	wrdreg $0xFFFFFFFF  }
0xa7: {  	s28 =	simm.s32 $_size_execute0_lowered;
	s3 =	sadd.s32 s3, s5;
	[dreg:$0x0] =	wrdreg $0x0  }
0xa8: {  	s5 =	sshll.u32 s28, $0x1;
	[dreg:$0x2] =	wrdreg s3  }
0xa9: {  	[dreg:$0x3] =	wrdreg s5  }
0xaa: {  	[dreg:$0x4] =	wrdreg $0xC0  }
0xab: {  	_ =	task [dreg:s7], $0x5FFFF  }
0xac: {  	[dreg:$0x1] =	wrdreg $0xFFFFFFFF  }
0xad: {  	[dreg:$0x0] =	wrdreg $0x60  }
0xae: {  	[dreg:$0x2] =	wrdreg s2  }
0xaf: {  	[dreg:$0x3] =	wrdreg s24  }
0xb0: {  	[dreg:$0x4] =	wrdreg $0x30000  }
0xb1: {  	[dreg:$0x5] =	wrdreg $0x9  }
0xb2: {  	_ =	task.clear_ibuf [dreg:s7], $0x6FFFF;
	_ =	strace $0x90000046  }
0xb3: {  	s29 =	simm.s32 $0x9;
	_ =	strace $0x80000048  }
0xb4: {  	_ =	swait.ge [sflag:s29], $0x1  }
0xb5: {  	[sflag:s29] =	ssyncadd.s32 $0xFFFFFFFF  }
0xb6: {  	_ =	strace $0x90000048  }
0xb7: {  	_ =	sfence  }
0xb8: {  	s30 =	sld [smem:$0x0];
	_ =	sdelay $0x2  }
0xb9: {  	s31 =	sshll.u32 s1, $0xD;
	s1 =	sshrl.u32 s1, $0x2  }
0xba: {  	s3 =	sand.u32 $0x4000, s31;
	s1 =	sadd.s32 s1, s30  }
0xbb: {  	s0 =	sor.u32 s3, s0;
	s1 =	sshll.u32 s1, $0x11  }
0xbc: {  	s0 =	sor.u32 s1, s0  }
0xbd: {  	s0 =	sadd.s32 $0x8F2B, s0  }
0xbe: {  	[sflag:s0] =	ssyncadd.remote.s32 $0x1  }
0xbf: {  	_ =	sfence.sel $0xFFFF  }
0xc0: {  	[dreg:$0x0] =	wrdreg $0xFFFFFFFF;
	(pc) =	sbr.abs _section_cstart, $3  }
0xc1: {  	[dreg:$0x1] =	wrdreg $0xFFFFFFFF  }
0xc2: {  	_ =	task.clear_ibuf [dreg:s7], $0x2FFFF;
	_ =	strace $0x9FFFFFFF  }
0xc3: {  	(tm) =	ssettm $0x7FFFFFFF  }
tec
execute0_lowered:
.L_overlay_start_1:
0x0: {  	(tag) =	ssettag $0x1  }
0x1: {  	s0 =	srdreg.scid;
	s2 =	rddreg [dreg:$0x1]  }
0x2: {  	s8 =	stileid.u32;
	s3 =	rddreg [dreg:$0x2]  }
0x3: {  	s5 =	simm.s32 $0x0;
	s14 =	simm.s32 $0x11;
	s15 =	simm.s32 $0x2800  }
0x4: {  	s16 =	simm.s32 $0x80;
	s17 =	simm.s32 $0x1;
	s18 =	simm.s32 $0x2  }
0x5: {  	s19 =	simm.s32 $0x3;
	s28 =	simm.s32 $0x9;
	s1 =	smul.u32 $0x5000, s8  }
0x6: {  	s29 =	simm.s32 $0xA;
	s30 =	simm.s32 $0xB;
	s20 =	smul.u32 $0xA000, s8  }
0x7: {  	s31 =	simm.s32 $0xC;
	s0 =	sand.u32 $0x1, s0;
	s7 =	smul.u32 $0x2700, s8  }
0x8: {  	[smem:$0x7FF] =	sst s5;
	p0 =	sne.s32 s8, $0xF;
	s4 =	smul.u32 $0x2800, s0  }
0x9: {  	_ =	strace $0x80000047;
	s21 =	ssub.s32 $0x2, s0;
	s0 =	smul.u32 $0x27100, s0  }
0xa: {  	s6 =	sshrl.u32 s21, $0x1;
	s26 =	sadd.s32 s7, s3;
	s1 =	sadd.s32 s4, s1  }
0xb: {  	s4 =	sshrl.u32 s20, $0x2;
	s5 =	ssub.s32 s21, s6;
	s24 =	sadd.s32 s7, s0  }
0xc: {  	s0 =	sshrl.u32 s0, $0x3;
	s20 =	simm.s32 $0x4;
	s6 =	sadd.s32 s4, s3  }
0xd: {  	s21 =	simm.s32 $0x5;
	s1 =	sshrl.u32 s1, $0x3;
	s22 =	sadd.s32 $0x800, s6  }
0xe: {  	s13 =	smax.u32 s5, $0x1;
	s23 =	sadd.s32 $0x1000, s6;
	[dreg:$0x5] =	wrdreg s22  }
0xf: {  	s5 =	simm.s32 $0x0;
	s4 =	sadd.s32 $0x1800, s6;
	[dreg:$0x6] =	wrdreg s23  }
0x10: {  	s1 =	sadd.s32 s1, s2;
	s25 =	sadd.s32 $0x2000, s6;
	[dreg:$0x7] =	wrdreg s4  }
0x11: {  	s2 =	sadd.s32 $0xC600, s2;
	s1 =	sadd.s32 $0x2600, s1;
	[dreg:$0x8] =	wrdreg s25  }
0x12: {  	s0 =	sadd.s32 s2, s0;
	s22 =	simm.s32 $0x6;
	s23 =	simm.s32 $0x7  }
0x13: {  	s4 =	simm.s32 $0x10;
	[dreg:$0x4] =	wrdreg s1;
	s1 =	sshrl.u32 s24, $0x3  }
0x14: {  	s12 =	sadd.s32 $0x4E00, s0;
	s0 =	sadd.s32 $0x27000, s3;
	s24 =	sshrl.u32 s26, $0x3  }
0x15: {  	s26 =	simm.s32 $0x8;
	s11 =	sadd.s32 s2, s1;
	s25 =	sshrl.u32 @!p0 s0, $0x3  }
0x16: {  	s1 =	simm.s32 $0xD;
	s2 =	simm.s32 $0xE;
	s0 =	simm.s32 $0xF  }
.LBB2_1:
0x17: {  	s8 =	simm.s32 $0x0;
	s7 =	rddreg [dreg:$0x4]  }
0x18: {  	[tilespmem:s8], [sflag:$0x11] =	stream.linear.gather [hbm4b:s7+s8], $0x2800, $0x38;
	[tilespmem:$0x5800] =	vst v63  }
0x19: {  	_ =	swait.ge [sflag:s14], $0x2800  }
0x1a: {  	[sflag:s14] =	ssyncset.done $0x0  }
0x1b: {  	[sflag:s14] =	ssyncadd.s32 $0xFFFFD800  }
0x1c: {  	s10 =	rddreg [dreg:$0x0]  }
0x1d: {  	[tilespmem:s15], [sflag:$0x11] =	stream.linear.gather [hbm4b:s10+s8], $0x800, $0x38;
	[tilespmem:$0x5800] =	vst v63  }
0x1e: {  	_ =	swait.ge [sflag:s14], $0x800  }
0x1f: {  	[sflag:s14] =	ssyncset.done $0x0  }
0x20: {  	[sflag:s14] =	ssyncadd.s32 $0xFFFFF800  }
0x21: {  	[spmem:s6] =	stream.linear.scatter [tilespmem:s15], [sflag:$0x11], $0x800, $0x38;
	[tilespmem:$0x5800] =	vst v63  }
0x22: {  	_ =	swait.ge [sflag:s14], $0x800  }
0x23: {  	[sflag:s14] =	ssyncset.done $0x0  }
0x24: {  	s9 =	rddreg [dreg:$0x5];
	[sflag:s14] =	ssyncadd.s32 $0xFFFFF800  }
0x25: {  	[spmem:s9] =	stream.linear.scatter [tilespmem:s15], [sflag:$0x11], $0x800, $0x38;
	[tilespmem:$0x5800] =	vst v63  }
0x26: {  	_ =	swait.ge [sflag:s14], $0x800  }
0x27: {  	[sflag:s14] =	ssyncset.done $0x0  }
0x28: {  	s10 =	rddreg [dreg:$0x6];
	[sflag:s14] =	ssyncadd.s32 $0xFFFFF800  }
0x29: {  	[spmem:s10] =	stream.linear.scatter [tilespmem:s15], [sflag:$0x11], $0x800, $0x38;
	[tilespmem:$0x5800] =	vst v63  }
0x2a: {  	_ =	swait.ge [sflag:s14], $0x800  }
0x2b: {  	[sflag:s14] =	ssyncset.done $0x0  }
0x2c: {  	s8 =	rddreg [dreg:$0x7];
	[sflag:s14] =	ssyncadd.s32 $0xFFFFF800  }
0x2d: {  	[spmem:s8] =	stream.linear.scatter [tilespmem:s15], [sflag:$0x11], $0x800, $0x38;
	[tilespmem:$0x5800] =	vst v63  }
0x2e: {  	_ =	swait.ge [sflag:s14], $0x800  }
0x2f: {  	[sflag:s14] =	ssyncset.done $0x0  }
0x30: {  	s9 =	rddreg [dreg:$0x8];
	[sflag:s14] =	ssyncadd.s32 $0xFFFFF800  }
0x31: {  	[spmem:s9] =	stream.linear.scatter [tilespmem:s15], [sflag:$0x11], $0x800, $0x38;
	[tilespmem:$0x5800] =	vst v63  }
0x32: {  	_ =	swait.ge [sflag:s14], $0x800  }
0x33: {  	[sflag:s14] =	ssyncset.done $0x0  }
0x34: {  	[sflag:s14] =	ssyncadd.s32 $0xFFFFF800  }
0x35: {  	s10 =	simm.s32 $0x0;
	[bflag:$0x0] =	sbarrier.arrive $0xFFFF  }
0x36: {  	[spmem:s3] =	stream.indirect.scatter.add.f32 [tilespmem:s15], [sflag:$0x1], $0x10, s10, s16, $0xb8;
	[tilespmem:$0x5800] =	vst v63  }
0x37: {  	s8 =	simm.s32 $0x80  }
0x38: {  	[spmem:s3] =	stream.indirect.scatter.add.f32 [tilespmem:s15], [sflag:$0x2], $0x10, s8, s16, $0xb8;
	[tilespmem:$0x5800] =	vst v63  }
0x39: {  	s9 =	simm.s32 $0x100  }
0x3a: {  	[spmem:s3] =	stream.indirect.scatter.add.f32 [tilespmem:s15], [sflag:$0x3], $0x10, s9, s16, $0xb8;
	[tilespmem:$0x5800] =	vst v63  }
0x3b: {  	s10 =	simm.s32 $0x180  }
0x3c: {  	[spmem:s3] =	stream.indirect.scatter.add.f32 [tilespmem:s15], [sflag:$0x4], $0x10, s10, s16, $0xb8;
	[tilespmem:$0x5800] =	vst v63  }
0x3d: {  	s8 =	simm.s32 $0x200  }
0x3e: {  	[spmem:s3] =	stream.indirect.scatter.add.f32 [tilespmem:s15], [sflag:$0x5], $0x10, s8, s16, $0xb8;
	[tilespmem:$0x5800] =	vst v63  }
0x3f: {  	s9 =	simm.s32 $0x280  }
0x40: {  	[spmem:s3] =	stream.indirect.scatter.add.f32 [tilespmem:s15], [sflag:$0x6], $0x10, s9, s16, $0xb8;
	[tilespmem:$0x5800] =	vst v63  }
0x41: {  	s10 =	simm.s32 $0x300  }
0x42: {  	[spmem:s3] =	stream.indirect.scatter.add.f32 [tilespmem:s15], [sflag:$0x7], $0x10, s10, s16, $0xb8;
	[tilespmem:$0x5800] =	vst v63  }
0x43: {  	s8 =	simm.s32 $0x380  }
0x44: {  	[spmem:s3] =	stream.indirect.scatter.add.f32 [tilespmem:s15], [sflag:$0x8], $0x10, s8, s16, $0xb8;
	[tilespmem:$0x5800] =	vst v63  }
0x45: {  	s9 =	simm.s32 $0x400  }
0x46: {  	[spmem:s3] =	stream.indirect.scatter.add.f32 [tilespmem:s15], [sflag:$0x9], $0x10, s9, s16, $0xb8;
	[tilespmem:$0x5800] =	vst v63  }
0x47: {  	s10 =	simm.s32 $0x480  }
0x48: {  	[spmem:s3] =	stream.indirect.scatter.add.f32 [tilespmem:s15], [sflag:$0xA], $0x10, s10, s16, $0xb8;
	[tilespmem:$0x5800] =	vst v63  }
0x49: {  	s8 =	simm.s32 $0x500  }
0x4a: {  	[spmem:s3] =	stream.indirect.scatter.add.f32 [tilespmem:s15], [sflag:$0xB], $0x10, s8, s16, $0xb8;
	[tilespmem:$0x5800] =	vst v63  }
0x4b: {  	s9 =	simm.s32 $0x580  }
0x4c: {  	[spmem:s3] =	stream.indirect.scatter.add.f32 [tilespmem:s15], [sflag:$0xC], $0x10, s9, s16, $0xb8;
	[tilespmem:$0x5800] =	vst v63  }
0x4d: {  	s10 =	simm.s32 $0x600  }
0x4e: {  	[spmem:s3] =	stream.indirect.scatter.add.f32 [tilespmem:s15], [sflag:$0xD], $0x10, s10, s16, $0xb8;
	[tilespmem:$0x5800] =	vst v63  }
0x4f: {  	s8 =	simm.s32 $0x680  }
0x50: {  	[spmem:s3] =	stream.indirect.scatter.add.f32 [tilespmem:s15], [sflag:$0xE], $0x10, s8, s16, $0xb8;
	[tilespmem:$0x5800] =	vst v63  }
0x51: {  	s9 =	simm.s32 $0x700  }
0x52: {  	[spmem:s3] =	stream.indirect.scatter.add.f32 [tilespmem:s15], [sflag:$0xF], $0x10, s9, s16, $0xb8;
	[tilespmem:$0x5800] =	vst v63  }
0x53: {  	s10 =	simm.s32 $0x780  }
0x54: {  	[spmem:s3] =	stream.indirect.scatter.add.f32 [tilespmem:s15], [sflag:$0x10], $0x10, s10, s16, $0xb8;
	[tilespmem:$0x5800] =	vst v63  }
0x55: {  	_ =	swait.ge [sflag:s17], $0x800  }
0x56: {  	[sflag:s17] =	ssyncset.done $0x0  }
0x57: {  	[sflag:s17] =	ssyncadd.s32 $0xFFFFF800  }
0x58: {  	_ =	swait.ge [sflag:s18], $0x800  }
0x59: {  	[sflag:s18] =	ssyncset.done $0x0  }
0x5a: {  	[sflag:s18] =	ssyncadd.s32 $0xFFFFF800  }
0x5b: {  	_ =	swait.ge [sflag:s19], $0x800  }
0x5c: {  	[sflag:s19] =	ssyncset.done $0x0  }
0x5d: {  	[sflag:s19] =	ssyncadd.s32 $0xFFFFF800  }
0x5e: {  	_ =	swait.ge [sflag:s20], $0x800  }
0x5f: {  	[sflag:s20] =	ssyncset.done $0x0  }
0x60: {  	[sflag:s20] =	ssyncadd.s32 $0xFFFFF800  }
0x61: {  	_ =	swait.ge [sflag:s21], $0x800  }
0x62: {  	[sflag:s21] =	ssyncset.done $0x0  }
0x63: {  	[sflag:s21] =	ssyncadd.s32 $0xFFFFF800  }
0x64: {  	_ =	swait.ge [sflag:s22], $0x800  }
0x65: {  	[sflag:s22] =	ssyncset.done $0x0  }
0x66: {  	[sflag:s22] =	ssyncadd.s32 $0xFFFFF800  }
0x67: {  	_ =	swait.ge [sflag:s23], $0x800  }
0x68: {  	[sflag:s23] =	ssyncset.done $0x0  }
0x69: {  	[sflag:s23] =	ssyncadd.s32 $0xFFFFF800  }
0x6a: {  	_ =	swait.ge [sflag:s26], $0x800  }
0x6b: {  	[sflag:s26] =	ssyncset.done $0x0  }
0x6c: {  	[sflag:s26] =	ssyncadd.s32 $0xFFFFF800  }
0x6d: {  	_ =	swait.ge [sflag:s28], $0x800  }
0x6e: {  	[sflag:s28] =	ssyncset.done $0x0  }
0x6f: {  	[sflag:s28] =	ssyncadd.s32 $0xFFFFF800  }
0x70: {  	_ =	swait.ge [sflag:s29], $0x800  }
0x71: {  	[sflag:s29] =	ssyncset.done $0x0  }
0x72: {  	[sflag:s29] =	ssyncadd.s32 $0xFFFFF800  }
0x73: {  	_ =	swait.ge [sflag:s30], $0x800  }
0x74: {  	[sflag:s30] =	ssyncset.done $0x0  }
0x75: {  	[sflag:s30] =	ssyncadd.s32 $0xFFFFF800  }
0x76: {  	_ =	swait.ge [sflag:s31], $0x800  }
0x77: {  	[sflag:s31] =	ssyncset.done $0x0  }
0x78: {  	[sflag:s31] =	ssyncadd.s32 $0xFFFFF800  }
0x79: {  	_ =	swait.ge [sflag:s1], $0x800  }
0x7a: {  	[sflag:s1] =	ssyncset.done $0x0  }
0x7b: {  	[sflag:s1] =	ssyncadd.s32 $0xFFFFF800  }
0x7c: {  	_ =	swait.ge [sflag:s2], $0x800  }
0x7d: {  	[sflag:s2] =	ssyncset.done $0x0  }
0x7e: {  	[sflag:s2] =	ssyncadd.s32 $0xFFFFF800  }
0x7f: {  	_ =	swait.ge [sflag:s0], $0x800  }
0x80: {  	[sflag:s0] =	ssyncset.done $0x0  }
0x81: {  	[sflag:s0] =	ssyncadd.s32 $0xFFFFF800  }
0x82: {  	_ =	swait.ge [sflag:s4], $0x800  }
0x83: {  	s7 =	simm.s32 $0x2000;
	s8 =	simm.s32 $0x4000;
	[sflag:s4] =	ssyncset.done $0x0  }
.LBB2_2:
0x84: {  	s9 =	sshra.s32 s7, $0x2  }
0x85: {  	[sflag:s4] =	ssyncadd.s32 $0xFFFFF800;
	s7 =	smov.u32 s8;
	s10 =	sadd.s32 $0x2000, s8  }
0x86: {  	[spmem:s3] =	stream.indirect.scatter.add.f32 [tilespmem:s15], [sflag:$0x1], $0x10, s9, s16, $0xb8;
	[tilespmem:$0x5800] =	vst v63  }
0x87: {  	p1 =	sne.s32 s8, $0x8000;
	s8 =	sadd.s32 $0x80, s9  }
0x88: {  	[spmem:s3] =	stream.indirect.scatter.add.f32 [tilespmem:s15], [sflag:$0x2], $0x10, s8, s16, $0xb8;
	[tilespmem:$0x5800] =	vst v63  }
0x89: {  	s8 =	sadd.s32 $0x100, s9  }
0x8a: {  	[spmem:s3] =	stream.indirect.scatter.add.f32 [tilespmem:s15], [sflag:$0x3], $0x10, s8, s16, $0xb8;
	[tilespmem:$0x5800] =	vst v63  }
0x8b: {  	s8 =	sadd.s32 $0x180, s9  }
0x8c: {  	[spmem:s3] =	stream.indirect.scatter.add.f32 [tilespmem:s15], [sflag:$0x4], $0x10, s8, s16, $0xb8;
	[tilespmem:$0x5800] =	vst v63  }
0x8d: {  	s8 =	sadd.s32 $0x200, s9  }
0x8e: {  	[spmem:s3] =	stream.indirect.scatter.add.f32 [tilespmem:s15], [sflag:$0x5], $0x10, s8, s16, $0xb8;
	[tilespmem:$0x5800] =	vst v63  }
0x8f: {  	s8 =	sadd.s32 $0x280, s9  }
0x90: {  	[spmem:s3] =	stream.indirect.scatter.add.f32 [tilespmem:s15], [sflag:$0x6], $0x10, s8, s16, $0xb8;
	[tilespmem:$0x5800] =	vst v63  }
0x91: {  	s8 =	sadd.s32 $0x300, s9  }
0x92: {  	[spmem:s3] =	stream.indirect.scatter.add.f32 [tilespmem:s15], [sflag:$0x7], $0x10, s8, s16, $0xb8;
	[tilespmem:$0x5800] =	vst v63  }
0x93: {  	s8 =	sadd.s32 $0x380, s9  }
0x94: {  	[spmem:s3] =	stream.indirect.scatter.add.f32 [tilespmem:s15], [sflag:$0x8], $0x10, s8, s16, $0xb8;
	[tilespmem:$0x5800] =	vst v63  }
0x95: {  	s8 =	sadd.s32 $0x400, s9  }
0x96: {  	[spmem:s3] =	stream.indirect.scatter.add.f32 [tilespmem:s15], [sflag:$0x9], $0x10, s8, s16, $0xb8;
	[tilespmem:$0x5800] =	vst v63  }
0x97: {  	s8 =	sadd.s32 $0x480, s9  }
0x98: {  	[spmem:s3] =	stream.indirect.scatter.add.f32 [tilespmem:s15], [sflag:$0xA], $0x10, s8, s16, $0xb8;
	[tilespmem:$0x5800] =	vst v63  }
0x99: {  	s8 =	sadd.s32 $0x500, s9  }
0x9a: {  	[spmem:s3] =	stream.indirect.scatter.add.f32 [tilespmem:s15], [sflag:$0xB], $0x10, s8, s16, $0xb8;
	[tilespmem:$0x5800] =	vst v63  }
0x9b: {  	s8 =	sadd.s32 $0x580, s9  }
0x9c: {  	[spmem:s3] =	stream.indirect.scatter.add.f32 [tilespmem:s15], [sflag:$0xC], $0x10, s8, s16, $0xb8;
	[tilespmem:$0x5800] =	vst v63  }
0x9d: {  	s8 =	sadd.s32 $0x600, s9  }
0x9e: {  	[spmem:s3] =	stream.indirect.scatter.add.f32 [tilespmem:s15], [sflag:$0xD], $0x10, s8, s16, $0xb8;
	[tilespmem:$0x5800] =	vst v63  }
0x9f: {  	s8 =	sadd.s32 $0x680, s9  }
0xa0: {  	[spmem:s3] =	stream.indirect.scatter.add.f32 [tilespmem:s15], [sflag:$0xE], $0x10, s8, s16, $0xb8;
	[tilespmem:$0x5800] =	vst v63  }
0xa1: {  	s8 =	sadd.s32 $0x700, s9  }
0xa2: {  	[spmem:s3] =	stream.indirect.scatter.add.f32 [tilespmem:s15], [sflag:$0xF], $0x10, s8, s16, $0xb8;
	[tilespmem:$0x5800] =	vst v63  }
0xa3: {  	s8 =	sadd.s32 $0x780, s9  }
0xa4: {  	[spmem:s3] =	stream.indirect.scatter.add.f32 [tilespmem:s15], [sflag:$0x10], $0x10, s8, s16, $0xb8;
	[tilespmem:$0x5800] =	vst v63  }
0xa5: {  	_ =	swait.ge [sflag:s17], $0x800  }
0xa6: {  	[sflag:s17] =	ssyncset.done $0x0  }
0xa7: {  	[sflag:s17] =	ssyncadd.s32 $0xFFFFF800  }
0xa8: {  	_ =	swait.ge [sflag:s18], $0x800  }
0xa9: {  	[sflag:s18] =	ssyncset.done $0x0  }
0xaa: {  	[sflag:s18] =	ssyncadd.s32 $0xFFFFF800  }
0xab: {  	_ =	swait.ge [sflag:s19], $0x800  }
0xac: {  	[sflag:s19] =	ssyncset.done $0x0  }
0xad: {  	[sflag:s19] =	ssyncadd.s32 $0xFFFFF800  }
0xae: {  	_ =	swait.ge [sflag:s20], $0x800  }
0xaf: {  	[sflag:s20] =	ssyncset.done $0x0  }
0xb0: {  	[sflag:s20] =	ssyncadd.s32 $0xFFFFF800  }
0xb1: {  	_ =	swait.ge [sflag:s21], $0x800  }
0xb2: {  	[sflag:s21] =	ssyncset.done $0x0  }
0xb3: {  	[sflag:s21] =	ssyncadd.s32 $0xFFFFF800  }
0xb4: {  	_ =	swait.ge [sflag:s22], $0x800  }
0xb5: {  	[sflag:s22] =	ssyncset.done $0x0  }
0xb6: {  	[sflag:s22] =	ssyncadd.s32 $0xFFFFF800  }
0xb7: {  	_ =	swait.ge [sflag:s23], $0x800  }
0xb8: {  	[sflag:s23] =	ssyncset.done $0x0  }
0xb9: {  	[sflag:s23] =	ssyncadd.s32 $0xFFFFF800  }
0xba: {  	_ =	swait.ge [sflag:s26], $0x800  }
0xbb: {  	[sflag:s26] =	ssyncset.done $0x0  }
0xbc: {  	[sflag:s26] =	ssyncadd.s32 $0xFFFFF800  }
0xbd: {  	_ =	swait.ge [sflag:s28], $0x800  }
0xbe: {  	[sflag:s28] =	ssyncset.done $0x0  }
0xbf: {  	[sflag:s28] =	ssyncadd.s32 $0xFFFFF800  }
0xc0: {  	_ =	swait.ge [sflag:s29], $0x800  }
0xc1: {  	[sflag:s29] =	ssyncset.done $0x0  }
0xc2: {  	[sflag:s29] =	ssyncadd.s32 $0xFFFFF800  }
0xc3: {  	_ =	swait.ge [sflag:s30], $0x800  }
0xc4: {  	[sflag:s30] =	ssyncset.done $0x0  }
0xc5: {  	[sflag:s30] =	ssyncadd.s32 $0xFFFFF800  }
0xc6: {  	_ =	swait.ge [sflag:s31], $0x800  }
0xc7: {  	[sflag:s31] =	ssyncset.done $0x0  }
0xc8: {  	[sflag:s31] =	ssyncadd.s32 $0xFFFFF800  }
0xc9: {  	_ =	swait.ge [sflag:s1], $0x800  }
0xca: {  	[sflag:s1] =	ssyncset.done $0x0  }
0xcb: {  	[sflag:s1] =	ssyncadd.s32 $0xFFFFF800  }
0xcc: {  	_ =	swait.ge [sflag:s2], $0x800  }
0xcd: {  	[sflag:s2] =	ssyncset.done $0x0  }
0xce: {  	[sflag:s2] =	ssyncadd.s32 $0xFFFFF800  }
.Ltmp0:
0xcf: {  	_ =	swait.ge [sflag:s0], $0x800;
	(pc) =	sbr.rel @p1 .LBB2_2-.Ltmp0, $4  }
0xd0: {  	[sflag:s0] =	ssyncset.done $0x0  }
0xd1: {  	[sflag:s0] =	ssyncadd.s32 $0xFFFFF800  }
0xd2: {  	_ =	swait.ge [sflag:s4], $0x800  }
0xd3: {  	s8 =	smov.u32 s10;
	[sflag:s4] =	ssyncset.done $0x0  }
0xd4: {  	s7 =	sshra.s32 s7, $0x2;
	[sflag:s4] =	ssyncadd.s32 $0xFFFFF800  }
0xd5: {  	[spmem:s3] =	stream.indirect.scatter.add.f32 [tilespmem:s15], [sflag:$0x1], $0x10, s7, s16, $0xb8;
	[tilespmem:$0x5800] =	vst v63  }
0xd6: {  	s8 =	sadd.s32 $0x80, s7  }
0xd7: {  	[spmem:s3] =	stream.indirect.scatter.add.f32 [tilespmem:s15], [sflag:$0x2], $0x10, s8, s16, $0xb8;
	[tilespmem:$0x5800] =	vst v63  }
0xd8: {  	s9 =	sadd.s32 $0x100, s7  }
0xd9: {  	[spmem:s3] =	stream.indirect.scatter.add.f32 [tilespmem:s15], [sflag:$0x3], $0x10, s9, s16, $0xb8;
	[tilespmem:$0x5800] =	vst v63  }
0xda: {  	s10 =	sadd.s32 $0x180, s7  }
0xdb: {  	[spmem:s3] =	stream.indirect.scatter.add.f32 [tilespmem:s15], [sflag:$0x4], $0x10, s10, s16, $0xb8;
	[tilespmem:$0x5800] =	vst v63  }
0xdc: {  	s9 =	sadd.s32 $0x200, s7  }
0xdd: {  	[spmem:s3] =	stream.indirect.scatter.add.f32 [tilespmem:s15], [sflag:$0x5], $0x10, s9, s16, $0xb8;
	[tilespmem:$0x5800] =	vst v63  }
0xde: {  	s10 =	sadd.s32 $0x280, s7  }
0xdf: {  	[spmem:s3] =	stream.indirect.scatter.add.f32 [tilespmem:s15], [sflag:$0x6], $0x10, s10, s16, $0xb8;
	[tilespmem:$0x5800] =	vst v63  }
0xe0: {  	s9 =	sadd.s32 $0x300, s7  }
0xe1: {  	[spmem:s3] =	stream.indirect.scatter.add.f32 [tilespmem:s15], [sflag:$0x7], $0x10, s9, s16, $0xb8;
	[tilespmem:$0x5800] =	vst v63  }
0xe2: {  	s10 =	sadd.s32 $0x380, s7  }
0xe3: {  	[spmem:s3] =	stream.indirect.scatter.add.f32 [tilespmem:s15], [sflag:$0x8], $0x10, s10, s16, $0xb8;
	[tilespmem:$0x5800] =	vst v63  }
0xe4: {  	s9 =	sadd.s32 $0x400, s7  }
0xe5: {  	[spmem:s3] =	stream.indirect.scatter.add.f32 [tilespmem:s15], [sflag:$0x9], $0x10, s9, s16, $0xb8;
	[tilespmem:$0x5800] =	vst v63  }
0xe6: {  	s10 =	sadd.s32 $0x480, s7  }
0xe7: {  	[spmem:s3] =	stream.indirect.scatter.add.f32 [tilespmem:s15], [sflag:$0xA], $0x10, s10, s16, $0xb8;
	[tilespmem:$0x5800] =	vst v63  }
0xe8: {  	s9 =	sadd.s32 $0x500, s7  }
0xe9: {  	[spmem:s3] =	stream.indirect.scatter.add.f32 [tilespmem:s15], [sflag:$0xB], $0x10, s9, s16, $0xb8;
	[tilespmem:$0x5800] =	vst v63  }
0xea: {  	s10 =	sadd.s32 $0x580, s7  }
0xeb: {  	[spmem:s3] =	stream.indirect.scatter.add.f32 [tilespmem:s15], [sflag:$0xC], $0x10, s10, s16, $0xb8;
	[tilespmem:$0x5800] =	vst v63  }
0xec: {  	s9 =	sadd.s32 $0x600, s7  }
0xed: {  	[spmem:s3] =	stream.indirect.scatter.add.f32 [tilespmem:s15], [sflag:$0xD], $0x10, s9, s16, $0xb8;
	[tilespmem:$0x5800] =	vst v63  }
0xee: {  	s10 =	sadd.s32 $0x680, s7  }
0xef: {  	[spmem:s3] =	stream.indirect.scatter.add.f32 [tilespmem:s15], [sflag:$0xE], $0x10, s10, s16, $0xb8;
	[tilespmem:$0x5800] =	vst v63  }
0xf0: {  	s9 =	sadd.s32 $0x700, s7  }
0xf1: {  	[spmem:s3] =	stream.indirect.scatter.add.f32 [tilespmem:s15], [sflag:$0xF], $0x10, s9, s16, $0xb8;
	[tilespmem:$0x5800] =	vst v63  }
0xf2: {  	s7 =	sadd.s32 $0x780, s7  }
0xf3: {  	[spmem:s3] =	stream.indirect.scatter.add.f32 [tilespmem:s15], [sflag:$0x10], $0x10, s7, s16, $0xb8;
	[tilespmem:$0x5800] =	vst v63  }
0xf4: {  	_ =	swait.ge [sflag:s17], $0x800  }
0xf5: {  	[sflag:s17] =	ssyncset.done $0x0  }
0xf6: {  	[sflag:s17] =	ssyncadd.s32 $0xFFFFF800  }
0xf7: {  	_ =	swait.ge [sflag:s18], $0x800  }
0xf8: {  	[sflag:s18] =	ssyncset.done $0x0  }
0xf9: {  	[sflag:s18] =	ssyncadd.s32 $0xFFFFF800  }
0xfa: {  	_ =	swait.ge [sflag:s19], $0x800  }
0xfb: {  	[sflag:s19] =	ssyncset.done $0x0  }
0xfc: {  	[sflag:s19] =	ssyncadd.s32 $0xFFFFF800  }
0xfd: {  	_ =	swait.ge [sflag:s20], $0x800  }
0xfe: {  	[sflag:s20] =	ssyncset.done $0x0  }
0xff: {  	[sflag:s20] =	ssyncadd.s32 $0xFFFFF800  }
0x100: {  	_ =	swait.ge [sflag:s21], $0x800  }
0x101: {  	[sflag:s21] =	ssyncset.done $0x0  }
0x102: {  	[sflag:s21] =	ssyncadd.s32 $0xFFFFF800  }
0x103: {  	_ =	swait.ge [sflag:s22], $0x800  }
0x104: {  	[sflag:s22] =	ssyncset.done $0x0  }
0x105: {  	[sflag:s22] =	ssyncadd.s32 $0xFFFFF800  }
0x106: {  	_ =	swait.ge [sflag:s23], $0x800  }
0x107: {  	[sflag:s23] =	ssyncset.done $0x0  }
0x108: {  	[sflag:s23] =	ssyncadd.s32 $0xFFFFF800  }
0x109: {  	_ =	swait.ge [sflag:s26], $0x800  }
0x10a: {  	[sflag:s26] =	ssyncset.done $0x0  }
0x10b: {  	[sflag:s26] =	ssyncadd.s32 $0xFFFFF800  }
0x10c: {  	_ =	swait.ge [sflag:s28], $0x800  }
0x10d: {  	[sflag:s28] =	ssyncset.done $0x0  }
0x10e: {  	[sflag:s28] =	ssyncadd.s32 $0xFFFFF800  }
0x10f: {  	_ =	swait.ge [sflag:s29], $0x800  }
0x110: {  	[sflag:s29] =	ssyncset.done $0x0  }
0x111: {  	[sflag:s29] =	ssyncadd.s32 $0xFFFFF800  }
0x112: {  	_ =	swait.ge [sflag:s30], $0x800  }
0x113: {  	[sflag:s30] =	ssyncset.done $0x0  }
0x114: {  	[sflag:s30] =	ssyncadd.s32 $0xFFFFF800  }
0x115: {  	_ =	swait.ge [sflag:s31], $0x800  }
0x116: {  	[sflag:s31] =	ssyncset.done $0x0  }
0x117: {  	[sflag:s31] =	ssyncadd.s32 $0xFFFFF800  }
0x118: {  	_ =	swait.ge [sflag:s1], $0x800  }
0x119: {  	[sflag:s1] =	ssyncset.done $0x0  }
0x11a: {  	[sflag:s1] =	ssyncadd.s32 $0xFFFFF800  }
0x11b: {  	_ =	swait.ge [sflag:s2], $0x800  }
0x11c: {  	[sflag:s2] =	ssyncset.done $0x0  }
0x11d: {  	[sflag:s2] =	ssyncadd.s32 $0xFFFFF800  }
0x11e: {  	_ =	swait.ge [sflag:s0], $0x800  }
0x11f: {  	[sflag:s0] =	ssyncset.done $0x0  }
0x120: {  	[sflag:s0] =	ssyncadd.s32 $0xFFFFF800  }
0x121: {  	_ =	swait.ge [sflag:s4], $0x800  }
0x122: {  	s10 =	stileid.u32;
	[sflag:s4] =	ssyncset.done $0x0  }
0x123: {  	s7 =	sshll.u32 s10, $0x6;
	[sflag:s4] =	ssyncadd.s32 $0xFFFFF800  }
0x124: {  	s7 =	sor.u32 $0x1C11, s7;
	[bflag:$0x0] =	sbarrier.arrive $0xFFFF  }
0x125: {  	[hbm:s11], [sflag:s7] =	dma.local [spmem:s24], $0x4E0  }
0x126: {  	_ =	swait.ge [sflag:s14], $0x4E0  }
0x127: {  	s5 =	sadd.s32 $0x1, s5;
	[sflag:s14] =	ssyncset.done $0x0  }
0x128: {  	p1 =	sne.s32 s5, s13;
	[sflag:s14] =	ssyncadd.s32 $0xFFFFFB20  }
0x129: {  	[hbm:s12], [sflag:s7] =	dma.local @!p0 [spmem:s25], $0x20  }
.Ltmp1:
0x12a: {  	_ = 	snop;
	(pc) =	sbr.rel @p1 .LBB2_1-.Ltmp1, $4  }
0x12b: {  	s7 =	simm.s32 @!p0 $0x11  }
0x12c: {  	_ =	swait.ge @!p0 [sflag:s7], $0x20  }
0x12d: {  	[sflag:s7] =	ssyncset.done @!p0 $0x0  }
0x12e: {  	[sflag:s7] =	ssyncadd.s32 @!p0 $0xFFFFFFE0  }
0x12f: {  	_ =	sfence.sel $0x180000  }
0x130: {  	[bflag:$0x0] =	sbarrier.arrive $0xFFFF  }
0x131: {  	_ =	strace $0x90000047  }
0x132: {  	s0 =	stileid.u32;
	[bflag:$0x2] =	sbarrier.arrive $0xFFFF  }
0x133: {  	p0 =	sne.s32 s0, $0x0;
	s0 =	rddreg [dreg:$0x3]  }
0x134: {  	s0 =	sadd.s32 @!p0 $0x100000, s0  }
0x135: {  	[sflag:s0] =	ssyncadd.tile.s32 @!p0 $0x1;
	_ =	shalt  }
.Lfunc_end2:
_tile_overlayer_lowered:
.L_overlay_start_2:
0x136: {  	(tag) =	ssettag $0x2  }
0x137: {  	s0 =	rddreg [dreg:$0x0];
	s2 =	stileid.u32  }
0x138: {  	s1 =	rddreg [dreg:$0x1];
	p0 =	sne.s32 s2, $0x0  }
0x139: {  	s3 =	rddreg [dreg:$0x2];
	[bflag:$0x3] =	sbarrier.arrive $0xFFFF;
	s2 =	simm.s32 @!p0 $0x1C11  }
0x13a: {  	[timem:s3], [sflag:s2] =	dma.local @!p0 [hbm:s0], s1  }
0x13b: {  	s0 =	simm.s32 @!p0 $0x11  }
0x13c: {  	_ =	swait.ge @!p0 [sflag:s0], s1  }
0x13d: {  	s1 =	ssub.s32 @!p0 $0x0, s1;
	[sflag:s0] =	ssyncset.done @!p0 $0x0  }
0x13e: {  	[sflag:s0] =	ssyncadd.s32 @!p0 s1  }
0x13f: {  	[bflag:$0x3] =	sbarrier.arrive $0xFFFF  }
0x140: {  	_ =	shalt  }

// kernel: kernel.14.cloned.1.call-start
scs
__scs_entry_jumppad:
0x0: {  	(pc) =	sbr.rel $0x88, $3  }
0x1: {  	(tag) =	ssettag $0x0;
	lr =	simm.s32 $0x1  }
0x2: {  	[smem:$0x3F97] =	sst lr;
	_ =	strace $0xD0000000  }
0x3: {  	_ = 	snop  }
0x4: {  	_ = 	snop  }
0x5: {  	_ = 	snop  }
0x6: {  	_ = 	snop  }
0x7: {  	_ = 	snop  }
__scs_overlays_trampoline_lowered:
0x8: {  	[smem:$0x3FA6] =	sst s0  }
0x9: {  	[smem:$0x3FA7] =	sst s1  }
0xa: {  	[smem:$0x3FA8] =	sst s2  }
0xb: {  	[smem:$0x3FA9] =	sst s3  }
0xc: {  	[smem:$0x3FAA] =	sst s4  }
0xd: {  	[smem:$0x3FAB] =	sst s5  }
0xe: {  	[smem:$0x3FAC] =	sst s6  }
0xf: {  	[smem:$0x3FAD] =	sst s7  }
0x10: {  	[smem:$0x3FAE] =	sst s8  }
0x11: {  	[smem:$0x3FAF] =	sst s9;
	s0 =	simm.s32 @!p0 $0x0  }
0x12: {  	s1 =	sld [smem:$0x3F95];
	s0 =	simm.s32 @p0 $0x1  }
0x13: {  	[smem:$0x3FB0] =	sst s0;
	s0 =	simm.s32 @!p1 $0x0  }
0x14: {  	s2 =	sld [smem:$0x3F94];
	s0 =	simm.s32 @p1 $0x1  }
0x15: {  	[smem:$0x3FB1] =	sst s0;
	s0 =	simm.s32 @!p2 $0x0  }
0x16: {  	s3 =	sld [smem:$0x3FDB];
	s0 =	simm.s32 @p2 $0x1  }
0x17: {  	s4 =	simm.s32 $0x1BF5;
	[smem:$0x3FB3] =	sst s0  }
0x18: {  	s0 =	sld [smem:$0x3F96];
	_ =	swait.ge [sflag:s4], $0x0  }
0x19: {  	s7 =	sld [smem:$0x3F97]  }
0x1a: {  	s8 =	sadd.s32 $0xFFFFE003, lr  }
0x1b: {  	s9 =	sadd.s32 $0xFFFFFEF7, lr;
	s5 =	simm.s32 $0xFFFFFFFF;
	p2 =	slt.u32 s8, $0xFFFFF086  }
0x1c: {  	p1 =	slt.u32 s9, $0xF7A;
	s5 =	simm.s32 @!p2 $0x0  }
0x1d: {  	s5 =	simm.s32 @p1 $0x1;
	p0 =	seq.s32 s7, s2  }
0x1e: {  	s7 =	smul.u32 @!p0 $0xF7A, s2;
	p2 =	seq.s32 @!p0 s5, $0x0  }
0x1f: {  	s9 =	smul.u32 $0xF7A, s1;
	s8 =	simm.s32 @!p0 $0x1BF5;
	p2 =	por !p2, p0  }
0x20: {  	[sflag:s8] =	ssyncset.s32 @!p0 $0xFFFFF086;
	s6 =	sadd.s32 @!p0 s3, s7;
	s7 =	simm.s32 @!p0 $0x108  }
0x21: {  	s3 =	sadd.s32 s3, s9;
	s6 =	sadd.s32 @!p0 $0x88, s6;
	s7 =	simm.s32 @p2 $0x1082  }
0x22: {  	[simem:s7], [sflag:s8] =	dma.local @!p0 [hbm:s6], $0xF7A  }
0x23: {  	s9 =	sor.u32 $0xD0000000, s2;
	s6 =	simm.s32 $0x108;
	_ =	swait.ge @!p0 [sflag:s8], $0x0  }
0x24: {  	s3 =	sadd.s32 $0x88, s3;
	s6 =	simm.s32 @!p1 $0x1082;
	[sflag:s4] =	ssyncset.s32 $0xFFFFF086  }
0x25: {  	[simem:s6], [sflag:s4] =	dma.local [hbm:s3], $0xF7A  }
0x26: {  	[smem:$0x3F97] =	sst s1;
	(tag) =	ssettag s2;
	_ =	strace s9  }
0x27: {  	s1 =	sld [smem:$0x3FA7]  }
0x28: {  	s2 =	sld [smem:$0x3FA8]  }
0x29: {  	s4 =	sld [smem:$0x3FAA]  }
0x2a: {  	p0 =	seq.s32 s5, $0x0;
	s5 =	sld [smem:$0x3FAB]  }
0x2b: {  	s6 =	sld [smem:$0x3FAC]  }
0x2c: {  	s7 =	sld [smem:$0x3FAD]  }
0x2d: {  	s3 =	simm.s32 $0x108;
	s8 =	sld [smem:$0x3FAE]  }
0x2e: {  	s3 =	simm.s32 @!p0 $0x1082;
	s9 =	sld [smem:$0x3FAF]  }
0x2f: {  	lr =	sadd.s32 s0, s3;
	s0 =	sld [smem:$0x3FA6]  }
0x30: {  	s3 =	sld [smem:$0x3FA9]  }
0x31: {  	[smem:$0x3FB2] =	sst s10  }
0x32: {  	s10 =	sld [smem:$0x3FB0];
	_ =	sdelay $0x3  }
0x33: {  	p0 =	seq.s32 s10, $0x1;
	s10 =	sld [smem:$0x3FB2];
	_ =	sdelay $0x3  }
0x34: {  	[smem:$0x3FB2] =	sst s10  }
0x35: {  	s10 =	sld [smem:$0x3FB1];
	_ =	sdelay $0x3  }
0x36: {  	p1 =	seq.s32 s10, $0x1;
	s10 =	sld [smem:$0x3FB2];
	_ =	sdelay $0x3  }
0x37: {  	[smem:$0x3FB2] =	sst s10  }
0x38: {  	s10 =	sld [smem:$0x3FB3]  }
0x39: {  	_ = 	snop;
	(pc) =	sbr.ind lr, $3  }
0x3a: {  	_ = 	snop  }
0x3b: {  	_ = 	snop  }
0x3c: {  	p2 =	seq.s32 s10, $0x1;
	s10 =	sld [smem:$0x3FB2]  }
0x3d: {  	_ =	shalt  }
0x3e: {  	_ =	shalt  }
0x3f: {  	_ =	shalt  }
0x40: {  	_ =	shalt  }
0x41: {  	_ =	shalt  }
0x42: {  	_ =	shalt  }
0x43: {  	_ =	shalt  }
0x44: {  	_ =	shalt  }
0x45: {  	_ =	shalt  }
0x46: {  	_ =	shalt  }
0x47: {  	_ =	shalt  }
0x48: {  	_ =	shalt  }
0x49: {  	_ =	shalt  }
0x4a: {  	_ =	shalt  }
0x4b: {  	_ =	shalt  }
0x4c: {  	_ =	shalt  }
0x4d: {  	_ =	shalt  }
0x4e: {  	_ =	shalt  }
0x4f: {  	_ =	shalt  }
0x50: {  	_ =	shalt  }
0x51: {  	_ =	shalt  }
0x52: {  	_ =	shalt  }
0x53: {  	_ =	shalt  }
0x54: {  	_ =	shalt  }
0x55: {  	_ =	shalt  }
0x56: {  	_ =	shalt  }
0x57: {  	_ =	shalt  }
0x58: {  	_ =	shalt  }
0x59: {  	_ =	shalt  }
0x5a: {  	_ =	shalt  }
0x5b: {  	_ =	shalt  }
0x5c: {  	_ =	shalt  }
0x5d: {  	_ =	shalt  }
0x5e: {  	_ =	shalt  }
0x5f: {  	_ =	shalt  }
0x60: {  	_ =	shalt  }
0x61: {  	_ =	shalt  }
0x62: {  	_ =	shalt  }
0x63: {  	_ =	shalt  }
0x64: {  	_ =	shalt  }
0x65: {  	_ =	shalt  }
0x66: {  	_ =	shalt  }
0x67: {  	_ =	shalt  }
0x68: {  	_ =	shalt  }
0x69: {  	_ =	shalt  }
0x6a: {  	_ =	shalt  }
0x6b: {  	_ =	shalt  }
0x6c: {  	_ =	shalt  }
0x6d: {  	_ =	shalt  }
0x6e: {  	_ =	shalt  }
0x6f: {  	_ =	shalt  }
0x70: {  	_ =	shalt  }
0x71: {  	_ =	shalt  }
0x72: {  	_ =	shalt  }
0x73: {  	_ =	shalt  }
0x74: {  	_ =	shalt  }
0x75: {  	_ =	shalt  }
0x76: {  	_ =	shalt  }
0x77: {  	_ =	shalt  }
0x78: {  	_ =	shalt  }
0x79: {  	_ =	shalt  }
0x7a: {  	_ =	shalt  }
0x7b: {  	_ =	shalt  }
0x7c: {  	_ =	shalt  }
0x7d: {  	_ =	shalt  }
0x7e: {  	_ =	shalt  }
0x7f: {  	_ =	shalt  }
0x80: {  	_ =	shalt  }
0x81: {  	_ =	shalt  }
0x82: {  	_ =	shalt  }
0x83: {  	_ =	shalt  }
0x84: {  	_ =	shalt  }
0x85: {  	_ =	shalt  }
0x86: {  	_ =	shalt  }
0x87: {  	_ =	shalt  }
.Lfunc_end0:
.L_simem_size_0:
called_computation.1_lowered:
.L_overlay_start_0:
0x88: {  	s2 =	sld [smem:$0x3FD9]  }
0x89: {  	s3 =	sld [smem:$0x3FFE];
	_ =	sdelay $0x1  }
0x8a: {  	s1 =	srdreg.scid  }
0x8b: {  	s0 =	sand.u32 $0x1, s1  }
0x8c: {  	s16 =	sshll.u32 s0, $0xA;
	s2 =	sadd.s32 s3, s2  }
0x8d: {  	s2 =	sadd.s32 s2, s16  }
0x8e: {  	[smem:$0x3FBE] =	sst s2  }
0x8f: {  	_ = 	snop  }
0x90: {  	(tm) =	ssettm $0x1  }
0x91: {  	s17 =	sld [smem:$0x3FFB];
	_ =	sdelay $0x3  }
0x92: {  	_ =	strace s17  }
0x93: {  	s2 =	sld [smem:$0x3FFC];
	_ =	sdelay $0x3  }
0x94: {  	_ =	strace s2  }
0x95: {  	s2 =	sld [smem:$0x3FFD];
	_ =	sdelay $0x3  }
0x96: {  	_ =	strace s2  }
0x97: {  	_ =	strace $0x8FFFFFFF  }
0x98: {  	s18 =	sld [smem:$0x3FDB];
	_ =	sdelay $0x1  }
0x99: {  	s19 =	simm.s32 $_scs_section_size  }
0x9a: {  	s4 =	simm.s32 $_size__tile_overlayer_lowered;
	s5 =	simm.s32 $_tile_overlayer_lowered  }
0x9b: {  	s22 =	simm.s32 $0x1BFF;
	s21 =	sshll.u32 s5, $0x1;
	s2 =	sadd.s32 s19, s18  }
0x9c: {  	s6 =	simm.s32 $0x0;
	s20 =	sshll.u32 s4, $0x1;
	s4 =	sadd.s32 s21, s2  }
0x9d: {  	[timem:s6], [sflag:s22] =	dma.local [hbm:s4], s20  }
0x9e: {  	_ =	swait.ge [sflag:s22], s20  }
0x9f: {  	s3 =	ssub.s32 $0x0, s20;
	[sflag:s22] =	ssyncset.done $0x0  }
0xa0: {  	[sflag:s22] =	ssyncadd.s32 s3;
	_ =	sdelay $0x1  }
0xa1: {  	s23 =	simm.s32 $0x1B8B  }
0xa2: {  	_ =	swait.ge [sflag:s23], $0x1  }
0xa3: {  	[sflag:s23] =	ssyncset.done $0x0  }
0xa4: {  	s25 =	simm.s32 $0x1B8E;
	s24 =	sld [smem:$0x3FFE];
	[sflag:s23] =	ssyncadd.s32 $0xFFFFFFFF  }
0xa5: {  	s26 =	simm.s32 $execute0_lowered;
	[smem:$0x3FD2] =	sst s25  }
0xa6: {  	s4 =	sshll.u32 s26, $0x1;
	_ =	strace $0x80000049;
	[dreg:$0x1] =	wrdreg $0xFFFFFFFF  }
0xa7: {  	s28 =	simm.s32 $_size_execute0_lowered;
	s2 =	sadd.s32 s2, s4;
	[dreg:$0x0] =	wrdreg $0x0  }
0xa8: {  	s4 =	sshll.u32 s28, $0x1;
	[dreg:$0x2] =	wrdreg s2  }
0xa9: {  	[dreg:$0x3] =	wrdreg s4  }
0xaa: {  	[dreg:$0x4] =	wrdreg $0xC0  }
0xab: {  	_ =	task [dreg:s6], $0x5FFFF  }
0xac: {  	[dreg:$0x1] =	wrdreg $0xFFFFFFFF  }
0xad: {  	[dreg:$0x0] =	wrdreg $0x60  }
0xae: {  	[dreg:$0x2] =	wrdreg s24  }
0xaf: {  	[dreg:$0x3] =	wrdreg $0x140000  }
0xb0: {  	[dreg:$0x4] =	wrdreg $0x18E200  }
0xb1: {  	[dreg:$0x5] =	wrdreg $0x9  }
0xb2: {  	_ =	task.clear_ibuf [dreg:s6], $0x6FFFF;
	_ =	strace $0x90000049  }
0xb3: {  	s29 =	simm.s32 $0x9;
	_ =	strace $0x8000004B  }
0xb4: {  	_ =	swait.ge [sflag:s29], $0x1  }
0xb5: {  	[sflag:s29] =	ssyncadd.s32 $0xFFFFFFFF  }
0xb6: {  	_ =	strace $0x9000004B  }
0xb7: {  	_ =	sfence  }
0xb8: {  	s30 =	sld [smem:$0x0];
	_ =	sdelay $0x2  }
0xb9: {  	s31 =	sshll.u32 s1, $0xD;
	s1 =	sshrl.u32 s1, $0x2  }
0xba: {  	s3 =	sand.u32 $0x4000, s31;
	s1 =	sadd.s32 s1, s30  }
0xbb: {  	s0 =	sor.u32 s3, s0;
	s1 =	sshll.u32 s1, $0x11  }
0xbc: {  	s0 =	sor.u32 s1, s0  }
0xbd: {  	s0 =	sadd.s32 $0x8F2B, s0  }
0xbe: {  	[sflag:s0] =	ssyncadd.remote.s32 $0x1  }
0xbf: {  	_ =	sfence.sel $0xFFFF  }
0xc0: {  	[dreg:$0x0] =	wrdreg $0xFFFFFFFF;
	(pc) =	sbr.abs _section_cstart, $3  }
0xc1: {  	[dreg:$0x1] =	wrdreg $0xFFFFFFFF  }
0xc2: {  	_ =	task.clear_ibuf [dreg:s6], $0x2FFFF;
	_ =	strace $0x9FFFFFFF  }
0xc3: {  	(tm) =	ssettm $0x7FFFFFFF  }
tec
execute0_lowered:
.L_overlay_start_1:
0x0: {  	(tag) =	ssettag $0x1  }
0x1: {  	s0 =	rddreg [dreg:$0x0]  }
0x2: {  	s2 =	rddreg [dreg:$0x1]  }
0x3: {  	s3 =	rddreg [dreg:$0x2]  }
0x4: {  	s4 =	simm.s32 $0x0;
	s9 =	stileid.u32;
	s1 =	srdreg.scid  }
0x5: {  	s16 =	simm.s32 $0xB;
	s29 =	simm.s32 $0xD000;
	s31 =	simm.s32 $0xE000  }
0x6: {  	s30 =	simm.s32 $0x11000;
	s15 =	simm.s32 $0x12000;
	s28 =	simm.s32 $0x2  }
0x7: {  	s11 =	simm.s32 $0x9;
	s12 =	simm.s32 $0xA;
	s17 =	smul.u32 $0xA00, s9  }
0x8: {  	[smem:$0x7FF] =	sst s4;
	s1 =	sand.u32 $0x1, s1;
	s8 =	smul.u32 $0x9C00, s9  }
0x9: {  	s5 =	sadd.s32 $0x6E600, s0;
	s19 =	smul.u32 $0x4E00, s9;
	s23 =	sadd.s32 $0x4E000, s3  }
0xa: {  	p0 =	sne.s32 s9, $0xF;
	s25 =	sshll.u32 s9, $0x6;
	s9 =	simm.s32 $0x0  }
0xb: {  	_ =	strace $0x8000004A;
	s6 =	ssub.s32 $0x2, s1;
	s18 =	sshll.u32 s1, $0x5  }
0xc: {  	s1 =	sshll.u32 s1, $0x2;
	[dreg:$0x9] =	wrdreg s23;
	s23 =	simm.s32 $0xA000  }
0xd: {  	s4 =	sadd.s32 s17, s0;
	s7 =	sshrl.u32 s6, $0x1;
	s0 =	sadd.s32 $0x82000, s0  }
0xe: {  	s21 =	sadd.s32 s19, s2;
	s17 =	sor.u32 $0x1C0B, s25;
	s25 =	simm.s32 $0x10000  }
0xf: {  	s6 =	ssub.s32 s6, s7;
	s10 =	sadd.s32 $0x16400, s4;
	s7 =	sor.u32 s18, s8  }
0x10: {  	s4 =	sadd.s32 $0x2600, s4;
	s8 =	sadd.s32 s19, s3;
	[dreg:$0x4] =	wrdreg s10  }
0x11: {  	s26 =	sshrl.u32 s21, $0x3;
	s18 =	simm.s32 $0x1;
	[dreg:$0x5] =	wrdreg s4  }
0x12: {  	s19 =	simm.s32 $0x4;
	s20 =	sshrl.u32 s7, $0x3;
	[dreg:$0x7] =	wrdreg s8  }
0x13: {  	s8 =	sadd.s32 $0x4E000, s2;
	s24 =	smax.u32 s6, $0x1;
	[dreg:$0xd] =	wrdreg s26  }
0x14: {  	s26 =	simm.s32 $0xC000;
	s6 =	simm.s32 $0x5;
	s10 =	simm.s32 $0x7  }
0x15: {  	s22 =	sadd.s32 s5, s20;
	s5 =	sadd.s32 s1, s5;
	s4 =	sadd.s32 s0, s20  }
0x16: {  	s0 =	sadd.s32 s1, s0;
	[dreg:$0xc] =	wrdreg s24;
	s20 =	simm.s32 $0x8  }
.Ltmp0:
0x17: {  	s24 =	simm.s32 $0xB000;
	[dreg:$0x6] =	wrdreg s22;
	(pc) =	sbr.rel .LBB2_1-.Ltmp0, $4  }
0x18: {  	s1 =	simm.s32 $0xF000;
	s5 =	sadd.s32 $0x13800, s5;
	[dreg:$0xa] =	wrdreg s4  }
0x19: {  	s0 =	sadd.s32 $0x13800, s0;
	s22 =	simm.s32 $0x80;
	[dreg:$0x8] =	wrdreg s5  }
0x1a: {  	[dreg:$0xb] =	wrdreg s0;
	s0 =	sshrl.u32 @!p0 s8, $0x3;
	s5 =	simm.s32 $0x3  }
0x1b: {  	s8 =	simm.s32 $0x6;
	[dreg:$0xe] =	wrdreg s0;
	s0 =	simm.s32 $0x13000  }
.LBB2_4:
0x1c: {  	_ =	swait.ge [sflag:s28], $0x1000  }
0x1d: {  	[sflag:s28] =	ssyncset.done $0x0  }
0x1e: {  	[sflag:s28] =	ssyncadd.s32 $0xFFFFF000  }
0x1f: {  	_ =	swait.ge [sflag:s5], $0x1000  }
0x20: {  	[sflag:s5] =	ssyncset.done $0x0  }
0x21: {  	[sflag:s5] =	ssyncadd.s32 $0xFFFFF000  }
0x22: {  	_ =	swait.ge [sflag:s19], $0x1000  }
0x23: {  	[sflag:s19] =	ssyncset.done $0x0  }
0x24: {  	[sflag:s19] =	ssyncadd.s32 $0xFFFFF000  }
0x25: {  	_ =	swait.ge [sflag:s6], $0x1000  }
0x26: {  	[sflag:s6] =	ssyncset.done $0x0  }
0x27: {  	[sflag:s6] =	ssyncadd.s32 $0xFFFFF000  }
0x28: {  	_ =	swait.ge [sflag:s8], $0x1000  }
0x29: {  	[sflag:s8] =	ssyncset.done $0x0  }
0x2a: {  	[sflag:s8] =	ssyncadd.s32 $0xFFFFF000  }
0x2b: {  	_ =	swait.ge [sflag:s10], $0x1000  }
0x2c: {  	[sflag:s10] =	ssyncset.done $0x0  }
0x2d: {  	[sflag:s10] =	ssyncadd.s32 $0xFFFFF000  }
0x2e: {  	_ =	swait.ge [sflag:s20], $0x1000  }
0x2f: {  	[sflag:s20] =	ssyncset.done $0x0  }
0x30: {  	[sflag:s20] =	ssyncadd.s32 $0xFFFFF000  }
0x31: {  	_ =	swait.ge [sflag:s11], $0x1000  }
0x32: {  	[sflag:s11] =	ssyncset.done $0x0  }
0x33: {  	[sflag:s11] =	ssyncadd.s32 $0xFFFFF000  }
0x34: {  	_ =	swait.ge [sflag:s12], $0x1000  }
0x35: {  	[sflag:s12] =	ssyncset.done $0x0  }
0x36: {  	[sflag:s12] =	ssyncadd.s32 $0xFFFFF000  }
0x37: {  	[bflag:$0x0] =	sbarrier.arrive $0xFFFF  }
0x38: {  	s4 =	rddreg [dreg:$0xa]  }
0x39: {  	s16 =	simm.s32 $0xB;
	s7 =	rddreg [dreg:$0x10]  }
0x3a: {  	[hbm:s4@s20], [sflag:s14] =	dma.strided [spmem:s7@s19], $0x9C0, s18, $0x4   }
0x3b: {  	s17 =	smov.u32 s14;
	_ =	swait.ge [sflag:s16], $0x9C0  }
0x3c: {  	s9 =	simm.s32 @!p0 $0x4;
	s4 =	simm.s32 @!p0 $0x1;
	[sflag:s16] =	ssyncset.done $0x0  }
0x3d: {  	s7 =	simm.s32 @!p0 $0x8;
	s14 =	rddreg [dreg:$0xb];
	[sflag:s16] =	ssyncadd.s32 $0xFFFFF640  }
0x3e: {  	[hbm:s14@s7], [sflag:s17] =	dma.strided @!p0 [spmem:s13@s9], $0x40, s4, $0x4   }
0x3f: {  	s4 =	simm.s32 @!p0 $0xB  }
0x40: {  	_ =	swait.ge @!p0 [sflag:s4], $0x40  }
0x41: {  	s14 =	rddreg [dreg:$0xf]  }
0x42: {  	s21 =	rddreg [dreg:$0xc];
	s9 =	sadd.s32 $0x1, s14  }
0x43: {  	p1 =	sne.s32 s9, s21  }
.Ltmp1:
0x44: {  	_ = 	snop;
	(pc) =	sbr.rel @!p1 .LBB2_5-.Ltmp1, $3  }
0x45: {  	_ =	sdelay $0x1  }
0x46: {  	[sflag:s4] =	ssyncset.done @!p0 $0x0  }
0x47: {  	[sflag:s4] =	ssyncadd.s32 @!p0 $0xFFFFFFC0  }
.LBB2_1:
0x48: {  	[dreg:$0xf] =	wrdreg s9  }
0x49: {  	s14 =	simm.s32 $0x0;
	s4 =	rddreg [dreg:$0x4]  }
0x4a: {  	[tilespmem:s14], [sflag:$0xB] =	stream.linear.gather [hbm4b:s4+s14], $0x5000, $0x38;
	[tilespmem:$0x1DE20] =	vst v63  }
0x4b: {  	_ =	swait.ge [sflag:s16], $0x5000  }
0x4c: {  	[sflag:s16] =	ssyncset.done $0x0  }
0x4d: {  	s7 =	simm.s32 $0x5000;
	s21 =	rddreg [dreg:$0x5];
	[sflag:s16] =	ssyncadd.s32 $0xFFFFB000  }
0x4e: {  	[tilespmem:s7], [sflag:$0xB] =	stream.linear.gather [hbm4b:s21+s14], $0x5000, $0x38;
	[tilespmem:$0x1DE20] =	vst v63  }
0x4f: {  	_ =	swait.ge [sflag:s16], $0x5000  }
0x50: {  	[sflag:s16] =	ssyncset.done $0x0;
	s13 =	rddreg [dreg:$0x6]  }
0x51: {  	s14 =	rddreg [dreg:$0xd];
	[sflag:s16] =	ssyncadd.s32 $0xFFFFB000  }
0x52: {  	[spmem:s14@s19], [sflag:s17] =	dma.strided [hbm:s13@s20], $0x9C0, s18, $0x4   }
0x53: {  	_ =	swait.ge [sflag:s16], $0x9C0  }
0x54: {  	s21 =	rddreg [dreg:$0x7]  }
0x55: {  	[sflag:s16] =	ssyncset.done $0x0;
	s7 =	sshrl.u32 s21, $0x3  }
0x56: {  	[sflag:s16] =	ssyncadd.s32 $0xFFFFF640;
	[dreg:$0x10] =	wrdreg s7  }
0x57: {  	[spmem:s7@s19], [sflag:s17] =	dma.strided [hbm:s13@s20], $0x9C0, s18, $0x4   }
0x58: {  	s9 =	simm.s32 @!p0 $0x8;
	_ =	swait.ge [sflag:s16], $0x9C0  }
0x59: {  	s21 =	simm.s32 @!p0 $0x1;
	[sflag:s16] =	ssyncset.done $0x0;
	s13 =	rddreg [dreg:$0xe]  }
0x5a: {  	s7 =	simm.s32 @!p0 $0x4;
	[sflag:s16] =	ssyncadd.s32 $0xFFFFF640;
	s16 =	rddreg [dreg:$0x8]  }
0x5b: {  	[spmem:s13@s7], [sflag:s17] =	dma.strided @!p0 [hbm:s16@s9], $0x40, s21, $0x4   }
0x5c: {  	s4 =	smov.u32 s17;
	s17 =	simm.s32 @!p0 $0xB  }
0x5d: {  	_ =	swait.ge @!p0 [sflag:s17], $0x40  }
0x5e: {  	[sflag:s17] =	ssyncset.done @!p0 $0x0;
	s14 =	rddreg [dreg:$0x9]  }
0x5f: {  	[sflag:s17] =	ssyncadd.s32 @!p0 $0xFFFFFFC0;
	s13 =	sshrl.u32 @!p0 s14, $0x3  }
0x60: {  	[spmem:s13@s7], [sflag:s4] =	dma.strided @!p0 [hbm:s16@s9], $0x40, s21, $0x4   }
0x61: {  	_ =	swait.ge @!p0 [sflag:s17], $0x40  }
0x62: {  	[sflag:s17] =	ssyncset.done @!p0 $0x0  }
0x63: {  	[sflag:s17] =	ssyncadd.s32 @!p0 $0xFFFFFFC0  }
0x64: {  	s9 =	simm.s32 $0x0;
	[bflag:$0x0] =	sbarrier.arrive $0xFFFF  }
0x65: {  	[tilespmem:s23], [sflag:$0x1] =	stream.indirect.gather [spmem:s2], $0x20, s9, s22, $0xb8;
	[tilespmem:$0x1DE20] =	vst v63  }
0x66: {  	_ = 	snop  }
0x67: {  	[tilespmem:s24], [sflag:$0x2] =	stream.indirect.gather [spmem:s2], $0x20, s22, s22, $0xb8;
	[tilespmem:$0x1DE20] =	vst v63  }
0x68: {  	s16 =	simm.s32 $0x100  }
0x69: {  	[tilespmem:s26], [sflag:$0x3] =	stream.indirect.gather [spmem:s2], $0x20, s16, s22, $0xb8;
	[tilespmem:$0x1DE20] =	vst v63  }
0x6a: {  	s17 =	simm.s32 $0x180  }
0x6b: {  	[tilespmem:s29], [sflag:$0x4] =	stream.indirect.gather [spmem:s2], $0x20, s17, s22, $0xb8;
	[tilespmem:$0x1DE20] =	vst v63  }
0x6c: {  	s21 =	simm.s32 $0x200  }
0x6d: {  	[tilespmem:s31], [sflag:$0x5] =	stream.indirect.gather [spmem:s2], $0x20, s21, s22, $0xb8;
	[tilespmem:$0x1DE20] =	vst v63  }
0x6e: {  	s7 =	simm.s32 $0x280  }
0x6f: {  	[tilespmem:s1], [sflag:$0x6] =	stream.indirect.gather [spmem:s2], $0x20, s7, s22, $0xb8;
	[tilespmem:$0x1DE20] =	vst v63  }
0x70: {  	s9 =	simm.s32 $0x300  }
0x71: {  	[tilespmem:s25], [sflag:$0x7] =	stream.indirect.gather [spmem:s2], $0x20, s9, s22, $0xb8;
	[tilespmem:$0x1DE20] =	vst v63  }
0x72: {  	s16 =	simm.s32 $0x380  }
0x73: {  	[tilespmem:s30], [sflag:$0x8] =	stream.indirect.gather [spmem:s2], $0x20, s16, s22, $0xb8;
	[tilespmem:$0x1DE20] =	vst v63  }
0x74: {  	s17 =	simm.s32 $0x400  }
0x75: {  	[tilespmem:s15], [sflag:$0x9] =	stream.indirect.gather [spmem:s2], $0x20, s17, s22, $0xb8;
	[tilespmem:$0x1DE20] =	vst v63  }
0x76: {  	s14 =	smov.u32 s4;
	s4 =	simm.s32 $0x0;
	s21 =	simm.s32 $0x480  }
0x77: {  	[tilespmem:s0], [sflag:$0xA] =	stream.indirect.gather [spmem:s2], $0x20, s21, s22, $0xb8;
	[tilespmem:$0x1DE20] =	vst v63  }
.LBB2_2:
0x78: {  	_ =	swait.ge [sflag:s18], $0x1000  }
0x79: {  	s7 =	sshra.s32 s4, $0x2;
	[sflag:s18] =	ssyncset.done $0x0  }
0x7a: {  	s9 =	sadd.s32 $0x5000, s7;
	[sflag:s18] =	ssyncadd.s32 $0xFFFFF000  }
0x7b: {  	[spmem:s3] =	stream.indirect.scatter.add.f32 [tilespmem:s23], [sflag:$0x1], $0x20, s9, s22, $0xb8;
	[tilespmem:$0x1DE20] =	vst v63  }
0x7c: {  	_ =	swait.ge [sflag:s28], $0x1000  }
0x7d: {  	[sflag:s28] =	ssyncset.done $0x0  }
0x7e: {  	s16 =	sadd.s32 $0x5080, s7;
	[sflag:s28] =	ssyncadd.s32 $0xFFFFF000  }
0x7f: {  	[spmem:s3] =	stream.indirect.scatter.add.f32 [tilespmem:s24], [sflag:$0x2], $0x20, s16, s22, $0xb8;
	[tilespmem:$0x1DE20] =	vst v63  }
0x80: {  	_ =	swait.ge [sflag:s5], $0x1000  }
0x81: {  	[sflag:s5] =	ssyncset.done $0x0  }
0x82: {  	s17 =	sadd.s32 $0x5100, s7;
	[sflag:s5] =	ssyncadd.s32 $0xFFFFF000  }
0x83: {  	[spmem:s3] =	stream.indirect.scatter.add.f32 [tilespmem:s26], [sflag:$0x3], $0x20, s17, s22, $0xb8;
	[tilespmem:$0x1DE20] =	vst v63  }
0x84: {  	_ =	swait.ge [sflag:s19], $0x1000  }
0x85: {  	[sflag:s19] =	ssyncset.done $0x0  }
0x86: {  	s21 =	sadd.s32 $0x5180, s7;
	[sflag:s19] =	ssyncadd.s32 $0xFFFFF000  }
0x87: {  	[spmem:s3] =	stream.indirect.scatter.add.f32 [tilespmem:s29], [sflag:$0x4], $0x20, s21, s22, $0xb8;
	[tilespmem:$0x1DE20] =	vst v63  }
0x88: {  	_ =	swait.ge [sflag:s6], $0x1000  }
0x89: {  	[sflag:s6] =	ssyncset.done $0x0  }
0x8a: {  	s16 =	sadd.s32 $0x5200, s7;
	[sflag:s6] =	ssyncadd.s32 $0xFFFFF000  }
0x8b: {  	[spmem:s3] =	stream.indirect.scatter.add.f32 [tilespmem:s31], [sflag:$0x5], $0x20, s16, s22, $0xb8;
	[tilespmem:$0x1DE20] =	vst v63  }
0x8c: {  	_ =	swait.ge [sflag:s8], $0x1000  }
0x8d: {  	[sflag:s8] =	ssyncset.done $0x0  }
0x8e: {  	s17 =	sadd.s32 $0x5280, s7;
	[sflag:s8] =	ssyncadd.s32 $0xFFFFF000  }
0x8f: {  	[spmem:s3] =	stream.indirect.scatter.add.f32 [tilespmem:s1], [sflag:$0x6], $0x20, s17, s22, $0xb8;
	[tilespmem:$0x1DE20] =	vst v63  }
0x90: {  	_ =	swait.ge [sflag:s10], $0x1000  }
0x91: {  	[sflag:s10] =	ssyncset.done $0x0  }
0x92: {  	s21 =	sadd.s32 $0x5300, s7;
	[sflag:s10] =	ssyncadd.s32 $0xFFFFF000  }
0x93: {  	[spmem:s3] =	stream.indirect.scatter.add.f32 [tilespmem:s25], [sflag:$0x7], $0x20, s21, s22, $0xb8;
	[tilespmem:$0x1DE20] =	vst v63  }
0x94: {  	_ =	swait.ge [sflag:s20], $0x1000  }
0x95: {  	[sflag:s20] =	ssyncset.done $0x0  }
0x96: {  	s16 =	sadd.s32 $0x5380, s7;
	[sflag:s20] =	ssyncadd.s32 $0xFFFFF000  }
0x97: {  	[spmem:s3] =	stream.indirect.scatter.add.f32 [tilespmem:s30], [sflag:$0x8], $0x20, s16, s22, $0xb8;
	[tilespmem:$0x1DE20] =	vst v63  }
0x98: {  	_ =	swait.ge [sflag:s11], $0x1000  }
0x99: {  	[sflag:s11] =	ssyncset.done $0x0  }
0x9a: {  	s17 =	sadd.s32 $0x5400, s7;
	[sflag:s11] =	ssyncadd.s32 $0xFFFFF000  }
0x9b: {  	[spmem:s3] =	stream.indirect.scatter.add.f32 [tilespmem:s15], [sflag:$0x9], $0x20, s17, s22, $0xb8;
	[tilespmem:$0x1DE20] =	vst v63  }
0x9c: {  	_ =	swait.ge [sflag:s12], $0x1000  }
0x9d: {  	p1 =	seq.s32 s4, $0x12C00;
	[sflag:s12] =	ssyncset.done $0x0  }
.Ltmp2:
0x9e: {  	s21 =	sadd.s32 $0x5480, s7;
	[sflag:s12] =	ssyncadd.s32 $0xFFFFF000;
	(pc) =	sbr.rel @p1 .LBB2_4-.Ltmp2, $4  }
0x9f: {  	[spmem:s3] =	stream.indirect.scatter.add.f32 [tilespmem:s0], [sflag:$0xA], $0x20, s21, s22, $0xb8;
	[tilespmem:$0x1DE20] =	vst v63  }
0xa0: {  	_ =	swait.ge [sflag:s18], $0x1000  }
0xa1: {  	[sflag:s18] =	ssyncset.done $0x0  }
0xa2: {  	[sflag:s18] =	ssyncadd.s32 $0xFFFFF000  }
0xa3: {  	s9 =	sadd.s32 $0x500, s7  }
0xa4: {  	[tilespmem:s23], [sflag:$0x1] =	stream.indirect.gather [spmem:s2], $0x20, s9, s22, $0xb8;
	[tilespmem:$0x1DE20] =	vst v63  }
0xa5: {  	_ =	swait.ge [sflag:s28], $0x1000  }
0xa6: {  	[sflag:s28] =	ssyncset.done $0x0  }
0xa7: {  	s16 =	sadd.s32 $0x580, s7;
	[sflag:s28] =	ssyncadd.s32 $0xFFFFF000  }
0xa8: {  	[tilespmem:s24], [sflag:$0x2] =	stream.indirect.gather [spmem:s2], $0x20, s16, s22, $0xb8;
	[tilespmem:$0x1DE20] =	vst v63  }
0xa9: {  	_ =	swait.ge [sflag:s5], $0x1000  }
0xaa: {  	[sflag:s5] =	ssyncset.done $0x0  }
0xab: {  	s17 =	sadd.s32 $0x600, s7;
	[sflag:s5] =	ssyncadd.s32 $0xFFFFF000  }
0xac: {  	[tilespmem:s26], [sflag:$0x3] =	stream.indirect.gather [spmem:s2], $0x20, s17, s22, $0xb8;
	[tilespmem:$0x1DE20] =	vst v63  }
0xad: {  	_ =	swait.ge [sflag:s19], $0x1000  }
0xae: {  	[sflag:s19] =	ssyncset.done $0x0  }
0xaf: {  	s21 =	sadd.s32 $0x680, s7;
	[sflag:s19] =	ssyncadd.s32 $0xFFFFF000  }
0xb0: {  	[tilespmem:s29], [sflag:$0x4] =	stream.indirect.gather [spmem:s2], $0x20, s21, s22, $0xb8;
	[tilespmem:$0x1DE20] =	vst v63  }
0xb1: {  	_ =	swait.ge [sflag:s6], $0x1000  }
0xb2: {  	[sflag:s6] =	ssyncset.done $0x0  }
0xb3: {  	s16 =	sadd.s32 $0x700, s7;
	[sflag:s6] =	ssyncadd.s32 $0xFFFFF000  }
0xb4: {  	[tilespmem:s31], [sflag:$0x5] =	stream.indirect.gather [spmem:s2], $0x20, s16, s22, $0xb8;
	[tilespmem:$0x1DE20] =	vst v63  }
0xb5: {  	_ =	swait.ge [sflag:s8], $0x1000  }
0xb6: {  	[sflag:s8] =	ssyncset.done $0x0  }
0xb7: {  	s17 =	sadd.s32 $0x780, s7;
	[sflag:s8] =	ssyncadd.s32 $0xFFFFF000  }
0xb8: {  	[tilespmem:s1], [sflag:$0x6] =	stream.indirect.gather [spmem:s2], $0x20, s17, s22, $0xb8;
	[tilespmem:$0x1DE20] =	vst v63  }
0xb9: {  	_ =	swait.ge [sflag:s10], $0x1000  }
0xba: {  	[sflag:s10] =	ssyncset.done $0x0  }
0xbb: {  	s21 =	sadd.s32 $0x800, s7;
	[sflag:s10] =	ssyncadd.s32 $0xFFFFF000  }
0xbc: {  	[tilespmem:s25], [sflag:$0x7] =	stream.indirect.gather [spmem:s2], $0x20, s21, s22, $0xb8;
	[tilespmem:$0x1DE20] =	vst v63  }
0xbd: {  	_ =	swait.ge [sflag:s20], $0x1000  }
0xbe: {  	[sflag:s20] =	ssyncset.done $0x0  }
0xbf: {  	s16 =	sadd.s32 $0x880, s7;
	[sflag:s20] =	ssyncadd.s32 $0xFFFFF000  }
0xc0: {  	[tilespmem:s30], [sflag:$0x8] =	stream.indirect.gather [spmem:s2], $0x20, s16, s22, $0xb8;
	[tilespmem:$0x1DE20] =	vst v63  }
0xc1: {  	_ =	swait.ge [sflag:s11], $0x1000  }
0xc2: {  	[sflag:s11] =	ssyncset.done $0x0  }
0xc3: {  	s17 =	sadd.s32 $0x900, s7;
	[sflag:s11] =	ssyncadd.s32 $0xFFFFF000  }
0xc4: {  	[tilespmem:s15], [sflag:$0x9] =	stream.indirect.gather [spmem:s2], $0x20, s17, s22, $0xb8;
	[tilespmem:$0x1DE20] =	vst v63  }
.Ltmp3:
0xc5: {  	_ = 	snop;
	(pc) =	sbr.rel .LBB2_2-.Ltmp3, $4  }
0xc6: {  	_ =	swait.ge [sflag:s12], $0x1000  }
0xc7: {  	[sflag:s12] =	ssyncset.done $0x0  }
0xc8: {  	s4 =	sadd.s32 $0x1400, s4;
	s21 =	sadd.s32 $0x980, s7;
	[sflag:s12] =	ssyncadd.s32 $0xFFFFF000  }
0xc9: {  	[tilespmem:s0], [sflag:$0xA] =	stream.indirect.gather [spmem:s2], $0x20, s21, s22, $0xb8;
	[tilespmem:$0x1DE20] =	vst v63  }
.LBB2_5:
0xca: {  	_ =	sfence.sel $0x180000  }
0xcb: {  	[bflag:$0x0] =	sbarrier.arrive $0xFFFF  }
0xcc: {  	_ =	strace $0x9000004A  }
0xcd: {  	s0 =	stileid.u32;
	[bflag:$0x2] =	sbarrier.arrive $0xFFFF  }
0xce: {  	p0 =	sne.s32 s0, $0x0;
	s0 =	rddreg [dreg:$0x3]  }
0xcf: {  	s0 =	sadd.s32 @!p0 $0x100000, s0  }
0xd0: {  	[sflag:s0] =	ssyncadd.tile.s32 @!p0 $0x1;
	_ =	shalt  }
.Lfunc_end2:
_tile_overlayer_lowered:
.L_overlay_start_2:
0xd1: {  	(tag) =	ssettag $0x2  }
0xd2: {  	s0 =	rddreg [dreg:$0x0];
	s2 =	stileid.u32  }
0xd3: {  	s1 =	rddreg [dreg:$0x1];
	p0 =	sne.s32 s2, $0x0  }
0xd4: {  	s3 =	rddreg [dreg:$0x2];
	[bflag:$0x3] =	sbarrier.arrive $0xFFFF;
	s2 =	simm.s32 @!p0 $0x1C0B  }
0xd5: {  	[timem:s3], [sflag:s2] =	dma.local @!p0 [hbm:s0], s1  }
0xd6: {  	s0 =	simm.s32 @!p0 $0xB  }
0xd7: {  	_ =	swait.ge @!p0 [sflag:s0], s1  }
0xd8: {  	s1 =	ssub.s32 @!p0 $0x0, s1;
	[sflag:s0] =	ssyncset.done @!p0 $0x0  }
0xd9: {  	[sflag:s0] =	ssyncadd.s32 @!p0 s1  }
0xda: {  	[bflag:$0x3] =	sbarrier.arrive $0xFFFF  }
0xdb: {  	_ =	shalt  }

// kernel: kernel.17.cloned.1.call-start
scs
__scs_entry_jumppad:
0x0: {  	(pc) =	sbr.rel $0x88, $3  }
0x1: {  	(tag) =	ssettag $0x0;
	lr =	simm.s32 $0x1  }
0x2: {  	[smem:$0x3F97] =	sst lr;
	_ =	strace $0xD0000000  }
0x3: {  	_ = 	snop  }
0x4: {  	_ = 	snop  }
0x5: {  	_ = 	snop  }
0x6: {  	_ = 	snop  }
0x7: {  	_ = 	snop  }
__scs_overlays_trampoline_lowered:
0x8: {  	[smem:$0x3FA6] =	sst s0  }
0x9: {  	[smem:$0x3FA7] =	sst s1  }
0xa: {  	[smem:$0x3FA8] =	sst s2  }
0xb: {  	[smem:$0x3FA9] =	sst s3  }
0xc: {  	[smem:$0x3FAA] =	sst s4  }
0xd: {  	[smem:$0x3FAB] =	sst s5  }
0xe: {  	[smem:$0x3FAC] =	sst s6  }
0xf: {  	[smem:$0x3FAD] =	sst s7  }
0x10: {  	[smem:$0x3FAE] =	sst s8  }
0x11: {  	[smem:$0x3FAF] =	sst s9;
	s0 =	simm.s32 @!p0 $0x0  }
0x12: {  	s1 =	sld [smem:$0x3F95];
	s0 =	simm.s32 @p0 $0x1  }
0x13: {  	[smem:$0x3FB0] =	sst s0;
	s0 =	simm.s32 @!p1 $0x0  }
0x14: {  	s2 =	sld [smem:$0x3F94];
	s0 =	simm.s32 @p1 $0x1  }
0x15: {  	[smem:$0x3FB1] =	sst s0;
	s0 =	simm.s32 @!p2 $0x0  }
0x16: {  	s3 =	sld [smem:$0x3FDB];
	s0 =	simm.s32 @p2 $0x1  }
0x17: {  	s4 =	simm.s32 $0x1BF5;
	[smem:$0x3FB3] =	sst s0  }
0x18: {  	s0 =	sld [smem:$0x3F96];
	_ =	swait.ge [sflag:s4], $0x0  }
0x19: {  	s7 =	sld [smem:$0x3F97]  }
0x1a: {  	s8 =	sadd.s32 $0xFFFFE003, lr  }
0x1b: {  	s9 =	sadd.s32 $0xFFFFFEF7, lr;
	s5 =	simm.s32 $0xFFFFFFFF;
	p2 =	slt.u32 s8, $0xFFFFF086  }
0x1c: {  	p1 =	slt.u32 s9, $0xF7A;
	s5 =	simm.s32 @!p2 $0x0  }
0x1d: {  	s5 =	simm.s32 @p1 $0x1;
	p0 =	seq.s32 s7, s2  }
0x1e: {  	s7 =	smul.u32 @!p0 $0xF7A, s2;
	p2 =	seq.s32 @!p0 s5, $0x0  }
0x1f: {  	s9 =	smul.u32 $0xF7A, s1;
	s8 =	simm.s32 @!p0 $0x1BF5;
	p2 =	por !p2, p0  }
0x20: {  	[sflag:s8] =	ssyncset.s32 @!p0 $0xFFFFF086;
	s6 =	sadd.s32 @!p0 s3, s7;
	s7 =	simm.s32 @!p0 $0x108  }
0x21: {  	s3 =	sadd.s32 s3, s9;
	s6 =	sadd.s32 @!p0 $0x88, s6;
	s7 =	simm.s32 @p2 $0x1082  }
0x22: {  	[simem:s7], [sflag:s8] =	dma.local @!p0 [hbm:s6], $0xF7A  }
0x23: {  	s9 =	sor.u32 $0xD0000000, s2;
	s6 =	simm.s32 $0x108;
	_ =	swait.ge @!p0 [sflag:s8], $0x0  }
0x24: {  	s3 =	sadd.s32 $0x88, s3;
	s6 =	simm.s32 @!p1 $0x1082;
	[sflag:s4] =	ssyncset.s32 $0xFFFFF086  }
0x25: {  	[simem:s6], [sflag:s4] =	dma.local [hbm:s3], $0xF7A  }
0x26: {  	[smem:$0x3F97] =	sst s1;
	(tag) =	ssettag s2;
	_ =	strace s9  }
0x27: {  	s1 =	sld [smem:$0x3FA7]  }
0x28: {  	s2 =	sld [smem:$0x3FA8]  }
0x29: {  	s4 =	sld [smem:$0x3FAA]  }
0x2a: {  	p0 =	seq.s32 s5, $0x0;
	s5 =	sld [smem:$0x3FAB]  }
0x2b: {  	s6 =	sld [smem:$0x3FAC]  }
0x2c: {  	s7 =	sld [smem:$0x3FAD]  }
0x2d: {  	s3 =	simm.s32 $0x108;
	s8 =	sld [smem:$0x3FAE]  }
0x2e: {  	s3 =	simm.s32 @!p0 $0x1082;
	s9 =	sld [smem:$0x3FAF]  }
0x2f: {  	lr =	sadd.s32 s0, s3;
	s0 =	sld [smem:$0x3FA6]  }
0x30: {  	s3 =	sld [smem:$0x3FA9]  }
0x31: {  	[smem:$0x3FB2] =	sst s10  }
0x32: {  	s10 =	sld [smem:$0x3FB0];
	_ =	sdelay $0x3  }
0x33: {  	p0 =	seq.s32 s10, $0x1;
	s10 =	sld [smem:$0x3FB2];
	_ =	sdelay $0x3  }
0x34: {  	[smem:$0x3FB2] =	sst s10  }
0x35: {  	s10 =	sld [smem:$0x3FB1];
	_ =	sdelay $0x3  }
0x36: {  	p1 =	seq.s32 s10, $0x1;
	s10 =	sld [smem:$0x3FB2];
	_ =	sdelay $0x3  }
0x37: {  	[smem:$0x3FB2] =	sst s10  }
0x38: {  	s10 =	sld [smem:$0x3FB3]  }
0x39: {  	_ = 	snop;
	(pc) =	sbr.ind lr, $3  }
0x3a: {  	_ = 	snop  }
0x3b: {  	_ = 	snop  }
0x3c: {  	p2 =	seq.s32 s10, $0x1;
	s10 =	sld [smem:$0x3FB2]  }
0x3d: {  	_ =	shalt  }
0x3e: {  	_ =	shalt  }
0x3f: {  	_ =	shalt  }
0x40: {  	_ =	shalt  }
0x41: {  	_ =	shalt  }
0x42: {  	_ =	shalt  }
0x43: {  	_ =	shalt  }
0x44: {  	_ =	shalt  }
0x45: {  	_ =	shalt  }
0x46: {  	_ =	shalt  }
0x47: {  	_ =	shalt  }
0x48: {  	_ =	shalt  }
0x49: {  	_ =	shalt  }
0x4a: {  	_ =	shalt  }
0x4b: {  	_ =	shalt  }
0x4c: {  	_ =	shalt  }
0x4d: {  	_ =	shalt  }
0x4e: {  	_ =	shalt  }
0x4f: {  	_ =	shalt  }
0x50: {  	_ =	shalt  }
0x51: {  	_ =	shalt  }
0x52: {  	_ =	shalt  }
0x53: {  	_ =	shalt  }
0x54: {  	_ =	shalt  }
0x55: {  	_ =	shalt  }
0x56: {  	_ =	shalt  }
0x57: {  	_ =	shalt  }
0x58: {  	_ =	shalt  }
0x59: {  	_ =	shalt  }
0x5a: {  	_ =	shalt  }
0x5b: {  	_ =	shalt  }
0x5c: {  	_ =	shalt  }
0x5d: {  	_ =	shalt  }
0x5e: {  	_ =	shalt  }
0x5f: {  	_ =	shalt  }
0x60: {  	_ =	shalt  }
0x61: {  	_ =	shalt  }
0x62: {  	_ =	shalt  }
0x63: {  	_ =	shalt  }
0x64: {  	_ =	shalt  }
0x65: {  	_ =	shalt  }
0x66: {  	_ =	shalt  }
0x67: {  	_ =	shalt  }
0x68: {  	_ =	shalt  }
0x69: {  	_ =	shalt  }
0x6a: {  	_ =	shalt  }
0x6b: {  	_ =	shalt  }
0x6c: {  	_ =	shalt  }
0x6d: {  	_ =	shalt  }
0x6e: {  	_ =	shalt  }
0x6f: {  	_ =	shalt  }
0x70: {  	_ =	shalt  }
0x71: {  	_ =	shalt  }
0x72: {  	_ =	shalt  }
0x73: {  	_ =	shalt  }
0x74: {  	_ =	shalt  }
0x75: {  	_ =	shalt  }
0x76: {  	_ =	shalt  }
0x77: {  	_ =	shalt  }
0x78: {  	_ =	shalt  }
0x79: {  	_ =	shalt  }
0x7a: {  	_ =	shalt  }
0x7b: {  	_ =	shalt  }
0x7c: {  	_ =	shalt  }
0x7d: {  	_ =	shalt  }
0x7e: {  	_ =	shalt  }
0x7f: {  	_ =	shalt  }
0x80: {  	_ =	shalt  }
0x81: {  	_ =	shalt  }
0x82: {  	_ =	shalt  }
0x83: {  	_ =	shalt  }
0x84: {  	_ =	shalt  }
0x85: {  	_ =	shalt  }
0x86: {  	_ =	shalt  }
0x87: {  	_ =	shalt  }
.Lfunc_end0:
.L_simem_size_0:
called_computation.2_lowered:
.L_overlay_start_0:
0x88: {  	s2 =	sld [smem:$0x3FD9]  }
0x89: {  	s3 =	sld [smem:$0x3FFE];
	_ =	sdelay $0x1  }
0x8a: {  	s1 =	srdreg.scid  }
0x8b: {  	s0 =	sand.u32 $0x1, s1  }
0x8c: {  	s16 =	sshll.u32 s0, $0xA;
	s2 =	sadd.s32 s3, s2  }
0x8d: {  	s2 =	sadd.s32 s2, s16  }
0x8e: {  	[smem:$0x3FBE] =	sst s2  }
0x8f: {  	_ = 	snop  }
0x90: {  	(tm) =	ssettm $0x1  }
0x91: {  	s17 =	sld [smem:$0x3FFB];
	_ =	sdelay $0x3  }
0x92: {  	_ =	strace s17  }
0x93: {  	s2 =	sld [smem:$0x3FFC];
	_ =	sdelay $0x3  }
0x94: {  	_ =	strace s2  }
0x95: {  	s2 =	sld [smem:$0x3FFD];
	_ =	sdelay $0x3  }
0x96: {  	_ =	strace s2  }
0x97: {  	_ =	strace $0x8FFFFFFF  }
0x98: {  	s18 =	sld [smem:$0x3FDB];
	_ =	sdelay $0x1  }
0x99: {  	s19 =	simm.s32 $_scs_section_size  }
0x9a: {  	s4 =	simm.s32 $_size__tile_overlayer_lowered;
	s5 =	simm.s32 $_tile_overlayer_lowered  }
0x9b: {  	s22 =	simm.s32 $0x1BFF;
	s21 =	sshll.u32 s5, $0x1;
	s2 =	sadd.s32 s19, s18  }
0x9c: {  	s6 =	simm.s32 $0x0;
	s20 =	sshll.u32 s4, $0x1;
	s4 =	sadd.s32 s21, s2  }
0x9d: {  	[timem:s6], [sflag:s22] =	dma.local [hbm:s4], s20  }
0x9e: {  	_ =	swait.ge [sflag:s22], s20  }
0x9f: {  	s3 =	ssub.s32 $0x0, s20;
	[sflag:s22] =	ssyncset.done $0x0  }
0xa0: {  	[sflag:s22] =	ssyncadd.s32 s3;
	_ =	sdelay $0x1  }
0xa1: {  	s23 =	simm.s32 $0x1B8B  }
0xa2: {  	_ =	swait.ge [sflag:s23], $0x1  }
0xa3: {  	[sflag:s23] =	ssyncset.done $0x0  }
0xa4: {  	s25 =	simm.s32 $0x1B8E;
	s24 =	sld [smem:$0x3FFE];
	[sflag:s23] =	ssyncadd.s32 $0xFFFFFFFF  }
0xa5: {  	s26 =	simm.s32 $execute0_lowered;
	[smem:$0x3FD2] =	sst s25  }
0xa6: {  	s4 =	sshll.u32 s26, $0x1;
	_ =	strace $0x8000004C;
	[dreg:$0x1] =	wrdreg $0xFFFFFFFF  }
0xa7: {  	s28 =	simm.s32 $_size_execute0_lowered;
	s2 =	sadd.s32 s2, s4;
	[dreg:$0x0] =	wrdreg $0x0  }
0xa8: {  	s4 =	sshll.u32 s28, $0x1;
	[dreg:$0x2] =	wrdreg s2  }
0xa9: {  	[dreg:$0x3] =	wrdreg s4  }
0xaa: {  	[dreg:$0x4] =	wrdreg $0xC0  }
0xab: {  	_ =	task [dreg:s6], $0x5FFFF  }
0xac: {  	[dreg:$0x1] =	wrdreg $0xFFFFFFFF  }
0xad: {  	[dreg:$0x0] =	wrdreg $0x60  }
0xae: {  	[dreg:$0x2] =	wrdreg s24  }
0xaf: {  	[dreg:$0x3] =	wrdreg $0x150000  }
0xb0: {  	[dreg:$0x4] =	wrdreg $0x19E200  }
0xb1: {  	[dreg:$0x5] =	wrdreg $0x9  }
0xb2: {  	_ =	task.clear_ibuf [dreg:s6], $0x6FFFF;
	_ =	strace $0x9000004C  }
0xb3: {  	s29 =	simm.s32 $0x9;
	_ =	strace $0x8000004E  }
0xb4: {  	_ =	swait.ge [sflag:s29], $0x1  }
0xb5: {  	[sflag:s29] =	ssyncadd.s32 $0xFFFFFFFF  }
0xb6: {  	_ =	strace $0x9000004E  }
0xb7: {  	_ =	sfence  }
0xb8: {  	s30 =	sld [smem:$0x0];
	_ =	sdelay $0x2  }
0xb9: {  	s31 =	sshll.u32 s1, $0xD;
	s1 =	sshrl.u32 s1, $0x2  }
0xba: {  	s3 =	sand.u32 $0x4000, s31;
	s1 =	sadd.s32 s1, s30  }
0xbb: {  	s0 =	sor.u32 s3, s0;
	s1 =	sshll.u32 s1, $0x11  }
0xbc: {  	s0 =	sor.u32 s1, s0  }
0xbd: {  	s0 =	sadd.s32 $0x8F2B, s0  }
0xbe: {  	[sflag:s0] =	ssyncadd.remote.s32 $0x1  }
0xbf: {  	_ =	sfence.sel $0xFFFF  }
0xc0: {  	[dreg:$0x0] =	wrdreg $0xFFFFFFFF;
	(pc) =	sbr.abs _section_cstart, $3  }
0xc1: {  	[dreg:$0x1] =	wrdreg $0xFFFFFFFF  }
0xc2: {  	_ =	task.clear_ibuf [dreg:s6], $0x2FFFF;
	_ =	strace $0x9FFFFFFF  }
0xc3: {  	(tm) =	ssettm $0x7FFFFFFF  }
tec
execute0_lowered:
.L_overlay_start_1:
0x0: {  	(tag) =	ssettag $0x1  }
0x1: {  	s0 =	rddreg [dreg:$0x0]  }
0x2: {  	s2 =	rddreg [dreg:$0x1];
	s10 =	stileid.u32  }
0x3: {  	s1 =	srdreg.scid;
	s3 =	rddreg [dreg:$0x2]  }
0x4: {  	s6 =	simm.s32 $0x0;
	s30 =	simm.s32 $0x11;
	s11 =	simm.s32 $0x3  }
0x5: {  	s15 =	simm.s32 $0x4;
	s17 =	simm.s32 $0x5;
	s16 =	simm.s32 $0x9  }
0x6: {  	s14 =	simm.s32 $0xB;
	s12 =	simm.s32 $0xC;
	s29 =	simm.s32 $0x10000  }
0x7: {  	s31 =	simm.s32 $0x14000;
	s1 =	sand.u32 $0x1, s1;
	s4 =	smul.u32 $0x5000, s10  }
0x8: {  	[smem:$0x7FF] =	sst s6;
	s18 =	smul.u32 $0x4E00, s10;
	s9 =	sadd.s32 $0x6E600, s0  }
0x9: {  	s6 =	sadd.s32 $0x4E000, s3;
	p0 =	sne.s32 s10, $0xF;
	s26 =	sshll.u32 s10, $0x6  }
0xa: {  	s10 =	simm.s32 $0x2;
	s5 =	smul.u32 $0x2800, s1;
	_ =	strace $0x8000004D  }
0xb: {  	s7 =	ssub.s32 $0x2, s1;
	s1 =	smul.u32 $0x4E200, s1;
	s13 =	sor.u32 $0x1C11, s26  }
0xc: {  	s26 =	simm.s32 $0x12000;
	s19 =	sshrl.u32 s18, $0x3;
	s8 =	sshrl.u32 s7, $0x1  }
0xd: {  	s21 =	sadd.s32 s18, s2;
	s22 =	sadd.s32 s18, s3;
	[dreg:$0xb] =	wrdreg s13  }
0xe: {  	s4 =	sadd.s32 s5, s4;
	s5 =	sadd.s32 s19, s0;
	s7 =	ssub.s32 s7, s8  }
0xf: {  	s8 =	sadd.s32 $0x4E000, s2;
	s23 =	sadd.s32 s18, s1;
	s1 =	sshrl.u32 s1, $0x3  }
0x10: {  	s28 =	sshrl.u32 s21, $0x3;
	s22 =	sshrl.u32 s22, $0x3;
	s19 =	simm.s32 $0x80  }
0x11: {  	s18 =	simm.s32 $0xA;
	s21 =	simm.s32 $0xE;
	[dreg:$0xc] =	wrdreg s28  }
0x12: {  	s4 =	sshrl.u32 s4, $0x3;
	s5 =	sadd.s32 $0xC600, s5;
	[dreg:$0xd] =	wrdreg s22  }
0x13: {  	s1 =	sadd.s32 s9, s1;
	s25 =	smax.u32 s7, $0x1;
	[dreg:$0x6] =	wrdreg s5  }
0x14: {  	s4 =	sadd.s32 s4, s0;
	s0 =	sadd.s32 $0x16200, s0;
	[dreg:$0xa] =	wrdreg s25  }
0x15: {  	s7 =	simm.s32 $0x7;
	s24 =	sadd.s32 $0x9C00, s1;
	[dreg:$0x7] =	wrdreg s0  }
0x16: {  	s5 =	sshrl.u32 @!p0 s6, $0x3;
	s25 =	simm.s32 $0x10;
	[dreg:$0x9] =	wrdreg s24  }
0x17: {  	s20 =	sadd.s32 $0x16400, s4;
	s4 =	sadd.s32 $0x2600, s4;
	[dreg:$0xf] =	wrdreg s5  }
.Ltmp0:
0x18: {  	s0 =	sshrl.u32 s23, $0x3;
	[dreg:$0x4] =	wrdreg s20;
	(pc) =	sbr.rel .LBB2_1-.Ltmp0, $4  }
0x19: {  	s23 =	simm.s32 $0xF;
	s24 =	simm.s32 $0xF000;
	[dreg:$0x5] =	wrdreg s4  }
0x1a: {  	s0 =	sadd.s32 s9, s0;
	s9 =	simm.s32 $0x1;
	s4 =	simm.s32 $0x6  }
0x1b: {  	s20 =	simm.s32 $0xD;
	[dreg:$0x8] =	wrdreg s0;
	s0 =	sshrl.u32 @!p0 s8, $0x3  }
0x1c: {  	s8 =	simm.s32 $0x8;
	[dreg:$0xe] =	wrdreg s0;
	s0 =	simm.s32 $0x0  }
.LBB2_4:
0x1d: {  	_ =	swait.ge [sflag:s10], $0x1000  }
0x1e: {  	[sflag:s10] =	ssyncset.done $0x0  }
0x1f: {  	[sflag:s10] =	ssyncadd.s32 $0xFFFFF000  }
0x20: {  	_ =	swait.ge [sflag:s11], $0x1000  }
0x21: {  	[sflag:s11] =	ssyncset.done $0x0  }
0x22: {  	[sflag:s11] =	ssyncadd.s32 $0xFFFFF000  }
0x23: {  	_ =	swait.ge [sflag:s15], $0x1000  }
0x24: {  	[sflag:s15] =	ssyncset.done $0x0  }
0x25: {  	[sflag:s15] =	ssyncadd.s32 $0xFFFFF000  }
0x26: {  	_ =	swait.ge [sflag:s17], $0x1000  }
0x27: {  	[sflag:s17] =	ssyncset.done $0x0  }
0x28: {  	[sflag:s17] =	ssyncadd.s32 $0xFFFFF000  }
0x29: {  	_ =	swait.ge [sflag:s4], $0x1000  }
0x2a: {  	[sflag:s4] =	ssyncset.done $0x0  }
0x2b: {  	[sflag:s4] =	ssyncadd.s32 $0xFFFFF000  }
0x2c: {  	_ =	swait.ge [sflag:s7], $0x1000  }
0x2d: {  	[sflag:s7] =	ssyncset.done $0x0  }
0x2e: {  	[sflag:s7] =	ssyncadd.s32 $0xFFFFF000  }
0x2f: {  	_ =	swait.ge [sflag:s8], $0x1000  }
0x30: {  	[sflag:s8] =	ssyncset.done $0x0  }
0x31: {  	[sflag:s8] =	ssyncadd.s32 $0xFFFFF000  }
0x32: {  	_ =	swait.ge [sflag:s16], $0x1000  }
0x33: {  	[sflag:s16] =	ssyncset.done $0x0  }
0x34: {  	[sflag:s16] =	ssyncadd.s32 $0xFFFFF000  }
0x35: {  	_ =	swait.ge [sflag:s18], $0x1000  }
0x36: {  	[sflag:s18] =	ssyncset.done $0x0  }
0x37: {  	[sflag:s18] =	ssyncadd.s32 $0xFFFFF000  }
0x38: {  	_ =	swait.ge [sflag:s14], $0x1000  }
0x39: {  	[sflag:s14] =	ssyncset.done $0x0  }
0x3a: {  	[sflag:s14] =	ssyncadd.s32 $0xFFFFF000  }
0x3b: {  	_ =	swait.ge [sflag:s12], $0x1000  }
0x3c: {  	[sflag:s12] =	ssyncset.done $0x0  }
0x3d: {  	[sflag:s12] =	ssyncadd.s32 $0xFFFFF000  }
0x3e: {  	_ =	swait.ge [sflag:s20], $0x1000  }
0x3f: {  	[sflag:s20] =	ssyncset.done $0x0  }
0x40: {  	[sflag:s20] =	ssyncadd.s32 $0xFFFFF000  }
0x41: {  	_ =	swait.ge [sflag:s21], $0x1000  }
0x42: {  	[sflag:s21] =	ssyncset.done $0x0  }
0x43: {  	[sflag:s21] =	ssyncadd.s32 $0xFFFFF000  }
0x44: {  	_ =	swait.ge [sflag:s23], $0x1000  }
0x45: {  	[sflag:s23] =	ssyncset.done $0x0  }
0x46: {  	[sflag:s23] =	ssyncadd.s32 $0xFFFFF000  }
0x47: {  	_ =	swait.ge [sflag:s25], $0x1000  }
0x48: {  	[sflag:s25] =	ssyncset.done $0x0  }
0x49: {  	[sflag:s25] =	ssyncadd.s32 $0xFFFFF000  }
0x4a: {  	[bflag:$0x0] =	sbarrier.arrive $0xFFFF  }
0x4b: {  	s1 =	rddreg [dreg:$0x8]  }
0x4c: {  	s13 =	rddreg [dreg:$0xb]  }
0x4d: {  	s30 =	simm.s32 $0x11;
	s22 =	rddreg [dreg:$0xd]  }
0x4e: {  	[hbm:s1], [sflag:s13] =	dma.local [spmem:s22], $0x9C0  }
0x4f: {  	_ =	swait.ge [sflag:s30], $0x9C0  }
0x50: {  	[sflag:s30] =	ssyncset.done $0x0;
	s1 =	rddreg [dreg:$0x9]  }
0x51: {  	s5 =	rddreg [dreg:$0xf];
	[sflag:s30] =	ssyncadd.s32 $0xFFFFF640  }
0x52: {  	[hbm:s1], [sflag:s13] =	dma.local @!p0 [spmem:s5], $0x40  }
0x53: {  	s1 =	simm.s32 @!p0 $0x11  }
0x54: {  	_ =	swait.ge @!p0 [sflag:s1], $0x40  }
0x55: {  	s0 =	rddreg [dreg:$0x10]  }
0x56: {  	s28 =	rddreg [dreg:$0xa];
	s0 =	sadd.s32 $0x1, s0  }
0x57: {  	p1 =	sne.s32 s0, s28  }
.Ltmp1:
0x58: {  	_ = 	snop;
	(pc) =	sbr.rel @!p1 .LBB2_5-.Ltmp1, $3  }
0x59: {  	_ =	sdelay $0x1  }
0x5a: {  	[sflag:s1] =	ssyncset.done @!p0 $0x0  }
0x5b: {  	[sflag:s1] =	ssyncadd.s32 @!p0 $0xFFFFFFC0  }
.LBB2_1:
0x5c: {  	[dreg:$0x10] =	wrdreg s0  }
0x5d: {  	s6 =	simm.s32 $0x0;
	s28 =	rddreg [dreg:$0x4]  }
0x5e: {  	[tilespmem:s6], [sflag:$0x11] =	stream.linear.gather [hbm4b:s28+s6], $0x2800, $0x38;
	[tilespmem:$0x1EE20] =	vst v63  }
0x5f: {  	_ =	swait.ge [sflag:s30], $0x2800  }
0x60: {  	[sflag:s30] =	ssyncset.done $0x0  }
0x61: {  	s1 =	simm.s32 $0x2800;
	s28 =	rddreg [dreg:$0x5];
	[sflag:s30] =	ssyncadd.s32 $0xFFFFD800  }
0x62: {  	[tilespmem:s1], [sflag:$0x11] =	stream.linear.gather [hbm4b:s28+s6], $0x2800, $0x38;
	[tilespmem:$0x1EE20] =	vst v63  }
0x63: {  	_ =	swait.ge [sflag:s30], $0x2800  }
0x64: {  	[sflag:s30] =	ssyncset.done $0x0;
	s28 =	rddreg [dreg:$0x6]  }
0x65: {  	s0 =	rddreg [dreg:$0xc];
	[sflag:s30] =	ssyncadd.s32 $0xFFFFD800  }
0x66: {  	[spmem:s0], [sflag:s13] =	dma.local [hbm:s28], $0x9C0  }
0x67: {  	_ =	swait.ge [sflag:s30], $0x9C0  }
0x68: {  	[sflag:s30] =	ssyncset.done $0x0  }
0x69: {  	[sflag:s30] =	ssyncadd.s32 $0xFFFFF640  }
0x6a: {  	[spmem:s22], [sflag:s13] =	dma.local [hbm:s28], $0x9C0  }
0x6b: {  	_ =	swait.ge [sflag:s30], $0x9C0  }
0x6c: {  	[sflag:s30] =	ssyncset.done $0x0;
	s1 =	rddreg [dreg:$0xe]  }
0x6d: {  	s28 =	simm.s32 @!p0 $0x11;
	[sflag:s30] =	ssyncadd.s32 $0xFFFFF640;
	s30 =	rddreg [dreg:$0x7]  }
0x6e: {  	[spmem:s1], [sflag:s13] =	dma.local @!p0 [hbm:s30], $0x40  }
0x6f: {  	_ =	swait.ge @!p0 [sflag:s28], $0x40  }
0x70: {  	[sflag:s28] =	ssyncset.done @!p0 $0x0  }
0x71: {  	[sflag:s28] =	ssyncadd.s32 @!p0 $0xFFFFFFC0  }
0x72: {  	[spmem:s5], [sflag:s13] =	dma.local @!p0 [hbm:s30], $0x40  }
0x73: {  	_ =	swait.ge @!p0 [sflag:s28], $0x40  }
0x74: {  	[sflag:s28] =	ssyncset.done @!p0 $0x0  }
0x75: {  	[sflag:s28] =	ssyncadd.s32 @!p0 $0xFFFFFFC0  }
0x76: {  	s5 =	simm.s32 $0x5000;
	[bflag:$0x0] =	sbarrier.arrive $0xFFFF  }
0x77: {  	[tilespmem:s5], [sflag:$0x1] =	stream.indirect.gather [spmem:s2], $0x20, s6, s19, $0xb8;
	[tilespmem:$0x1EE20] =	vst v63  }
0x78: {  	s13 =	simm.s32 $0x6000  }
0x79: {  	[tilespmem:s13], [sflag:$0x2] =	stream.indirect.gather [spmem:s2], $0x20, s19, s19, $0xb8;
	[tilespmem:$0x1EE20] =	vst v63  }
0x7a: {  	s22 =	simm.s32 $0x100;
	s30 =	simm.s32 $0x7000  }
0x7b: {  	[tilespmem:s30], [sflag:$0x3] =	stream.indirect.gather [spmem:s2], $0x20, s22, s19, $0xb8;
	[tilespmem:$0x1EE20] =	vst v63  }
0x7c: {  	s0 =	simm.s32 $0x180;
	s5 =	simm.s32 $0x8000  }
0x7d: {  	[tilespmem:s5], [sflag:$0x4] =	stream.indirect.gather [spmem:s2], $0x20, s0, s19, $0xb8;
	[tilespmem:$0x1EE20] =	vst v63  }
0x7e: {  	s6 =	simm.s32 $0x200;
	s13 =	simm.s32 $0x9000  }
0x7f: {  	[tilespmem:s13], [sflag:$0x5] =	stream.indirect.gather [spmem:s2], $0x20, s6, s19, $0xb8;
	[tilespmem:$0x1EE20] =	vst v63  }
0x80: {  	s22 =	simm.s32 $0x280;
	s30 =	simm.s32 $0xA000  }
0x81: {  	[tilespmem:s30], [sflag:$0x6] =	stream.indirect.gather [spmem:s2], $0x20, s22, s19, $0xb8;
	[tilespmem:$0x1EE20] =	vst v63  }
0x82: {  	s0 =	simm.s32 $0x300;
	s5 =	simm.s32 $0xB000  }
0x83: {  	[tilespmem:s5], [sflag:$0x7] =	stream.indirect.gather [spmem:s2], $0x20, s0, s19, $0xb8;
	[tilespmem:$0x1EE20] =	vst v63  }
0x84: {  	s6 =	simm.s32 $0x380;
	s13 =	simm.s32 $0xC000  }
0x85: {  	[tilespmem:s13], [sflag:$0x8] =	stream.indirect.gather [spmem:s2], $0x20, s6, s19, $0xb8;
	[tilespmem:$0x1EE20] =	vst v63  }
0x86: {  	s22 =	simm.s32 $0x400;
	s6 =	simm.s32 $0xD000  }
0x87: {  	[tilespmem:s6], [sflag:$0x9] =	stream.indirect.gather [spmem:s2], $0x20, s22, s19, $0xb8;
	[tilespmem:$0x1EE20] =	vst v63  }
0x88: {  	s30 =	simm.s32 $0x480;
	s13 =	simm.s32 $0xE000  }
0x89: {  	[tilespmem:s13], [sflag:$0xA] =	stream.indirect.gather [spmem:s2], $0x20, s30, s19, $0xb8;
	[tilespmem:$0x1EE20] =	vst v63  }
0x8a: {  	s0 =	simm.s32 $0x500  }
0x8b: {  	[tilespmem:s24], [sflag:$0xB] =	stream.indirect.gather [spmem:s2], $0x20, s0, s19, $0xb8;
	[tilespmem:$0x1EE20] =	vst v63  }
0x8c: {  	s5 =	simm.s32 $0x580  }
0x8d: {  	[tilespmem:s29], [sflag:$0xC] =	stream.indirect.gather [spmem:s2], $0x20, s5, s19, $0xb8;
	[tilespmem:$0x1EE20] =	vst v63  }
0x8e: {  	s22 =	simm.s32 $0x600;
	s0 =	simm.s32 $0x11000  }
0x8f: {  	[tilespmem:s0], [sflag:$0xD] =	stream.indirect.gather [spmem:s2], $0x20, s22, s19, $0xb8;
	[tilespmem:$0x1EE20] =	vst v63  }
0x90: {  	s30 =	simm.s32 $0x680  }
0x91: {  	[tilespmem:s26], [sflag:$0xE] =	stream.indirect.gather [spmem:s2], $0x20, s30, s19, $0xb8;
	[tilespmem:$0x1EE20] =	vst v63  }
0x92: {  	s5 =	simm.s32 $0x700;
	s22 =	simm.s32 $0x13000  }
0x93: {  	[tilespmem:s22], [sflag:$0xF] =	stream.indirect.gather [spmem:s2], $0x20, s5, s19, $0xb8;
	[tilespmem:$0x1EE20] =	vst v63  }
0x94: {  	s28 =	simm.s32 $0x0;
	s30 =	simm.s32 $0x780  }
0x95: {  	[tilespmem:s31], [sflag:$0x10] =	stream.indirect.gather [spmem:s2], $0x20, s30, s19, $0xb8;
	[tilespmem:$0x1EE20] =	vst v63  }
.LBB2_2:
0x96: {  	_ =	swait.ge [sflag:s9], $0x1000  }
0x97: {  	s30 =	sshra.s32 s28, $0x2;
	[sflag:s9] =	ssyncset.done $0x0  }
0x98: {  	s5 =	simm.s32 $0x5000;
	s1 =	sadd.s32 $0x2800, s30;
	[sflag:s9] =	ssyncadd.s32 $0xFFFFF000  }
0x99: {  	[spmem:s3] =	stream.indirect.scatter.add.f32 [tilespmem:s5], [sflag:$0x1], $0x20, s1, s19, $0xb8;
	[tilespmem:$0x1EE20] =	vst v63  }
0x9a: {  	_ =	swait.ge [sflag:s10], $0x1000  }
0x9b: {  	[sflag:s10] =	ssyncset.done $0x0  }
0x9c: {  	s1 =	sadd.s32 $0x2880, s30;
	s5 =	simm.s32 $0x6000;
	[sflag:s10] =	ssyncadd.s32 $0xFFFFF000  }
0x9d: {  	[spmem:s3] =	stream.indirect.scatter.add.f32 [tilespmem:s5], [sflag:$0x2], $0x20, s1, s19, $0xb8;
	[tilespmem:$0x1EE20] =	vst v63  }
0x9e: {  	_ =	swait.ge [sflag:s11], $0x1000  }
0x9f: {  	[sflag:s11] =	ssyncset.done $0x0  }
0xa0: {  	s1 =	sadd.s32 $0x2900, s30;
	s5 =	simm.s32 $0x7000;
	[sflag:s11] =	ssyncadd.s32 $0xFFFFF000  }
0xa1: {  	[spmem:s3] =	stream.indirect.scatter.add.f32 [tilespmem:s5], [sflag:$0x3], $0x20, s1, s19, $0xb8;
	[tilespmem:$0x1EE20] =	vst v63  }
0xa2: {  	_ =	swait.ge [sflag:s15], $0x1000  }
0xa3: {  	[sflag:s15] =	ssyncset.done $0x0  }
0xa4: {  	s1 =	sadd.s32 $0x2980, s30;
	s5 =	simm.s32 $0x8000;
	[sflag:s15] =	ssyncadd.s32 $0xFFFFF000  }
0xa5: {  	[spmem:s3] =	stream.indirect.scatter.add.f32 [tilespmem:s5], [sflag:$0x4], $0x20, s1, s19, $0xb8;
	[tilespmem:$0x1EE20] =	vst v63  }
0xa6: {  	_ =	swait.ge [sflag:s17], $0x1000  }
0xa7: {  	[sflag:s17] =	ssyncset.done $0x0  }
0xa8: {  	s1 =	sadd.s32 $0x2A00, s30;
	s5 =	simm.s32 $0x9000;
	[sflag:s17] =	ssyncadd.s32 $0xFFFFF000  }
0xa9: {  	[spmem:s3] =	stream.indirect.scatter.add.f32 [tilespmem:s5], [sflag:$0x5], $0x20, s1, s19, $0xb8;
	[tilespmem:$0x1EE20] =	vst v63  }
0xaa: {  	_ =	swait.ge [sflag:s4], $0x1000  }
0xab: {  	[sflag:s4] =	ssyncset.done $0x0  }
0xac: {  	s1 =	sadd.s32 $0x2A80, s30;
	s5 =	simm.s32 $0xA000;
	[sflag:s4] =	ssyncadd.s32 $0xFFFFF000  }
0xad: {  	[spmem:s3] =	stream.indirect.scatter.add.f32 [tilespmem:s5], [sflag:$0x6], $0x20, s1, s19, $0xb8;
	[tilespmem:$0x1EE20] =	vst v63  }
0xae: {  	_ =	swait.ge [sflag:s7], $0x1000  }
0xaf: {  	[sflag:s7] =	ssyncset.done $0x0  }
0xb0: {  	s1 =	sadd.s32 $0x2B00, s30;
	s5 =	simm.s32 $0xB000;
	[sflag:s7] =	ssyncadd.s32 $0xFFFFF000  }
0xb1: {  	[spmem:s3] =	stream.indirect.scatter.add.f32 [tilespmem:s5], [sflag:$0x7], $0x20, s1, s19, $0xb8;
	[tilespmem:$0x1EE20] =	vst v63  }
0xb2: {  	_ =	swait.ge [sflag:s8], $0x1000  }
0xb3: {  	[sflag:s8] =	ssyncset.done $0x0  }
0xb4: {  	s1 =	sadd.s32 $0x2B80, s30;
	s5 =	simm.s32 $0xC000;
	[sflag:s8] =	ssyncadd.s32 $0xFFFFF000  }
0xb5: {  	[spmem:s3] =	stream.indirect.scatter.add.f32 [tilespmem:s5], [sflag:$0x8], $0x20, s1, s19, $0xb8;
	[tilespmem:$0x1EE20] =	vst v63  }
0xb6: {  	_ =	swait.ge [sflag:s16], $0x1000  }
0xb7: {  	[sflag:s16] =	ssyncset.done $0x0  }
0xb8: {  	s5 =	sadd.s32 $0x2C00, s30;
	[sflag:s16] =	ssyncadd.s32 $0xFFFFF000  }
0xb9: {  	[spmem:s3] =	stream.indirect.scatter.add.f32 [tilespmem:s6], [sflag:$0x9], $0x20, s5, s19, $0xb8;
	[tilespmem:$0x1EE20] =	vst v63  }
0xba: {  	_ =	swait.ge [sflag:s18], $0x1000  }
0xbb: {  	[sflag:s18] =	ssyncset.done $0x0  }
0xbc: {  	s5 =	sadd.s32 $0x2C80, s30;
	[sflag:s18] =	ssyncadd.s32 $0xFFFFF000  }
0xbd: {  	[spmem:s3] =	stream.indirect.scatter.add.f32 [tilespmem:s13], [sflag:$0xA], $0x20, s5, s19, $0xb8;
	[tilespmem:$0x1EE20] =	vst v63  }
0xbe: {  	_ =	swait.ge [sflag:s14], $0x1000  }
0xbf: {  	[sflag:s14] =	ssyncset.done $0x0  }
0xc0: {  	s5 =	sadd.s32 $0x2D00, s30;
	[sflag:s14] =	ssyncadd.s32 $0xFFFFF000  }
0xc1: {  	[spmem:s3] =	stream.indirect.scatter.add.f32 [tilespmem:s24], [sflag:$0xB], $0x20, s5, s19, $0xb8;
	[tilespmem:$0x1EE20] =	vst v63  }
0xc2: {  	_ =	swait.ge [sflag:s12], $0x1000  }
0xc3: {  	[sflag:s12] =	ssyncset.done $0x0  }
0xc4: {  	s5 =	sadd.s32 $0x2D80, s30;
	[sflag:s12] =	ssyncadd.s32 $0xFFFFF000  }
0xc5: {  	[spmem:s3] =	stream.indirect.scatter.add.f32 [tilespmem:s29], [sflag:$0xC], $0x20, s5, s19, $0xb8;
	[tilespmem:$0x1EE20] =	vst v63  }
0xc6: {  	_ =	swait.ge [sflag:s20], $0x1000  }
0xc7: {  	[sflag:s20] =	ssyncset.done $0x0  }
0xc8: {  	s5 =	sadd.s32 $0x2E00, s30;
	[sflag:s20] =	ssyncadd.s32 $0xFFFFF000  }
0xc9: {  	[spmem:s3] =	stream.indirect.scatter.add.f32 [tilespmem:s0], [sflag:$0xD], $0x20, s5, s19, $0xb8;
	[tilespmem:$0x1EE20] =	vst v63  }
0xca: {  	_ =	swait.ge [sflag:s21], $0x1000  }
0xcb: {  	[sflag:s21] =	ssyncset.done $0x0  }
0xcc: {  	s5 =	sadd.s32 $0x2E80, s30;
	[sflag:s21] =	ssyncadd.s32 $0xFFFFF000  }
0xcd: {  	[spmem:s3] =	stream.indirect.scatter.add.f32 [tilespmem:s26], [sflag:$0xE], $0x20, s5, s19, $0xb8;
	[tilespmem:$0x1EE20] =	vst v63  }
0xce: {  	_ =	swait.ge [sflag:s23], $0x1000  }
0xcf: {  	[sflag:s23] =	ssyncset.done $0x0  }
0xd0: {  	s5 =	sadd.s32 $0x2F00, s30;
	[sflag:s23] =	ssyncadd.s32 $0xFFFFF000  }
0xd1: {  	[spmem:s3] =	stream.indirect.scatter.add.f32 [tilespmem:s22], [sflag:$0xF], $0x20, s5, s19, $0xb8;
	[tilespmem:$0x1EE20] =	vst v63  }
0xd2: {  	_ =	swait.ge [sflag:s25], $0x1000  }
0xd3: {  	p1 =	seq.s32 s28, $0x8000;
	[sflag:s25] =	ssyncset.done $0x0  }
.Ltmp2:
0xd4: {  	s5 =	sadd.s32 $0x2F80, s30;
	[sflag:s25] =	ssyncadd.s32 $0xFFFFF000;
	(pc) =	sbr.rel @p1 .LBB2_4-.Ltmp2, $4  }
0xd5: {  	[spmem:s3] =	stream.indirect.scatter.add.f32 [tilespmem:s31], [sflag:$0x10], $0x20, s5, s19, $0xb8;
	[tilespmem:$0x1EE20] =	vst v63  }
0xd6: {  	_ =	swait.ge [sflag:s9], $0x1000  }
0xd7: {  	[sflag:s9] =	ssyncset.done $0x0  }
0xd8: {  	[sflag:s9] =	ssyncadd.s32 $0xFFFFF000  }
0xd9: {  	s1 =	sadd.s32 $0x800, s30;
	s5 =	simm.s32 $0x5000  }
0xda: {  	[tilespmem:s5], [sflag:$0x1] =	stream.indirect.gather [spmem:s2], $0x20, s1, s19, $0xb8;
	[tilespmem:$0x1EE20] =	vst v63  }
0xdb: {  	_ =	swait.ge [sflag:s10], $0x1000  }
0xdc: {  	[sflag:s10] =	ssyncset.done $0x0  }
0xdd: {  	s1 =	sadd.s32 $0x880, s30;
	s5 =	simm.s32 $0x6000;
	[sflag:s10] =	ssyncadd.s32 $0xFFFFF000  }
0xde: {  	[tilespmem:s5], [sflag:$0x2] =	stream.indirect.gather [spmem:s2], $0x20, s1, s19, $0xb8;
	[tilespmem:$0x1EE20] =	vst v63  }
0xdf: {  	_ =	swait.ge [sflag:s11], $0x1000  }
0xe0: {  	[sflag:s11] =	ssyncset.done $0x0  }
0xe1: {  	s1 =	sadd.s32 $0x900, s30;
	s5 =	simm.s32 $0x7000;
	[sflag:s11] =	ssyncadd.s32 $0xFFFFF000  }
0xe2: {  	[tilespmem:s5], [sflag:$0x3] =	stream.indirect.gather [spmem:s2], $0x20, s1, s19, $0xb8;
	[tilespmem:$0x1EE20] =	vst v63  }
0xe3: {  	_ =	swait.ge [sflag:s15], $0x1000  }
0xe4: {  	[sflag:s15] =	ssyncset.done $0x0  }
0xe5: {  	s1 =	sadd.s32 $0x980, s30;
	s5 =	simm.s32 $0x8000;
	[sflag:s15] =	ssyncadd.s32 $0xFFFFF000  }
0xe6: {  	[tilespmem:s5], [sflag:$0x4] =	stream.indirect.gather [spmem:s2], $0x20, s1, s19, $0xb8;
	[tilespmem:$0x1EE20] =	vst v63  }
0xe7: {  	_ =	swait.ge [sflag:s17], $0x1000  }
0xe8: {  	[sflag:s17] =	ssyncset.done $0x0  }
0xe9: {  	s1 =	sadd.s32 $0xA00, s30;
	s5 =	simm.s32 $0x9000;
	[sflag:s17] =	ssyncadd.s32 $0xFFFFF000  }
0xea: {  	[tilespmem:s5], [sflag:$0x5] =	stream.indirect.gather [spmem:s2], $0x20, s1, s19, $0xb8;
	[tilespmem:$0x1EE20] =	vst v63  }
0xeb: {  	_ =	swait.ge [sflag:s4], $0x1000  }
0xec: {  	[sflag:s4] =	ssyncset.done $0x0  }
0xed: {  	s1 =	sadd.s32 $0xA80, s30;
	s5 =	simm.s32 $0xA000;
	[sflag:s4] =	ssyncadd.s32 $0xFFFFF000  }
0xee: {  	[tilespmem:s5], [sflag:$0x6] =	stream.indirect.gather [spmem:s2], $0x20, s1, s19, $0xb8;
	[tilespmem:$0x1EE20] =	vst v63  }
0xef: {  	_ =	swait.ge [sflag:s7], $0x1000  }
0xf0: {  	[sflag:s7] =	ssyncset.done $0x0  }
0xf1: {  	s1 =	sadd.s32 $0xB00, s30;
	s5 =	simm.s32 $0xB000;
	[sflag:s7] =	ssyncadd.s32 $0xFFFFF000  }
0xf2: {  	[tilespmem:s5], [sflag:$0x7] =	stream.indirect.gather [spmem:s2], $0x20, s1, s19, $0xb8;
	[tilespmem:$0x1EE20] =	vst v63  }
0xf3: {  	_ =	swait.ge [sflag:s8], $0x1000  }
0xf4: {  	[sflag:s8] =	ssyncset.done $0x0  }
0xf5: {  	s1 =	sadd.s32 $0xB80, s30;
	s5 =	simm.s32 $0xC000;
	[sflag:s8] =	ssyncadd.s32 $0xFFFFF000  }
0xf6: {  	[tilespmem:s5], [sflag:$0x8] =	stream.indirect.gather [spmem:s2], $0x20, s1, s19, $0xb8;
	[tilespmem:$0x1EE20] =	vst v63  }
0xf7: {  	_ =	swait.ge [sflag:s16], $0x1000  }
0xf8: {  	[sflag:s16] =	ssyncset.done $0x0  }
0xf9: {  	s5 =	sadd.s32 $0xC00, s30;
	[sflag:s16] =	ssyncadd.s32 $0xFFFFF000  }
0xfa: {  	[tilespmem:s6], [sflag:$0x9] =	stream.indirect.gather [spmem:s2], $0x20, s5, s19, $0xb8;
	[tilespmem:$0x1EE20] =	vst v63  }
0xfb: {  	_ =	swait.ge [sflag:s18], $0x1000  }
0xfc: {  	[sflag:s18] =	ssyncset.done $0x0  }
0xfd: {  	s5 =	sadd.s32 $0xC80, s30;
	[sflag:s18] =	ssyncadd.s32 $0xFFFFF000  }
0xfe: {  	[tilespmem:s13], [sflag:$0xA] =	stream.indirect.gather [spmem:s2], $0x20, s5, s19, $0xb8;
	[tilespmem:$0x1EE20] =	vst v63  }
0xff: {  	_ =	swait.ge [sflag:s14], $0x1000  }
0x100: {  	[sflag:s14] =	ssyncset.done $0x0  }
0x101: {  	s5 =	sadd.s32 $0xD00, s30;
	[sflag:s14] =	ssyncadd.s32 $0xFFFFF000  }
0x102: {  	[tilespmem:s24], [sflag:$0xB] =	stream.indirect.gather [spmem:s2], $0x20, s5, s19, $0xb8;
	[tilespmem:$0x1EE20] =	vst v63  }
0x103: {  	_ =	swait.ge [sflag:s12], $0x1000  }
0x104: {  	[sflag:s12] =	ssyncset.done $0x0  }
0x105: {  	s5 =	sadd.s32 $0xD80, s30;
	[sflag:s12] =	ssyncadd.s32 $0xFFFFF000  }
0x106: {  	[tilespmem:s29], [sflag:$0xC] =	stream.indirect.gather [spmem:s2], $0x20, s5, s19, $0xb8;
	[tilespmem:$0x1EE20] =	vst v63  }
0x107: {  	_ =	swait.ge [sflag:s20], $0x1000  }
0x108: {  	[sflag:s20] =	ssyncset.done $0x0  }
0x109: {  	s5 =	sadd.s32 $0xE00, s30;
	[sflag:s20] =	ssyncadd.s32 $0xFFFFF000  }
0x10a: {  	[tilespmem:s0], [sflag:$0xD] =	stream.indirect.gather [spmem:s2], $0x20, s5, s19, $0xb8;
	[tilespmem:$0x1EE20] =	vst v63  }
0x10b: {  	_ =	swait.ge [sflag:s21], $0x1000  }
0x10c: {  	[sflag:s21] =	ssyncset.done $0x0  }
0x10d: {  	s5 =	sadd.s32 $0xE80, s30;
	[sflag:s21] =	ssyncadd.s32 $0xFFFFF000  }
0x10e: {  	[tilespmem:s26], [sflag:$0xE] =	stream.indirect.gather [spmem:s2], $0x20, s5, s19, $0xb8;
	[tilespmem:$0x1EE20] =	vst v63  }
0x10f: {  	_ =	swait.ge [sflag:s23], $0x1000  }
0x110: {  	[sflag:s23] =	ssyncset.done $0x0  }
0x111: {  	s5 =	sadd.s32 $0xF00, s30;
	[sflag:s23] =	ssyncadd.s32 $0xFFFFF000  }
0x112: {  	[tilespmem:s22], [sflag:$0xF] =	stream.indirect.gather [spmem:s2], $0x20, s5, s19, $0xb8;
	[tilespmem:$0x1EE20] =	vst v63  }
.Ltmp3:
0x113: {  	_ = 	snop;
	(pc) =	sbr.rel .LBB2_2-.Ltmp3, $4  }
0x114: {  	_ =	swait.ge [sflag:s25], $0x1000  }
0x115: {  	[sflag:s25] =	ssyncset.done $0x0  }
0x116: {  	s28 =	sadd.s32 $0x2000, s28;
	s30 =	sadd.s32 $0xF80, s30;
	[sflag:s25] =	ssyncadd.s32 $0xFFFFF000  }
0x117: {  	[tilespmem:s31], [sflag:$0x10] =	stream.indirect.gather [spmem:s2], $0x20, s30, s19, $0xb8;
	[tilespmem:$0x1EE20] =	vst v63  }
.LBB2_5:
0x118: {  	_ =	sfence.sel $0x180000  }
0x119: {  	[bflag:$0x0] =	sbarrier.arrive $0xFFFF  }
0x11a: {  	_ =	strace $0x9000004D  }
0x11b: {  	s0 =	stileid.u32;
	[bflag:$0x2] =	sbarrier.arrive $0xFFFF  }
0x11c: {  	p0 =	sne.s32 s0, $0x0;
	s0 =	rddreg [dreg:$0x3]  }
0x11d: {  	s0 =	sadd.s32 @!p0 $0x100000, s0  }
0x11e: {  	[sflag:s0] =	ssyncadd.tile.s32 @!p0 $0x1;
	_ =	shalt  }
.Lfunc_end2:
_tile_overlayer_lowered:
.L_overlay_start_2:
0x11f: {  	(tag) =	ssettag $0x2  }
0x120: {  	s0 =	rddreg [dreg:$0x0];
	s2 =	stileid.u32  }
0x121: {  	s1 =	rddreg [dreg:$0x1];
	p0 =	sne.s32 s2, $0x0  }
0x122: {  	s3 =	rddreg [dreg:$0x2];
	[bflag:$0x3] =	sbarrier.arrive $0xFFFF;
	s2 =	simm.s32 @!p0 $0x1C11  }
0x123: {  	[timem:s3], [sflag:s2] =	dma.local @!p0 [hbm:s0], s1  }
0x124: {  	s0 =	simm.s32 @!p0 $0x11  }
0x125: {  	_ =	swait.ge @!p0 [sflag:s0], s1  }
0x126: {  	s1 =	ssub.s32 @!p0 $0x0, s1;
	[sflag:s0] =	ssyncset.done @!p0 $0x0  }
0x127: {  	[sflag:s0] =	ssyncadd.s32 @!p0 s1  }
0x128: {  	[bflag:$0x3] =	sbarrier.arrive $0xFFFF  }
0x129: {  	_ =	shalt  }

// kernel: kernel.20.cloned.1.call-start
scs
__scs_entry_jumppad:
0x0: {  	(pc) =	sbr.rel $0x88, $3  }
0x1: {  	(tag) =	ssettag $0x0;
	lr =	simm.s32 $0x1  }
0x2: {  	[smem:$0x3F97] =	sst lr;
	_ =	strace $0xD0000000  }
0x3: {  	_ = 	snop  }
0x4: {  	_ = 	snop  }
0x5: {  	_ = 	snop  }
0x6: {  	_ = 	snop  }
0x7: {  	_ = 	snop  }
__scs_overlays_trampoline_lowered:
0x8: {  	[smem:$0x3FA6] =	sst s0  }
0x9: {  	[smem:$0x3FA7] =	sst s1  }
0xa: {  	[smem:$0x3FA8] =	sst s2  }
0xb: {  	[smem:$0x3FA9] =	sst s3  }
0xc: {  	[smem:$0x3FAA] =	sst s4  }
0xd: {  	[smem:$0x3FAB] =	sst s5  }
0xe: {  	[smem:$0x3FAC] =	sst s6  }
0xf: {  	[smem:$0x3FAD] =	sst s7  }
0x10: {  	[smem:$0x3FAE] =	sst s8  }
0x11: {  	[smem:$0x3FAF] =	sst s9;
	s0 =	simm.s32 @!p0 $0x0  }
0x12: {  	s1 =	sld [smem:$0x3F95];
	s0 =	simm.s32 @p0 $0x1  }
0x13: {  	[smem:$0x3FB0] =	sst s0;
	s0 =	simm.s32 @!p1 $0x0  }
0x14: {  	s2 =	sld [smem:$0x3F94];
	s0 =	simm.s32 @p1 $0x1  }
0x15: {  	[smem:$0x3FB1] =	sst s0;
	s0 =	simm.s32 @!p2 $0x0  }
0x16: {  	s3 =	sld [smem:$0x3FDB];
	s0 =	simm.s32 @p2 $0x1  }
0x17: {  	s4 =	simm.s32 $0x1BF5;
	[smem:$0x3FB3] =	sst s0  }
0x18: {  	s0 =	sld [smem:$0x3F96];
	_ =	swait.ge [sflag:s4], $0x0  }
0x19: {  	s7 =	sld [smem:$0x3F97]  }
0x1a: {  	s8 =	sadd.s32 $0xFFFFE003, lr  }
0x1b: {  	s9 =	sadd.s32 $0xFFFFFEF7, lr;
	s5 =	simm.s32 $0xFFFFFFFF;
	p2 =	slt.u32 s8, $0xFFFFF086  }
0x1c: {  	p1 =	slt.u32 s9, $0xF7A;
	s5 =	simm.s32 @!p2 $0x0  }
0x1d: {  	s5 =	simm.s32 @p1 $0x1;
	p0 =	seq.s32 s7, s2  }
0x1e: {  	s7 =	smul.u32 @!p0 $0xF7A, s2;
	p2 =	seq.s32 @!p0 s5, $0x0  }
0x1f: {  	s9 =	smul.u32 $0xF7A, s1;
	s8 =	simm.s32 @!p0 $0x1BF5;
	p2 =	por !p2, p0  }
0x20: {  	[sflag:s8] =	ssyncset.s32 @!p0 $0xFFFFF086;
	s6 =	sadd.s32 @!p0 s3, s7;
	s7 =	simm.s32 @!p0 $0x108  }
0x21: {  	s3 =	sadd.s32 s3, s9;
	s6 =	sadd.s32 @!p0 $0x88, s6;
	s7 =	simm.s32 @p2 $0x1082  }
0x22: {  	[simem:s7], [sflag:s8] =	dma.local @!p0 [hbm:s6], $0xF7A  }
0x23: {  	s9 =	sor.u32 $0xD0000000, s2;
	s6 =	simm.s32 $0x108;
	_ =	swait.ge @!p0 [sflag:s8], $0x0  }
0x24: {  	s3 =	sadd.s32 $0x88, s3;
	s6 =	simm.s32 @!p1 $0x1082;
	[sflag:s4] =	ssyncset.s32 $0xFFFFF086  }
0x25: {  	[simem:s6], [sflag:s4] =	dma.local [hbm:s3], $0xF7A  }
0x26: {  	[smem:$0x3F97] =	sst s1;
	(tag) =	ssettag s2;
	_ =	strace s9  }
0x27: {  	s1 =	sld [smem:$0x3FA7]  }
0x28: {  	s2 =	sld [smem:$0x3FA8]  }
0x29: {  	s4 =	sld [smem:$0x3FAA]  }
0x2a: {  	p0 =	seq.s32 s5, $0x0;
	s5 =	sld [smem:$0x3FAB]  }
0x2b: {  	s6 =	sld [smem:$0x3FAC]  }
0x2c: {  	s7 =	sld [smem:$0x3FAD]  }
0x2d: {  	s3 =	simm.s32 $0x108;
	s8 =	sld [smem:$0x3FAE]  }
0x2e: {  	s3 =	simm.s32 @!p0 $0x1082;
	s9 =	sld [smem:$0x3FAF]  }
0x2f: {  	lr =	sadd.s32 s0, s3;
	s0 =	sld [smem:$0x3FA6]  }
0x30: {  	s3 =	sld [smem:$0x3FA9]  }
0x31: {  	[smem:$0x3FB2] =	sst s10  }
0x32: {  	s10 =	sld [smem:$0x3FB0];
	_ =	sdelay $0x3  }
0x33: {  	p0 =	seq.s32 s10, $0x1;
	s10 =	sld [smem:$0x3FB2];
	_ =	sdelay $0x3  }
0x34: {  	[smem:$0x3FB2] =	sst s10  }
0x35: {  	s10 =	sld [smem:$0x3FB1];
	_ =	sdelay $0x3  }
0x36: {  	p1 =	seq.s32 s10, $0x1;
	s10 =	sld [smem:$0x3FB2];
	_ =	sdelay $0x3  }
0x37: {  	[smem:$0x3FB2] =	sst s10  }
0x38: {  	s10 =	sld [smem:$0x3FB3]  }
0x39: {  	_ = 	snop;
	(pc) =	sbr.ind lr, $3  }
0x3a: {  	_ = 	snop  }
0x3b: {  	_ = 	snop  }
0x3c: {  	p2 =	seq.s32 s10, $0x1;
	s10 =	sld [smem:$0x3FB2]  }
0x3d: {  	_ =	shalt  }
0x3e: {  	_ =	shalt  }
0x3f: {  	_ =	shalt  }
0x40: {  	_ =	shalt  }
0x41: {  	_ =	shalt  }
0x42: {  	_ =	shalt  }
0x43: {  	_ =	shalt  }
0x44: {  	_ =	shalt  }
0x45: {  	_ =	shalt  }
0x46: {  	_ =	shalt  }
0x47: {  	_ =	shalt  }
0x48: {  	_ =	shalt  }
0x49: {  	_ =	shalt  }
0x4a: {  	_ =	shalt  }
0x4b: {  	_ =	shalt  }
0x4c: {  	_ =	shalt  }
0x4d: {  	_ =	shalt  }
0x4e: {  	_ =	shalt  }
0x4f: {  	_ =	shalt  }
0x50: {  	_ =	shalt  }
0x51: {  	_ =	shalt  }
0x52: {  	_ =	shalt  }
0x53: {  	_ =	shalt  }
0x54: {  	_ =	shalt  }
0x55: {  	_ =	shalt  }
0x56: {  	_ =	shalt  }
0x57: {  	_ =	shalt  }
0x58: {  	_ =	shalt  }
0x59: {  	_ =	shalt  }
0x5a: {  	_ =	shalt  }
0x5b: {  	_ =	shalt  }
0x5c: {  	_ =	shalt  }
0x5d: {  	_ =	shalt  }
0x5e: {  	_ =	shalt  }
0x5f: {  	_ =	shalt  }
0x60: {  	_ =	shalt  }
0x61: {  	_ =	shalt  }
0x62: {  	_ =	shalt  }
0x63: {  	_ =	shalt  }
0x64: {  	_ =	shalt  }
0x65: {  	_ =	shalt  }
0x66: {  	_ =	shalt  }
0x67: {  	_ =	shalt  }
0x68: {  	_ =	shalt  }
0x69: {  	_ =	shalt  }
0x6a: {  	_ =	shalt  }
0x6b: {  	_ =	shalt  }
0x6c: {  	_ =	shalt  }
0x6d: {  	_ =	shalt  }
0x6e: {  	_ =	shalt  }
0x6f: {  	_ =	shalt  }
0x70: {  	_ =	shalt  }
0x71: {  	_ =	shalt  }
0x72: {  	_ =	shalt  }
0x73: {  	_ =	shalt  }
0x74: {  	_ =	shalt  }
0x75: {  	_ =	shalt  }
0x76: {  	_ =	shalt  }
0x77: {  	_ =	shalt  }
0x78: {  	_ =	shalt  }
0x79: {  	_ =	shalt  }
0x7a: {  	_ =	shalt  }
0x7b: {  	_ =	shalt  }
0x7c: {  	_ =	shalt  }
0x7d: {  	_ =	shalt  }
0x7e: {  	_ =	shalt  }
0x7f: {  	_ =	shalt  }
0x80: {  	_ =	shalt  }
0x81: {  	_ =	shalt  }
0x82: {  	_ =	shalt  }
0x83: {  	_ =	shalt  }
0x84: {  	_ =	shalt  }
0x85: {  	_ =	shalt  }
0x86: {  	_ =	shalt  }
0x87: {  	_ =	shalt  }
.Lfunc_end0:
.L_simem_size_0:
called_computation.3_lowered:
.L_overlay_start_0:
0x88: {  	s2 =	sld [smem:$0x3FD9]  }
0x89: {  	s3 =	sld [smem:$0x3FFE];
	_ =	sdelay $0x1  }
0x8a: {  	s1 =	srdreg.scid  }
0x8b: {  	s0 =	sand.u32 $0x1, s1  }
0x8c: {  	s17 =	sshll.u32 s0, $0xA;
	s2 =	sadd.s32 s3, s2  }
0x8d: {  	s2 =	sadd.s32 s2, s17  }
0x8e: {  	[smem:$0x3FBE] =	sst s2  }
0x8f: {  	_ = 	snop  }
0x90: {  	s2 =	sld [smem:$0x3FD0];
	(tm) =	ssettm $0x1  }
0x91: {  	s18 =	sld [smem:$0x3FFB];
	_ =	sdelay $0x3  }
0x92: {  	_ =	strace s18  }
0x93: {  	s3 =	sld [smem:$0x3FFC];
	_ =	sdelay $0x3  }
0x94: {  	_ =	strace s3  }
0x95: {  	s3 =	sld [smem:$0x3FFD];
	_ =	sdelay $0x3  }
0x96: {  	_ =	strace s3  }
0x97: {  	_ =	strace $0x8FFFFFFF  }
0x98: {  	s19 =	sld [smem:$0x3FDB];
	_ =	sdelay $0x1  }
0x99: {  	s4 =	simm.s32 $_scs_section_size  }
0x9a: {  	s5 =	simm.s32 $_size__tile_overlayer_lowered;
	s6 =	simm.s32 $_tile_overlayer_lowered  }
0x9b: {  	s22 =	simm.s32 $0x1BFF;
	s21 =	sshll.u32 s6, $0x1;
	s3 =	sadd.s32 s4, s19  }
0x9c: {  	s7 =	simm.s32 $0x0;
	s20 =	sshll.u32 s5, $0x1;
	s5 =	sadd.s32 s21, s3  }
0x9d: {  	[timem:s7], [sflag:s22] =	dma.local [hbm:s5], s20  }
0x9e: {  	_ =	swait.ge [sflag:s22], s20  }
0x9f: {  	s4 =	ssub.s32 $0x0, s20;
	[sflag:s22] =	ssyncset.done $0x0  }
0xa0: {  	[sflag:s22] =	ssyncadd.s32 s4;
	_ =	sdelay $0x1  }
0xa1: {  	s23 =	simm.s32 $0x1B8B  }
0xa2: {  	_ =	swait.ge [sflag:s23], $0x1  }
0xa3: {  	[sflag:s23] =	ssyncset.done $0x0  }
0xa4: {  	s25 =	simm.s32 $0x1B8E;
	s24 =	sld [smem:$0x3FFE];
	[sflag:s23] =	ssyncadd.s32 $0xFFFFFFFF  }
0xa5: {  	s26 =	simm.s32 $execute0_lowered;
	[smem:$0x3FD2] =	sst s25  }
0xa6: {  	s5 =	sshll.u32 s26, $0x1;
	_ =	strace $0x8000004F;
	[dreg:$0x1] =	wrdreg $0xFFFFFFFF  }
0xa7: {  	s28 =	simm.s32 $_size_execute0_lowered;
	s3 =	sadd.s32 s3, s5;
	[dreg:$0x0] =	wrdreg $0x0  }
0xa8: {  	s5 =	sshll.u32 s28, $0x1;
	[dreg:$0x2] =	wrdreg s3  }
0xa9: {  	[dreg:$0x3] =	wrdreg s5  }
0xaa: {  	[dreg:$0x4] =	wrdreg $0xC0  }
0xab: {  	_ =	task [dreg:s7], $0x5FFFF  }
0xac: {  	[dreg:$0x1] =	wrdreg $0xFFFFFFFF  }
0xad: {  	[dreg:$0x0] =	wrdreg $0x60  }
0xae: {  	[dreg:$0x2] =	wrdreg s2  }
0xaf: {  	[dreg:$0x3] =	wrdreg s24  }
0xb0: {  	[dreg:$0x4] =	wrdreg $0xD0000  }
0xb1: {  	[dreg:$0x5] =	wrdreg $0xF7100  }
0xb2: {  	[dreg:$0x6] =	wrdreg $0x9  }
0xb3: {  	_ =	task.clear_ibuf [dreg:s7], $0x7FFFF;
	_ =	strace $0x9000004F  }
0xb4: {  	s29 =	simm.s32 $0x9;
	_ =	strace $0x80000051  }
0xb5: {  	_ =	swait.ge [sflag:s29], $0x1  }
0xb6: {  	[sflag:s29] =	ssyncadd.s32 $0xFFFFFFFF  }
0xb7: {  	_ =	strace $0x90000051  }
0xb8: {  	_ =	sfence  }
0xb9: {  	s30 =	sld [smem:$0x0];
	_ =	sdelay $0x2  }
0xba: {  	s31 =	sshll.u32 s1, $0xD;
	s1 =	sshrl.u32 s1, $0x2  }
0xbb: {  	s3 =	sand.u32 $0x4000, s31;
	s1 =	sadd.s32 s1, s30  }
0xbc: {  	s0 =	sor.u32 s3, s0;
	s1 =	sshll.u32 s1, $0x11  }
0xbd: {  	s0 =	sor.u32 s1, s0  }
0xbe: {  	s0 =	sadd.s32 $0x8F2B, s0  }
0xbf: {  	[sflag:s0] =	ssyncadd.remote.s32 $0x1  }
0xc0: {  	_ =	sfence.sel $0xFFFF  }
0xc1: {  	[dreg:$0x0] =	wrdreg $0xFFFFFFFF;
	(pc) =	sbr.abs _section_cstart, $3  }
0xc2: {  	[dreg:$0x1] =	wrdreg $0xFFFFFFFF  }
0xc3: {  	_ =	task.clear_ibuf [dreg:s7], $0x2FFFF;
	_ =	strace $0x9FFFFFFF  }
0xc4: {  	(tm) =	ssettm $0x7FFFFFFF  }
0xc5: {  	_ =	shalt  }
tec
execute0_lowered:
.L_overlay_start_1:
0x0: {  	(tag) =	ssettag $0x1  }
0x1: {  	s0 =	rddreg [dreg:$0x0]  }
0x2: {  	s1 =	srdreg.scid;
	s4 =	rddreg [dreg:$0x1]  }
0x3: {  	s10 =	stileid.u32;
	s2 =	rddreg [dreg:$0x2]  }
0x4: {  	s3 =	rddreg [dreg:$0x3];
	s7 =	simm.s32 $0x0;
	s30 =	simm.s32 $0x11  }
0x5: {  	s11 =	simm.s32 $0x3;
	s15 =	simm.s32 $0x4;
	s16 =	simm.s32 $0x9  }
0x6: {  	s14 =	simm.s32 $0xB;
	s12 =	simm.s32 $0xC;
	s29 =	simm.s32 $0xA800  }
0x7: {  	s31 =	simm.s32 $0xC800;
	s1 =	sand.u32 $0x1, s1;
	s5 =	smul.u32 $0x5000, s10  }
0x8: {  	[smem:$0x7FF] =	sst s7;
	s8 =	smul.u32 $0x2700, s10;
	s9 =	sadd.s32 $0x27000, s2  }
0x9: {  	p0 =	sne.s32 s10, $0xF;
	s26 =	sshll.u32 s10, $0x6;
	s10 =	simm.s32 $0x2  }
0xa: {  	s6 =	smul.u32 $0x2800, s1;
	_ =	strace $0x80000050;
	s17 =	ssub.s32 $0x2, s1  }
0xb: {  	s1 =	smul.u32 $0x27100, s1;
	s18 =	sshrl.u32 s17, $0x1;
	s20 =	sadd.s32 s8, s2  }
0xc: {  	s21 =	sshrl.u32 s8, $0x3;
	s22 =	sadd.s32 s8, s3;
	s5 =	sadd.s32 s6, s5  }
0xd: {  	s6 =	ssub.s32 s17, s18;
	s7 =	sadd.s32 s0, s21;
	s0 =	sadd.s32 $0x4E00, s0  }
0xe: {  	s23 =	sadd.s32 s8, s1;
	s1 =	sshrl.u32 s1, $0x3;
	s8 =	sadd.s32 $0x27000, s3  }
0xf: {  	s28 =	sshrl.u32 s20, $0x3;
	s13 =	sshrl.u32 s22, $0x3;
	s17 =	simm.s32 $0x5  }
0x10: {  	s18 =	simm.s32 $0xA;
	s20 =	simm.s32 $0xD;
	[dreg:$0x7] =	wrdreg s7  }
0x11: {  	s21 =	simm.s32 $0xE;
	s5 =	sshrl.u32 s5, $0x3;
	[dreg:$0x8] =	wrdreg s0  }
0x12: {  	s0 =	sshrl.u32 s23, $0x3;
	s25 =	smax.u32 s6, $0x1;
	s6 =	sor.u32 $0x1C11, s26  }
0x13: {  	[dreg:$0xd] =	wrdreg s28;
	s7 =	simm.s32 $0x7;
	s23 =	simm.s32 $0xF  }
0x14: {  	[dreg:$0xe] =	wrdreg s13;
	s26 =	simm.s32 $0xB800;
	s5 =	sadd.s32 s5, s4  }
0x15: {  	s4 =	sadd.s32 $0xC600, s4;
	[dreg:$0xb] =	wrdreg s25;
	s25 =	simm.s32 $0x10  }
0x16: {  	[dreg:$0xc] =	wrdreg s6;
	s19 =	sadd.s32 $0x16400, s5;
	s5 =	sadd.s32 $0x2600, s5  }
0x17: {  	s1 =	sadd.s32 s4, s1;
	s0 =	sadd.s32 s4, s0;
	[dreg:$0x5] =	wrdreg s19  }
.Ltmp0:
0x18: {  	s4 =	simm.s32 $0x6;
	[dreg:$0x6] =	wrdreg s5;
	(pc) =	sbr.rel .LBB2_1-.Ltmp0, $4  }
0x19: {  	[dreg:$0x9] =	wrdreg s0;
	s24 =	sadd.s32 $0x4E00, s1;
	s0 =	sshrl.u32 @!p0 s9, $0x3  }
0x1a: {  	s5 =	sshrl.u32 @!p0 s8, $0x3;
	s19 =	simm.s32 $0x80;
	[dreg:$0xa] =	wrdreg s24  }
0x1b: {  	s9 =	simm.s32 $0x1;
	s8 =	simm.s32 $0x8;
	[dreg:$0xf] =	wrdreg s0  }
0x1c: {  	s0 =	simm.s32 $0x0;
	[dreg:$0x10] =	wrdreg s5;
	s24 =	simm.s32 $0xA000  }
.LBB2_4:
0x1d: {  	_ =	swait.ge [sflag:s10], $0x800  }
0x1e: {  	[sflag:s10] =	ssyncset.done $0x0  }
0x1f: {  	[sflag:s10] =	ssyncadd.s32 $0xFFFFF800  }
0x20: {  	_ =	swait.ge [sflag:s11], $0x800  }
0x21: {  	[sflag:s11] =	ssyncset.done $0x0  }
0x22: {  	[sflag:s11] =	ssyncadd.s32 $0xFFFFF800  }
0x23: {  	_ =	swait.ge [sflag:s15], $0x800  }
0x24: {  	[sflag:s15] =	ssyncset.done $0x0  }
0x25: {  	[sflag:s15] =	ssyncadd.s32 $0xFFFFF800  }
0x26: {  	_ =	swait.ge [sflag:s17], $0x800  }
0x27: {  	[sflag:s17] =	ssyncset.done $0x0  }
0x28: {  	[sflag:s17] =	ssyncadd.s32 $0xFFFFF800  }
0x29: {  	_ =	swait.ge [sflag:s4], $0x800  }
0x2a: {  	[sflag:s4] =	ssyncset.done $0x0  }
0x2b: {  	[sflag:s4] =	ssyncadd.s32 $0xFFFFF800  }
0x2c: {  	_ =	swait.ge [sflag:s7], $0x800  }
0x2d: {  	[sflag:s7] =	ssyncset.done $0x0  }
0x2e: {  	[sflag:s7] =	ssyncadd.s32 $0xFFFFF800  }
0x2f: {  	_ =	swait.ge [sflag:s8], $0x800  }
0x30: {  	[sflag:s8] =	ssyncset.done $0x0  }
0x31: {  	[sflag:s8] =	ssyncadd.s32 $0xFFFFF800  }
0x32: {  	_ =	swait.ge [sflag:s16], $0x800  }
0x33: {  	[sflag:s16] =	ssyncset.done $0x0  }
0x34: {  	[sflag:s16] =	ssyncadd.s32 $0xFFFFF800  }
0x35: {  	_ =	swait.ge [sflag:s18], $0x800  }
0x36: {  	[sflag:s18] =	ssyncset.done $0x0  }
0x37: {  	[sflag:s18] =	ssyncadd.s32 $0xFFFFF800  }
0x38: {  	_ =	swait.ge [sflag:s14], $0x800  }
0x39: {  	[sflag:s14] =	ssyncset.done $0x0  }
0x3a: {  	[sflag:s14] =	ssyncadd.s32 $0xFFFFF800  }
0x3b: {  	_ =	swait.ge [sflag:s12], $0x800  }
0x3c: {  	[sflag:s12] =	ssyncset.done $0x0  }
0x3d: {  	[sflag:s12] =	ssyncadd.s32 $0xFFFFF800  }
0x3e: {  	_ =	swait.ge [sflag:s20], $0x800  }
0x3f: {  	[sflag:s20] =	ssyncset.done $0x0  }
0x40: {  	[sflag:s20] =	ssyncadd.s32 $0xFFFFF800  }
0x41: {  	_ =	swait.ge [sflag:s21], $0x800  }
0x42: {  	[sflag:s21] =	ssyncset.done $0x0  }
0x43: {  	[sflag:s21] =	ssyncadd.s32 $0xFFFFF800  }
0x44: {  	_ =	swait.ge [sflag:s23], $0x800  }
0x45: {  	[sflag:s23] =	ssyncset.done $0x0  }
0x46: {  	[sflag:s23] =	ssyncadd.s32 $0xFFFFF800  }
0x47: {  	_ =	swait.ge [sflag:s25], $0x800  }
0x48: {  	[sflag:s25] =	ssyncset.done $0x0  }
0x49: {  	[sflag:s25] =	ssyncadd.s32 $0xFFFFF800  }
0x4a: {  	[bflag:$0x0] =	sbarrier.arrive $0xFFFF  }
0x4b: {  	s1 =	rddreg [dreg:$0x9]  }
0x4c: {  	s6 =	rddreg [dreg:$0xc]  }
0x4d: {  	s30 =	simm.s32 $0x11;
	s13 =	rddreg [dreg:$0xe]  }
0x4e: {  	[hbm:s1], [sflag:s6] =	dma.local [spmem:s13], $0x4E0  }
0x4f: {  	_ =	swait.ge [sflag:s30], $0x4E0  }
0x50: {  	[sflag:s30] =	ssyncset.done $0x0;
	s1 =	rddreg [dreg:$0xa]  }
0x51: {  	s5 =	rddreg [dreg:$0x10];
	[sflag:s30] =	ssyncadd.s32 $0xFFFFFB20  }
0x52: {  	[hbm:s1], [sflag:s6] =	dma.local @!p0 [spmem:s5], $0x20  }
0x53: {  	s1 =	simm.s32 @!p0 $0x11  }
0x54: {  	_ =	swait.ge @!p0 [sflag:s1], $0x20  }
0x55: {  	s0 =	rddreg [dreg:$0x11]  }
0x56: {  	s28 =	rddreg [dreg:$0xb];
	s0 =	sadd.s32 $0x1, s0  }
0x57: {  	p1 =	sne.s32 s0, s28  }
.Ltmp1:
0x58: {  	_ = 	snop;
	(pc) =	sbr.rel @!p1 .LBB2_5-.Ltmp1, $3  }
0x59: {  	_ =	sdelay $0x1  }
0x5a: {  	[sflag:s1] =	ssyncset.done @!p0 $0x0  }
0x5b: {  	[sflag:s1] =	ssyncadd.s32 @!p0 $0xFFFFFFE0  }
.LBB2_1:
0x5c: {  	[dreg:$0x11] =	wrdreg s0  }
0x5d: {  	s22 =	simm.s32 $0x0;
	s28 =	rddreg [dreg:$0x5]  }
0x5e: {  	[tilespmem:s22], [sflag:$0x11] =	stream.linear.gather [hbm4b:s28+s22], $0x2800, $0x38;
	[tilespmem:$0x11F10] =	vst v63  }
0x5f: {  	_ =	swait.ge [sflag:s30], $0x2800  }
0x60: {  	[sflag:s30] =	ssyncset.done $0x0  }
0x61: {  	s1 =	simm.s32 $0x2800;
	s28 =	rddreg [dreg:$0x6];
	[sflag:s30] =	ssyncadd.s32 $0xFFFFD800  }
0x62: {  	[tilespmem:s1], [sflag:$0x11] =	stream.linear.gather [hbm4b:s28+s22], $0x2800, $0x38;
	[tilespmem:$0x11F10] =	vst v63  }
0x63: {  	_ =	swait.ge [sflag:s30], $0x2800  }
0x64: {  	[sflag:s30] =	ssyncset.done $0x0;
	s28 =	rddreg [dreg:$0x7]  }
0x65: {  	s0 =	rddreg [dreg:$0xd];
	[sflag:s30] =	ssyncadd.s32 $0xFFFFD800  }
0x66: {  	[spmem:s0], [sflag:s6] =	dma.local [hbm:s28], $0x4E0  }
0x67: {  	_ =	swait.ge [sflag:s30], $0x4E0  }
0x68: {  	[sflag:s30] =	ssyncset.done $0x0  }
0x69: {  	[sflag:s30] =	ssyncadd.s32 $0xFFFFFB20  }
0x6a: {  	[spmem:s13], [sflag:s6] =	dma.local [hbm:s28], $0x4E0  }
0x6b: {  	_ =	swait.ge [sflag:s30], $0x4E0  }
0x6c: {  	[sflag:s30] =	ssyncset.done $0x0;
	s1 =	rddreg [dreg:$0xf]  }
0x6d: {  	s28 =	simm.s32 @!p0 $0x11;
	[sflag:s30] =	ssyncadd.s32 $0xFFFFFB20;
	s30 =	rddreg [dreg:$0x8]  }
0x6e: {  	[spmem:s1], [sflag:s6] =	dma.local @!p0 [hbm:s30], $0x20  }
0x6f: {  	_ =	swait.ge @!p0 [sflag:s28], $0x20  }
0x70: {  	[sflag:s28] =	ssyncset.done @!p0 $0x0  }
0x71: {  	[sflag:s28] =	ssyncadd.s32 @!p0 $0xFFFFFFE0  }
0x72: {  	[spmem:s5], [sflag:s6] =	dma.local @!p0 [hbm:s30], $0x20  }
0x73: {  	_ =	swait.ge @!p0 [sflag:s28], $0x20  }
0x74: {  	[sflag:s28] =	ssyncset.done @!p0 $0x0  }
0x75: {  	[sflag:s28] =	ssyncadd.s32 @!p0 $0xFFFFFFE0  }
0x76: {  	s6 =	simm.s32 $0x5000;
	[bflag:$0x0] =	sbarrier.arrive $0xFFFF  }
0x77: {  	[tilespmem:s6], [sflag:$0x1] =	stream.indirect.gather [spmem:s2], $0x10, s22, s19, $0xb8;
	[tilespmem:$0x11F10] =	vst v63  }
0x78: {  	s13 =	simm.s32 $0x5800  }
0x79: {  	[tilespmem:s13], [sflag:$0x2] =	stream.indirect.gather [spmem:s2], $0x10, s19, s19, $0xb8;
	[tilespmem:$0x11F10] =	vst v63  }
0x7a: {  	s30 =	simm.s32 $0x6000;
	s22 =	simm.s32 $0x100  }
0x7b: {  	[tilespmem:s30], [sflag:$0x3] =	stream.indirect.gather [spmem:s2], $0x10, s22, s19, $0xb8;
	[tilespmem:$0x11F10] =	vst v63  }
0x7c: {  	s0 =	simm.s32 $0x180;
	s5 =	simm.s32 $0x6800  }
0x7d: {  	[tilespmem:s5], [sflag:$0x4] =	stream.indirect.gather [spmem:s2], $0x10, s0, s19, $0xb8;
	[tilespmem:$0x11F10] =	vst v63  }
0x7e: {  	s6 =	simm.s32 $0x200;
	s13 =	simm.s32 $0x7000  }
0x7f: {  	[tilespmem:s13], [sflag:$0x5] =	stream.indirect.gather [spmem:s2], $0x10, s6, s19, $0xb8;
	[tilespmem:$0x11F10] =	vst v63  }
0x80: {  	s22 =	simm.s32 $0x280;
	s30 =	simm.s32 $0x7800  }
0x81: {  	[tilespmem:s30], [sflag:$0x6] =	stream.indirect.gather [spmem:s2], $0x10, s22, s19, $0xb8;
	[tilespmem:$0x11F10] =	vst v63  }
0x82: {  	s0 =	simm.s32 $0x300;
	s5 =	simm.s32 $0x8000  }
0x83: {  	[tilespmem:s5], [sflag:$0x7] =	stream.indirect.gather [spmem:s2], $0x10, s0, s19, $0xb8;
	[tilespmem:$0x11F10] =	vst v63  }
0x84: {  	s6 =	simm.s32 $0x380;
	s13 =	simm.s32 $0x8800  }
0x85: {  	[tilespmem:s13], [sflag:$0x8] =	stream.indirect.gather [spmem:s2], $0x10, s6, s19, $0xb8;
	[tilespmem:$0x11F10] =	vst v63  }
0x86: {  	s22 =	simm.s32 $0x400;
	s6 =	simm.s32 $0x9000  }
0x87: {  	[tilespmem:s6], [sflag:$0x9] =	stream.indirect.gather [spmem:s2], $0x10, s22, s19, $0xb8;
	[tilespmem:$0x11F10] =	vst v63  }
0x88: {  	s30 =	simm.s32 $0x480;
	s13 =	simm.s32 $0x9800  }
0x89: {  	[tilespmem:s13], [sflag:$0xA] =	stream.indirect.gather [spmem:s2], $0x10, s30, s19, $0xb8;
	[tilespmem:$0x11F10] =	vst v63  }
0x8a: {  	s0 =	simm.s32 $0x500  }
0x8b: {  	[tilespmem:s24], [sflag:$0xB] =	stream.indirect.gather [spmem:s2], $0x10, s0, s19, $0xb8;
	[tilespmem:$0x11F10] =	vst v63  }
0x8c: {  	s5 =	simm.s32 $0x580  }
0x8d: {  	[tilespmem:s29], [sflag:$0xC] =	stream.indirect.gather [spmem:s2], $0x10, s5, s19, $0xb8;
	[tilespmem:$0x11F10] =	vst v63  }
0x8e: {  	s22 =	simm.s32 $0x600;
	s0 =	simm.s32 $0xB000  }
0x8f: {  	[tilespmem:s0], [sflag:$0xD] =	stream.indirect.gather [spmem:s2], $0x10, s22, s19, $0xb8;
	[tilespmem:$0x11F10] =	vst v63  }
0x90: {  	s30 =	simm.s32 $0x680  }
0x91: {  	[tilespmem:s26], [sflag:$0xE] =	stream.indirect.gather [spmem:s2], $0x10, s30, s19, $0xb8;
	[tilespmem:$0x11F10] =	vst v63  }
0x92: {  	s5 =	simm.s32 $0x700;
	s22 =	simm.s32 $0xC000  }
0x93: {  	[tilespmem:s22], [sflag:$0xF] =	stream.indirect.gather [spmem:s2], $0x10, s5, s19, $0xb8;
	[tilespmem:$0x11F10] =	vst v63  }
0x94: {  	s28 =	simm.s32 $0x0;
	s30 =	simm.s32 $0x780  }
0x95: {  	[tilespmem:s31], [sflag:$0x10] =	stream.indirect.gather [spmem:s2], $0x10, s30, s19, $0xb8;
	[tilespmem:$0x11F10] =	vst v63  }
.LBB2_2:
0x96: {  	_ =	swait.ge [sflag:s9], $0x800  }
0x97: {  	s30 =	sshra.s32 s28, $0x2;
	[sflag:s9] =	ssyncset.done $0x0  }
0x98: {  	s5 =	simm.s32 $0x5000;
	s1 =	sadd.s32 $0x2800, s30;
	[sflag:s9] =	ssyncadd.s32 $0xFFFFF800  }
0x99: {  	[spmem:s3] =	stream.indirect.scatter.add.f32 [tilespmem:s5], [sflag:$0x1], $0x10, s1, s19, $0xb8;
	[tilespmem:$0x11F10] =	vst v63  }
0x9a: {  	_ =	swait.ge [sflag:s10], $0x800  }
0x9b: {  	[sflag:s10] =	ssyncset.done $0x0  }
0x9c: {  	s1 =	sadd.s32 $0x2880, s30;
	s5 =	simm.s32 $0x5800;
	[sflag:s10] =	ssyncadd.s32 $0xFFFFF800  }
0x9d: {  	[spmem:s3] =	stream.indirect.scatter.add.f32 [tilespmem:s5], [sflag:$0x2], $0x10, s1, s19, $0xb8;
	[tilespmem:$0x11F10] =	vst v63  }
0x9e: {  	_ =	swait.ge [sflag:s11], $0x800  }
0x9f: {  	[sflag:s11] =	ssyncset.done $0x0  }
0xa0: {  	s1 =	sadd.s32 $0x2900, s30;
	s5 =	simm.s32 $0x6000;
	[sflag:s11] =	ssyncadd.s32 $0xFFFFF800  }
0xa1: {  	[spmem:s3] =	stream.indirect.scatter.add.f32 [tilespmem:s5], [sflag:$0x3], $0x10, s1, s19, $0xb8;
	[tilespmem:$0x11F10] =	vst v63  }
0xa2: {  	_ =	swait.ge [sflag:s15], $0x800  }
0xa3: {  	[sflag:s15] =	ssyncset.done $0x0  }
0xa4: {  	s1 =	sadd.s32 $0x2980, s30;
	s5 =	simm.s32 $0x6800;
	[sflag:s15] =	ssyncadd.s32 $0xFFFFF800  }
0xa5: {  	[spmem:s3] =	stream.indirect.scatter.add.f32 [tilespmem:s5], [sflag:$0x4], $0x10, s1, s19, $0xb8;
	[tilespmem:$0x11F10] =	vst v63  }
0xa6: {  	_ =	swait.ge [sflag:s17], $0x800  }
0xa7: {  	[sflag:s17] =	ssyncset.done $0x0  }
0xa8: {  	s1 =	sadd.s32 $0x2A00, s30;
	s5 =	simm.s32 $0x7000;
	[sflag:s17] =	ssyncadd.s32 $0xFFFFF800  }
0xa9: {  	[spmem:s3] =	stream.indirect.scatter.add.f32 [tilespmem:s5], [sflag:$0x5], $0x10, s1, s19, $0xb8;
	[tilespmem:$0x11F10] =	vst v63  }
0xaa: {  	_ =	swait.ge [sflag:s4], $0x800  }
0xab: {  	[sflag:s4] =	ssyncset.done $0x0  }
0xac: {  	s1 =	sadd.s32 $0x2A80, s30;
	s5 =	simm.s32 $0x7800;
	[sflag:s4] =	ssyncadd.s32 $0xFFFFF800  }
0xad: {  	[spmem:s3] =	stream.indirect.scatter.add.f32 [tilespmem:s5], [sflag:$0x6], $0x10, s1, s19, $0xb8;
	[tilespmem:$0x11F10] =	vst v63  }
0xae: {  	_ =	swait.ge [sflag:s7], $0x800  }
0xaf: {  	[sflag:s7] =	ssyncset.done $0x0  }
0xb0: {  	s1 =	sadd.s32 $0x2B00, s30;
	s5 =	simm.s32 $0x8000;
	[sflag:s7] =	ssyncadd.s32 $0xFFFFF800  }
0xb1: {  	[spmem:s3] =	stream.indirect.scatter.add.f32 [tilespmem:s5], [sflag:$0x7], $0x10, s1, s19, $0xb8;
	[tilespmem:$0x11F10] =	vst v63  }
0xb2: {  	_ =	swait.ge [sflag:s8], $0x800  }
0xb3: {  	[sflag:s8] =	ssyncset.done $0x0  }
0xb4: {  	s1 =	sadd.s32 $0x2B80, s30;
	s5 =	simm.s32 $0x8800;
	[sflag:s8] =	ssyncadd.s32 $0xFFFFF800  }
0xb5: {  	[spmem:s3] =	stream.indirect.scatter.add.f32 [tilespmem:s5], [sflag:$0x8], $0x10, s1, s19, $0xb8;
	[tilespmem:$0x11F10] =	vst v63  }
0xb6: {  	_ =	swait.ge [sflag:s16], $0x800  }
0xb7: {  	[sflag:s16] =	ssyncset.done $0x0  }
0xb8: {  	s5 =	sadd.s32 $0x2C00, s30;
	[sflag:s16] =	ssyncadd.s32 $0xFFFFF800  }
0xb9: {  	[spmem:s3] =	stream.indirect.scatter.add.f32 [tilespmem:s6], [sflag:$0x9], $0x10, s5, s19, $0xb8;
	[tilespmem:$0x11F10] =	vst v63  }
0xba: {  	_ =	swait.ge [sflag:s18], $0x800  }
0xbb: {  	[sflag:s18] =	ssyncset.done $0x0  }
0xbc: {  	s5 =	sadd.s32 $0x2C80, s30;
	[sflag:s18] =	ssyncadd.s32 $0xFFFFF800  }
0xbd: {  	[spmem:s3] =	stream.indirect.scatter.add.f32 [tilespmem:s13], [sflag:$0xA], $0x10, s5, s19, $0xb8;
	[tilespmem:$0x11F10] =	vst v63  }
0xbe: {  	_ =	swait.ge [sflag:s14], $0x800  }
0xbf: {  	[sflag:s14] =	ssyncset.done $0x0  }
0xc0: {  	s5 =	sadd.s32 $0x2D00, s30;
	[sflag:s14] =	ssyncadd.s32 $0xFFFFF800  }
0xc1: {  	[spmem:s3] =	stream.indirect.scatter.add.f32 [tilespmem:s24], [sflag:$0xB], $0x10, s5, s19, $0xb8;
	[tilespmem:$0x11F10] =	vst v63  }
0xc2: {  	_ =	swait.ge [sflag:s12], $0x800  }
0xc3: {  	[sflag:s12] =	ssyncset.done $0x0  }
0xc4: {  	s5 =	sadd.s32 $0x2D80, s30;
	[sflag:s12] =	ssyncadd.s32 $0xFFFFF800  }
0xc5: {  	[spmem:s3] =	stream.indirect.scatter.add.f32 [tilespmem:s29], [sflag:$0xC], $0x10, s5, s19, $0xb8;
	[tilespmem:$0x11F10] =	vst v63  }
0xc6: {  	_ =	swait.ge [sflag:s20], $0x800  }
0xc7: {  	[sflag:s20] =	ssyncset.done $0x0  }
0xc8: {  	s5 =	sadd.s32 $0x2E00, s30;
	[sflag:s20] =	ssyncadd.s32 $0xFFFFF800  }
0xc9: {  	[spmem:s3] =	stream.indirect.scatter.add.f32 [tilespmem:s0], [sflag:$0xD], $0x10, s5, s19, $0xb8;
	[tilespmem:$0x11F10] =	vst v63  }
0xca: {  	_ =	swait.ge [sflag:s21], $0x800  }
0xcb: {  	[sflag:s21] =	ssyncset.done $0x0  }
0xcc: {  	s5 =	sadd.s32 $0x2E80, s30;
	[sflag:s21] =	ssyncadd.s32 $0xFFFFF800  }
0xcd: {  	[spmem:s3] =	stream.indirect.scatter.add.f32 [tilespmem:s26], [sflag:$0xE], $0x10, s5, s19, $0xb8;
	[tilespmem:$0x11F10] =	vst v63  }
0xce: {  	_ =	swait.ge [sflag:s23], $0x800  }
0xcf: {  	[sflag:s23] =	ssyncset.done $0x0  }
0xd0: {  	s5 =	sadd.s32 $0x2F00, s30;
	[sflag:s23] =	ssyncadd.s32 $0xFFFFF800  }
0xd1: {  	[spmem:s3] =	stream.indirect.scatter.add.f32 [tilespmem:s22], [sflag:$0xF], $0x10, s5, s19, $0xb8;
	[tilespmem:$0x11F10] =	vst v63  }
0xd2: {  	_ =	swait.ge [sflag:s25], $0x800  }
0xd3: {  	p1 =	seq.s32 s28, $0x8000;
	[sflag:s25] =	ssyncset.done $0x0  }
.Ltmp2:
0xd4: {  	s5 =	sadd.s32 $0x2F80, s30;
	[sflag:s25] =	ssyncadd.s32 $0xFFFFF800;
	(pc) =	sbr.rel @p1 .LBB2_4-.Ltmp2, $4  }
0xd5: {  	[spmem:s3] =	stream.indirect.scatter.add.f32 [tilespmem:s31], [sflag:$0x10], $0x10, s5, s19, $0xb8;
	[tilespmem:$0x11F10] =	vst v63  }
0xd6: {  	_ =	swait.ge [sflag:s9], $0x800  }
0xd7: {  	[sflag:s9] =	ssyncset.done $0x0  }
0xd8: {  	[sflag:s9] =	ssyncadd.s32 $0xFFFFF800  }
0xd9: {  	s1 =	sadd.s32 $0x800, s30;
	s5 =	simm.s32 $0x5000  }
0xda: {  	[tilespmem:s5], [sflag:$0x1] =	stream.indirect.gather [spmem:s2], $0x10, s1, s19, $0xb8;
	[tilespmem:$0x11F10] =	vst v63  }
0xdb: {  	_ =	swait.ge [sflag:s10], $0x800  }
0xdc: {  	[sflag:s10] =	ssyncset.done $0x0  }
0xdd: {  	s1 =	sadd.s32 $0x880, s30;
	s5 =	simm.s32 $0x5800;
	[sflag:s10] =	ssyncadd.s32 $0xFFFFF800  }
0xde: {  	[tilespmem:s5], [sflag:$0x2] =	stream.indirect.gather [spmem:s2], $0x10, s1, s19, $0xb8;
	[tilespmem:$0x11F10] =	vst v63  }
0xdf: {  	_ =	swait.ge [sflag:s11], $0x800  }
0xe0: {  	[sflag:s11] =	ssyncset.done $0x0  }
0xe1: {  	s1 =	sadd.s32 $0x900, s30;
	s5 =	simm.s32 $0x6000;
	[sflag:s11] =	ssyncadd.s32 $0xFFFFF800  }
0xe2: {  	[tilespmem:s5], [sflag:$0x3] =	stream.indirect.gather [spmem:s2], $0x10, s1, s19, $0xb8;
	[tilespmem:$0x11F10] =	vst v63  }
0xe3: {  	_ =	swait.ge [sflag:s15], $0x800  }
0xe4: {  	[sflag:s15] =	ssyncset.done $0x0  }
0xe5: {  	s1 =	sadd.s32 $0x980, s30;
	s5 =	simm.s32 $0x6800;
	[sflag:s15] =	ssyncadd.s32 $0xFFFFF800  }
0xe6: {  	[tilespmem:s5], [sflag:$0x4] =	stream.indirect.gather [spmem:s2], $0x10, s1, s19, $0xb8;
	[tilespmem:$0x11F10] =	vst v63  }
0xe7: {  	_ =	swait.ge [sflag:s17], $0x800  }
0xe8: {  	[sflag:s17] =	ssyncset.done $0x0  }
0xe9: {  	s1 =	sadd.s32 $0xA00, s30;
	s5 =	simm.s32 $0x7000;
	[sflag:s17] =	ssyncadd.s32 $0xFFFFF800  }
0xea: {  	[tilespmem:s5], [sflag:$0x5] =	stream.indirect.gather [spmem:s2], $0x10, s1, s19, $0xb8;
	[tilespmem:$0x11F10] =	vst v63  }
0xeb: {  	_ =	swait.ge [sflag:s4], $0x800  }
0xec: {  	[sflag:s4] =	ssyncset.done $0x0  }
0xed: {  	s1 =	sadd.s32 $0xA80, s30;
	s5 =	simm.s32 $0x7800;
	[sflag:s4] =	ssyncadd.s32 $0xFFFFF800  }
0xee: {  	[tilespmem:s5], [sflag:$0x6] =	stream.indirect.gather [spmem:s2], $0x10, s1, s19, $0xb8;
	[tilespmem:$0x11F10] =	vst v63  }
0xef: {  	_ =	swait.ge [sflag:s7], $0x800  }
0xf0: {  	[sflag:s7] =	ssyncset.done $0x0  }
0xf1: {  	s1 =	sadd.s32 $0xB00, s30;
	s5 =	simm.s32 $0x8000;
	[sflag:s7] =	ssyncadd.s32 $0xFFFFF800  }
0xf2: {  	[tilespmem:s5], [sflag:$0x7] =	stream.indirect.gather [spmem:s2], $0x10, s1, s19, $0xb8;
	[tilespmem:$0x11F10] =	vst v63  }
0xf3: {  	_ =	swait.ge [sflag:s8], $0x800  }
0xf4: {  	[sflag:s8] =	ssyncset.done $0x0  }
0xf5: {  	s1 =	sadd.s32 $0xB80, s30;
	s5 =	simm.s32 $0x8800;
	[sflag:s8] =	ssyncadd.s32 $0xFFFFF800  }
0xf6: {  	[tilespmem:s5], [sflag:$0x8] =	stream.indirect.gather [spmem:s2], $0x10, s1, s19, $0xb8;
	[tilespmem:$0x11F10] =	vst v63  }
0xf7: {  	_ =	swait.ge [sflag:s16], $0x800  }
0xf8: {  	[sflag:s16] =	ssyncset.done $0x0  }
0xf9: {  	s5 =	sadd.s32 $0xC00, s30;
	[sflag:s16] =	ssyncadd.s32 $0xFFFFF800  }
0xfa: {  	[tilespmem:s6], [sflag:$0x9] =	stream.indirect.gather [spmem:s2], $0x10, s5, s19, $0xb8;
	[tilespmem:$0x11F10] =	vst v63  }
0xfb: {  	_ =	swait.ge [sflag:s18], $0x800  }
0xfc: {  	[sflag:s18] =	ssyncset.done $0x0  }
0xfd: {  	s5 =	sadd.s32 $0xC80, s30;
	[sflag:s18] =	ssyncadd.s32 $0xFFFFF800  }
0xfe: {  	[tilespmem:s13], [sflag:$0xA] =	stream.indirect.gather [spmem:s2], $0x10, s5, s19, $0xb8;
	[tilespmem:$0x11F10] =	vst v63  }
0xff: {  	_ =	swait.ge [sflag:s14], $0x800  }
0x100: {  	[sflag:s14] =	ssyncset.done $0x0  }
0x101: {  	s5 =	sadd.s32 $0xD00, s30;
	[sflag:s14] =	ssyncadd.s32 $0xFFFFF800  }
0x102: {  	[tilespmem:s24], [sflag:$0xB] =	stream.indirect.gather [spmem:s2], $0x10, s5, s19, $0xb8;
	[tilespmem:$0x11F10] =	vst v63  }
0x103: {  	_ =	swait.ge [sflag:s12], $0x800  }
0x104: {  	[sflag:s12] =	ssyncset.done $0x0  }
0x105: {  	s5 =	sadd.s32 $0xD80, s30;
	[sflag:s12] =	ssyncadd.s32 $0xFFFFF800  }
0x106: {  	[tilespmem:s29], [sflag:$0xC] =	stream.indirect.gather [spmem:s2], $0x10, s5, s19, $0xb8;
	[tilespmem:$0x11F10] =	vst v63  }
0x107: {  	_ =	swait.ge [sflag:s20], $0x800  }
0x108: {  	[sflag:s20] =	ssyncset.done $0x0  }
0x109: {  	s5 =	sadd.s32 $0xE00, s30;
	[sflag:s20] =	ssyncadd.s32 $0xFFFFF800  }
0x10a: {  	[tilespmem:s0], [sflag:$0xD] =	stream.indirect.gather [spmem:s2], $0x10, s5, s19, $0xb8;
	[tilespmem:$0x11F10] =	vst v63  }
0x10b: {  	_ =	swait.ge [sflag:s21], $0x800  }
0x10c: {  	[sflag:s21] =	ssyncset.done $0x0  }
0x10d: {  	s5 =	sadd.s32 $0xE80, s30;
	[sflag:s21] =	ssyncadd.s32 $0xFFFFF800  }
0x10e: {  	[tilespmem:s26], [sflag:$0xE] =	stream.indirect.gather [spmem:s2], $0x10, s5, s19, $0xb8;
	[tilespmem:$0x11F10] =	vst v63  }
0x10f: {  	_ =	swait.ge [sflag:s23], $0x800  }
0x110: {  	[sflag:s23] =	ssyncset.done $0x0  }
0x111: {  	s5 =	sadd.s32 $0xF00, s30;
	[sflag:s23] =	ssyncadd.s32 $0xFFFFF800  }
0x112: {  	[tilespmem:s22], [sflag:$0xF] =	stream.indirect.gather [spmem:s2], $0x10, s5, s19, $0xb8;
	[tilespmem:$0x11F10] =	vst v63  }
.Ltmp3:
0x113: {  	_ = 	snop;
	(pc) =	sbr.rel .LBB2_2-.Ltmp3, $4  }
0x114: {  	_ =	swait.ge [sflag:s25], $0x800  }
0x115: {  	[sflag:s25] =	ssyncset.done $0x0  }
0x116: {  	s28 =	sadd.s32 $0x2000, s28;
	s30 =	sadd.s32 $0xF80, s30;
	[sflag:s25] =	ssyncadd.s32 $0xFFFFF800  }
0x117: {  	[tilespmem:s31], [sflag:$0x10] =	stream.indirect.gather [spmem:s2], $0x10, s30, s19, $0xb8;
	[tilespmem:$0x11F10] =	vst v63  }
.LBB2_5:
0x118: {  	_ =	sfence.sel $0x180000  }
0x119: {  	[bflag:$0x0] =	sbarrier.arrive $0xFFFF  }
0x11a: {  	_ =	strace $0x90000050  }
0x11b: {  	s0 =	stileid.u32;
	[bflag:$0x2] =	sbarrier.arrive $0xFFFF  }
0x11c: {  	p0 =	sne.s32 s0, $0x0;
	s0 =	rddreg [dreg:$0x4]  }
0x11d: {  	s0 =	sadd.s32 @!p0 $0x100000, s0  }
0x11e: {  	[sflag:s0] =	ssyncadd.tile.s32 @!p0 $0x1;
	_ =	shalt  }
.Lfunc_end2:
_tile_overlayer_lowered:
.L_overlay_start_2:
0x11f: {  	(tag) =	ssettag $0x2  }
0x120: {  	s0 =	rddreg [dreg:$0x0];
	s2 =	stileid.u32  }
0x121: {  	s1 =	rddreg [dreg:$0x1];
	p0 =	sne.s32 s2, $0x0  }
0x122: {  	s3 =	rddreg [dreg:$0x2];
	[bflag:$0x3] =	sbarrier.arrive $0xFFFF;
	s2 =	simm.s32 @!p0 $0x1C11  }
0x123: {  	[timem:s3], [sflag:s2] =	dma.local @!p0 [hbm:s0], s1  }
0x124: {  	s0 =	simm.s32 @!p0 $0x11  }
0x125: {  	_ =	swait.ge @!p0 [sflag:s0], s1  }
0x126: {  	s1 =	ssub.s32 @!p0 $0x0, s1;
	[sflag:s0] =	ssyncset.done @!p0 $0x0  }
0x127: {  	[sflag:s0] =	ssyncadd.s32 @!p0 s1  }
0x128: {  	[bflag:$0x3] =	sbarrier.arrive $0xFFFF  }
0x129: {  	_ =	shalt  }

</sc_bundles>
